<compile_context>
chip_gen: v7x
topology: tpu7x:2x2x1
jax: 0.10.2.dev20260603
libtpu: 0.0.44.dev20260713+nightly
codegen_flags: <defaults>
</compile_context>

<pallas_src>
import functools

import jax
import jax.numpy as jnp
from jax import lax
from jax.experimental import pallas as pl
from jax.experimental.pallas import tpu as pltpu
from jax.experimental.pallas import tpu_sc as plsc

N = 10000
D = 128
E = 320000
C = 40

NC = 2
NS = 16
NW = NC * NS
EPW = E // NW
CH = 80
EPWP = 10240
NCH = EPWP // CH
GRPC = 16
NPIECE = NCH // GRPC
NPAD = 10240
RPT = NPAD // NS


def _sc_agg_body(x_hbm, src_hbm, dst_hbm, idn_hbm, zrow_hbm, pout,
                 acc, sidx, didx, iidx, rbufA, rbufB,
                 gsemA, gsemB, ssemA, ssemB):
    c = lax.axis_index("c")
    s = lax.axis_index("s")
    wid = c * NS + s
    i32 = jnp.int32
    base = s * RPT

    pltpu.sync_copy(zrow_hbm, rbufA)
    pltpu.sync_copy(idn_hbm.at[s], iidx)

    zd = [pltpu.async_copy(rbufA, acc.at[iidx.at[i32(k)]], ssemA)
          for k in range(RPT // CH)]
    for d in zd:
        d.wait()
    plsc.subcore_barrier()

    def piece(p, carry):
        pltpu.sync_copy(src_hbm.at[wid, p], sidx)
        pltpu.sync_copy(dst_hbm.at[wid, p], didx)

        slot = lambda i: (rbufA, gsemA, ssemA) if i % 2 == 0 else \
            (rbufB, gsemB, ssemB)
        gd = [None] * GRPC
        sd = [None] * GRPC
        for i in range(GRPC):
            buf, gs, ss = slot(i)
            if i >= 2:
                sd[i - 2].wait()
            gd[i] = pltpu.async_copy(x_hbm.at[sidx.at[i32(i)]], buf, gs)
            if i >= 1:
                pbuf, _, pss = slot(i - 1)
                gd[i - 1].wait()
                sd[i - 1] = pltpu.async_copy(
                    pbuf, acc.at[didx.at[i32(i - 1)]], pss, add=True)
        lbuf, _, lss = slot(GRPC - 1)
        gd[GRPC - 1].wait()
        sd[GRPC - 1] = pltpu.async_copy(
            lbuf, acc.at[didx.at[i32(GRPC - 1)]], lss, add=True)
        sd[GRPC - 2].wait()
        sd[GRPC - 1].wait()
        return carry
    lax.fori_loop(i32(0), i32(NPIECE), piece, i32(0), unroll=False)

    plsc.subcore_barrier()

    nw_ch = RPT // CH
    wb = [rbufA, rbufB]
    wg = [gsemA, gsemB]
    wd = [None] * nw_ch
    for k in range(nw_ch):
        wd[k] = pltpu.async_copy(acc.at[iidx.at[i32(k)]], wb[k % 2], wg[k % 2])
        if k >= 1:
            wd[k - 1].wait()
            pltpu.sync_copy(wb[(k - 1) % 2],
                            pout.at[c, pl.ds(base + (k - 1) * CH, CH)])
    wd[nw_ch - 1].wait()
    pltpu.sync_copy(wb[(nw_ch - 1) % 2],
                    pout.at[c, pl.ds(base + (nw_ch - 1) * CH, CH)])


def _sc_aggregate(x, src4, dst4, idn, zrow):
    mesh = plsc.VectorSubcoreMesh(core_axis_name="c", subcore_axis_name="s",
                                  num_cores=NC, num_subcores=NS)
    f = pl.kernel(
        _sc_agg_body,
        out_type=jax.ShapeDtypeStruct((NC, NPAD, D), jnp.float32),
        mesh=mesh,
        scratch_types=[
            pltpu.VMEM_SHARED((NPAD, D), jnp.float32),
            pltpu.VMEM((GRPC, CH), jnp.int32),
            pltpu.VMEM((GRPC, CH), jnp.int32),
            pltpu.VMEM((RPT // CH, CH), jnp.int32),
            pltpu.VMEM((CH, D), jnp.float32),
            pltpu.VMEM((CH, D), jnp.float32),
            pltpu.SemaphoreType.DMA,
            pltpu.SemaphoreType.DMA,
            pltpu.SemaphoreType.DMA,
            pltpu.SemaphoreType.DMA,
        ],
        name="sc_sage_aggregate",
    )
    return f(x, src4, dst4, idn, zrow)


def _tc_prep_body(f_ref, u1_ref, u2_ref, t_ref):
    f = f_ref[...]
    fu1 = jnp.dot(f, u1_ref[...], preferred_element_type=jnp.float32)
    fu2 = jnp.dot(f, u2_ref[...], preferred_element_type=jnp.float32)
    ones = jnp.ones((f.shape[0], 1), jnp.float32)
    zpad = jnp.zeros((f.shape[0], D - 2 * C - 1), jnp.float32)
    t_ref[...] = jnp.concatenate([fu1, fu2, ones, zpad], axis=1)


def _tc_prep(f, u1, u2):
    return pl.pallas_call(
        _tc_prep_body,
        out_shape=jax.ShapeDtypeStruct((N, D), jnp.float32),
    )(f, u1, u2)


def _tc_mid_body(p_ref, t2_ref, g1u1_ref, dd_ref):
    ssum = p_ref[0] + p_ref[1]
    deg = ssum[:, 2 * C]
    rdeg = 1.0 / jnp.maximum(deg, 1.0)
    dd_ref[...] = jnp.stack([deg, rdeg], axis=0)
    g1u1_ref[...] = ssum[:, :C] * rdeg[:, None]
    g1u2 = ssum[:, C:2 * C] * rdeg[:, None]
    zpad = jnp.zeros((ssum.shape[0], D - C), jnp.float32)
    t2_ref[...] = jnp.concatenate([g1u2, zpad], axis=1)


def _tc_mid(p):
    return pl.pallas_call(
        _tc_mid_body,
        out_shape=[jax.ShapeDtypeStruct((NPAD, D), jnp.float32),
                   jax.ShapeDtypeStruct((NPAD, C), jnp.float32),
                   jax.ShapeDtypeStruct((2, NPAD), jnp.float32)],
    )(p)


def _tc_final_body(f_ref, g1u1_ref, p2_ref, dd_ref, u0_ref, cb_ref, out_ref):
    deg = dd_ref[0]
    rdeg = dd_ref[1]
    a1 = deg * rdeg
    g2u2 = (p2_ref[0, :, :C] + p2_ref[1, :, :C]) * rdeg[:, None]
    acc = jnp.dot(f_ref[...], u0_ref[...], preferred_element_type=jnp.float32)
    out_ref[...] = (acc + g1u1_ref[...] + g2u2
                    + cb_ref[0][None, :] + a1[:, None] * cb_ref[1][None, :])


def _tc_final(f_pad, g1u1, p2, dd, u0, cb):
    return pl.pallas_call(
        _tc_final_body,
        out_shape=jax.ShapeDtypeStruct((NPAD, C), jnp.float32),
    )(f_pad, g1u1, p2, dd, u0, cb)


def kernel(features, edge_index, W_self1, W_neigh1, b1, W_self2, W_neigh2, b2):
    features = features.astype(jnp.float32)
    npad_e = EPWP - EPW
    srcw = edge_index[0].astype(jnp.int32).reshape(NW, EPW)
    dstw = edge_index[1].astype(jnp.int32).reshape(NW, EPW)
    lane = jnp.arange(npad_e, dtype=jnp.int32)
    wk = jnp.arange(NW, dtype=jnp.int32)[:, None]
    pad_src = (wk * 311 + lane[None, :] * 41) % N
    pad_dst = jnp.broadcast_to(N + (lane % (NPAD - N))[None, :], (NW, npad_e))
    src3 = jnp.concatenate([srcw, pad_src], axis=1).reshape(
        NW, NPIECE, GRPC, CH)
    dst3 = jnp.concatenate([dstw, pad_dst], axis=1).reshape(
        NW, NPIECE, GRPC, CH)

    out_dtype = jnp.result_type(features.dtype, W_self1.dtype)
    u0 = (W_self1 @ W_self2).astype(jnp.float32)
    u1 = (W_neigh1 @ W_self2 + W_self1 @ W_neigh2).astype(jnp.float32)
    u2 = (W_neigh1 @ W_neigh2).astype(jnp.float32)
    cb = jnp.stack([b1 @ W_self2 + b2, b1 @ W_neigh2]).astype(jnp.float32)

    idn = jnp.arange(NPAD, dtype=jnp.int32).reshape(NS, RPT // CH, CH)
    zrow = jnp.zeros((CH, D), jnp.float32)

    t1 = _tc_prep(features, u1, u2)
    p1 = _sc_aggregate(t1, src3, dst3, idn, zrow)
    t2, g1u1, dd = _tc_mid(p1)
    p2 = _sc_aggregate(t2, src3, dst3, idn, zrow)

    f_pad = jnp.pad(features, ((0, NPAD - N), (0, 0)))
    out = _tc_final(f_pad, g1u1, p2, dd, u0, cb)
    return out[:N].astype(out_dtype)

# --- scband reference (transcript-rebuilt; emitter-appended) ---
"""Pipeline reference for scband-dgl-sage-73529840107894 (READ-ONLY COPY).

The authoritative reference and input builder live on the scoring server;
editing this copy changes nothing except your own understanding.
"""

import jax, jax.numpy as jnp
import numpy as np

jax.config.update("jax_enable_x64", True)

N = 10000      # n_nodes
E = 320000     # n_edges
D = 128        # input_dim
H = 128        # nhidden
C = 40         # nclasses


def setup_inputs(seed: int = 0) -> dict:
    key = jax.random.key(seed)
    ks = jax.random.split(key, 8)
    features = jax.random.normal(ks[0], (N, D), dtype=jnp.float32)
    edge_index = jax.random.randint(ks[1], (2, E), 0, N, dtype=jnp.int64)
    # SAGEConv layer 1 params (DGL mean aggregator: fc_self + fc_neigh + bias)
    W_self1 = jax.random.normal(ks[2], (D, H), dtype=jnp.float32) * (1.0 / np.sqrt(D))
    W_neigh1 = jax.random.normal(ks[3], (D, H), dtype=jnp.float32) * (1.0 / np.sqrt(D))
    b1 = jnp.zeros((H,), dtype=jnp.float32)
    # SAGEConv layer 2 params
    W_self2 = jax.random.normal(ks[4], (H, C), dtype=jnp.float32) * (1.0 / np.sqrt(H))
    W_neigh2 = jax.random.normal(ks[5], (H, C), dtype=jnp.float32) * (1.0 / np.sqrt(H))
    b2 = jnp.zeros((C,), dtype=jnp.float32)
    return {
        "features": features,
        "edge_index": edge_index,
        "W_self1": W_self1,
        "W_neigh1": W_neigh1,
        "b1": b1,
        "W_self2": W_self2,
        "W_neigh2": W_neigh2,
        "b2": b2,
    }


def _sage_conv(x, src, dst, W_self, W_neigh, b):
    # DGL SAGEConv, aggregator_type='mean':
    # h_neigh[v] = mean_{u in in-neighbors(v)} x[u]
    msg = jnp.take(x, src, axis=0)                     # gather src features  [E, d]
    summed = jax.ops.segment_sum(msg, dst, num_segments=x.shape[0])
    deg = jax.ops.segment_sum(jnp.ones((src.shape[0],), dtype=x.dtype), dst,
                              num_segments=x.shape[0])
    deg = jnp.maximum(deg, 1.0)                        # DGL clamps in-degree to >= 1
    h_neigh = summed / deg[:, None]
    return x @ W_self + h_neigh @ W_neigh + b


def reference(features, edge_index, W_self1, W_neigh1, b1, W_self2, W_neigh2, b2):
    # len(g_list) == 1 branch of dgl_sage.forward:
    #   x = layer1(g, features); x = layer2(g, x); return x
    src = edge_index[0]
    dst = edge_index[1]
    x = _sage_conv(features, src, dst, W_self1, W_neigh1, b1)
    x = _sage_conv(x, src, dst, W_self2, W_neigh2, b2)
    return x

if __name__ == "__main__":
    import jax
    _d = setup_inputs()
    print(jax.jit(kernel)(*tuple(_d.values())))

</pallas_src>

<mosaic_0001>
#map = affine_map<(d0, d1) -> (0, 0)>
#map1 = affine_map<(d0, d1) -> (0, 0, 0, 0)>
#map2 = affine_map<(d0, d1) -> (0, 0, 0)>
module attributes {stable_mosaic.version = 14 : i64} {
  func.func @sc_sage_aggregate(%arg0: i32, %arg1: i32, %arg2: memref<10240x128xf32, #tpu.memory_space<hbm>>, %arg3: memref<32x8x16x80xi32, #tpu.memory_space<hbm>>, %arg4: memref<32x8x16x80xi32, #tpu.memory_space<hbm>>, %arg5: memref<16x8x80xi32, #tpu.memory_space<hbm>>, %arg6: memref<80x128xf32, #tpu.memory_space<hbm>>, %arg7: memref<2x10240x128xf32, #tpu.memory_space<hbm>>, %arg8: memref<10240x128xf32, #tpu.memory_space<vmem_shared>>, %arg9: memref<16x80xi32, #tpu.memory_space<vmem>>, %arg10: memref<16x80xi32, #tpu.memory_space<vmem>>, %arg11: memref<8x80xi32, #tpu.memory_space<vmem>>, %arg12: memref<80x128xf32, #tpu.memory_space<vmem>>, %arg13: memref<80x128xf32, #tpu.memory_space<vmem>>, %arg14: memref<!tpu.dma_semaphore, #tpu.memory_space<semaphore_mem>>, %arg15: memref<!tpu.dma_semaphore, #tpu.memory_space<semaphore_mem>>, %arg16: memref<!tpu.dma_semaphore, #tpu.memory_space<semaphore_mem>>, %arg17: memref<!tpu.dma_semaphore, #tpu.memory_space<semaphore_mem>>) attributes {dimension_semantics = [#tpu.dimension_semantics<core_parallel>, #tpu.dimension_semantics<subcore_parallel>], iteration_bounds = array<i64: 2, 16>, scalar_prefetch = 0 : i64, scratch_operands = 10 : i64, tpu.core_type = #tpu.core_type<sc_vector_subcore>, window_params = [{transform_indices = #map}, {transform_indices = #map1}, {transform_indices = #map1}, {transform_indices = #map2}, {transform_indices = #map}, {transform_indices = #map2}]} {
    %mul3A = arith.constant 16 : i32
    %mul3A_0 = arith.muli %arg0, %mul3A : i32
    %add3A = arith.addi %mul3A_0, %arg1 : i32
    %mul3A_1 = arith.constant 640 : i32
    %mul3A_2 = arith.muli %arg1, %mul3A_1 : i32
    "tpu.region"() ({
      %run_scoped3A = tpu.sem_alloc : memref<!tpu.dma_semaphore, #tpu.memory_space<semaphore_mem>>
      tpu.enqueue_dma source(%arg6 : memref<80x128xf32, #tpu.memory_space<hbm>>) target(%arg12 : memref<80x128xf32, #tpu.memory_space<vmem>>) target_semaphore(%run_scoped3A : memref<!tpu.dma_semaphore, #tpu.memory_space<semaphore_mem>>)
      tpu.wait_dma2 semaphore(%run_scoped3A : memref<!tpu.dma_semaphore, #tpu.memory_space<semaphore_mem>>) src(%arg6 : memref<80x128xf32, #tpu.memory_space<hbm>>) dst(%arg12 : memref<80x128xf32, #tpu.memory_space<vmem>>)
      tpu.yield
    }) : () -> ()
    "tpu.region"() ({
      %run_scoped3A = tpu.sem_alloc : memref<!tpu.dma_semaphore, #tpu.memory_space<semaphore_mem>>
      %dma_start3A_252 = arith.constant 0 : i32
      %dma_start3A_253 = arith.constant 0 : i32
      %dma_start3A_254 = tpu.memref_slice %arg5[%arg1, %dma_start3A_252, %dma_start3A_253] : memref<16x8x80xi32, #tpu.memory_space<hbm>> -> memref<1x8x80xi32, #tpu.memory_space<hbm>>
      %dma_start3A_255 = tpu.memref_squeeze %dma_start3A_254 : memref<1x8x80xi32, #tpu.memory_space<hbm>> -> memref<8x80xi32, #tpu.memory_space<hbm>>
      %dma_start3A_256 = arith.constant 0 : i32
      %dma_start3A_257 = arith.constant 0 : i32
      %dma_start3A_258 = tpu.memref_slice %arg5[%arg1, %dma_start3A_256, %dma_start3A_257] : memref<16x8x80xi32, #tpu.memory_space<hbm>> -> memref<1x8x80xi32, #tpu.memory_space<hbm>>
      %dma_start3A_259 = tpu.memref_squeeze %dma_start3A_258 : memref<1x8x80xi32, #tpu.memory_space<hbm>> -> memref<8x80xi32, #tpu.memory_space<hbm>>
      tpu.enqueue_dma source(%dma_start3A_259 : memref<8x80xi32, #tpu.memory_space<hbm>>) target(%arg11 : memref<8x80xi32, #tpu.memory_space<vmem>>) target_semaphore(%run_scoped3A : memref<!tpu.dma_semaphore, #tpu.memory_space<semaphore_mem>>)
      %dma_wait3A_260 = arith.constant 0 : i32
      %dma_wait3A_261 = arith.constant 0 : i32
      %dma_wait3A_262 = tpu.memref_slice %arg5[%arg1, %dma_wait3A_260, %dma_wait3A_261] : memref<16x8x80xi32, #tpu.memory_space<hbm>> -> memref<1x8x80xi32, #tpu.memory_space<hbm>>
      %dma_wait3A_263 = tpu.memref_squeeze %dma_wait3A_262 : memref<1x8x80xi32, #tpu.memory_space<hbm>> -> memref<8x80xi32, #tpu.memory_space<hbm>>
      %dma_wait3A_264 = arith.constant 0 : i32
      %dma_wait3A_265 = arith.constant 0 : i32
      %dma_wait3A_266 = tpu.memref_slice %arg5[%arg1, %dma_wait3A_264, %dma_wait3A_265] : memref<16x8x80xi32, #tpu.memory_space<hbm>> -> memref<1x8x80xi32, #tpu.memory_space<hbm>>
      %dma_wait3A_267 = tpu.memref_squeeze %dma_wait3A_266 : memref<1x8x80xi32, #tpu.memory_space<hbm>> -> memref<8x80xi32, #tpu.memory_space<hbm>>
      tpu.wait_dma2 semaphore(%run_scoped3A : memref<!tpu.dma_semaphore, #tpu.memory_space<semaphore_mem>>) src(%dma_wait3A_267 : memref<8x80xi32, #tpu.memory_space<hbm>>) dst(%arg11 : memref<8x80xi32, #tpu.memory_space<vmem>>)
      tpu.yield
    }) : () -> ()
    %dma_start3A = arith.constant 0 : i32
    %dma_start3A_3 = arith.constant 0 : i32
    %dma_start3A_4 = tpu.memref_slice %arg11[%dma_start3A, %dma_start3A_3] : memref<8x80xi32, #tpu.memory_space<vmem>> -> memref<1x80xi32, #tpu.memory_space<vmem>>
    %dma_start3A_5 = tpu.memref_squeeze %dma_start3A_4 : memref<1x80xi32, #tpu.memory_space<vmem>> -> memref<80xi32, #tpu.memory_space<vmem>>
    %dma_start3A_6 = arith.constant 0 : i32
    %dma_start3A_7 = arith.constant 0 : i32
    %dma_start3A_8 = tpu.memref_slice %arg8[%dma_start3A_6, %dma_start3A_7] : memref<10240x128xf32, #tpu.memory_space<vmem_shared>> -> memref<10240x128xf32, #tpu.memory_space<vmem_shared>>
    tpu.enqueue_indirect_dma source(%arg12 : memref<80x128xf32, #tpu.memory_space<vmem>>) target(%dma_start3A_8 : memref<10240x128xf32, #tpu.memory_space<vmem_shared>>) offsets(%dma_start3A_5 : memref<80xi32, #tpu.memory_space<vmem>>) semaphore(%arg16 : memref<!tpu.dma_semaphore, #tpu.memory_space<semaphore_mem>>)
    %dma_start3A_9 = arith.constant 1 : i32
    %dma_start3A_10 = arith.constant 0 : i32
    %dma_start3A_11 = tpu.memref_slice %arg11[%dma_start3A_9, %dma_start3A_10] : memref<8x80xi32, #tpu.memory_space<vmem>> -> memref<1x80xi32, #tpu.memory_space<vmem>>
    %dma_start3A_12 = tpu.memref_squeeze %dma_start3A_11 : memref<1x80xi32, #tpu.memory_space<vmem>> -> memref<80xi32, #tpu.memory_space<vmem>>
    %dma_start3A_13 = arith.constant 0 : i32
    %dma_start3A_14 = arith.constant 0 : i32
    %dma_start3A_15 = tpu.memref_slice %arg8[%dma_start3A_13, %dma_start3A_14] : memref<10240x128xf32, #tpu.memory_space<vmem_shared>> -> memref<10240x128xf32, #tpu.memory_space<vmem_shared>>
    tpu.enqueue_indirect_dma source(%arg12 : memref<80x128xf32, #tpu.memory_space<vmem>>) target(%dma_start3A_15 : memref<10240x128xf32, #tpu.memory_space<vmem_shared>>) offsets(%dma_start3A_12 : memref<80xi32, #tpu.memory_space<vmem>>) semaphore(%arg16 : memref<!tpu.dma_semaphore, #tpu.memory_space<semaphore_mem>>)
    %dma_start3A_16 = arith.constant 2 : i32
    %dma_start3A_17 = arith.constant 0 : i32
    %dma_start3A_18 = tpu.memref_slice %arg11[%dma_start3A_16, %dma_start3A_17] : memref<8x80xi32, #tpu.memory_space<vmem>> -> memref<1x80xi32, #tpu.memory_space<vmem>>
    %dma_start3A_19 = tpu.memref_squeeze %dma_start3A_18 : memref<1x80xi32, #tpu.memory_space<vmem>> -> memref<80xi32, #tpu.memory_space<vmem>>
    %dma_start3A_20 = arith.constant 0 : i32
    %dma_start3A_21 = arith.constant 0 : i32
    %dma_start3A_22 = tpu.memref_slice %arg8[%dma_start3A_20, %dma_start3A_21] : memref<10240x128xf32, #tpu.memory_space<vmem_shared>> -> memref<10240x128xf32, #tpu.memory_space<vmem_shared>>
    tpu.enqueue_indirect_dma source(%arg12 : memref<80x128xf32, #tpu.memory_space<vmem>>) target(%dma_start3A_22 : memref<10240x128xf32, #tpu.memory_space<vmem_shared>>) offsets(%dma_start3A_19 : memref<80xi32, #tpu.memory_space<vmem>>) semaphore(%arg16 : memref<!tpu.dma_semaphore, #tpu.memory_space<semaphore_mem>>)
    %dma_start3A_23 = arith.constant 3 : i32
    %dma_start3A_24 = arith.constant 0 : i32
    %dma_start3A_25 = tpu.memref_slice %arg11[%dma_start3A_23, %dma_start3A_24] : memref<8x80xi32, #tpu.memory_space<vmem>> -> memref<1x80xi32, #tpu.memory_space<vmem>>
    %dma_start3A_26 = tpu.memref_squeeze %dma_start3A_25 : memref<1x80xi32, #tpu.memory_space<vmem>> -> memref<80xi32, #tpu.memory_space<vmem>>
    %dma_start3A_27 = arith.constant 0 : i32
    %dma_start3A_28 = arith.constant 0 : i32
    %dma_start3A_29 = tpu.memref_slice %arg8[%dma_start3A_27, %dma_start3A_28] : memref<10240x128xf32, #tpu.memory_space<vmem_shared>> -> memref<10240x128xf32, #tpu.memory_space<vmem_shared>>
    tpu.enqueue_indirect_dma source(%arg12 : memref<80x128xf32, #tpu.memory_space<vmem>>) target(%dma_start3A_29 : memref<10240x128xf32, #tpu.memory_space<vmem_shared>>) offsets(%dma_start3A_26 : memref<80xi32, #tpu.memory_space<vmem>>) semaphore(%arg16 : memref<!tpu.dma_semaphore, #tpu.memory_space<semaphore_mem>>)
    %dma_start3A_30 = arith.constant 4 : i32
    %dma_start3A_31 = arith.constant 0 : i32
    %dma_start3A_32 = tpu.memref_slice %arg11[%dma_start3A_30, %dma_start3A_31] : memref<8x80xi32, #tpu.memory_space<vmem>> -> memref<1x80xi32, #tpu.memory_space<vmem>>
    %dma_start3A_33 = tpu.memref_squeeze %dma_start3A_32 : memref<1x80xi32, #tpu.memory_space<vmem>> -> memref<80xi32, #tpu.memory_space<vmem>>
    %dma_start3A_34 = arith.constant 0 : i32
    %dma_start3A_35 = arith.constant 0 : i32
    %dma_start3A_36 = tpu.memref_slice %arg8[%dma_start3A_34, %dma_start3A_35] : memref<10240x128xf32, #tpu.memory_space<vmem_shared>> -> memref<10240x128xf32, #tpu.memory_space<vmem_shared>>
    tpu.enqueue_indirect_dma source(%arg12 : memref<80x128xf32, #tpu.memory_space<vmem>>) target(%dma_start3A_36 : memref<10240x128xf32, #tpu.memory_space<vmem_shared>>) offsets(%dma_start3A_33 : memref<80xi32, #tpu.memory_space<vmem>>) semaphore(%arg16 : memref<!tpu.dma_semaphore, #tpu.memory_space<semaphore_mem>>)
    %dma_start3A_37 = arith.constant 5 : i32
    %dma_start3A_38 = arith.constant 0 : i32
    %dma_start3A_39 = tpu.memref_slice %arg11[%dma_start3A_37, %dma_start3A_38] : memref<8x80xi32, #tpu.memory_space<vmem>> -> memref<1x80xi32, #tpu.memory_space<vmem>>
    %dma_start3A_40 = tpu.memref_squeeze %dma_start3A_39 : memref<1x80xi32, #tpu.memory_space<vmem>> -> memref<80xi32, #tpu.memory_space<vmem>>
    %dma_start3A_41 = arith.constant 0 : i32
    %dma_start3A_42 = arith.constant 0 : i32
    %dma_start3A_43 = tpu.memref_slice %arg8[%dma_start3A_41, %dma_start3A_42] : memref<10240x128xf32, #tpu.memory_space<vmem_shared>> -> memref<10240x128xf32, #tpu.memory_space<vmem_shared>>
    tpu.enqueue_indirect_dma source(%arg12 : memref<80x128xf32, #tpu.memory_space<vmem>>) target(%dma_start3A_43 : memref<10240x128xf32, #tpu.memory_space<vmem_shared>>) offsets(%dma_start3A_40 : memref<80xi32, #tpu.memory_space<vmem>>) semaphore(%arg16 : memref<!tpu.dma_semaphore, #tpu.memory_space<semaphore_mem>>)
    %dma_start3A_44 = arith.constant 6 : i32
    %dma_start3A_45 = arith.constant 0 : i32
    %dma_start3A_46 = tpu.memref_slice %arg11[%dma_start3A_44, %dma_start3A_45] : memref<8x80xi32, #tpu.memory_space<vmem>> -> memref<1x80xi32, #tpu.memory_space<vmem>>
    %dma_start3A_47 = tpu.memref_squeeze %dma_start3A_46 : memref<1x80xi32, #tpu.memory_space<vmem>> -> memref<80xi32, #tpu.memory_space<vmem>>
    %dma_start3A_48 = arith.constant 0 : i32
    %dma_start3A_49 = arith.constant 0 : i32
    %dma_start3A_50 = tpu.memref_slice %arg8[%dma_start3A_48, %dma_start3A_49] : memref<10240x128xf32, #tpu.memory_space<vmem_shared>> -> memref<10240x128xf32, #tpu.memory_space<vmem_shared>>
    tpu.enqueue_indirect_dma source(%arg12 : memref<80x128xf32, #tpu.memory_space<vmem>>) target(%dma_start3A_50 : memref<10240x128xf32, #tpu.memory_space<vmem_shared>>) offsets(%dma_start3A_47 : memref<80xi32, #tpu.memory_space<vmem>>) semaphore(%arg16 : memref<!tpu.dma_semaphore, #tpu.memory_space<semaphore_mem>>)
    %dma_start3A_51 = arith.constant 7 : i32
    %dma_start3A_52 = arith.constant 0 : i32
    %dma_start3A_53 = tpu.memref_slice %arg11[%dma_start3A_51, %dma_start3A_52] : memref<8x80xi32, #tpu.memory_space<vmem>> -> memref<1x80xi32, #tpu.memory_space<vmem>>
    %dma_start3A_54 = tpu.memref_squeeze %dma_start3A_53 : memref<1x80xi32, #tpu.memory_space<vmem>> -> memref<80xi32, #tpu.memory_space<vmem>>
    %dma_start3A_55 = arith.constant 0 : i32
    %dma_start3A_56 = arith.constant 0 : i32
    %dma_start3A_57 = tpu.memref_slice %arg8[%dma_start3A_55, %dma_start3A_56] : memref<10240x128xf32, #tpu.memory_space<vmem_shared>> -> memref<10240x128xf32, #tpu.memory_space<vmem_shared>>
    tpu.enqueue_indirect_dma source(%arg12 : memref<80x128xf32, #tpu.memory_space<vmem>>) target(%dma_start3A_57 : memref<10240x128xf32, #tpu.memory_space<vmem_shared>>) offsets(%dma_start3A_54 : memref<80xi32, #tpu.memory_space<vmem>>) semaphore(%arg16 : memref<!tpu.dma_semaphore, #tpu.memory_space<semaphore_mem>>)
    %dma_wait3A = arith.constant 0 : i32
    %dma_wait3A_58 = arith.constant 0 : i32
    %dma_wait3A_59 = tpu.memref_slice %arg11[%dma_wait3A, %dma_wait3A_58] : memref<8x80xi32, #tpu.memory_space<vmem>> -> memref<1x80xi32, #tpu.memory_space<vmem>>
    %dma_wait3A_60 = tpu.memref_squeeze %dma_wait3A_59 : memref<1x80xi32, #tpu.memory_space<vmem>> -> memref<80xi32, #tpu.memory_space<vmem>>
    %dma_wait3A_61 = arith.constant 0 : i32
    %dma_wait3A_62 = arith.constant 0 : i32
    %dma_wait3A_63 = tpu.memref_slice %arg8[%dma_wait3A_61, %dma_wait3A_62] : memref<10240x128xf32, #tpu.memory_space<vmem_shared>> -> memref<10240x128xf32, #tpu.memory_space<vmem_shared>>
    tpu.wait_indirect_dma semaphore(%arg16 : memref<!tpu.dma_semaphore, #tpu.memory_space<semaphore_mem>>) src(%arg12 : memref<80x128xf32, #tpu.memory_space<vmem>>) dst(%dma_wait3A_63 : memref<10240x128xf32, #tpu.memory_space<vmem_shared>>)
    %dma_wait3A_64 = arith.constant 1 : i32
    %dma_wait3A_65 = arith.constant 0 : i32
    %dma_wait3A_66 = tpu.memref_slice %arg11[%dma_wait3A_64, %dma_wait3A_65] : memref<8x80xi32, #tpu.memory_space<vmem>> -> memref<1x80xi32, #tpu.memory_space<vmem>>
    %dma_wait3A_67 = tpu.memref_squeeze %dma_wait3A_66 : memref<1x80xi32, #tpu.memory_space<vmem>> -> memref<80xi32, #tpu.memory_space<vmem>>
    %dma_wait3A_68 = arith.constant 0 : i32
    %dma_wait3A_69 = arith.constant 0 : i32
    %dma_wait3A_70 = tpu.memref_slice %arg8[%dma_wait3A_68, %dma_wait3A_69] : memref<10240x128xf32, #tpu.memory_space<vmem_shared>> -> memref<10240x128xf32, #tpu.memory_space<vmem_shared>>
    tpu.wait_indirect_dma semaphore(%arg16 : memref<!tpu.dma_semaphore, #tpu.memory_space<semaphore_mem>>) src(%arg12 : memref<80x128xf32, #tpu.memory_space<vmem>>) dst(%dma_wait3A_70 : memref<10240x128xf32, #tpu.memory_space<vmem_shared>>)
    %dma_wait3A_71 = arith.constant 2 : i32
    %dma_wait3A_72 = arith.constant 0 : i32
    %dma_wait3A_73 = tpu.memref_slice %arg11[%dma_wait3A_71, %dma_wait3A_72] : memref<8x80xi32, #tpu.memory_space<vmem>> -> memref<1x80xi32, #tpu.memory_space<vmem>>
    %dma_wait3A_74 = tpu.memref_squeeze %dma_wait3A_73 : memref<1x80xi32, #tpu.memory_space<vmem>> -> memref<80xi32, #tpu.memory_space<vmem>>
    %dma_wait3A_75 = arith.constant 0 : i32
    %dma_wait3A_76 = arith.constant 0 : i32
    %dma_wait3A_77 = tpu.memref_slice %arg8[%dma_wait3A_75, %dma_wait3A_76] : memref<10240x128xf32, #tpu.memory_space<vmem_shared>> -> memref<10240x128xf32, #tpu.memory_space<vmem_shared>>
    tpu.wait_indirect_dma semaphore(%arg16 : memref<!tpu.dma_semaphore, #tpu.memory_space<semaphore_mem>>) src(%arg12 : memref<80x128xf32, #tpu.memory_space<vmem>>) dst(%dma_wait3A_77 : memref<10240x128xf32, #tpu.memory_space<vmem_shared>>)
    %dma_wait3A_78 = arith.constant 3 : i32
    %dma_wait3A_79 = arith.constant 0 : i32
    %dma_wait3A_80 = tpu.memref_slice %arg11[%dma_wait3A_78, %dma_wait3A_79] : memref<8x80xi32, #tpu.memory_space<vmem>> -> memref<1x80xi32, #tpu.memory_space<vmem>>
    %dma_wait3A_81 = tpu.memref_squeeze %dma_wait3A_80 : memref<1x80xi32, #tpu.memory_space<vmem>> -> memref<80xi32, #tpu.memory_space<vmem>>
    %dma_wait3A_82 = arith.constant 0 : i32
    %dma_wait3A_83 = arith.constant 0 : i32
    %dma_wait3A_84 = tpu.memref_slice %arg8[%dma_wait3A_82, %dma_wait3A_83] : memref<10240x128xf32, #tpu.memory_space<vmem_shared>> -> memref<10240x128xf32, #tpu.memory_space<vmem_shared>>
    tpu.wait_indirect_dma semaphore(%arg16 : memref<!tpu.dma_semaphore, #tpu.memory_space<semaphore_mem>>) src(%arg12 : memref<80x128xf32, #tpu.memory_space<vmem>>) dst(%dma_wait3A_84 : memref<10240x128xf32, #tpu.memory_space<vmem_shared>>)
    %dma_wait3A_85 = arith.constant 4 : i32
    %dma_wait3A_86 = arith.constant 0 : i32
    %dma_wait3A_87 = tpu.memref_slice %arg11[%dma_wait3A_85, %dma_wait3A_86] : memref<8x80xi32, #tpu.memory_space<vmem>> -> memref<1x80xi32, #tpu.memory_space<vmem>>
    %dma_wait3A_88 = tpu.memref_squeeze %dma_wait3A_87 : memref<1x80xi32, #tpu.memory_space<vmem>> -> memref<80xi32, #tpu.memory_space<vmem>>
    %dma_wait3A_89 = arith.constant 0 : i32
    %dma_wait3A_90 = arith.constant 0 : i32
    %dma_wait3A_91 = tpu.memref_slice %arg8[%dma_wait3A_89, %dma_wait3A_90] : memref<10240x128xf32, #tpu.memory_space<vmem_shared>> -> memref<10240x128xf32, #tpu.memory_space<vmem_shared>>
    tpu.wait_indirect_dma semaphore(%arg16 : memref<!tpu.dma_semaphore, #tpu.memory_space<semaphore_mem>>) src(%arg12 : memref<80x128xf32, #tpu.memory_space<vmem>>) dst(%dma_wait3A_91 : memref<10240x128xf32, #tpu.memory_space<vmem_shared>>)
    %dma_wait3A_92 = arith.constant 5 : i32
    %dma_wait3A_93 = arith.constant 0 : i32
    %dma_wait3A_94 = tpu.memref_slice %arg11[%dma_wait3A_92, %dma_wait3A_93] : memref<8x80xi32, #tpu.memory_space<vmem>> -> memref<1x80xi32, #tpu.memory_space<vmem>>
    %dma_wait3A_95 = tpu.memref_squeeze %dma_wait3A_94 : memref<1x80xi32, #tpu.memory_space<vmem>> -> memref<80xi32, #tpu.memory_space<vmem>>
    %dma_wait3A_96 = arith.constant 0 : i32
    %dma_wait3A_97 = arith.constant 0 : i32
    %dma_wait3A_98 = tpu.memref_slice %arg8[%dma_wait3A_96, %dma_wait3A_97] : memref<10240x128xf32, #tpu.memory_space<vmem_shared>> -> memref<10240x128xf32, #tpu.memory_space<vmem_shared>>
    tpu.wait_indirect_dma semaphore(%arg16 : memref<!tpu.dma_semaphore, #tpu.memory_space<semaphore_mem>>) src(%arg12 : memref<80x128xf32, #tpu.memory_space<vmem>>) dst(%dma_wait3A_98 : memref<10240x128xf32, #tpu.memory_space<vmem_shared>>)
    %dma_wait3A_99 = arith.constant 6 : i32
    %dma_wait3A_100 = arith.constant 0 : i32
    %dma_wait3A_101 = tpu.memref_slice %arg11[%dma_wait3A_99, %dma_wait3A_100] : memref<8x80xi32, #tpu.memory_space<vmem>> -> memref<1x80xi32, #tpu.memory_space<vmem>>
    %dma_wait3A_102 = tpu.memref_squeeze %dma_wait3A_101 : memref<1x80xi32, #tpu.memory_space<vmem>> -> memref<80xi32, #tpu.memory_space<vmem>>
    %dma_wait3A_103 = arith.constant 0 : i32
    %dma_wait3A_104 = arith.constant 0 : i32
    %dma_wait3A_105 = tpu.memref_slice %arg8[%dma_wait3A_103, %dma_wait3A_104] : memref<10240x128xf32, #tpu.memory_space<vmem_shared>> -> memref<10240x128xf32, #tpu.memory_space<vmem_shared>>
    tpu.wait_indirect_dma semaphore(%arg16 : memref<!tpu.dma_semaphore, #tpu.memory_space<semaphore_mem>>) src(%arg12 : memref<80x128xf32, #tpu.memory_space<vmem>>) dst(%dma_wait3A_105 : memref<10240x128xf32, #tpu.memory_space<vmem_shared>>)
    %dma_wait3A_106 = arith.constant 7 : i32
    %dma_wait3A_107 = arith.constant 0 : i32
    %dma_wait3A_108 = tpu.memref_slice %arg11[%dma_wait3A_106, %dma_wait3A_107] : memref<8x80xi32, #tpu.memory_space<vmem>> -> memref<1x80xi32, #tpu.memory_space<vmem>>
    %dma_wait3A_109 = tpu.memref_squeeze %dma_wait3A_108 : memref<1x80xi32, #tpu.memory_space<vmem>> -> memref<80xi32, #tpu.memory_space<vmem>>
    %dma_wait3A_110 = arith.constant 0 : i32
    %dma_wait3A_111 = arith.constant 0 : i32
    %dma_wait3A_112 = tpu.memref_slice %arg8[%dma_wait3A_110, %dma_wait3A_111] : memref<10240x128xf32, #tpu.memory_space<vmem_shared>> -> memref<10240x128xf32, #tpu.memory_space<vmem_shared>>
    tpu.wait_indirect_dma semaphore(%arg16 : memref<!tpu.dma_semaphore, #tpu.memory_space<semaphore_mem>>) src(%arg12 : memref<80x128xf32, #tpu.memory_space<vmem>>) dst(%dma_wait3A_112 : memref<10240x128xf32, #tpu.memory_space<vmem_shared>>)
    %barrier3A = arith.constant 0 : index
    tpu.barrier barrier_id(%barrier3A)
    %while3A = arith.constant 0 : i32
    %while3A_113 = arith.constant 0 : i32
    %while3A_114 = arith.constant 8 : i32
    %while3A_115 = arith.subi %while3A_114, %while3A_113 : i32
    %while3A_116 = arith.addi %while3A_113, %while3A_115 : i32
    %while3A_117 = arith.constant 1 : i32
    %while3A_118 = arith.divsi %while3A_115, %while3A_117 : i32
    %while3A_119 = arith.muli %while3A_118, %while3A_117 : i32
    %while3A_120 = arith.addi %while3A_113, %while3A_119 : i32
    %while3A_121 = arith.constant 1 : i32
    scf.for %while3A_252 = %while3A_113 to %while3A_120 step %while3A_121  : i32 {
      "tpu.region"() ({
        %run_scoped3A = tpu.sem_alloc : memref<!tpu.dma_semaphore, #tpu.memory_space<semaphore_mem>>
        %dma_start3A_701 = arith.constant 0 : i32
        %dma_start3A_702 = arith.constant 0 : i32
        %dma_start3A_703 = tpu.memref_slice %arg3[%add3A, %while3A_252, %dma_start3A_701, %dma_start3A_702] : memref<32x8x16x80xi32, #tpu.memory_space<hbm>> -> memref<1x1x16x80xi32, #tpu.memory_space<hbm>>
        %dma_start3A_704 = tpu.memref_squeeze %dma_start3A_703 : memref<1x1x16x80xi32, #tpu.memory_space<hbm>> -> memref<16x80xi32, #tpu.memory_space<hbm>>
        %dma_start3A_705 = arith.constant 0 : i32
        %dma_start3A_706 = arith.constant 0 : i32
        %dma_start3A_707 = tpu.memref_slice %arg3[%add3A, %while3A_252, %dma_start3A_705, %dma_start3A_706] : memref<32x8x16x80xi32, #tpu.memory_space<hbm>> -> memref<1x1x16x80xi32, #tpu.memory_space<hbm>>
        %dma_start3A_708 = tpu.memref_squeeze %dma_start3A_707 : memref<1x1x16x80xi32, #tpu.memory_space<hbm>> -> memref<16x80xi32, #tpu.memory_space<hbm>>
        tpu.enqueue_dma source(%dma_start3A_708 : memref<16x80xi32, #tpu.memory_space<hbm>>) target(%arg9 : memref<16x80xi32, #tpu.memory_space<vmem>>) target_semaphore(%run_scoped3A : memref<!tpu.dma_semaphore, #tpu.memory_space<semaphore_mem>>)
        %dma_wait3A_709 = arith.constant 0 : i32
        %dma_wait3A_710 = arith.constant 0 : i32
        %dma_wait3A_711 = tpu.memref_slice %arg3[%add3A, %while3A_252, %dma_wait3A_709, %dma_wait3A_710] : memref<32x8x16x80xi32, #tpu.memory_space<hbm>> -> memref<1x1x16x80xi32, #tpu.memory_space<hbm>>
        %dma_wait3A_712 = tpu.memref_squeeze %dma_wait3A_711 : memref<1x1x16x80xi32, #tpu.memory_space<hbm>> -> memref<16x80xi32, #tpu.memory_space<hbm>>
        %dma_wait3A_713 = arith.constant 0 : i32
        %dma_wait3A_714 = arith.constant 0 : i32
        %dma_wait3A_715 = tpu.memref_slice %arg3[%add3A, %while3A_252, %dma_wait3A_713, %dma_wait3A_714] : memref<32x8x16x80xi32, #tpu.memory_space<hbm>> -> memref<1x1x16x80xi32, #tpu.memory_space<hbm>>
        %dma_wait3A_716 = tpu.memref_squeeze %dma_wait3A_715 : memref<1x1x16x80xi32, #tpu.memory_space<hbm>> -> memref<16x80xi32, #tpu.memory_space<hbm>>
        tpu.wait_dma2 semaphore(%run_scoped3A : memref<!tpu.dma_semaphore, #tpu.memory_space<semaphore_mem>>) src(%dma_wait3A_716 : memref<16x80xi32, #tpu.memory_space<hbm>>) dst(%arg9 : memref<16x80xi32, #tpu.memory_space<vmem>>)
        tpu.yield
      }) : () -> ()
      "tpu.region"() ({
        %run_scoped3A = tpu.sem_alloc : memref<!tpu.dma_semaphore, #tpu.memory_space<semaphore_mem>>
        %dma_start3A_701 = arith.constant 0 : i32
        %dma_start3A_702 = arith.constant 0 : i32
        %dma_start3A_703 = tpu.memref_slice %arg4[%add3A, %while3A_252, %dma_start3A_701, %dma_start3A_702] : memref<32x8x16x80xi32, #tpu.memory_space<hbm>> -> memref<1x1x16x80xi32, #tpu.memory_space<hbm>>
        %dma_start3A_704 = tpu.memref_squeeze %dma_start3A_703 : memref<1x1x16x80xi32, #tpu.memory_space<hbm>> -> memref<16x80xi32, #tpu.memory_space<hbm>>
        %dma_start3A_705 = arith.constant 0 : i32
        %dma_start3A_706 = arith.constant 0 : i32
        %dma_start3A_707 = tpu.memref_slice %arg4[%add3A, %while3A_252, %dma_start3A_705, %dma_start3A_706] : memref<32x8x16x80xi32, #tpu.memory_space<hbm>> -> memref<1x1x16x80xi32, #tpu.memory_space<hbm>>
        %dma_start3A_708 = tpu.memref_squeeze %dma_start3A_707 : memref<1x1x16x80xi32, #tpu.memory_space<hbm>> -> memref<16x80xi32, #tpu.memory_space<hbm>>
        tpu.enqueue_dma source(%dma_start3A_708 : memref<16x80xi32, #tpu.memory_space<hbm>>) target(%arg10 : memref<16x80xi32, #tpu.memory_space<vmem>>) target_semaphore(%run_scoped3A : memref<!tpu.dma_semaphore, #tpu.memory_space<semaphore_mem>>)
        %dma_wait3A_709 = arith.constant 0 : i32
        %dma_wait3A_710 = arith.constant 0 : i32
        %dma_wait3A_711 = tpu.memref_slice %arg4[%add3A, %while3A_252, %dma_wait3A_709, %dma_wait3A_710] : memref<32x8x16x80xi32, #tpu.memory_space<hbm>> -> memref<1x1x16x80xi32, #tpu.memory_space<hbm>>
        %dma_wait3A_712 = tpu.memref_squeeze %dma_wait3A_711 : memref<1x1x16x80xi32, #tpu.memory_space<hbm>> -> memref<16x80xi32, #tpu.memory_space<hbm>>
        %dma_wait3A_713 = arith.constant 0 : i32
        %dma_wait3A_714 = arith.constant 0 : i32
        %dma_wait3A_715 = tpu.memref_slice %arg4[%add3A, %while3A_252, %dma_wait3A_713, %dma_wait3A_714] : memref<32x8x16x80xi32, #tpu.memory_space<hbm>> -> memref<1x1x16x80xi32, #tpu.memory_space<hbm>>
        %dma_wait3A_716 = tpu.memref_squeeze %dma_wait3A_715 : memref<1x1x16x80xi32, #tpu.memory_space<hbm>> -> memref<16x80xi32, #tpu.memory_space<hbm>>
        tpu.wait_dma2 semaphore(%run_scoped3A : memref<!tpu.dma_semaphore, #tpu.memory_space<semaphore_mem>>) src(%dma_wait3A_716 : memref<16x80xi32, #tpu.memory_space<hbm>>) dst(%arg10 : memref<16x80xi32, #tpu.memory_space<vmem>>)
        tpu.yield
      }) : () -> ()
      %dma_start3A_253 = arith.constant 0 : i32
      %dma_start3A_254 = arith.constant 0 : i32
      %dma_start3A_255 = tpu.memref_slice %arg9[%dma_start3A_253, %dma_start3A_254] : memref<16x80xi32, #tpu.memory_space<vmem>> -> memref<1x80xi32, #tpu.memory_space<vmem>>
      %dma_start3A_256 = tpu.memref_squeeze %dma_start3A_255 : memref<1x80xi32, #tpu.memory_space<vmem>> -> memref<80xi32, #tpu.memory_space<vmem>>
      %dma_start3A_257 = arith.constant 0 : i32
      %dma_start3A_258 = arith.constant 0 : i32
      %dma_start3A_259 = tpu.memref_slice %arg2[%dma_start3A_257, %dma_start3A_258] : memref<10240x128xf32, #tpu.memory_space<hbm>> -> memref<10240x128xf32, #tpu.memory_space<hbm>>
      tpu.enqueue_indirect_dma source(%dma_start3A_259 : memref<10240x128xf32, #tpu.memory_space<hbm>>) target(%arg12 : memref<80x128xf32, #tpu.memory_space<vmem>>) offsets(%dma_start3A_256 : memref<80xi32, #tpu.memory_space<vmem>>) semaphore(%arg14 : memref<!tpu.dma_semaphore, #tpu.memory_space<semaphore_mem>>)
      %dma_start3A_260 = arith.constant 1 : i32
      %dma_start3A_261 = arith.constant 0 : i32
      %dma_start3A_262 = tpu.memref_slice %arg9[%dma_start3A_260, %dma_start3A_261] : memref<16x80xi32, #tpu.memory_space<vmem>> -> memref<1x80xi32, #tpu.memory_space<vmem>>
      %dma_start3A_263 = tpu.memref_squeeze %dma_start3A_262 : memref<1x80xi32, #tpu.memory_space<vmem>> -> memref<80xi32, #tpu.memory_space<vmem>>
      %dma_start3A_264 = arith.constant 0 : i32
      %dma_start3A_265 = arith.constant 0 : i32
      %dma_start3A_266 = tpu.memref_slice %arg2[%dma_start3A_264, %dma_start3A_265] : memref<10240x128xf32, #tpu.memory_space<hbm>> -> memref<10240x128xf32, #tpu.memory_space<hbm>>
      tpu.enqueue_indirect_dma source(%dma_start3A_266 : memref<10240x128xf32, #tpu.memory_space<hbm>>) target(%arg13 : memref<80x128xf32, #tpu.memory_space<vmem>>) offsets(%dma_start3A_263 : memref<80xi32, #tpu.memory_space<vmem>>) semaphore(%arg15 : memref<!tpu.dma_semaphore, #tpu.memory_space<semaphore_mem>>)
      %dma_wait3A_267 = arith.constant 0 : i32
      %dma_wait3A_268 = arith.constant 0 : i32
      %dma_wait3A_269 = tpu.memref_slice %arg9[%dma_wait3A_267, %dma_wait3A_268] : memref<16x80xi32, #tpu.memory_space<vmem>> -> memref<1x80xi32, #tpu.memory_space<vmem>>
      %dma_wait3A_270 = tpu.memref_squeeze %dma_wait3A_269 : memref<1x80xi32, #tpu.memory_space<vmem>> -> memref<80xi32, #tpu.memory_space<vmem>>
      %dma_wait3A_271 = arith.constant 0 : i32
      %dma_wait3A_272 = arith.constant 0 : i32
      %dma_wait3A_273 = tpu.memref_slice %arg2[%dma_wait3A_271, %dma_wait3A_272] : memref<10240x128xf32, #tpu.memory_space<hbm>> -> memref<10240x128xf32, #tpu.memory_space<hbm>>
      tpu.wait_indirect_dma semaphore(%arg14 : memref<!tpu.dma_semaphore, #tpu.memory_space<semaphore_mem>>) src(%dma_wait3A_273 : memref<10240x128xf32, #tpu.memory_space<hbm>>) dst(%arg12 : memref<80x128xf32, #tpu.memory_space<vmem>>)
      %dma_start3A_274 = arith.constant 0 : i32
      %dma_start3A_275 = arith.constant 0 : i32
      %dma_start3A_276 = tpu.memref_slice %arg10[%dma_start3A_274, %dma_start3A_275] : memref<16x80xi32, #tpu.memory_space<vmem>> -> memref<1x80xi32, #tpu.memory_space<vmem>>
      %dma_start3A_277 = tpu.memref_squeeze %dma_start3A_276 : memref<1x80xi32, #tpu.memory_space<vmem>> -> memref<80xi32, #tpu.memory_space<vmem>>
      %dma_start3A_278 = arith.constant 0 : i32
      %dma_start3A_279 = arith.constant 0 : i32
      %dma_start3A_280 = tpu.memref_slice %arg8[%dma_start3A_278, %dma_start3A_279] : memref<10240x128xf32, #tpu.memory_space<vmem_shared>> -> memref<10240x128xf32, #tpu.memory_space<vmem_shared>>
      tpu.enqueue_indirect_dma source(%arg12 : memref<80x128xf32, #tpu.memory_space<vmem>>) target(%dma_start3A_280 : memref<10240x128xf32, #tpu.memory_space<vmem_shared>>) offsets(%dma_start3A_277 : memref<80xi32, #tpu.memory_space<vmem>>) semaphore(%arg16 : memref<!tpu.dma_semaphore, #tpu.memory_space<semaphore_mem>>) {add = true}
      %dma_wait3A_281 = arith.constant 0 : i32
      %dma_wait3A_282 = arith.constant 0 : i32
      %dma_wait3A_283 = tpu.memref_slice %arg10[%dma_wait3A_281, %dma_wait3A_282] : memref<16x80xi32, #tpu.memory_space<vmem>> -> memref<1x80xi32, #tpu.memory_space<vmem>>
      %dma_wait3A_284 = tpu.memref_squeeze %dma_wait3A_283 : memref<1x80xi32, #tpu.memory_space<vmem>> -> memref<80xi32, #tpu.memory_space<vmem>>
      %dma_wait3A_285 = arith.constant 0 : i32
      %dma_wait3A_286 = arith.constant 0 : i32
      %dma_wait3A_287 = tpu.memref_slice %arg8[%dma_wait3A_285, %dma_wait3A_286] : memref<10240x128xf32, #tpu.memory_space<vmem_shared>> -> memref<10240x128xf32, #tpu.memory_space<vmem_shared>>
      tpu.wait_indirect_dma semaphore(%arg16 : memref<!tpu.dma_semaphore, #tpu.memory_space<semaphore_mem>>) src(%arg12 : memref<80x128xf32, #tpu.memory_space<vmem>>) dst(%dma_wait3A_287 : memref<10240x128xf32, #tpu.memory_space<vmem_shared>>)
      %dma_start3A_288 = arith.constant 2 : i32
      %dma_start3A_289 = arith.constant 0 : i32
      %dma_start3A_290 = tpu.memref_slice %arg9[%dma_start3A_288, %dma_start3A_289] : memref<16x80xi32, #tpu.memory_space<vmem>> -> memref<1x80xi32, #tpu.memory_space<vmem>>
      %dma_start3A_291 = tpu.memref_squeeze %dma_start3A_290 : memref<1x80xi32, #tpu.memory_space<vmem>> -> memref<80xi32, #tpu.memory_space<vmem>>
      %dma_start3A_292 = arith.constant 0 : i32
      %dma_start3A_293 = arith.constant 0 : i32
      %dma_start3A_294 = tpu.memref_slice %arg2[%dma_start3A_292, %dma_start3A_293] : memref<10240x128xf32, #tpu.memory_space<hbm>> -> memref<10240x128xf32, #tpu.memory_space<hbm>>
      tpu.enqueue_indirect_dma source(%dma_start3A_294 : memref<10240x128xf32, #tpu.memory_space<hbm>>) target(%arg12 : memref<80x128xf32, #tpu.memory_space<vmem>>) offsets(%dma_start3A_291 : memref<80xi32, #tpu.memory_space<vmem>>) semaphore(%arg14 : memref<!tpu.dma_semaphore, #tpu.memory_space<semaphore_mem>>)
      %dma_wait3A_295 = arith.constant 1 : i32
      %dma_wait3A_296 = arith.constant 0 : i32
      %dma_wait3A_297 = tpu.memref_slice %arg9[%dma_wait3A_295, %dma_wait3A_296] : memref<16x80xi32, #tpu.memory_space<vmem>> -> memref<1x80xi32, #tpu.memory_space<vmem>>
      %dma_wait3A_298 = tpu.memref_squeeze %dma_wait3A_297 : memref<1x80xi32, #tpu.memory_space<vmem>> -> memref<80xi32, #tpu.memory_space<vmem>>
      %dma_wait3A_299 = arith.constant 0 : i32
      %dma_wait3A_300 = arith.constant 0 : i32
      %dma_wait3A_301 = tpu.memref_slice %arg2[%dma_wait3A_299, %dma_wait3A_300] : memref<10240x128xf32, #tpu.memory_space<hbm>> -> memref<10240x128xf32, #tpu.memory_space<hbm>>
      tpu.wait_indirect_dma semaphore(%arg15 : memref<!tpu.dma_semaphore, #tpu.memory_space<semaphore_mem>>) src(%dma_wait3A_301 : memref<10240x128xf32, #tpu.memory_space<hbm>>) dst(%arg13 : memref<80x128xf32, #tpu.memory_space<vmem>>)
      %dma_start3A_302 = arith.constant 1 : i32
      %dma_start3A_303 = arith.constant 0 : i32
      %dma_start3A_304 = tpu.memref_slice %arg10[%dma_start3A_302, %dma_start3A_303] : memref<16x80xi32, #tpu.memory_space<vmem>> -> memref<1x80xi32, #tpu.memory_space<vmem>>
      %dma_start3A_305 = tpu.memref_squeeze %dma_start3A_304 : memref<1x80xi32, #tpu.memory_space<vmem>> -> memref<80xi32, #tpu.memory_space<vmem>>
      %dma_start3A_306 = arith.constant 0 : i32
      %dma_start3A_307 = arith.constant 0 : i32
      %dma_start3A_308 = tpu.memref_slice %arg8[%dma_start3A_306, %dma_start3A_307] : memref<10240x128xf32, #tpu.memory_space<vmem_shared>> -> memref<10240x128xf32, #tpu.memory_space<vmem_shared>>
      tpu.enqueue_indirect_dma source(%arg13 : memref<80x128xf32, #tpu.memory_space<vmem>>) target(%dma_start3A_308 : memref<10240x128xf32, #tpu.memory_space<vmem_shared>>) offsets(%dma_start3A_305 : memref<80xi32, #tpu.memory_space<vmem>>) semaphore(%arg17 : memref<!tpu.dma_semaphore, #tpu.memory_space<semaphore_mem>>) {add = true}
      %dma_wait3A_309 = arith.constant 1 : i32
      %dma_wait3A_310 = arith.constant 0 : i32
      %dma_wait3A_311 = tpu.memref_slice %arg10[%dma_wait3A_309, %dma_wait3A_310] : memref<16x80xi32, #tpu.memory_space<vmem>> -> memref<1x80xi32, #tpu.memory_space<vmem>>
      %dma_wait3A_312 = tpu.memref_squeeze %dma_wait3A_311 : memref<1x80xi32, #tpu.memory_space<vmem>> -> memref<80xi32, #tpu.memory_space<vmem>>
      %dma_wait3A_313 = arith.constant 0 : i32
      %dma_wait3A_314 = arith.constant 0 : i32
      %dma_wait3A_315 = tpu.memref_slice %arg8[%dma_wait3A_313, %dma_wait3A_314] : memref<10240x128xf32, #tpu.memory_space<vmem_shared>> -> memref<10240x128xf32, #tpu.memory_space<vmem_shared>>
      tpu.wait_indirect_dma semaphore(%arg17 : memref<!tpu.dma_semaphore, #tpu.memory_space<semaphore_mem>>) src(%arg13 : memref<80x128xf32, #tpu.memory_space<vmem>>) dst(%dma_wait3A_315 : memref<10240x128xf32, #tpu.memory_space<vmem_shared>>)
      %dma_start3A_316 = arith.constant 3 : i32
      %dma_start3A_317 = arith.constant 0 : i32
      %dma_start3A_318 = tpu.memref_slice %arg9[%dma_start3A_316, %dma_start3A_317] : memref<16x80xi32, #tpu.memory_space<vmem>> -> memref<1x80xi32, #tpu.memory_space<vmem>>
      %dma_start3A_319 = tpu.memref_squeeze %dma_start3A_318 : memref<1x80xi32, #tpu.memory_space<vmem>> -> memref<80xi32, #tpu.memory_space<vmem>>
      %dma_start3A_320 = arith.constant 0 : i32
      %dma_start3A_321 = arith.constant 0 : i32
      %dma_start3A_322 = tpu.memref_slice %arg2[%dma_start3A_320, %dma_start3A_321] : memref<10240x128xf32, #tpu.memory_space<hbm>> -> memref<10240x128xf32, #tpu.memory_space<hbm>>
      tpu.enqueue_indirect_dma source(%dma_start3A_322 : memref<10240x128xf32, #tpu.memory_space<hbm>>) target(%arg13 : memref<80x128xf32, #tpu.memory_space<vmem>>) offsets(%dma_start3A_319 : memref<80xi32, #tpu.memory_space<vmem>>) semaphore(%arg15 : memref<!tpu.dma_semaphore, #tpu.memory_space<semaphore_mem>>)
      %dma_wait3A_323 = arith.constant 2 : i32
      %dma_wait3A_324 = arith.constant 0 : i32
      %dma_wait3A_325 = tpu.memref_slice %arg9[%dma_wait3A_323, %dma_wait3A_324] : memref<16x80xi32, #tpu.memory_space<vmem>> -> memref<1x80xi32, #tpu.memory_space<vmem>>
      %dma_wait3A_326 = tpu.memref_squeeze %dma_wait3A_325 : memref<1x80xi32, #tpu.memory_space<vmem>> -> memref<80xi32, #tpu.memory_space<vmem>>
      %dma_wait3A_327 = arith.constant 0 : i32
      %dma_wait3A_328 = arith.constant 0 : i32
      %dma_wait3A_329 = tpu.memref_slice %arg2[%dma_wait3A_327, %dma_wait3A_328] : memref<10240x128xf32, #tpu.memory_space<hbm>> -> memref<10240x128xf32, #tpu.memory_space<hbm>>
      tpu.wait_indirect_dma semaphore(%arg14 : memref<!tpu.dma_semaphore, #tpu.memory_space<semaphore_mem>>) src(%dma_wait3A_329 : memref<10240x128xf32, #tpu.memory_space<hbm>>) dst(%arg12 : memref<80x128xf32, #tpu.memory_space<vmem>>)
      %dma_start3A_330 = arith.constant 2 : i32
      %dma_start3A_331 = arith.constant 0 : i32
      %dma_start3A_332 = tpu.memref_slice %arg10[%dma_start3A_330, %dma_start3A_331] : memref<16x80xi32, #tpu.memory_space<vmem>> -> memref<1x80xi32, #tpu.memory_space<vmem>>
      %dma_start3A_333 = tpu.memref_squeeze %dma_start3A_332 : memref<1x80xi32, #tpu.memory_space<vmem>> -> memref<80xi32, #tpu.memory_space<vmem>>
      %dma_start3A_334 = arith.constant 0 : i32
      %dma_start3A_335 = arith.constant 0 : i32
      %dma_start3A_336 = tpu.memref_slice %arg8[%dma_start3A_334, %dma_start3A_335] : memref<10240x128xf32, #tpu.memory_space<vmem_shared>> -> memref<10240x128xf32, #tpu.memory_space<vmem_shared>>
      tpu.enqueue_indirect_dma source(%arg12 : memref<80x128xf32, #tpu.memory_space<vmem>>) target(%dma_start3A_336 : memref<10240x128xf32, #tpu.memory_space<vmem_shared>>) offsets(%dma_start3A_333 : memref<80xi32, #tpu.memory_space<vmem>>) semaphore(%arg16 : memref<!tpu.dma_semaphore, #tpu.memory_space<semaphore_mem>>) {add = true}
      %dma_wait3A_337 = arith.constant 2 : i32
      %dma_wait3A_338 = arith.constant 0 : i32
      %dma_wait3A_339 = tpu.memref_slice %arg10[%dma_wait3A_337, %dma_wait3A_338] : memref<16x80xi32, #tpu.memory_space<vmem>> -> memref<1x80xi32, #tpu.memory_space<vmem>>
      %dma_wait3A_340 = tpu.memref_squeeze %dma_wait3A_339 : memref<1x80xi32, #tpu.memory_space<vmem>> -> memref<80xi32, #tpu.memory_space<vmem>>
      %dma_wait3A_341 = arith.constant 0 : i32
      %dma_wait3A_342 = arith.constant 0 : i32
      %dma_wait3A_343 = tpu.memref_slice %arg8[%dma_wait3A_341, %dma_wait3A_342] : memref<10240x128xf32, #tpu.memory_space<vmem_shared>> -> memref<10240x128xf32, #tpu.memory_space<vmem_shared>>
      tpu.wait_indirect_dma semaphore(%arg16 : memref<!tpu.dma_semaphore, #tpu.memory_space<semaphore_mem>>) src(%arg12 : memref<80x128xf32, #tpu.memory_space<vmem>>) dst(%dma_wait3A_343 : memref<10240x128xf32, #tpu.memory_space<vmem_shared>>)
      %dma_start3A_344 = arith.constant 4 : i32
      %dma_start3A_345 = arith.constant 0 : i32
      %dma_start3A_346 = tpu.memref_slice %arg9[%dma_start3A_344, %dma_start3A_345] : memref<16x80xi32, #tpu.memory_space<vmem>> -> memref<1x80xi32, #tpu.memory_space<vmem>>
      %dma_start3A_347 = tpu.memref_squeeze %dma_start3A_346 : memref<1x80xi32, #tpu.memory_space<vmem>> -> memref<80xi32, #tpu.memory_space<vmem>>
      %dma_start3A_348 = arith.constant 0 : i32
      %dma_start3A_349 = arith.constant 0 : i32
      %dma_start3A_350 = tpu.memref_slice %arg2[%dma_start3A_348, %dma_start3A_349] : memref<10240x128xf32, #tpu.memory_space<hbm>> -> memref<10240x128xf32, #tpu.memory_space<hbm>>
      tpu.enqueue_indirect_dma source(%dma_start3A_350 : memref<10240x128xf32, #tpu.memory_space<hbm>>) target(%arg12 : memref<80x128xf32, #tpu.memory_space<vmem>>) offsets(%dma_start3A_347 : memref<80xi32, #tpu.memory_space<vmem>>) semaphore(%arg14 : memref<!tpu.dma_semaphore, #tpu.memory_space<semaphore_mem>>)
      %dma_wait3A_351 = arith.constant 3 : i32
      %dma_wait3A_352 = arith.constant 0 : i32
      %dma_wait3A_353 = tpu.memref_slice %arg9[%dma_wait3A_351, %dma_wait3A_352] : memref<16x80xi32, #tpu.memory_space<vmem>> -> memref<1x80xi32, #tpu.memory_space<vmem>>
      %dma_wait3A_354 = tpu.memref_squeeze %dma_wait3A_353 : memref<1x80xi32, #tpu.memory_space<vmem>> -> memref<80xi32, #tpu.memory_space<vmem>>
      %dma_wait3A_355 = arith.constant 0 : i32
      %dma_wait3A_356 = arith.constant 0 : i32
      %dma_wait3A_357 = tpu.memref_slice %arg2[%dma_wait3A_355, %dma_wait3A_356] : memref<10240x128xf32, #tpu.memory_space<hbm>> -> memref<10240x128xf32, #tpu.memory_space<hbm>>
      tpu.wait_indirect_dma semaphore(%arg15 : memref<!tpu.dma_semaphore, #tpu.memory_space<semaphore_mem>>) src(%dma_wait3A_357 : memref<10240x128xf32, #tpu.memory_space<hbm>>) dst(%arg13 : memref<80x128xf32, #tpu.memory_space<vmem>>)
      %dma_start3A_358 = arith.constant 3 : i32
      %dma_start3A_359 = arith.constant 0 : i32
      %dma_start3A_360 = tpu.memref_slice %arg10[%dma_start3A_358, %dma_start3A_359] : memref<16x80xi32, #tpu.memory_space<vmem>> -> memref<1x80xi32, #tpu.memory_space<vmem>>
      %dma_start3A_361 = tpu.memref_squeeze %dma_start3A_360 : memref<1x80xi32, #tpu.memory_space<vmem>> -> memref<80xi32, #tpu.memory_space<vmem>>
      %dma_start3A_362 = arith.constant 0 : i32
      %dma_start3A_363 = arith.constant 0 : i32
      %dma_start3A_364 = tpu.memref_slice %arg8[%dma_start3A_362, %dma_start3A_363] : memref<10240x128xf32, #tpu.memory_space<vmem_shared>> -> memref<10240x128xf32, #tpu.memory_space<vmem_shared>>
      tpu.enqueue_indirect_dma source(%arg13 : memref<80x128xf32, #tpu.memory_space<vmem>>) target(%dma_start3A_364 : memref<10240x128xf32, #tpu.memory_space<vmem_shared>>) offsets(%dma_start3A_361 : memref<80xi32, #tpu.memory_space<vmem>>) semaphore(%arg17 : memref<!tpu.dma_semaphore, #tpu.memory_space<semaphore_mem>>) {add = true}
      %dma_wait3A_365 = arith.constant 3 : i32
      %dma_wait3A_366 = arith.constant 0 : i32
      %dma_wait3A_367 = tpu.memref_slice %arg10[%dma_wait3A_365, %dma_wait3A_366] : memref<16x80xi32, #tpu.memory_space<vmem>> -> memref<1x80xi32, #tpu.memory_space<vmem>>
      %dma_wait3A_368 = tpu.memref_squeeze %dma_wait3A_367 : memref<1x80xi32, #tpu.memory_space<vmem>> -> memref<80xi32, #tpu.memory_space<vmem>>
      %dma_wait3A_369 = arith.constant 0 : i32
      %dma_wait3A_370 = arith.constant 0 : i32
      %dma_wait3A_371 = tpu.memref_slice %arg8[%dma_wait3A_369, %dma_wait3A_370] : memref<10240x128xf32, #tpu.memory_space<vmem_shared>> -> memref<10240x128xf32, #tpu.memory_space<vmem_shared>>
      tpu.wait_indirect_dma semaphore(%arg17 : memref<!tpu.dma_semaphore, #tpu.memory_space<semaphore_mem>>) src(%arg13 : memref<80x128xf32, #tpu.memory_space<vmem>>) dst(%dma_wait3A_371 : memref<10240x128xf32, #tpu.memory_space<vmem_shared>>)
      %dma_start3A_372 = arith.constant 5 : i32
      %dma_start3A_373 = arith.constant 0 : i32
      %dma_start3A_374 = tpu.memref_slice %arg9[%dma_start3A_372, %dma_start3A_373] : memref<16x80xi32, #tpu.memory_space<vmem>> -> memref<1x80xi32, #tpu.memory_space<vmem>>
      %dma_start3A_375 = tpu.memref_squeeze %dma_start3A_374 : memref<1x80xi32, #tpu.memory_space<vmem>> -> memref<80xi32, #tpu.memory_space<vmem>>
      %dma_start3A_376 = arith.constant 0 : i32
      %dma_start3A_377 = arith.constant 0 : i32
      %dma_start3A_378 = tpu.memref_slice %arg2[%dma_start3A_376, %dma_start3A_377] : memref<10240x128xf32, #tpu.memory_space<hbm>> -> memref<10240x128xf32, #tpu.memory_space<hbm>>
      tpu.enqueue_indirect_dma source(%dma_start3A_378 : memref<10240x128xf32, #tpu.memory_space<hbm>>) target(%arg13 : memref<80x128xf32, #tpu.memory_space<vmem>>) offsets(%dma_start3A_375 : memref<80xi32, #tpu.memory_space<vmem>>) semaphore(%arg15 : memref<!tpu.dma_semaphore, #tpu.memory_space<semaphore_mem>>)
      %dma_wait3A_379 = arith.constant 4 : i32
      %dma_wait3A_380 = arith.constant 0 : i32
      %dma_wait3A_381 = tpu.memref_slice %arg9[%dma_wait3A_379, %dma_wait3A_380] : memref<16x80xi32, #tpu.memory_space<vmem>> -> memref<1x80xi32, #tpu.memory_space<vmem>>
      %dma_wait3A_382 = tpu.memref_squeeze %dma_wait3A_381 : memref<1x80xi32, #tpu.memory_space<vmem>> -> memref<80xi32, #tpu.memory_space<vmem>>
      %dma_wait3A_383 = arith.constant 0 : i32
      %dma_wait3A_384 = arith.constant 0 : i32
      %dma_wait3A_385 = tpu.memref_slice %arg2[%dma_wait3A_383, %dma_wait3A_384] : memref<10240x128xf32, #tpu.memory_space<hbm>> -> memref<10240x128xf32, #tpu.memory_space<hbm>>
      tpu.wait_indirect_dma semaphore(%arg14 : memref<!tpu.dma_semaphore, #tpu.memory_space<semaphore_mem>>) src(%dma_wait3A_385 : memref<10240x128xf32, #tpu.memory_space<hbm>>) dst(%arg12 : memref<80x128xf32, #tpu.memory_space<vmem>>)
      %dma_start3A_386 = arith.constant 4 : i32
      %dma_start3A_387 = arith.constant 0 : i32
      %dma_start3A_388 = tpu.memref_slice %arg10[%dma_start3A_386, %dma_start3A_387] : memref<16x80xi32, #tpu.memory_space<vmem>> -> memref<1x80xi32, #tpu.memory_space<vmem>>
      %dma_start3A_389 = tpu.memref_squeeze %dma_start3A_388 : memref<1x80xi32, #tpu.memory_space<vmem>> -> memref<80xi32, #tpu.memory_space<vmem>>
      %dma_start3A_390 = arith.constant 0 : i32
      %dma_start3A_391 = arith.constant 0 : i32
      %dma_start3A_392 = tpu.memref_slice %arg8[%dma_start3A_390, %dma_start3A_391] : memref<10240x128xf32, #tpu.memory_space<vmem_shared>> -> memref<10240x128xf32, #tpu.memory_space<vmem_shared>>
      tpu.enqueue_indirect_dma source(%arg12 : memref<80x128xf32, #tpu.memory_space<vmem>>) target(%dma_start3A_392 : memref<10240x128xf32, #tpu.memory_space<vmem_shared>>) offsets(%dma_start3A_389 : memref<80xi32, #tpu.memory_space<vmem>>) semaphore(%arg16 : memref<!tpu.dma_semaphore, #tpu.memory_space<semaphore_mem>>) {add = true}
      %dma_wait3A_393 = arith.constant 4 : i32
      %dma_wait3A_394 = arith.constant 0 : i32
      %dma_wait3A_395 = tpu.memref_slice %arg10[%dma_wait3A_393, %dma_wait3A_394] : memref<16x80xi32, #tpu.memory_space<vmem>> -> memref<1x80xi32, #tpu.memory_space<vmem>>
      %dma_wait3A_396 = tpu.memref_squeeze %dma_wait3A_395 : memref<1x80xi32, #tpu.memory_space<vmem>> -> memref<80xi32, #tpu.memory_space<vmem>>
      %dma_wait3A_397 = arith.constant 0 : i32
      %dma_wait3A_398 = arith.constant 0 : i32
      %dma_wait3A_399 = tpu.memref_slice %arg8[%dma_wait3A_397, %dma_wait3A_398] : memref<10240x128xf32, #tpu.memory_space<vmem_shared>> -> memref<10240x128xf32, #tpu.memory_space<vmem_shared>>
      tpu.wait_indirect_dma semaphore(%arg16 : memref<!tpu.dma_semaphore, #tpu.memory_space<semaphore_mem>>) src(%arg12 : memref<80x128xf32, #tpu.memory_space<vmem>>) dst(%dma_wait3A_399 : memref<10240x128xf32, #tpu.memory_space<vmem_shared>>)
      %dma_start3A_400 = arith.constant 6 : i32
      %dma_start3A_401 = arith.constant 0 : i32
      %dma_start3A_402 = tpu.memref_slice %arg9[%dma_start3A_400, %dma_start3A_401] : memref<16x80xi32, #tpu.memory_space<vmem>> -> memref<1x80xi32, #tpu.memory_space<vmem>>
      %dma_start3A_403 = tpu.memref_squeeze %dma_start3A_402 : memref<1x80xi32, #tpu.memory_space<vmem>> -> memref<80xi32, #tpu.memory_space<vmem>>
      %dma_start3A_404 = arith.constant 0 : i32
      %dma_start3A_405 = arith.constant 0 : i32
      %dma_start3A_406 = tpu.memref_slice %arg2[%dma_start3A_404, %dma_start3A_405] : memref<10240x128xf32, #tpu.memory_space<hbm>> -> memref<10240x128xf32, #tpu.memory_space<hbm>>
      tpu.enqueue_indirect_dma source(%dma_start3A_406 : memref<10240x128xf32, #tpu.memory_space<hbm>>) target(%arg12 : memref<80x128xf32, #tpu.memory_space<vmem>>) offsets(%dma_start3A_403 : memref<80xi32, #tpu.memory_space<vmem>>) semaphore(%arg14 : memref<!tpu.dma_semaphore, #tpu.memory_space<semaphore_mem>>)
      %dma_wait3A_407 = arith.constant 5 : i32
      %dma_wait3A_408 = arith.constant 0 : i32
      %dma_wait3A_409 = tpu.memref_slice %arg9[%dma_wait3A_407, %dma_wait3A_408] : memref<16x80xi32, #tpu.memory_space<vmem>> -> memref<1x80xi32, #tpu.memory_space<vmem>>
      %dma_wait3A_410 = tpu.memref_squeeze %dma_wait3A_409 : memref<1x80xi32, #tpu.memory_space<vmem>> -> memref<80xi32, #tpu.memory_space<vmem>>
      %dma_wait3A_411 = arith.constant 0 : i32
      %dma_wait3A_412 = arith.constant 0 : i32
      %dma_wait3A_413 = tpu.memref_slice %arg2[%dma_wait3A_411, %dma_wait3A_412] : memref<10240x128xf32, #tpu.memory_space<hbm>> -> memref<10240x128xf32, #tpu.memory_space<hbm>>
      tpu.wait_indirect_dma semaphore(%arg15 : memref<!tpu.dma_semaphore, #tpu.memory_space<semaphore_mem>>) src(%dma_wait3A_413 : memref<10240x128xf32, #tpu.memory_space<hbm>>) dst(%arg13 : memref<80x128xf32, #tpu.memory_space<vmem>>)
      %dma_start3A_414 = arith.constant 5 : i32
      %dma_start3A_415 = arith.constant 0 : i32
      %dma_start3A_416 = tpu.memref_slice %arg10[%dma_start3A_414, %dma_start3A_415] : memref<16x80xi32, #tpu.memory_space<vmem>> -> memref<1x80xi32, #tpu.memory_space<vmem>>
      %dma_start3A_417 = tpu.memref_squeeze %dma_start3A_416 : memref<1x80xi32, #tpu.memory_space<vmem>> -> memref<80xi32, #tpu.memory_space<vmem>>
      %dma_start3A_418 = arith.constant 0 : i32
      %dma_start3A_419 = arith.constant 0 : i32
      %dma_start3A_420 = tpu.memref_slice %arg8[%dma_start3A_418, %dma_start3A_419] : memref<10240x128xf32, #tpu.memory_space<vmem_shared>> -> memref<10240x128xf32, #tpu.memory_space<vmem_shared>>
      tpu.enqueue_indirect_dma source(%arg13 : memref<80x128xf32, #tpu.memory_space<vmem>>) target(%dma_start3A_420 : memref<10240x128xf32, #tpu.memory_space<vmem_shared>>) offsets(%dma_start3A_417 : memref<80xi32, #tpu.memory_space<vmem>>) semaphore(%arg17 : memref<!tpu.dma_semaphore, #tpu.memory_space<semaphore_mem>>) {add = true}
      %dma_wait3A_421 = arith.constant 5 : i32
      %dma_wait3A_422 = arith.constant 0 : i32
      %dma_wait3A_423 = tpu.memref_slice %arg10[%dma_wait3A_421, %dma_wait3A_422] : memref<16x80xi32, #tpu.memory_space<vmem>> -> memref<1x80xi32, #tpu.memory_space<vmem>>
      %dma_wait3A_424 = tpu.memref_squeeze %dma_wait3A_423 : memref<1x80xi32, #tpu.memory_space<vmem>> -> memref<80xi32, #tpu.memory_space<vmem>>
      %dma_wait3A_425 = arith.constant 0 : i32
      %dma_wait3A_426 = arith.constant 0 : i32
      %dma_wait3A_427 = tpu.memref_slice %arg8[%dma_wait3A_425, %dma_wait3A_426] : memref<10240x128xf32, #tpu.memory_space<vmem_shared>> -> memref<10240x128xf32, #tpu.memory_space<vmem_shared>>
      tpu.wait_indirect_dma semaphore(%arg17 : memref<!tpu.dma_semaphore, #tpu.memory_space<semaphore_mem>>) src(%arg13 : memref<80x128xf32, #tpu.memory_space<vmem>>) dst(%dma_wait3A_427 : memref<10240x128xf32, #tpu.memory_space<vmem_shared>>)
      %dma_start3A_428 = arith.constant 7 : i32
      %dma_start3A_429 = arith.constant 0 : i32
      %dma_start3A_430 = tpu.memref_slice %arg9[%dma_start3A_428, %dma_start3A_429] : memref<16x80xi32, #tpu.memory_space<vmem>> -> memref<1x80xi32, #tpu.memory_space<vmem>>
      %dma_start3A_431 = tpu.memref_squeeze %dma_start3A_430 : memref<1x80xi32, #tpu.memory_space<vmem>> -> memref<80xi32, #tpu.memory_space<vmem>>
      %dma_start3A_432 = arith.constant 0 : i32
      %dma_start3A_433 = arith.constant 0 : i32
      %dma_start3A_434 = tpu.memref_slice %arg2[%dma_start3A_432, %dma_start3A_433] : memref<10240x128xf32, #tpu.memory_space<hbm>> -> memref<10240x128xf32, #tpu.memory_space<hbm>>
      tpu.enqueue_indirect_dma source(%dma_start3A_434 : memref<10240x128xf32, #tpu.memory_space<hbm>>) target(%arg13 : memref<80x128xf32, #tpu.memory_space<vmem>>) offsets(%dma_start3A_431 : memref<80xi32, #tpu.memory_space<vmem>>) semaphore(%arg15 : memref<!tpu.dma_semaphore, #tpu.memory_space<semaphore_mem>>)
      %dma_wait3A_435 = arith.constant 6 : i32
      %dma_wait3A_436 = arith.constant 0 : i32
      %dma_wait3A_437 = tpu.memref_slice %arg9[%dma_wait3A_435, %dma_wait3A_436] : memref<16x80xi32, #tpu.memory_space<vmem>> -> memref<1x80xi32, #tpu.memory_space<vmem>>
      %dma_wait3A_438 = tpu.memref_squeeze %dma_wait3A_437 : memref<1x80xi32, #tpu.memory_space<vmem>> -> memref<80xi32, #tpu.memory_space<vmem>>
      %dma_wait3A_439 = arith.constant 0 : i32
      %dma_wait3A_440 = arith.constant 0 : i32
      %dma_wait3A_441 = tpu.memref_slice %arg2[%dma_wait3A_439, %dma_wait3A_440] : memref<10240x128xf32, #tpu.memory_space<hbm>> -> memref<10240x128xf32, #tpu.memory_space<hbm>>
      tpu.wait_indirect_dma semaphore(%arg14 : memref<!tpu.dma_semaphore, #tpu.memory_space<semaphore_mem>>) src(%dma_wait3A_441 : memref<10240x128xf32, #tpu.memory_space<hbm>>) dst(%arg12 : memref<80x128xf32, #tpu.memory_space<vmem>>)
      %dma_start3A_442 = arith.constant 6 : i32
      %dma_start3A_443 = arith.constant 0 : i32
      %dma_start3A_444 = tpu.memref_slice %arg10[%dma_start3A_442, %dma_start3A_443] : memref<16x80xi32, #tpu.memory_space<vmem>> -> memref<1x80xi32, #tpu.memory_space<vmem>>
      %dma_start3A_445 = tpu.memref_squeeze %dma_start3A_444 : memref<1x80xi32, #tpu.memory_space<vmem>> -> memref<80xi32, #tpu.memory_space<vmem>>
      %dma_start3A_446 = arith.constant 0 : i32
      %dma_start3A_447 = arith.constant 0 : i32
      %dma_start3A_448 = tpu.memref_slice %arg8[%dma_start3A_446, %dma_start3A_447] : memref<10240x128xf32, #tpu.memory_space<vmem_shared>> -> memref<10240x128xf32, #tpu.memory_space<vmem_shared>>
      tpu.enqueue_indirect_dma source(%arg12 : memref<80x128xf32, #tpu.memory_space<vmem>>) target(%dma_start3A_448 : memref<10240x128xf32, #tpu.memory_space<vmem_shared>>) offsets(%dma_start3A_445 : memref<80xi32, #tpu.memory_space<vmem>>) semaphore(%arg16 : memref<!tpu.dma_semaphore, #tpu.memory_space<semaphore_mem>>) {add = true}
      %dma_wait3A_449 = arith.constant 6 : i32
      %dma_wait3A_450 = arith.constant 0 : i32
      %dma_wait3A_451 = tpu.memref_slice %arg10[%dma_wait3A_449, %dma_wait3A_450] : memref<16x80xi32, #tpu.memory_space<vmem>> -> memref<1x80xi32, #tpu.memory_space<vmem>>
      %dma_wait3A_452 = tpu.memref_squeeze %dma_wait3A_451 : memref<1x80xi32, #tpu.memory_space<vmem>> -> memref<80xi32, #tpu.memory_space<vmem>>
      %dma_wait3A_453 = arith.constant 0 : i32
      %dma_wait3A_454 = arith.constant 0 : i32
      %dma_wait3A_455 = tpu.memref_slice %arg8[%dma_wait3A_453, %dma_wait3A_454] : memref<10240x128xf32, #tpu.memory_space<vmem_shared>> -> memref<10240x128xf32, #tpu.memory_space<vmem_shared>>
      tpu.wait_indirect_dma semaphore(%arg16 : memref<!tpu.dma_semaphore, #tpu.memory_space<semaphore_mem>>) src(%arg12 : memref<80x128xf32, #tpu.memory_space<vmem>>) dst(%dma_wait3A_455 : memref<10240x128xf32, #tpu.memory_space<vmem_shared>>)
      %dma_start3A_456 = arith.constant 8 : i32
      %dma_start3A_457 = arith.constant 0 : i32
      %dma_start3A_458 = tpu.memref_slice %arg9[%dma_start3A_456, %dma_start3A_457] : memref<16x80xi32, #tpu.memory_space<vmem>> -> memref<1x80xi32, #tpu.memory_space<vmem>>
      %dma_start3A_459 = tpu.memref_squeeze %dma_start3A_458 : memref<1x80xi32, #tpu.memory_space<vmem>> -> memref<80xi32, #tpu.memory_space<vmem>>
      %dma_start3A_460 = arith.constant 0 : i32
      %dma_start3A_461 = arith.constant 0 : i32
      %dma_start3A_462 = tpu.memref_slice %arg2[%dma_start3A_460, %dma_start3A_461] : memref<10240x128xf32, #tpu.memory_space<hbm>> -> memref<10240x128xf32, #tpu.memory_space<hbm>>
      tpu.enqueue_indirect_dma source(%dma_start3A_462 : memref<10240x128xf32, #tpu.memory_space<hbm>>) target(%arg12 : memref<80x128xf32, #tpu.memory_space<vmem>>) offsets(%dma_start3A_459 : memref<80xi32, #tpu.memory_space<vmem>>) semaphore(%arg14 : memref<!tpu.dma_semaphore, #tpu.memory_space<semaphore_mem>>)
      %dma_wait3A_463 = arith.constant 7 : i32
      %dma_wait3A_464 = arith.constant 0 : i32
      %dma_wait3A_465 = tpu.memref_slice %arg9[%dma_wait3A_463, %dma_wait3A_464] : memref<16x80xi32, #tpu.memory_space<vmem>> -> memref<1x80xi32, #tpu.memory_space<vmem>>
      %dma_wait3A_466 = tpu.memref_squeeze %dma_wait3A_465 : memref<1x80xi32, #tpu.memory_space<vmem>> -> memref<80xi32, #tpu.memory_space<vmem>>
      %dma_wait3A_467 = arith.constant 0 : i32
      %dma_wait3A_468 = arith.constant 0 : i32
      %dma_wait3A_469 = tpu.memref_slice %arg2[%dma_wait3A_467, %dma_wait3A_468] : memref<10240x128xf32, #tpu.memory_space<hbm>> -> memref<10240x128xf32, #tpu.memory_space<hbm>>
      tpu.wait_indirect_dma semaphore(%arg15 : memref<!tpu.dma_semaphore, #tpu.memory_space<semaphore_mem>>) src(%dma_wait3A_469 : memref<10240x128xf32, #tpu.memory_space<hbm>>) dst(%arg13 : memref<80x128xf32, #tpu.memory_space<vmem>>)
      %dma_start3A_470 = arith.constant 7 : i32
      %dma_start3A_471 = arith.constant 0 : i32
      %dma_start3A_472 = tpu.memref_slice %arg10[%dma_start3A_470, %dma_start3A_471] : memref<16x80xi32, #tpu.memory_space<vmem>> -> memref<1x80xi32, #tpu.memory_space<vmem>>
      %dma_start3A_473 = tpu.memref_squeeze %dma_start3A_472 : memref<1x80xi32, #tpu.memory_space<vmem>> -> memref<80xi32, #tpu.memory_space<vmem>>
      %dma_start3A_474 = arith.constant 0 : i32
      %dma_start3A_475 = arith.constant 0 : i32
      %dma_start3A_476 = tpu.memref_slice %arg8[%dma_start3A_474, %dma_start3A_475] : memref<10240x128xf32, #tpu.memory_space<vmem_shared>> -> memref<10240x128xf32, #tpu.memory_space<vmem_shared>>
      tpu.enqueue_indirect_dma source(%arg13 : memref<80x128xf32, #tpu.memory_space<vmem>>) target(%dma_start3A_476 : memref<10240x128xf32, #tpu.memory_space<vmem_shared>>) offsets(%dma_start3A_473 : memref<80xi32, #tpu.memory_space<vmem>>) semaphore(%arg17 : memref<!tpu.dma_semaphore, #tpu.memory_space<semaphore_mem>>) {add = true}
      %dma_wait3A_477 = arith.constant 7 : i32
      %dma_wait3A_478 = arith.constant 0 : i32
      %dma_wait3A_479 = tpu.memref_slice %arg10[%dma_wait3A_477, %dma_wait3A_478] : memref<16x80xi32, #tpu.memory_space<vmem>> -> memref<1x80xi32, #tpu.memory_space<vmem>>
      %dma_wait3A_480 = tpu.memref_squeeze %dma_wait3A_479 : memref<1x80xi32, #tpu.memory_space<vmem>> -> memref<80xi32, #tpu.memory_space<vmem>>
      %dma_wait3A_481 = arith.constant 0 : i32
      %dma_wait3A_482 = arith.constant 0 : i32
      %dma_wait3A_483 = tpu.memref_slice %arg8[%dma_wait3A_481, %dma_wait3A_482] : memref<10240x128xf32, #tpu.memory_space<vmem_shared>> -> memref<10240x128xf32, #tpu.memory_space<vmem_shared>>
      tpu.wait_indirect_dma semaphore(%arg17 : memref<!tpu.dma_semaphore, #tpu.memory_space<semaphore_mem>>) src(%arg13 : memref<80x128xf32, #tpu.memory_space<vmem>>) dst(%dma_wait3A_483 : memref<10240x128xf32, #tpu.memory_space<vmem_shared>>)
      %dma_start3A_484 = arith.constant 9 : i32
      %dma_start3A_485 = arith.constant 0 : i32
      %dma_start3A_486 = tpu.memref_slice %arg9[%dma_start3A_484, %dma_start3A_485] : memref<16x80xi32, #tpu.memory_space<vmem>> -> memref<1x80xi32, #tpu.memory_space<vmem>>
      %dma_start3A_487 = tpu.memref_squeeze %dma_start3A_486 : memref<1x80xi32, #tpu.memory_space<vmem>> -> memref<80xi32, #tpu.memory_space<vmem>>
      %dma_start3A_488 = arith.constant 0 : i32
      %dma_start3A_489 = arith.constant 0 : i32
      %dma_start3A_490 = tpu.memref_slice %arg2[%dma_start3A_488, %dma_start3A_489] : memref<10240x128xf32, #tpu.memory_space<hbm>> -> memref<10240x128xf32, #tpu.memory_space<hbm>>
      tpu.enqueue_indirect_dma source(%dma_start3A_490 : memref<10240x128xf32, #tpu.memory_space<hbm>>) target(%arg13 : memref<80x128xf32, #tpu.memory_space<vmem>>) offsets(%dma_start3A_487 : memref<80xi32, #tpu.memory_space<vmem>>) semaphore(%arg15 : memref<!tpu.dma_semaphore, #tpu.memory_space<semaphore_mem>>)
      %dma_wait3A_491 = arith.constant 8 : i32
      %dma_wait3A_492 = arith.constant 0 : i32
      %dma_wait3A_493 = tpu.memref_slice %arg9[%dma_wait3A_491, %dma_wait3A_492] : memref<16x80xi32, #tpu.memory_space<vmem>> -> memref<1x80xi32, #tpu.memory_space<vmem>>
      %dma_wait3A_494 = tpu.memref_squeeze %dma_wait3A_493 : memref<1x80xi32, #tpu.memory_space<vmem>> -> memref<80xi32, #tpu.memory_space<vmem>>
      %dma_wait3A_495 = arith.constant 0 : i32
      %dma_wait3A_496 = arith.constant 0 : i32
      %dma_wait3A_497 = tpu.memref_slice %arg2[%dma_wait3A_495, %dma_wait3A_496] : memref<10240x128xf32, #tpu.memory_space<hbm>> -> memref<10240x128xf32, #tpu.memory_space<hbm>>
      tpu.wait_indirect_dma semaphore(%arg14 : memref<!tpu.dma_semaphore, #tpu.memory_space<semaphore_mem>>) src(%dma_wait3A_497 : memref<10240x128xf32, #tpu.memory_space<hbm>>) dst(%arg12 : memref<80x128xf32, #tpu.memory_space<vmem>>)
      %dma_start3A_498 = arith.constant 8 : i32
      %dma_start3A_499 = arith.constant 0 : i32
      %dma_start3A_500 = tpu.memref_slice %arg10[%dma_start3A_498, %dma_start3A_499] : memref<16x80xi32, #tpu.memory_space<vmem>> -> memref<1x80xi32, #tpu.memory_space<vmem>>
      %dma_start3A_501 = tpu.memref_squeeze %dma_start3A_500 : memref<1x80xi32, #tpu.memory_space<vmem>> -> memref<80xi32, #tpu.memory_space<vmem>>
      %dma_start3A_502 = arith.constant 0 : i32
      %dma_start3A_503 = arith.constant 0 : i32
      %dma_start3A_504 = tpu.memref_slice %arg8[%dma_start3A_502, %dma_start3A_503] : memref<10240x128xf32, #tpu.memory_space<vmem_shared>> -> memref<10240x128xf32, #tpu.memory_space<vmem_shared>>
      tpu.enqueue_indirect_dma source(%arg12 : memref<80x128xf32, #tpu.memory_space<vmem>>) target(%dma_start3A_504 : memref<10240x128xf32, #tpu.memory_space<vmem_shared>>) offsets(%dma_start3A_501 : memref<80xi32, #tpu.memory_space<vmem>>) semaphore(%arg16 : memref<!tpu.dma_semaphore, #tpu.memory_space<semaphore_mem>>) {add = true}
      %dma_wait3A_505 = arith.constant 8 : i32
      %dma_wait3A_506 = arith.constant 0 : i32
      %dma_wait3A_507 = tpu.memref_slice %arg10[%dma_wait3A_505, %dma_wait3A_506] : memref<16x80xi32, #tpu.memory_space<vmem>> -> memref<1x80xi32, #tpu.memory_space<vmem>>
      %dma_wait3A_508 = tpu.memref_squeeze %dma_wait3A_507 : memref<1x80xi32, #tpu.memory_space<vmem>> -> memref<80xi32, #tpu.memory_space<vmem>>
      %dma_wait3A_509 = arith.constant 0 : i32
      %dma_wait3A_510 = arith.constant 0 : i32
      %dma_wait3A_511 = tpu.memref_slice %arg8[%dma_wait3A_509, %dma_wait3A_510] : memref<10240x128xf32, #tpu.memory_space<vmem_shared>> -> memref<10240x128xf32, #tpu.memory_space<vmem_shared>>
      tpu.wait_indirect_dma semaphore(%arg16 : memref<!tpu.dma_semaphore, #tpu.memory_space<semaphore_mem>>) src(%arg12 : memref<80x128xf32, #tpu.memory_space<vmem>>) dst(%dma_wait3A_511 : memref<10240x128xf32, #tpu.memory_space<vmem_shared>>)
      %dma_start3A_512 = arith.constant 10 : i32
      %dma_start3A_513 = arith.constant 0 : i32
      %dma_start3A_514 = tpu.memref_slice %arg9[%dma_start3A_512, %dma_start3A_513] : memref<16x80xi32, #tpu.memory_space<vmem>> -> memref<1x80xi32, #tpu.memory_space<vmem>>
      %dma_start3A_515 = tpu.memref_squeeze %dma_start3A_514 : memref<1x80xi32, #tpu.memory_space<vmem>> -> memref<80xi32, #tpu.memory_space<vmem>>
      %dma_start3A_516 = arith.constant 0 : i32
      %dma_start3A_517 = arith.constant 0 : i32
      %dma_start3A_518 = tpu.memref_slice %arg2[%dma_start3A_516, %dma_start3A_517] : memref<10240x128xf32, #tpu.memory_space<hbm>> -> memref<10240x128xf32, #tpu.memory_space<hbm>>
      tpu.enqueue_indirect_dma source(%dma_start3A_518 : memref<10240x128xf32, #tpu.memory_space<hbm>>) target(%arg12 : memref<80x128xf32, #tpu.memory_space<vmem>>) offsets(%dma_start3A_515 : memref<80xi32, #tpu.memory_space<vmem>>) semaphore(%arg14 : memref<!tpu.dma_semaphore, #tpu.memory_space<semaphore_mem>>)
      %dma_wait3A_519 = arith.constant 9 : i32
      %dma_wait3A_520 = arith.constant 0 : i32
      %dma_wait3A_521 = tpu.memref_slice %arg9[%dma_wait3A_519, %dma_wait3A_520] : memref<16x80xi32, #tpu.memory_space<vmem>> -> memref<1x80xi32, #tpu.memory_space<vmem>>
      %dma_wait3A_522 = tpu.memref_squeeze %dma_wait3A_521 : memref<1x80xi32, #tpu.memory_space<vmem>> -> memref<80xi32, #tpu.memory_space<vmem>>
      %dma_wait3A_523 = arith.constant 0 : i32
      %dma_wait3A_524 = arith.constant 0 : i32
      %dma_wait3A_525 = tpu.memref_slice %arg2[%dma_wait3A_523, %dma_wait3A_524] : memref<10240x128xf32, #tpu.memory_space<hbm>> -> memref<10240x128xf32, #tpu.memory_space<hbm>>
      tpu.wait_indirect_dma semaphore(%arg15 : memref<!tpu.dma_semaphore, #tpu.memory_space<semaphore_mem>>) src(%dma_wait3A_525 : memref<10240x128xf32, #tpu.memory_space<hbm>>) dst(%arg13 : memref<80x128xf32, #tpu.memory_space<vmem>>)
      %dma_start3A_526 = arith.constant 9 : i32
      %dma_start3A_527 = arith.constant 0 : i32
      %dma_start3A_528 = tpu.memref_slice %arg10[%dma_start3A_526, %dma_start3A_527] : memref<16x80xi32, #tpu.memory_space<vmem>> -> memref<1x80xi32, #tpu.memory_space<vmem>>
      %dma_start3A_529 = tpu.memref_squeeze %dma_start3A_528 : memref<1x80xi32, #tpu.memory_space<vmem>> -> memref<80xi32, #tpu.memory_space<vmem>>
      %dma_start3A_530 = arith.constant 0 : i32
      %dma_start3A_531 = arith.constant 0 : i32
      %dma_start3A_532 = tpu.memref_slice %arg8[%dma_start3A_530, %dma_start3A_531] : memref<10240x128xf32, #tpu.memory_space<vmem_shared>> -> memref<10240x128xf32, #tpu.memory_space<vmem_shared>>
      tpu.enqueue_indirect_dma source(%arg13 : memref<80x128xf32, #tpu.memory_space<vmem>>) target(%dma_start3A_532 : memref<10240x128xf32, #tpu.memory_space<vmem_shared>>) offsets(%dma_start3A_529 : memref<80xi32, #tpu.memory_space<vmem>>) semaphore(%arg17 : memref<!tpu.dma_semaphore, #tpu.memory_space<semaphore_mem>>) {add = true}
      %dma_wait3A_533 = arith.constant 9 : i32
      %dma_wait3A_534 = arith.constant 0 : i32
      %dma_wait3A_535 = tpu.memref_slice %arg10[%dma_wait3A_533, %dma_wait3A_534] : memref<16x80xi32, #tpu.memory_space<vmem>> -> memref<1x80xi32, #tpu.memory_space<vmem>>
      %dma_wait3A_536 = tpu.memref_squeeze %dma_wait3A_535 : memref<1x80xi32, #tpu.memory_space<vmem>> -> memref<80xi32, #tpu.memory_space<vmem>>
      %dma_wait3A_537 = arith.constant 0 : i32
      %dma_wait3A_538 = arith.constant 0 : i32
      %dma_wait3A_539 = tpu.memref_slice %arg8[%dma_wait3A_537, %dma_wait3A_538] : memref<10240x128xf32, #tpu.memory_space<vmem_shared>> -> memref<10240x128xf32, #tpu.memory_space<vmem_shared>>
      tpu.wait_indirect_dma semaphore(%arg17 : memref<!tpu.dma_semaphore, #tpu.memory_space<semaphore_mem>>) src(%arg13 : memref<80x128xf32, #tpu.memory_space<vmem>>) dst(%dma_wait3A_539 : memref<10240x128xf32, #tpu.memory_space<vmem_shared>>)
      %dma_start3A_540 = arith.constant 11 : i32
      %dma_start3A_541 = arith.constant 0 : i32
      %dma_start3A_542 = tpu.memref_slice %arg9[%dma_start3A_540, %dma_start3A_541] : memref<16x80xi32, #tpu.memory_space<vmem>> -> memref<1x80xi32, #tpu.memory_space<vmem>>
      %dma_start3A_543 = tpu.memref_squeeze %dma_start3A_542 : memref<1x80xi32, #tpu.memory_space<vmem>> -> memref<80xi32, #tpu.memory_space<vmem>>
      %dma_start3A_544 = arith.constant 0 : i32
      %dma_start3A_545 = arith.constant 0 : i32
      %dma_start3A_546 = tpu.memref_slice %arg2[%dma_start3A_544, %dma_start3A_545] : memref<10240x128xf32, #tpu.memory_space<hbm>> -> memref<10240x128xf32, #tpu.memory_space<hbm>>
      tpu.enqueue_indirect_dma source(%dma_start3A_546 : memref<10240x128xf32, #tpu.memory_space<hbm>>) target(%arg13 : memref<80x128xf32, #tpu.memory_space<vmem>>) offsets(%dma_start3A_543 : memref<80xi32, #tpu.memory_space<vmem>>) semaphore(%arg15 : memref<!tpu.dma_semaphore, #tpu.memory_space<semaphore_mem>>)
      %dma_wait3A_547 = arith.constant 10 : i32
      %dma_wait3A_548 = arith.constant 0 : i32
      %dma_wait3A_549 = tpu.memref_slice %arg9[%dma_wait3A_547, %dma_wait3A_548] : memref<16x80xi32, #tpu.memory_space<vmem>> -> memref<1x80xi32, #tpu.memory_space<vmem>>
      %dma_wait3A_550 = tpu.memref_squeeze %dma_wait3A_549 : memref<1x80xi32, #tpu.memory_space<vmem>> -> memref<80xi32, #tpu.memory_space<vmem>>
      %dma_wait3A_551 = arith.constant 0 : i32
      %dma_wait3A_552 = arith.constant 0 : i32
      %dma_wait3A_553 = tpu.memref_slice %arg2[%dma_wait3A_551, %dma_wait3A_552] : memref<10240x128xf32, #tpu.memory_space<hbm>> -> memref<10240x128xf32, #tpu.memory_space<hbm>>
      tpu.wait_indirect_dma semaphore(%arg14 : memref<!tpu.dma_semaphore, #tpu.memory_space<semaphore_mem>>) src(%dma_wait3A_553 : memref<10240x128xf32, #tpu.memory_space<hbm>>) dst(%arg12 : memref<80x128xf32, #tpu.memory_space<vmem>>)
      %dma_start3A_554 = arith.constant 10 : i32
      %dma_start3A_555 = arith.constant 0 : i32
      %dma_start3A_556 = tpu.memref_slice %arg10[%dma_start3A_554, %dma_start3A_555] : memref<16x80xi32, #tpu.memory_space<vmem>> -> memref<1x80xi32, #tpu.memory_space<vmem>>
      %dma_start3A_557 = tpu.memref_squeeze %dma_start3A_556 : memref<1x80xi32, #tpu.memory_space<vmem>> -> memref<80xi32, #tpu.memory_space<vmem>>
      %dma_start3A_558 = arith.constant 0 : i32
      %dma_start3A_559 = arith.constant 0 : i32
      %dma_start3A_560 = tpu.memref_slice %arg8[%dma_start3A_558, %dma_start3A_559] : memref<10240x128xf32, #tpu.memory_space<vmem_shared>> -> memref<10240x128xf32, #tpu.memory_space<vmem_shared>>
      tpu.enqueue_indirect_dma source(%arg12 : memref<80x128xf32, #tpu.memory_space<vmem>>) target(%dma_start3A_560 : memref<10240x128xf32, #tpu.memory_space<vmem_shared>>) offsets(%dma_start3A_557 : memref<80xi32, #tpu.memory_space<vmem>>) semaphore(%arg16 : memref<!tpu.dma_semaphore, #tpu.memory_space<semaphore_mem>>) {add = true}
      %dma_wait3A_561 = arith.constant 10 : i32
      %dma_wait3A_562 = arith.constant 0 : i32
      %dma_wait3A_563 = tpu.memref_slice %arg10[%dma_wait3A_561, %dma_wait3A_562] : memref<16x80xi32, #tpu.memory_space<vmem>> -> memref<1x80xi32, #tpu.memory_space<vmem>>
      %dma_wait3A_564 = tpu.memref_squeeze %dma_wait3A_563 : memref<1x80xi32, #tpu.memory_space<vmem>> -> memref<80xi32, #tpu.memory_space<vmem>>
      %dma_wait3A_565 = arith.constant 0 : i32
      %dma_wait3A_566 = arith.constant 0 : i32
      %dma_wait3A_567 = tpu.memref_slice %arg8[%dma_wait3A_565, %dma_wait3A_566] : memref<10240x128xf32, #tpu.memory_space<vmem_shared>> -> memref<10240x128xf32, #tpu.memory_space<vmem_shared>>
      tpu.wait_indirect_dma semaphore(%arg16 : memref<!tpu.dma_semaphore, #tpu.memory_space<semaphore_mem>>) src(%arg12 : memref<80x128xf32, #tpu.memory_space<vmem>>) dst(%dma_wait3A_567 : memref<10240x128xf32, #tpu.memory_space<vmem_shared>>)
      %dma_start3A_568 = arith.constant 12 : i32
      %dma_start3A_569 = arith.constant 0 : i32
      %dma_start3A_570 = tpu.memref_slice %arg9[%dma_start3A_568, %dma_start3A_569] : memref<16x80xi32, #tpu.memory_space<vmem>> -> memref<1x80xi32, #tpu.memory_space<vmem>>
      %dma_start3A_571 = tpu.memref_squeeze %dma_start3A_570 : memref<1x80xi32, #tpu.memory_space<vmem>> -> memref<80xi32, #tpu.memory_space<vmem>>
      %dma_start3A_572 = arith.constant 0 : i32
      %dma_start3A_573 = arith.constant 0 : i32
      %dma_start3A_574 = tpu.memref_slice %arg2[%dma_start3A_572, %dma_start3A_573] : memref<10240x128xf32, #tpu.memory_space<hbm>> -> memref<10240x128xf32, #tpu.memory_space<hbm>>
      tpu.enqueue_indirect_dma source(%dma_start3A_574 : memref<10240x128xf32, #tpu.memory_space<hbm>>) target(%arg12 : memref<80x128xf32, #tpu.memory_space<vmem>>) offsets(%dma_start3A_571 : memref<80xi32, #tpu.memory_space<vmem>>) semaphore(%arg14 : memref<!tpu.dma_semaphore, #tpu.memory_space<semaphore_mem>>)
      %dma_wait3A_575 = arith.constant 11 : i32
      %dma_wait3A_576 = arith.constant 0 : i32
      %dma_wait3A_577 = tpu.memref_slice %arg9[%dma_wait3A_575, %dma_wait3A_576] : memref<16x80xi32, #tpu.memory_space<vmem>> -> memref<1x80xi32, #tpu.memory_space<vmem>>
      %dma_wait3A_578 = tpu.memref_squeeze %dma_wait3A_577 : memref<1x80xi32, #tpu.memory_space<vmem>> -> memref<80xi32, #tpu.memory_space<vmem>>
      %dma_wait3A_579 = arith.constant 0 : i32
      %dma_wait3A_580 = arith.constant 0 : i32
      %dma_wait3A_581 = tpu.memref_slice %arg2[%dma_wait3A_579, %dma_wait3A_580] : memref<10240x128xf32, #tpu.memory_space<hbm>> -> memref<10240x128xf32, #tpu.memory_space<hbm>>
      tpu.wait_indirect_dma semaphore(%arg15 : memref<!tpu.dma_semaphore, #tpu.memory_space<semaphore_mem>>) src(%dma_wait3A_581 : memref<10240x128xf32, #tpu.memory_space<hbm>>) dst(%arg13 : memref<80x128xf32, #tpu.memory_space<vmem>>)
      %dma_start3A_582 = arith.constant 11 : i32
      %dma_start3A_583 = arith.constant 0 : i32
      %dma_start3A_584 = tpu.memref_slice %arg10[%dma_start3A_582, %dma_start3A_583] : memref<16x80xi32, #tpu.memory_space<vmem>> -> memref<1x80xi32, #tpu.memory_space<vmem>>
      %dma_start3A_585 = tpu.memref_squeeze %dma_start3A_584 : memref<1x80xi32, #tpu.memory_space<vmem>> -> memref<80xi32, #tpu.memory_space<vmem>>
      %dma_start3A_586 = arith.constant 0 : i32
      %dma_start3A_587 = arith.constant 0 : i32
      %dma_start3A_588 = tpu.memref_slice %arg8[%dma_start3A_586, %dma_start3A_587] : memref<10240x128xf32, #tpu.memory_space<vmem_shared>> -> memref<10240x128xf32, #tpu.memory_space<vmem_shared>>
      tpu.enqueue_indirect_dma source(%arg13 : memref<80x128xf32, #tpu.memory_space<vmem>>) target(%dma_start3A_588 : memref<10240x128xf32, #tpu.memory_space<vmem_shared>>) offsets(%dma_start3A_585 : memref<80xi32, #tpu.memory_space<vmem>>) semaphore(%arg17 : memref<!tpu.dma_semaphore, #tpu.memory_space<semaphore_mem>>) {add = true}
      %dma_wait3A_589 = arith.constant 11 : i32
      %dma_wait3A_590 = arith.constant 0 : i32
      %dma_wait3A_591 = tpu.memref_slice %arg10[%dma_wait3A_589, %dma_wait3A_590] : memref<16x80xi32, #tpu.memory_space<vmem>> -> memref<1x80xi32, #tpu.memory_space<vmem>>
      %dma_wait3A_592 = tpu.memref_squeeze %dma_wait3A_591 : memref<1x80xi32, #tpu.memory_space<vmem>> -> memref<80xi32, #tpu.memory_space<vmem>>
      %dma_wait3A_593 = arith.constant 0 : i32
      %dma_wait3A_594 = arith.constant 0 : i32
      %dma_wait3A_595 = tpu.memref_slice %arg8[%dma_wait3A_593, %dma_wait3A_594] : memref<10240x128xf32, #tpu.memory_space<vmem_shared>> -> memref<10240x128xf32, #tpu.memory_space<vmem_shared>>
      tpu.wait_indirect_dma semaphore(%arg17 : memref<!tpu.dma_semaphore, #tpu.memory_space<semaphore_mem>>) src(%arg13 : memref<80x128xf32, #tpu.memory_space<vmem>>) dst(%dma_wait3A_595 : memref<10240x128xf32, #tpu.memory_space<vmem_shared>>)
      %dma_start3A_596 = arith.constant 13 : i32
      %dma_start3A_597 = arith.constant 0 : i32
      %dma_start3A_598 = tpu.memref_slice %arg9[%dma_start3A_596, %dma_start3A_597] : memref<16x80xi32, #tpu.memory_space<vmem>> -> memref<1x80xi32, #tpu.memory_space<vmem>>
      %dma_start3A_599 = tpu.memref_squeeze %dma_start3A_598 : memref<1x80xi32, #tpu.memory_space<vmem>> -> memref<80xi32, #tpu.memory_space<vmem>>
      %dma_start3A_600 = arith.constant 0 : i32
      %dma_start3A_601 = arith.constant 0 : i32
      %dma_start3A_602 = tpu.memref_slice %arg2[%dma_start3A_600, %dma_start3A_601] : memref<10240x128xf32, #tpu.memory_space<hbm>> -> memref<10240x128xf32, #tpu.memory_space<hbm>>
      tpu.enqueue_indirect_dma source(%dma_start3A_602 : memref<10240x128xf32, #tpu.memory_space<hbm>>) target(%arg13 : memref<80x128xf32, #tpu.memory_space<vmem>>) offsets(%dma_start3A_599 : memref<80xi32, #tpu.memory_space<vmem>>) semaphore(%arg15 : memref<!tpu.dma_semaphore, #tpu.memory_space<semaphore_mem>>)
      %dma_wait3A_603 = arith.constant 12 : i32
      %dma_wait3A_604 = arith.constant 0 : i32
      %dma_wait3A_605 = tpu.memref_slice %arg9[%dma_wait3A_603, %dma_wait3A_604] : memref<16x80xi32, #tpu.memory_space<vmem>> -> memref<1x80xi32, #tpu.memory_space<vmem>>
      %dma_wait3A_606 = tpu.memref_squeeze %dma_wait3A_605 : memref<1x80xi32, #tpu.memory_space<vmem>> -> memref<80xi32, #tpu.memory_space<vmem>>
      %dma_wait3A_607 = arith.constant 0 : i32
      %dma_wait3A_608 = arith.constant 0 : i32
      %dma_wait3A_609 = tpu.memref_slice %arg2[%dma_wait3A_607, %dma_wait3A_608] : memref<10240x128xf32, #tpu.memory_space<hbm>> -> memref<10240x128xf32, #tpu.memory_space<hbm>>
      tpu.wait_indirect_dma semaphore(%arg14 : memref<!tpu.dma_semaphore, #tpu.memory_space<semaphore_mem>>) src(%dma_wait3A_609 : memref<10240x128xf32, #tpu.memory_space<hbm>>) dst(%arg12 : memref<80x128xf32, #tpu.memory_space<vmem>>)
      %dma_start3A_610 = arith.constant 12 : i32
      %dma_start3A_611 = arith.constant 0 : i32
      %dma_start3A_612 = tpu.memref_slice %arg10[%dma_start3A_610, %dma_start3A_611] : memref<16x80xi32, #tpu.memory_space<vmem>> -> memref<1x80xi32, #tpu.memory_space<vmem>>
      %dma_start3A_613 = tpu.memref_squeeze %dma_start3A_612 : memref<1x80xi32, #tpu.memory_space<vmem>> -> memref<80xi32, #tpu.memory_space<vmem>>
      %dma_start3A_614 = arith.constant 0 : i32
      %dma_start3A_615 = arith.constant 0 : i32
      %dma_start3A_616 = tpu.memref_slice %arg8[%dma_start3A_614, %dma_start3A_615] : memref<10240x128xf32, #tpu.memory_space<vmem_shared>> -> memref<10240x128xf32, #tpu.memory_space<vmem_shared>>
      tpu.enqueue_indirect_dma source(%arg12 : memref<80x128xf32, #tpu.memory_space<vmem>>) target(%dma_start3A_616 : memref<10240x128xf32, #tpu.memory_space<vmem_shared>>) offsets(%dma_start3A_613 : memref<80xi32, #tpu.memory_space<vmem>>) semaphore(%arg16 : memref<!tpu.dma_semaphore, #tpu.memory_space<semaphore_mem>>) {add = true}
      %dma_wait3A_617 = arith.constant 12 : i32
      %dma_wait3A_618 = arith.constant 0 : i32
      %dma_wait3A_619 = tpu.memref_slice %arg10[%dma_wait3A_617, %dma_wait3A_618] : memref<16x80xi32, #tpu.memory_space<vmem>> -> memref<1x80xi32, #tpu.memory_space<vmem>>
      %dma_wait3A_620 = tpu.memref_squeeze %dma_wait3A_619 : memref<1x80xi32, #tpu.memory_space<vmem>> -> memref<80xi32, #tpu.memory_space<vmem>>
      %dma_wait3A_621 = arith.constant 0 : i32
      %dma_wait3A_622 = arith.constant 0 : i32
      %dma_wait3A_623 = tpu.memref_slice %arg8[%dma_wait3A_621, %dma_wait3A_622] : memref<10240x128xf32, #tpu.memory_space<vmem_shared>> -> memref<10240x128xf32, #tpu.memory_space<vmem_shared>>
      tpu.wait_indirect_dma semaphore(%arg16 : memref<!tpu.dma_semaphore, #tpu.memory_space<semaphore_mem>>) src(%arg12 : memref<80x128xf32, #tpu.memory_space<vmem>>) dst(%dma_wait3A_623 : memref<10240x128xf32, #tpu.memory_space<vmem_shared>>)
      %dma_start3A_624 = arith.constant 14 : i32
      %dma_start3A_625 = arith.constant 0 : i32
      %dma_start3A_626 = tpu.memref_slice %arg9[%dma_start3A_624, %dma_start3A_625] : memref<16x80xi32, #tpu.memory_space<vmem>> -> memref<1x80xi32, #tpu.memory_space<vmem>>
      %dma_start3A_627 = tpu.memref_squeeze %dma_start3A_626 : memref<1x80xi32, #tpu.memory_space<vmem>> -> memref<80xi32, #tpu.memory_space<vmem>>
      %dma_start3A_628 = arith.constant 0 : i32
      %dma_start3A_629 = arith.constant 0 : i32
      %dma_start3A_630 = tpu.memref_slice %arg2[%dma_start3A_628, %dma_start3A_629] : memref<10240x128xf32, #tpu.memory_space<hbm>> -> memref<10240x128xf32, #tpu.memory_space<hbm>>
      tpu.enqueue_indirect_dma source(%dma_start3A_630 : memref<10240x128xf32, #tpu.memory_space<hbm>>) target(%arg12 : memref<80x128xf32, #tpu.memory_space<vmem>>) offsets(%dma_start3A_627 : memref<80xi32, #tpu.memory_space<vmem>>) semaphore(%arg14 : memref<!tpu.dma_semaphore, #tpu.memory_space<semaphore_mem>>)
      %dma_wait3A_631 = arith.constant 13 : i32
      %dma_wait3A_632 = arith.constant 0 : i32
      %dma_wait3A_633 = tpu.memref_slice %arg9[%dma_wait3A_631, %dma_wait3A_632] : memref<16x80xi32, #tpu.memory_space<vmem>> -> memref<1x80xi32, #tpu.memory_space<vmem>>
      %dma_wait3A_634 = tpu.memref_squeeze %dma_wait3A_633 : memref<1x80xi32, #tpu.memory_space<vmem>> -> memref<80xi32, #tpu.memory_space<vmem>>
      %dma_wait3A_635 = arith.constant 0 : i32
      %dma_wait3A_636 = arith.constant 0 : i32
      %dma_wait3A_637 = tpu.memref_slice %arg2[%dma_wait3A_635, %dma_wait3A_636] : memref<10240x128xf32, #tpu.memory_space<hbm>> -> memref<10240x128xf32, #tpu.memory_space<hbm>>
      tpu.wait_indirect_dma semaphore(%arg15 : memref<!tpu.dma_semaphore, #tpu.memory_space<semaphore_mem>>) src(%dma_wait3A_637 : memref<10240x128xf32, #tpu.memory_space<hbm>>) dst(%arg13 : memref<80x128xf32, #tpu.memory_space<vmem>>)
      %dma_start3A_638 = arith.constant 13 : i32
      %dma_start3A_639 = arith.constant 0 : i32
      %dma_start3A_640 = tpu.memref_slice %arg10[%dma_start3A_638, %dma_start3A_639] : memref<16x80xi32, #tpu.memory_space<vmem>> -> memref<1x80xi32, #tpu.memory_space<vmem>>
      %dma_start3A_641 = tpu.memref_squeeze %dma_start3A_640 : memref<1x80xi32, #tpu.memory_space<vmem>> -> memref<80xi32, #tpu.memory_space<vmem>>
      %dma_start3A_642 = arith.constant 0 : i32
      %dma_start3A_643 = arith.constant 0 : i32
      %dma_start3A_644 = tpu.memref_slice %arg8[%dma_start3A_642, %dma_start3A_643] : memref<10240x128xf32, #tpu.memory_space<vmem_shared>> -> memref<10240x128xf32, #tpu.memory_space<vmem_shared>>
      tpu.enqueue_indirect_dma source(%arg13 : memref<80x128xf32, #tpu.memory_space<vmem>>) target(%dma_start3A_644 : memref<10240x128xf32, #tpu.memory_space<vmem_shared>>) offsets(%dma_start3A_641 : memref<80xi32, #tpu.memory_space<vmem>>) semaphore(%arg17 : memref<!tpu.dma_semaphore, #tpu.memory_space<semaphore_mem>>) {add = true}
      %dma_wait3A_645 = arith.constant 13 : i32
      %dma_wait3A_646 = arith.constant 0 : i32
      %dma_wait3A_647 = tpu.memref_slice %arg10[%dma_wait3A_645, %dma_wait3A_646] : memref<16x80xi32, #tpu.memory_space<vmem>> -> memref<1x80xi32, #tpu.memory_space<vmem>>
      %dma_wait3A_648 = tpu.memref_squeeze %dma_wait3A_647 : memref<1x80xi32, #tpu.memory_space<vmem>> -> memref<80xi32, #tpu.memory_space<vmem>>
      %dma_wait3A_649 = arith.constant 0 : i32
      %dma_wait3A_650 = arith.constant 0 : i32
      %dma_wait3A_651 = tpu.memref_slice %arg8[%dma_wait3A_649, %dma_wait3A_650] : memref<10240x128xf32, #tpu.memory_space<vmem_shared>> -> memref<10240x128xf32, #tpu.memory_space<vmem_shared>>
      tpu.wait_indirect_dma semaphore(%arg17 : memref<!tpu.dma_semaphore, #tpu.memory_space<semaphore_mem>>) src(%arg13 : memref<80x128xf32, #tpu.memory_space<vmem>>) dst(%dma_wait3A_651 : memref<10240x128xf32, #tpu.memory_space<vmem_shared>>)
      %dma_start3A_652 = arith.constant 15 : i32
      %dma_start3A_653 = arith.constant 0 : i32
      %dma_start3A_654 = tpu.memref_slice %arg9[%dma_start3A_652, %dma_start3A_653] : memref<16x80xi32, #tpu.memory_space<vmem>> -> memref<1x80xi32, #tpu.memory_space<vmem>>
      %dma_start3A_655 = tpu.memref_squeeze %dma_start3A_654 : memref<1x80xi32, #tpu.memory_space<vmem>> -> memref<80xi32, #tpu.memory_space<vmem>>
      %dma_start3A_656 = arith.constant 0 : i32
      %dma_start3A_657 = arith.constant 0 : i32
      %dma_start3A_658 = tpu.memref_slice %arg2[%dma_start3A_656, %dma_start3A_657] : memref<10240x128xf32, #tpu.memory_space<hbm>> -> memref<10240x128xf32, #tpu.memory_space<hbm>>
      tpu.enqueue_indirect_dma source(%dma_start3A_658 : memref<10240x128xf32, #tpu.memory_space<hbm>>) target(%arg13 : memref<80x128xf32, #tpu.memory_space<vmem>>) offsets(%dma_start3A_655 : memref<80xi32, #tpu.memory_space<vmem>>) semaphore(%arg15 : memref<!tpu.dma_semaphore, #tpu.memory_space<semaphore_mem>>)
      %dma_wait3A_659 = arith.constant 14 : i32
      %dma_wait3A_660 = arith.constant 0 : i32
      %dma_wait3A_661 = tpu.memref_slice %arg9[%dma_wait3A_659, %dma_wait3A_660] : memref<16x80xi32, #tpu.memory_space<vmem>> -> memref<1x80xi32, #tpu.memory_space<vmem>>
      %dma_wait3A_662 = tpu.memref_squeeze %dma_wait3A_661 : memref<1x80xi32, #tpu.memory_space<vmem>> -> memref<80xi32, #tpu.memory_space<vmem>>
      %dma_wait3A_663 = arith.constant 0 : i32
      %dma_wait3A_664 = arith.constant 0 : i32
      %dma_wait3A_665 = tpu.memref_slice %arg2[%dma_wait3A_663, %dma_wait3A_664] : memref<10240x128xf32, #tpu.memory_space<hbm>> -> memref<10240x128xf32, #tpu.memory_space<hbm>>
      tpu.wait_indirect_dma semaphore(%arg14 : memref<!tpu.dma_semaphore, #tpu.memory_space<semaphore_mem>>) src(%dma_wait3A_665 : memref<10240x128xf32, #tpu.memory_space<hbm>>) dst(%arg12 : memref<80x128xf32, #tpu.memory_space<vmem>>)
      %dma_start3A_666 = arith.constant 14 : i32
      %dma_start3A_667 = arith.constant 0 : i32
      %dma_start3A_668 = tpu.memref_slice %arg10[%dma_start3A_666, %dma_start3A_667] : memref<16x80xi32, #tpu.memory_space<vmem>> -> memref<1x80xi32, #tpu.memory_space<vmem>>
      %dma_start3A_669 = tpu.memref_squeeze %dma_start3A_668 : memref<1x80xi32, #tpu.memory_space<vmem>> -> memref<80xi32, #tpu.memory_space<vmem>>
      %dma_start3A_670 = arith.constant 0 : i32
      %dma_start3A_671 = arith.constant 0 : i32
      %dma_start3A_672 = tpu.memref_slice %arg8[%dma_start3A_670, %dma_start3A_671] : memref<10240x128xf32, #tpu.memory_space<vmem_shared>> -> memref<10240x128xf32, #tpu.memory_space<vmem_shared>>
      tpu.enqueue_indirect_dma source(%arg12 : memref<80x128xf32, #tpu.memory_space<vmem>>) target(%dma_start3A_672 : memref<10240x128xf32, #tpu.memory_space<vmem_shared>>) offsets(%dma_start3A_669 : memref<80xi32, #tpu.memory_space<vmem>>) semaphore(%arg16 : memref<!tpu.dma_semaphore, #tpu.memory_space<semaphore_mem>>) {add = true}
      %dma_wait3A_673 = arith.constant 15 : i32
      %dma_wait3A_674 = arith.constant 0 : i32
      %dma_wait3A_675 = tpu.memref_slice %arg9[%dma_wait3A_673, %dma_wait3A_674] : memref<16x80xi32, #tpu.memory_space<vmem>> -> memref<1x80xi32, #tpu.memory_space<vmem>>
      %dma_wait3A_676 = tpu.memref_squeeze %dma_wait3A_675 : memref<1x80xi32, #tpu.memory_space<vmem>> -> memref<80xi32, #tpu.memory_space<vmem>>
      %dma_wait3A_677 = arith.constant 0 : i32
      %dma_wait3A_678 = arith.constant 0 : i32
      %dma_wait3A_679 = tpu.memref_slice %arg2[%dma_wait3A_677, %dma_wait3A_678] : memref<10240x128xf32, #tpu.memory_space<hbm>> -> memref<10240x128xf32, #tpu.memory_space<hbm>>
      tpu.wait_indirect_dma semaphore(%arg15 : memref<!tpu.dma_semaphore, #tpu.memory_space<semaphore_mem>>) src(%dma_wait3A_679 : memref<10240x128xf32, #tpu.memory_space<hbm>>) dst(%arg13 : memref<80x128xf32, #tpu.memory_space<vmem>>)
      %dma_start3A_680 = arith.constant 15 : i32
      %dma_start3A_681 = arith.constant 0 : i32
      %dma_start3A_682 = tpu.memref_slice %arg10[%dma_start3A_680, %dma_start3A_681] : memref<16x80xi32, #tpu.memory_space<vmem>> -> memref<1x80xi32, #tpu.memory_space<vmem>>
      %dma_start3A_683 = tpu.memref_squeeze %dma_start3A_682 : memref<1x80xi32, #tpu.memory_space<vmem>> -> memref<80xi32, #tpu.memory_space<vmem>>
      %dma_start3A_684 = arith.constant 0 : i32
      %dma_start3A_685 = arith.constant 0 : i32
      %dma_start3A_686 = tpu.memref_slice %arg8[%dma_start3A_684, %dma_start3A_685] : memref<10240x128xf32, #tpu.memory_space<vmem_shared>> -> memref<10240x128xf32, #tpu.memory_space<vmem_shared>>
      tpu.enqueue_indirect_dma source(%arg13 : memref<80x128xf32, #tpu.memory_space<vmem>>) target(%dma_start3A_686 : memref<10240x128xf32, #tpu.memory_space<vmem_shared>>) offsets(%dma_start3A_683 : memref<80xi32, #tpu.memory_space<vmem>>) semaphore(%arg17 : memref<!tpu.dma_semaphore, #tpu.memory_space<semaphore_mem>>) {add = true}
      %dma_wait3A_687 = arith.constant 14 : i32
      %dma_wait3A_688 = arith.constant 0 : i32
      %dma_wait3A_689 = tpu.memref_slice %arg10[%dma_wait3A_687, %dma_wait3A_688] : memref<16x80xi32, #tpu.memory_space<vmem>> -> memref<1x80xi32, #tpu.memory_space<vmem>>
      %dma_wait3A_690 = tpu.memref_squeeze %dma_wait3A_689 : memref<1x80xi32, #tpu.memory_space<vmem>> -> memref<80xi32, #tpu.memory_space<vmem>>
      %dma_wait3A_691 = arith.constant 0 : i32
      %dma_wait3A_692 = arith.constant 0 : i32
      %dma_wait3A_693 = tpu.memref_slice %arg8[%dma_wait3A_691, %dma_wait3A_692] : memref<10240x128xf32, #tpu.memory_space<vmem_shared>> -> memref<10240x128xf32, #tpu.memory_space<vmem_shared>>
      tpu.wait_indirect_dma semaphore(%arg16 : memref<!tpu.dma_semaphore, #tpu.memory_space<semaphore_mem>>) src(%arg12 : memref<80x128xf32, #tpu.memory_space<vmem>>) dst(%dma_wait3A_693 : memref<10240x128xf32, #tpu.memory_space<vmem_shared>>)
      %dma_wait3A_694 = arith.constant 15 : i32
      %dma_wait3A_695 = arith.constant 0 : i32
      %dma_wait3A_696 = tpu.memref_slice %arg10[%dma_wait3A_694, %dma_wait3A_695] : memref<16x80xi32, #tpu.memory_space<vmem>> -> memref<1x80xi32, #tpu.memory_space<vmem>>
      %dma_wait3A_697 = tpu.memref_squeeze %dma_wait3A_696 : memref<1x80xi32, #tpu.memory_space<vmem>> -> memref<80xi32, #tpu.memory_space<vmem>>
      %dma_wait3A_698 = arith.constant 0 : i32
      %dma_wait3A_699 = arith.constant 0 : i32
      %dma_wait3A_700 = tpu.memref_slice %arg8[%dma_wait3A_698, %dma_wait3A_699] : memref<10240x128xf32, #tpu.memory_space<vmem_shared>> -> memref<10240x128xf32, #tpu.memory_space<vmem_shared>>
      tpu.wait_indirect_dma semaphore(%arg17 : memref<!tpu.dma_semaphore, #tpu.memory_space<semaphore_mem>>) src(%arg13 : memref<80x128xf32, #tpu.memory_space<vmem>>) dst(%dma_wait3A_700 : memref<10240x128xf32, #tpu.memory_space<vmem_shared>>)
    }
    %while3A_122 = arith.constant 1 : i32
    scf.for %while3A_252 = %while3A_120 to %while3A_116 step %while3A_122  : i32 {
      "tpu.region"() ({
        %run_scoped3A = tpu.sem_alloc : memref<!tpu.dma_semaphore, #tpu.memory_space<semaphore_mem>>
        %dma_start3A_701 = arith.constant 0 : i32
        %dma_start3A_702 = arith.constant 0 : i32
        %dma_start3A_703 = tpu.memref_slice %arg3[%add3A, %while3A_252, %dma_start3A_701, %dma_start3A_702] : memref<32x8x16x80xi32, #tpu.memory_space<hbm>> -> memref<1x1x16x80xi32, #tpu.memory_space<hbm>>
        %dma_start3A_704 = tpu.memref_squeeze %dma_start3A_703 : memref<1x1x16x80xi32, #tpu.memory_space<hbm>> -> memref<16x80xi32, #tpu.memory_space<hbm>>
        %dma_start3A_705 = arith.constant 0 : i32
        %dma_start3A_706 = arith.constant 0 : i32
        %dma_start3A_707 = tpu.memref_slice %arg3[%add3A, %while3A_252, %dma_start3A_705, %dma_start3A_706] : memref<32x8x16x80xi32, #tpu.memory_space<hbm>> -> memref<1x1x16x80xi32, #tpu.memory_space<hbm>>
        %dma_start3A_708 = tpu.memref_squeeze %dma_start3A_707 : memref<1x1x16x80xi32, #tpu.memory_space<hbm>> -> memref<16x80xi32, #tpu.memory_space<hbm>>
        tpu.enqueue_dma source(%dma_start3A_708 : memref<16x80xi32, #tpu.memory_space<hbm>>) target(%arg9 : memref<16x80xi32, #tpu.memory_space<vmem>>) target_semaphore(%run_scoped3A : memref<!tpu.dma_semaphore, #tpu.memory_space<semaphore_mem>>)
        %dma_wait3A_709 = arith.constant 0 : i32
        %dma_wait3A_710 = arith.constant 0 : i32
        %dma_wait3A_711 = tpu.memref_slice %arg3[%add3A, %while3A_252, %dma_wait3A_709, %dma_wait3A_710] : memref<32x8x16x80xi32, #tpu.memory_space<hbm>> -> memref<1x1x16x80xi32, #tpu.memory_space<hbm>>
        %dma_wait3A_712 = tpu.memref_squeeze %dma_wait3A_711 : memref<1x1x16x80xi32, #tpu.memory_space<hbm>> -> memref<16x80xi32, #tpu.memory_space<hbm>>
        %dma_wait3A_713 = arith.constant 0 : i32
        %dma_wait3A_714 = arith.constant 0 : i32
        %dma_wait3A_715 = tpu.memref_slice %arg3[%add3A, %while3A_252, %dma_wait3A_713, %dma_wait3A_714] : memref<32x8x16x80xi32, #tpu.memory_space<hbm>> -> memref<1x1x16x80xi32, #tpu.memory_space<hbm>>
        %dma_wait3A_716 = tpu.memref_squeeze %dma_wait3A_715 : memref<1x1x16x80xi32, #tpu.memory_space<hbm>> -> memref<16x80xi32, #tpu.memory_space<hbm>>
        tpu.wait_dma2 semaphore(%run_scoped3A : memref<!tpu.dma_semaphore, #tpu.memory_space<semaphore_mem>>) src(%dma_wait3A_716 : memref<16x80xi32, #tpu.memory_space<hbm>>) dst(%arg9 : memref<16x80xi32, #tpu.memory_space<vmem>>)
        tpu.yield
      }) : () -> ()
      "tpu.region"() ({
        %run_scoped3A = tpu.sem_alloc : memref<!tpu.dma_semaphore, #tpu.memory_space<semaphore_mem>>
        %dma_start3A_701 = arith.constant 0 : i32
        %dma_start3A_702 = arith.constant 0 : i32
        %dma_start3A_703 = tpu.memref_slice %arg4[%add3A, %while3A_252, %dma_start3A_701, %dma_start3A_702] : memref<32x8x16x80xi32, #tpu.memory_space<hbm>> -> memref<1x1x16x80xi32, #tpu.memory_space<hbm>>
        %dma_start3A_704 = tpu.memref_squeeze %dma_start3A_703 : memref<1x1x16x80xi32, #tpu.memory_space<hbm>> -> memref<16x80xi32, #tpu.memory_space<hbm>>
        %dma_start3A_705 = arith.constant 0 : i32
        %dma_start3A_706 = arith.constant 0 : i32
        %dma_start3A_707 = tpu.memref_slice %arg4[%add3A, %while3A_252, %dma_start3A_705, %dma_start3A_706] : memref<32x8x16x80xi32, #tpu.memory_space<hbm>> -> memref<1x1x16x80xi32, #tpu.memory_space<hbm>>
        %dma_start3A_708 = tpu.memref_squeeze %dma_start3A_707 : memref<1x1x16x80xi32, #tpu.memory_space<hbm>> -> memref<16x80xi32, #tpu.memory_space<hbm>>
        tpu.enqueue_dma source(%dma_start3A_708 : memref<16x80xi32, #tpu.memory_space<hbm>>) target(%arg10 : memref<16x80xi32, #tpu.memory_space<vmem>>) target_semaphore(%run_scoped3A : memref<!tpu.dma_semaphore, #tpu.memory_space<semaphore_mem>>)
        %dma_wait3A_709 = arith.constant 0 : i32
        %dma_wait3A_710 = arith.constant 0 : i32
        %dma_wait3A_711 = tpu.memref_slice %arg4[%add3A, %while3A_252, %dma_wait3A_709, %dma_wait3A_710] : memref<32x8x16x80xi32, #tpu.memory_space<hbm>> -> memref<1x1x16x80xi32, #tpu.memory_space<hbm>>
        %dma_wait3A_712 = tpu.memref_squeeze %dma_wait3A_711 : memref<1x1x16x80xi32, #tpu.memory_space<hbm>> -> memref<16x80xi32, #tpu.memory_space<hbm>>
        %dma_wait3A_713 = arith.constant 0 : i32
        %dma_wait3A_714 = arith.constant 0 : i32
        %dma_wait3A_715 = tpu.memref_slice %arg4[%add3A, %while3A_252, %dma_wait3A_713, %dma_wait3A_714] : memref<32x8x16x80xi32, #tpu.memory_space<hbm>> -> memref<1x1x16x80xi32, #tpu.memory_space<hbm>>
        %dma_wait3A_716 = tpu.memref_squeeze %dma_wait3A_715 : memref<1x1x16x80xi32, #tpu.memory_space<hbm>> -> memref<16x80xi32, #tpu.memory_space<hbm>>
        tpu.wait_dma2 semaphore(%run_scoped3A : memref<!tpu.dma_semaphore, #tpu.memory_space<semaphore_mem>>) src(%dma_wait3A_716 : memref<16x80xi32, #tpu.memory_space<hbm>>) dst(%arg10 : memref<16x80xi32, #tpu.memory_space<vmem>>)
        tpu.yield
      }) : () -> ()
      %dma_start3A_253 = arith.constant 0 : i32
      %dma_start3A_254 = arith.constant 0 : i32
      %dma_start3A_255 = tpu.memref_slice %arg9[%dma_start3A_253, %dma_start3A_254] : memref<16x80xi32, #tpu.memory_space<vmem>> -> memref<1x80xi32, #tpu.memory_space<vmem>>
      %dma_start3A_256 = tpu.memref_squeeze %dma_start3A_255 : memref<1x80xi32, #tpu.memory_space<vmem>> -> memref<80xi32, #tpu.memory_space<vmem>>
      %dma_start3A_257 = arith.constant 0 : i32
      %dma_start3A_258 = arith.constant 0 : i32
      %dma_start3A_259 = tpu.memref_slice %arg2[%dma_start3A_257, %dma_start3A_258] : memref<10240x128xf32, #tpu.memory_space<hbm>> -> memref<10240x128xf32, #tpu.memory_space<hbm>>
      tpu.enqueue_indirect_dma source(%dma_start3A_259 : memref<10240x128xf32, #tpu.memory_space<hbm>>) target(%arg12 : memref<80x128xf32, #tpu.memory_space<vmem>>) offsets(%dma_start3A_256 : memref<80xi32, #tpu.memory_space<vmem>>) semaphore(%arg14 : memref<!tpu.dma_semaphore, #tpu.memory_space<semaphore_mem>>)
      %dma_start3A_260 = arith.constant 1 : i32
      %dma_start3A_261 = arith.constant 0 : i32
      %dma_start3A_262 = tpu.memref_slice %arg9[%dma_start3A_260, %dma_start3A_261] : memref<16x80xi32, #tpu.memory_space<vmem>> -> memref<1x80xi32, #tpu.memory_space<vmem>>
      %dma_start3A_263 = tpu.memref_squeeze %dma_start3A_262 : memref<1x80xi32, #tpu.memory_space<vmem>> -> memref<80xi32, #tpu.memory_space<vmem>>
      %dma_start3A_264 = arith.constant 0 : i32
      %dma_start3A_265 = arith.constant 0 : i32
      %dma_start3A_266 = tpu.memref_slice %arg2[%dma_start3A_264, %dma_start3A_265] : memref<10240x128xf32, #tpu.memory_space<hbm>> -> memref<10240x128xf32, #tpu.memory_space<hbm>>
      tpu.enqueue_indirect_dma source(%dma_start3A_266 : memref<10240x128xf32, #tpu.memory_space<hbm>>) target(%arg13 : memref<80x128xf32, #tpu.memory_space<vmem>>) offsets(%dma_start3A_263 : memref<80xi32, #tpu.memory_space<vmem>>) semaphore(%arg15 : memref<!tpu.dma_semaphore, #tpu.memory_space<semaphore_mem>>)
      %dma_wait3A_267 = arith.constant 0 : i32
      %dma_wait3A_268 = arith.constant 0 : i32
      %dma_wait3A_269 = tpu.memref_slice %arg9[%dma_wait3A_267, %dma_wait3A_268] : memref<16x80xi32, #tpu.memory_space<vmem>> -> memref<1x80xi32, #tpu.memory_space<vmem>>
      %dma_wait3A_270 = tpu.memref_squeeze %dma_wait3A_269 : memref<1x80xi32, #tpu.memory_space<vmem>> -> memref<80xi32, #tpu.memory_space<vmem>>
      %dma_wait3A_271 = arith.constant 0 : i32
      %dma_wait3A_272 = arith.constant 0 : i32
      %dma_wait3A_273 = tpu.memref_slice %arg2[%dma_wait3A_271, %dma_wait3A_272] : memref<10240x128xf32, #tpu.memory_space<hbm>> -> memref<10240x128xf32, #tpu.memory_space<hbm>>
      tpu.wait_indirect_dma semaphore(%arg14 : memref<!tpu.dma_semaphore, #tpu.memory_space<semaphore_mem>>) src(%dma_wait3A_273 : memref<10240x128xf32, #tpu.memory_space<hbm>>) dst(%arg12 : memref<80x128xf32, #tpu.memory_space<vmem>>)
      %dma_start3A_274 = arith.constant 0 : i32
      %dma_start3A_275 = arith.constant 0 : i32
      %dma_start3A_276 = tpu.memref_slice %arg10[%dma_start3A_274, %dma_start3A_275] : memref<16x80xi32, #tpu.memory_space<vmem>> -> memref<1x80xi32, #tpu.memory_space<vmem>>
      %dma_start3A_277 = tpu.memref_squeeze %dma_start3A_276 : memref<1x80xi32, #tpu.memory_space<vmem>> -> memref<80xi32, #tpu.memory_space<vmem>>
      %dma_start3A_278 = arith.constant 0 : i32
      %dma_start3A_279 = arith.constant 0 : i32
      %dma_start3A_280 = tpu.memref_slice %arg8[%dma_start3A_278, %dma_start3A_279] : memref<10240x128xf32, #tpu.memory_space<vmem_shared>> -> memref<10240x128xf32, #tpu.memory_space<vmem_shared>>
      tpu.enqueue_indirect_dma source(%arg12 : memref<80x128xf32, #tpu.memory_space<vmem>>) target(%dma_start3A_280 : memref<10240x128xf32, #tpu.memory_space<vmem_shared>>) offsets(%dma_start3A_277 : memref<80xi32, #tpu.memory_space<vmem>>) semaphore(%arg16 : memref<!tpu.dma_semaphore, #tpu.memory_space<semaphore_mem>>) {add = true}
      %dma_wait3A_281 = arith.constant 0 : i32
      %dma_wait3A_282 = arith.constant 0 : i32
      %dma_wait3A_283 = tpu.memref_slice %arg10[%dma_wait3A_281, %dma_wait3A_282] : memref<16x80xi32, #tpu.memory_space<vmem>> -> memref<1x80xi32, #tpu.memory_space<vmem>>
      %dma_wait3A_284 = tpu.memref_squeeze %dma_wait3A_283 : memref<1x80xi32, #tpu.memory_space<vmem>> -> memref<80xi32, #tpu.memory_space<vmem>>
      %dma_wait3A_285 = arith.constant 0 : i32
      %dma_wait3A_286 = arith.constant 0 : i32
      %dma_wait3A_287 = tpu.memref_slice %arg8[%dma_wait3A_285, %dma_wait3A_286] : memref<10240x128xf32, #tpu.memory_space<vmem_shared>> -> memref<10240x128xf32, #tpu.memory_space<vmem_shared>>
      tpu.wait_indirect_dma semaphore(%arg16 : memref<!tpu.dma_semaphore, #tpu.memory_space<semaphore_mem>>) src(%arg12 : memref<80x128xf32, #tpu.memory_space<vmem>>) dst(%dma_wait3A_287 : memref<10240x128xf32, #tpu.memory_space<vmem_shared>>)
      %dma_start3A_288 = arith.constant 2 : i32
      %dma_start3A_289 = arith.constant 0 : i32
      %dma_start3A_290 = tpu.memref_slice %arg9[%dma_start3A_288, %dma_start3A_289] : memref<16x80xi32, #tpu.memory_space<vmem>> -> memref<1x80xi32, #tpu.memory_space<vmem>>
      %dma_start3A_291 = tpu.memref_squeeze %dma_start3A_290 : memref<1x80xi32, #tpu.memory_space<vmem>> -> memref<80xi32, #tpu.memory_space<vmem>>
      %dma_start3A_292 = arith.constant 0 : i32
      %dma_start3A_293 = arith.constant 0 : i32
      %dma_start3A_294 = tpu.memref_slice %arg2[%dma_start3A_292, %dma_start3A_293] : memref<10240x128xf32, #tpu.memory_space<hbm>> -> memref<10240x128xf32, #tpu.memory_space<hbm>>
      tpu.enqueue_indirect_dma source(%dma_start3A_294 : memref<10240x128xf32, #tpu.memory_space<hbm>>) target(%arg12 : memref<80x128xf32, #tpu.memory_space<vmem>>) offsets(%dma_start3A_291 : memref<80xi32, #tpu.memory_space<vmem>>) semaphore(%arg14 : memref<!tpu.dma_semaphore, #tpu.memory_space<semaphore_mem>>)
      %dma_wait3A_295 = arith.constant 1 : i32
      %dma_wait3A_296 = arith.constant 0 : i32
      %dma_wait3A_297 = tpu.memref_slice %arg9[%dma_wait3A_295, %dma_wait3A_296] : memref<16x80xi32, #tpu.memory_space<vmem>> -> memref<1x80xi32, #tpu.memory_space<vmem>>
      %dma_wait3A_298 = tpu.memref_squeeze %dma_wait3A_297 : memref<1x80xi32, #tpu.memory_space<vmem>> -> memref<80xi32, #tpu.memory_space<vmem>>
      %dma_wait3A_299 = arith.constant 0 : i32
      %dma_wait3A_300 = arith.constant 0 : i32
      %dma_wait3A_301 = tpu.memref_slice %arg2[%dma_wait3A_299, %dma_wait3A_300] : memref<10240x128xf32, #tpu.memory_space<hbm>> -> memref<10240x128xf32, #tpu.memory_space<hbm>>
      tpu.wait_indirect_dma semaphore(%arg15 : memref<!tpu.dma_semaphore, #tpu.memory_space<semaphore_mem>>) src(%dma_wait3A_301 : memref<10240x128xf32, #tpu.memory_space<hbm>>) dst(%arg13 : memref<80x128xf32, #tpu.memory_space<vmem>>)
      %dma_start3A_302 = arith.constant 1 : i32
      %dma_start3A_303 = arith.constant 0 : i32
      %dma_start3A_304 = tpu.memref_slice %arg10[%dma_start3A_302, %dma_start3A_303] : memref<16x80xi32, #tpu.memory_space<vmem>> -> memref<1x80xi32, #tpu.memory_space<vmem>>
      %dma_start3A_305 = tpu.memref_squeeze %dma_start3A_304 : memref<1x80xi32, #tpu.memory_space<vmem>> -> memref<80xi32, #tpu.memory_space<vmem>>
      %dma_start3A_306 = arith.constant 0 : i32
      %dma_start3A_307 = arith.constant 0 : i32
      %dma_start3A_308 = tpu.memref_slice %arg8[%dma_start3A_306, %dma_start3A_307] : memref<10240x128xf32, #tpu.memory_space<vmem_shared>> -> memref<10240x128xf32, #tpu.memory_space<vmem_shared>>
      tpu.enqueue_indirect_dma source(%arg13 : memref<80x128xf32, #tpu.memory_space<vmem>>) target(%dma_start3A_308 : memref<10240x128xf32, #tpu.memory_space<vmem_shared>>) offsets(%dma_start3A_305 : memref<80xi32, #tpu.memory_space<vmem>>) semaphore(%arg17 : memref<!tpu.dma_semaphore, #tpu.memory_space<semaphore_mem>>) {add = true}
      %dma_wait3A_309 = arith.constant 1 : i32
      %dma_wait3A_310 = arith.constant 0 : i32
      %dma_wait3A_311 = tpu.memref_slice %arg10[%dma_wait3A_309, %dma_wait3A_310] : memref<16x80xi32, #tpu.memory_space<vmem>> -> memref<1x80xi32, #tpu.memory_space<vmem>>
      %dma_wait3A_312 = tpu.memref_squeeze %dma_wait3A_311 : memref<1x80xi32, #tpu.memory_space<vmem>> -> memref<80xi32, #tpu.memory_space<vmem>>
      %dma_wait3A_313 = arith.constant 0 : i32
      %dma_wait3A_314 = arith.constant 0 : i32
      %dma_wait3A_315 = tpu.memref_slice %arg8[%dma_wait3A_313, %dma_wait3A_314] : memref<10240x128xf32, #tpu.memory_space<vmem_shared>> -> memref<10240x128xf32, #tpu.memory_space<vmem_shared>>
      tpu.wait_indirect_dma semaphore(%arg17 : memref<!tpu.dma_semaphore, #tpu.memory_space<semaphore_mem>>) src(%arg13 : memref<80x128xf32, #tpu.memory_space<vmem>>) dst(%dma_wait3A_315 : memref<10240x128xf32, #tpu.memory_space<vmem_shared>>)
      %dma_start3A_316 = arith.constant 3 : i32
      %dma_start3A_317 = arith.constant 0 : i32
      %dma_start3A_318 = tpu.memref_slice %arg9[%dma_start3A_316, %dma_start3A_317] : memref<16x80xi32, #tpu.memory_space<vmem>> -> memref<1x80xi32, #tpu.memory_space<vmem>>
      %dma_start3A_319 = tpu.memref_squeeze %dma_start3A_318 : memref<1x80xi32, #tpu.memory_space<vmem>> -> memref<80xi32, #tpu.memory_space<vmem>>
      %dma_start3A_320 = arith.constant 0 : i32
      %dma_start3A_321 = arith.constant 0 : i32
      %dma_start3A_322 = tpu.memref_slice %arg2[%dma_start3A_320, %dma_start3A_321] : memref<10240x128xf32, #tpu.memory_space<hbm>> -> memref<10240x128xf32, #tpu.memory_space<hbm>>
      tpu.enqueue_indirect_dma source(%dma_start3A_322 : memref<10240x128xf32, #tpu.memory_space<hbm>>) target(%arg13 : memref<80x128xf32, #tpu.memory_space<vmem>>) offsets(%dma_start3A_319 : memref<80xi32, #tpu.memory_space<vmem>>) semaphore(%arg15 : memref<!tpu.dma_semaphore, #tpu.memory_space<semaphore_mem>>)
      %dma_wait3A_323 = arith.constant 2 : i32
      %dma_wait3A_324 = arith.constant 0 : i32
      %dma_wait3A_325 = tpu.memref_slice %arg9[%dma_wait3A_323, %dma_wait3A_324] : memref<16x80xi32, #tpu.memory_space<vmem>> -> memref<1x80xi32, #tpu.memory_space<vmem>>
      %dma_wait3A_326 = tpu.memref_squeeze %dma_wait3A_325 : memref<1x80xi32, #tpu.memory_space<vmem>> -> memref<80xi32, #tpu.memory_space<vmem>>
      %dma_wait3A_327 = arith.constant 0 : i32
      %dma_wait3A_328 = arith.constant 0 : i32
      %dma_wait3A_329 = tpu.memref_slice %arg2[%dma_wait3A_327, %dma_wait3A_328] : memref<10240x128xf32, #tpu.memory_space<hbm>> -> memref<10240x128xf32, #tpu.memory_space<hbm>>
      tpu.wait_indirect_dma semaphore(%arg14 : memref<!tpu.dma_semaphore, #tpu.memory_space<semaphore_mem>>) src(%dma_wait3A_329 : memref<10240x128xf32, #tpu.memory_space<hbm>>) dst(%arg12 : memref<80x128xf32, #tpu.memory_space<vmem>>)
      %dma_start3A_330 = arith.constant 2 : i32
      %dma_start3A_331 = arith.constant 0 : i32
      %dma_start3A_332 = tpu.memref_slice %arg10[%dma_start3A_330, %dma_start3A_331] : memref<16x80xi32, #tpu.memory_space<vmem>> -> memref<1x80xi32, #tpu.memory_space<vmem>>
      %dma_start3A_333 = tpu.memref_squeeze %dma_start3A_332 : memref<1x80xi32, #tpu.memory_space<vmem>> -> memref<80xi32, #tpu.memory_space<vmem>>
      %dma_start3A_334 = arith.constant 0 : i32
      %dma_start3A_335 = arith.constant 0 : i32
      %dma_start3A_336 = tpu.memref_slice %arg8[%dma_start3A_334, %dma_start3A_335] : memref<10240x128xf32, #tpu.memory_space<vmem_shared>> -> memref<10240x128xf32, #tpu.memory_space<vmem_shared>>
      tpu.enqueue_indirect_dma source(%arg12 : memref<80x128xf32, #tpu.memory_space<vmem>>) target(%dma_start3A_336 : memref<10240x128xf32, #tpu.memory_space<vmem_shared>>) offsets(%dma_start3A_333 : memref<80xi32, #tpu.memory_space<vmem>>) semaphore(%arg16 : memref<!tpu.dma_semaphore, #tpu.memory_space<semaphore_mem>>) {add = true}
      %dma_wait3A_337 = arith.constant 2 : i32
      %dma_wait3A_338 = arith.constant 0 : i32
      %dma_wait3A_339 = tpu.memref_slice %arg10[%dma_wait3A_337, %dma_wait3A_338] : memref<16x80xi32, #tpu.memory_space<vmem>> -> memref<1x80xi32, #tpu.memory_space<vmem>>
      %dma_wait3A_340 = tpu.memref_squeeze %dma_wait3A_339 : memref<1x80xi32, #tpu.memory_space<vmem>> -> memref<80xi32, #tpu.memory_space<vmem>>
      %dma_wait3A_341 = arith.constant 0 : i32
      %dma_wait3A_342 = arith.constant 0 : i32
      %dma_wait3A_343 = tpu.memref_slice %arg8[%dma_wait3A_341, %dma_wait3A_342] : memref<10240x128xf32, #tpu.memory_space<vmem_shared>> -> memref<10240x128xf32, #tpu.memory_space<vmem_shared>>
      tpu.wait_indirect_dma semaphore(%arg16 : memref<!tpu.dma_semaphore, #tpu.memory_space<semaphore_mem>>) src(%arg12 : memref<80x128xf32, #tpu.memory_space<vmem>>) dst(%dma_wait3A_343 : memref<10240x128xf32, #tpu.memory_space<vmem_shared>>)
      %dma_start3A_344 = arith.constant 4 : i32
      %dma_start3A_345 = arith.constant 0 : i32
      %dma_start3A_346 = tpu.memref_slice %arg9[%dma_start3A_344, %dma_start3A_345] : memref<16x80xi32, #tpu.memory_space<vmem>> -> memref<1x80xi32, #tpu.memory_space<vmem>>
      %dma_start3A_347 = tpu.memref_squeeze %dma_start3A_346 : memref<1x80xi32, #tpu.memory_space<vmem>> -> memref<80xi32, #tpu.memory_space<vmem>>
      %dma_start3A_348 = arith.constant 0 : i32
      %dma_start3A_349 = arith.constant 0 : i32
      %dma_start3A_350 = tpu.memref_slice %arg2[%dma_start3A_348, %dma_start3A_349] : memref<10240x128xf32, #tpu.memory_space<hbm>> -> memref<10240x128xf32, #tpu.memory_space<hbm>>
      tpu.enqueue_indirect_dma source(%dma_start3A_350 : memref<10240x128xf32, #tpu.memory_space<hbm>>) target(%arg12 : memref<80x128xf32, #tpu.memory_space<vmem>>) offsets(%dma_start3A_347 : memref<80xi32, #tpu.memory_space<vmem>>) semaphore(%arg14 : memref<!tpu.dma_semaphore, #tpu.memory_space<semaphore_mem>>)
      %dma_wait3A_351 = arith.constant 3 : i32
      %dma_wait3A_352 = arith.constant 0 : i32
      %dma_wait3A_353 = tpu.memref_slice %arg9[%dma_wait3A_351, %dma_wait3A_352] : memref<16x80xi32, #tpu.memory_space<vmem>> -> memref<1x80xi32, #tpu.memory_space<vmem>>
      %dma_wait3A_354 = tpu.memref_squeeze %dma_wait3A_353 : memref<1x80xi32, #tpu.memory_space<vmem>> -> memref<80xi32, #tpu.memory_space<vmem>>
      %dma_wait3A_355 = arith.constant 0 : i32
      %dma_wait3A_356 = arith.constant 0 : i32
      %dma_wait3A_357 = tpu.memref_slice %arg2[%dma_wait3A_355, %dma_wait3A_356] : memref<10240x128xf32, #tpu.memory_space<hbm>> -> memref<10240x128xf32, #tpu.memory_space<hbm>>
      tpu.wait_indirect_dma semaphore(%arg15 : memref<!tpu.dma_semaphore, #tpu.memory_space<semaphore_mem>>) src(%dma_wait3A_357 : memref<10240x128xf32, #tpu.memory_space<hbm>>) dst(%arg13 : memref<80x128xf32, #tpu.memory_space<vmem>>)
      %dma_start3A_358 = arith.constant 3 : i32
      %dma_start3A_359 = arith.constant 0 : i32
      %dma_start3A_360 = tpu.memref_slice %arg10[%dma_start3A_358, %dma_start3A_359] : memref<16x80xi32, #tpu.memory_space<vmem>> -> memref<1x80xi32, #tpu.memory_space<vmem>>
      %dma_start3A_361 = tpu.memref_squeeze %dma_start3A_360 : memref<1x80xi32, #tpu.memory_space<vmem>> -> memref<80xi32, #tpu.memory_space<vmem>>
      %dma_start3A_362 = arith.constant 0 : i32
      %dma_start3A_363 = arith.constant 0 : i32
      %dma_start3A_364 = tpu.memref_slice %arg8[%dma_start3A_362, %dma_start3A_363] : memref<10240x128xf32, #tpu.memory_space<vmem_shared>> -> memref<10240x128xf32, #tpu.memory_space<vmem_shared>>
      tpu.enqueue_indirect_dma source(%arg13 : memref<80x128xf32, #tpu.memory_space<vmem>>) target(%dma_start3A_364 : memref<10240x128xf32, #tpu.memory_space<vmem_shared>>) offsets(%dma_start3A_361 : memref<80xi32, #tpu.memory_space<vmem>>) semaphore(%arg17 : memref<!tpu.dma_semaphore, #tpu.memory_space<semaphore_mem>>) {add = true}
      %dma_wait3A_365 = arith.constant 3 : i32
      %dma_wait3A_366 = arith.constant 0 : i32
      %dma_wait3A_367 = tpu.memref_slice %arg10[%dma_wait3A_365, %dma_wait3A_366] : memref<16x80xi32, #tpu.memory_space<vmem>> -> memref<1x80xi32, #tpu.memory_space<vmem>>
      %dma_wait3A_368 = tpu.memref_squeeze %dma_wait3A_367 : memref<1x80xi32, #tpu.memory_space<vmem>> -> memref<80xi32, #tpu.memory_space<vmem>>
      %dma_wait3A_369 = arith.constant 0 : i32
      %dma_wait3A_370 = arith.constant 0 : i32
      %dma_wait3A_371 = tpu.memref_slice %arg8[%dma_wait3A_369, %dma_wait3A_370] : memref<10240x128xf32, #tpu.memory_space<vmem_shared>> -> memref<10240x128xf32, #tpu.memory_space<vmem_shared>>
      tpu.wait_indirect_dma semaphore(%arg17 : memref<!tpu.dma_semaphore, #tpu.memory_space<semaphore_mem>>) src(%arg13 : memref<80x128xf32, #tpu.memory_space<vmem>>) dst(%dma_wait3A_371 : memref<10240x128xf32, #tpu.memory_space<vmem_shared>>)
      %dma_start3A_372 = arith.constant 5 : i32
      %dma_start3A_373 = arith.constant 0 : i32
      %dma_start3A_374 = tpu.memref_slice %arg9[%dma_start3A_372, %dma_start3A_373] : memref<16x80xi32, #tpu.memory_space<vmem>> -> memref<1x80xi32, #tpu.memory_space<vmem>>
      %dma_start3A_375 = tpu.memref_squeeze %dma_start3A_374 : memref<1x80xi32, #tpu.memory_space<vmem>> -> memref<80xi32, #tpu.memory_space<vmem>>
      %dma_start3A_376 = arith.constant 0 : i32
      %dma_start3A_377 = arith.constant 0 : i32
      %dma_start3A_378 = tpu.memref_slice %arg2[%dma_start3A_376, %dma_start3A_377] : memref<10240x128xf32, #tpu.memory_space<hbm>> -> memref<10240x128xf32, #tpu.memory_space<hbm>>
      tpu.enqueue_indirect_dma source(%dma_start3A_378 : memref<10240x128xf32, #tpu.memory_space<hbm>>) target(%arg13 : memref<80x128xf32, #tpu.memory_space<vmem>>) offsets(%dma_start3A_375 : memref<80xi32, #tpu.memory_space<vmem>>) semaphore(%arg15 : memref<!tpu.dma_semaphore, #tpu.memory_space<semaphore_mem>>)
      %dma_wait3A_379 = arith.constant 4 : i32
      %dma_wait3A_380 = arith.constant 0 : i32
      %dma_wait3A_381 = tpu.memref_slice %arg9[%dma_wait3A_379, %dma_wait3A_380] : memref<16x80xi32, #tpu.memory_space<vmem>> -> memref<1x80xi32, #tpu.memory_space<vmem>>
      %dma_wait3A_382 = tpu.memref_squeeze %dma_wait3A_381 : memref<1x80xi32, #tpu.memory_space<vmem>> -> memref<80xi32, #tpu.memory_space<vmem>>
      %dma_wait3A_383 = arith.constant 0 : i32
      %dma_wait3A_384 = arith.constant 0 : i32
      %dma_wait3A_385 = tpu.memref_slice %arg2[%dma_wait3A_383, %dma_wait3A_384] : memref<10240x128xf32, #tpu.memory_space<hbm>> -> memref<10240x128xf32, #tpu.memory_space<hbm>>
      tpu.wait_indirect_dma semaphore(%arg14 : memref<!tpu.dma_semaphore, #tpu.memory_space<semaphore_mem>>) src(%dma_wait3A_385 : memref<10240x128xf32, #tpu.memory_space<hbm>>) dst(%arg12 : memref<80x128xf32, #tpu.memory_space<vmem>>)
      %dma_start3A_386 = arith.constant 4 : i32
      %dma_start3A_387 = arith.constant 0 : i32
      %dma_start3A_388 = tpu.memref_slice %arg10[%dma_start3A_386, %dma_start3A_387] : memref<16x80xi32, #tpu.memory_space<vmem>> -> memref<1x80xi32, #tpu.memory_space<vmem>>
      %dma_start3A_389 = tpu.memref_squeeze %dma_start3A_388 : memref<1x80xi32, #tpu.memory_space<vmem>> -> memref<80xi32, #tpu.memory_space<vmem>>
      %dma_start3A_390 = arith.constant 0 : i32
      %dma_start3A_391 = arith.constant 0 : i32
      %dma_start3A_392 = tpu.memref_slice %arg8[%dma_start3A_390, %dma_start3A_391] : memref<10240x128xf32, #tpu.memory_space<vmem_shared>> -> memref<10240x128xf32, #tpu.memory_space<vmem_shared>>
      tpu.enqueue_indirect_dma source(%arg12 : memref<80x128xf32, #tpu.memory_space<vmem>>) target(%dma_start3A_392 : memref<10240x128xf32, #tpu.memory_space<vmem_shared>>) offsets(%dma_start3A_389 : memref<80xi32, #tpu.memory_space<vmem>>) semaphore(%arg16 : memref<!tpu.dma_semaphore, #tpu.memory_space<semaphore_mem>>) {add = true}
      %dma_wait3A_393 = arith.constant 4 : i32
      %dma_wait3A_394 = arith.constant 0 : i32
      %dma_wait3A_395 = tpu.memref_slice %arg10[%dma_wait3A_393, %dma_wait3A_394] : memref<16x80xi32, #tpu.memory_space<vmem>> -> memref<1x80xi32, #tpu.memory_space<vmem>>
      %dma_wait3A_396 = tpu.memref_squeeze %dma_wait3A_395 : memref<1x80xi32, #tpu.memory_space<vmem>> -> memref<80xi32, #tpu.memory_space<vmem>>
      %dma_wait3A_397 = arith.constant 0 : i32
      %dma_wait3A_398 = arith.constant 0 : i32
      %dma_wait3A_399 = tpu.memref_slice %arg8[%dma_wait3A_397, %dma_wait3A_398] : memref<10240x128xf32, #tpu.memory_space<vmem_shared>> -> memref<10240x128xf32, #tpu.memory_space<vmem_shared>>
      tpu.wait_indirect_dma semaphore(%arg16 : memref<!tpu.dma_semaphore, #tpu.memory_space<semaphore_mem>>) src(%arg12 : memref<80x128xf32, #tpu.memory_space<vmem>>) dst(%dma_wait3A_399 : memref<10240x128xf32, #tpu.memory_space<vmem_shared>>)
      %dma_start3A_400 = arith.constant 6 : i32
      %dma_start3A_401 = arith.constant 0 : i32
      %dma_start3A_402 = tpu.memref_slice %arg9[%dma_start3A_400, %dma_start3A_401] : memref<16x80xi32, #tpu.memory_space<vmem>> -> memref<1x80xi32, #tpu.memory_space<vmem>>
      %dma_start3A_403 = tpu.memref_squeeze %dma_start3A_402 : memref<1x80xi32, #tpu.memory_space<vmem>> -> memref<80xi32, #tpu.memory_space<vmem>>
      %dma_start3A_404 = arith.constant 0 : i32
      %dma_start3A_405 = arith.constant 0 : i32
      %dma_start3A_406 = tpu.memref_slice %arg2[%dma_start3A_404, %dma_start3A_405] : memref<10240x128xf32, #tpu.memory_space<hbm>> -> memref<10240x128xf32, #tpu.memory_space<hbm>>
      tpu.enqueue_indirect_dma source(%dma_start3A_406 : memref<10240x128xf32, #tpu.memory_space<hbm>>) target(%arg12 : memref<80x128xf32, #tpu.memory_space<vmem>>) offsets(%dma_start3A_403 : memref<80xi32, #tpu.memory_space<vmem>>) semaphore(%arg14 : memref<!tpu.dma_semaphore, #tpu.memory_space<semaphore_mem>>)
      %dma_wait3A_407 = arith.constant 5 : i32
      %dma_wait3A_408 = arith.constant 0 : i32
      %dma_wait3A_409 = tpu.memref_slice %arg9[%dma_wait3A_407, %dma_wait3A_408] : memref<16x80xi32, #tpu.memory_space<vmem>> -> memref<1x80xi32, #tpu.memory_space<vmem>>
      %dma_wait3A_410 = tpu.memref_squeeze %dma_wait3A_409 : memref<1x80xi32, #tpu.memory_space<vmem>> -> memref<80xi32, #tpu.memory_space<vmem>>
      %dma_wait3A_411 = arith.constant 0 : i32
      %dma_wait3A_412 = arith.constant 0 : i32
      %dma_wait3A_413 = tpu.memref_slice %arg2[%dma_wait3A_411, %dma_wait3A_412] : memref<10240x128xf32, #tpu.memory_space<hbm>> -> memref<10240x128xf32, #tpu.memory_space<hbm>>
      tpu.wait_indirect_dma semaphore(%arg15 : memref<!tpu.dma_semaphore, #tpu.memory_space<semaphore_mem>>) src(%dma_wait3A_413 : memref<10240x128xf32, #tpu.memory_space<hbm>>) dst(%arg13 : memref<80x128xf32, #tpu.memory_space<vmem>>)
      %dma_start3A_414 = arith.constant 5 : i32
      %dma_start3A_415 = arith.constant 0 : i32
      %dma_start3A_416 = tpu.memref_slice %arg10[%dma_start3A_414, %dma_start3A_415] : memref<16x80xi32, #tpu.memory_space<vmem>> -> memref<1x80xi32, #tpu.memory_space<vmem>>
      %dma_start3A_417 = tpu.memref_squeeze %dma_start3A_416 : memref<1x80xi32, #tpu.memory_space<vmem>> -> memref<80xi32, #tpu.memory_space<vmem>>
      %dma_start3A_418 = arith.constant 0 : i32
      %dma_start3A_419 = arith.constant 0 : i32
      %dma_start3A_420 = tpu.memref_slice %arg8[%dma_start3A_418, %dma_start3A_419] : memref<10240x128xf32, #tpu.memory_space<vmem_shared>> -> memref<10240x128xf32, #tpu.memory_space<vmem_shared>>
      tpu.enqueue_indirect_dma source(%arg13 : memref<80x128xf32, #tpu.memory_space<vmem>>) target(%dma_start3A_420 : memref<10240x128xf32, #tpu.memory_space<vmem_shared>>) offsets(%dma_start3A_417 : memref<80xi32, #tpu.memory_space<vmem>>) semaphore(%arg17 : memref<!tpu.dma_semaphore, #tpu.memory_space<semaphore_mem>>) {add = true}
      %dma_wait3A_421 = arith.constant 5 : i32
      %dma_wait3A_422 = arith.constant 0 : i32
      %dma_wait3A_423 = tpu.memref_slice %arg10[%dma_wait3A_421, %dma_wait3A_422] : memref<16x80xi32, #tpu.memory_space<vmem>> -> memref<1x80xi32, #tpu.memory_space<vmem>>
      %dma_wait3A_424 = tpu.memref_squeeze %dma_wait3A_423 : memref<1x80xi32, #tpu.memory_space<vmem>> -> memref<80xi32, #tpu.memory_space<vmem>>
      %dma_wait3A_425 = arith.constant 0 : i32
      %dma_wait3A_426 = arith.constant 0 : i32
      %dma_wait3A_427 = tpu.memref_slice %arg8[%dma_wait3A_425, %dma_wait3A_426] : memref<10240x128xf32, #tpu.memory_space<vmem_shared>> -> memref<10240x128xf32, #tpu.memory_space<vmem_shared>>
      tpu.wait_indirect_dma semaphore(%arg17 : memref<!tpu.dma_semaphore, #tpu.memory_space<semaphore_mem>>) src(%arg13 : memref<80x128xf32, #tpu.memory_space<vmem>>) dst(%dma_wait3A_427 : memref<10240x128xf32, #tpu.memory_space<vmem_shared>>)
      %dma_start3A_428 = arith.constant 7 : i32
      %dma_start3A_429 = arith.constant 0 : i32
      %dma_start3A_430 = tpu.memref_slice %arg9[%dma_start3A_428, %dma_start3A_429] : memref<16x80xi32, #tpu.memory_space<vmem>> -> memref<1x80xi32, #tpu.memory_space<vmem>>
      %dma_start3A_431 = tpu.memref_squeeze %dma_start3A_430 : memref<1x80xi32, #tpu.memory_space<vmem>> -> memref<80xi32, #tpu.memory_space<vmem>>
      %dma_start3A_432 = arith.constant 0 : i32
      %dma_start3A_433 = arith.constant 0 : i32
      %dma_start3A_434 = tpu.memref_slice %arg2[%dma_start3A_432, %dma_start3A_433] : memref<10240x128xf32, #tpu.memory_space<hbm>> -> memref<10240x128xf32, #tpu.memory_space<hbm>>
      tpu.enqueue_indirect_dma source(%dma_start3A_434 : memref<10240x128xf32, #tpu.memory_space<hbm>>) target(%arg13 : memref<80x128xf32, #tpu.memory_space<vmem>>) offsets(%dma_start3A_431 : memref<80xi32, #tpu.memory_space<vmem>>) semaphore(%arg15 : memref<!tpu.dma_semaphore, #tpu.memory_space<semaphore_mem>>)
      %dma_wait3A_435 = arith.constant 6 : i32
      %dma_wait3A_436 = arith.constant 0 : i32
      %dma_wait3A_437 = tpu.memref_slice %arg9[%dma_wait3A_435, %dma_wait3A_436] : memref<16x80xi32, #tpu.memory_space<vmem>> -> memref<1x80xi32, #tpu.memory_space<vmem>>
      %dma_wait3A_438 = tpu.memref_squeeze %dma_wait3A_437 : memref<1x80xi32, #tpu.memory_space<vmem>> -> memref<80xi32, #tpu.memory_space<vmem>>
      %dma_wait3A_439 = arith.constant 0 : i32
      %dma_wait3A_440 = arith.constant 0 : i32
      %dma_wait3A_441 = tpu.memref_slice %arg2[%dma_wait3A_439, %dma_wait3A_440] : memref<10240x128xf32, #tpu.memory_space<hbm>> -> memref<10240x128xf32, #tpu.memory_space<hbm>>
      tpu.wait_indirect_dma semaphore(%arg14 : memref<!tpu.dma_semaphore, #tpu.memory_space<semaphore_mem>>) src(%dma_wait3A_441 : memref<10240x128xf32, #tpu.memory_space<hbm>>) dst(%arg12 : memref<80x128xf32, #tpu.memory_space<vmem>>)
      %dma_start3A_442 = arith.constant 6 : i32
      %dma_start3A_443 = arith.constant 0 : i32
      %dma_start3A_444 = tpu.memref_slice %arg10[%dma_start3A_442, %dma_start3A_443] : memref<16x80xi32, #tpu.memory_space<vmem>> -> memref<1x80xi32, #tpu.memory_space<vmem>>
      %dma_start3A_445 = tpu.memref_squeeze %dma_start3A_444 : memref<1x80xi32, #tpu.memory_space<vmem>> -> memref<80xi32, #tpu.memory_space<vmem>>
      %dma_start3A_446 = arith.constant 0 : i32
      %dma_start3A_447 = arith.constant 0 : i32
      %dma_start3A_448 = tpu.memref_slice %arg8[%dma_start3A_446, %dma_start3A_447] : memref<10240x128xf32, #tpu.memory_space<vmem_shared>> -> memref<10240x128xf32, #tpu.memory_space<vmem_shared>>
      tpu.enqueue_indirect_dma source(%arg12 : memref<80x128xf32, #tpu.memory_space<vmem>>) target(%dma_start3A_448 : memref<10240x128xf32, #tpu.memory_space<vmem_shared>>) offsets(%dma_start3A_445 : memref<80xi32, #tpu.memory_space<vmem>>) semaphore(%arg16 : memref<!tpu.dma_semaphore, #tpu.memory_space<semaphore_mem>>) {add = true}
      %dma_wait3A_449 = arith.constant 6 : i32
      %dma_wait3A_450 = arith.constant 0 : i32
      %dma_wait3A_451 = tpu.memref_slice %arg10[%dma_wait3A_449, %dma_wait3A_450] : memref<16x80xi32, #tpu.memory_space<vmem>> -> memref<1x80xi32, #tpu.memory_space<vmem>>
      %dma_wait3A_452 = tpu.memref_squeeze %dma_wait3A_451 : memref<1x80xi32, #tpu.memory_space<vmem>> -> memref<80xi32, #tpu.memory_space<vmem>>
      %dma_wait3A_453 = arith.constant 0 : i32
      %dma_wait3A_454 = arith.constant 0 : i32
      %dma_wait3A_455 = tpu.memref_slice %arg8[%dma_wait3A_453, %dma_wait3A_454] : memref<10240x128xf32, #tpu.memory_space<vmem_shared>> -> memref<10240x128xf32, #tpu.memory_space<vmem_shared>>
      tpu.wait_indirect_dma semaphore(%arg16 : memref<!tpu.dma_semaphore, #tpu.memory_space<semaphore_mem>>) src(%arg12 : memref<80x128xf32, #tpu.memory_space<vmem>>) dst(%dma_wait3A_455 : memref<10240x128xf32, #tpu.memory_space<vmem_shared>>)
      %dma_start3A_456 = arith.constant 8 : i32
      %dma_start3A_457 = arith.constant 0 : i32
      %dma_start3A_458 = tpu.memref_slice %arg9[%dma_start3A_456, %dma_start3A_457] : memref<16x80xi32, #tpu.memory_space<vmem>> -> memref<1x80xi32, #tpu.memory_space<vmem>>
      %dma_start3A_459 = tpu.memref_squeeze %dma_start3A_458 : memref<1x80xi32, #tpu.memory_space<vmem>> -> memref<80xi32, #tpu.memory_space<vmem>>
      %dma_start3A_460 = arith.constant 0 : i32
      %dma_start3A_461 = arith.constant 0 : i32
      %dma_start3A_462 = tpu.memref_slice %arg2[%dma_start3A_460, %dma_start3A_461] : memref<10240x128xf32, #tpu.memory_space<hbm>> -> memref<10240x128xf32, #tpu.memory_space<hbm>>
      tpu.enqueue_indirect_dma source(%dma_start3A_462 : memref<10240x128xf32, #tpu.memory_space<hbm>>) target(%arg12 : memref<80x128xf32, #tpu.memory_space<vmem>>) offsets(%dma_start3A_459 : memref<80xi32, #tpu.memory_space<vmem>>) semaphore(%arg14 : memref<!tpu.dma_semaphore, #tpu.memory_space<semaphore_mem>>)
      %dma_wait3A_463 = arith.constant 7 : i32
      %dma_wait3A_464 = arith.constant 0 : i32
      %dma_wait3A_465 = tpu.memref_slice %arg9[%dma_wait3A_463, %dma_wait3A_464] : memref<16x80xi32, #tpu.memory_space<vmem>> -> memref<1x80xi32, #tpu.memory_space<vmem>>
      %dma_wait3A_466 = tpu.memref_squeeze %dma_wait3A_465 : memref<1x80xi32, #tpu.memory_space<vmem>> -> memref<80xi32, #tpu.memory_space<vmem>>
      %dma_wait3A_467 = arith.constant 0 : i32
      %dma_wait3A_468 = arith.constant 0 : i32
      %dma_wait3A_469 = tpu.memref_slice %arg2[%dma_wait3A_467, %dma_wait3A_468] : memref<10240x128xf32, #tpu.memory_space<hbm>> -> memref<10240x128xf32, #tpu.memory_space<hbm>>
      tpu.wait_indirect_dma semaphore(%arg15 : memref<!tpu.dma_semaphore, #tpu.memory_space<semaphore_mem>>) src(%dma_wait3A_469 : memref<10240x128xf32, #tpu.memory_space<hbm>>) dst(%arg13 : memref<80x128xf32, #tpu.memory_space<vmem>>)
      %dma_start3A_470 = arith.constant 7 : i32
      %dma_start3A_471 = arith.constant 0 : i32
      %dma_start3A_472 = tpu.memref_slice %arg10[%dma_start3A_470, %dma_start3A_471] : memref<16x80xi32, #tpu.memory_space<vmem>> -> memref<1x80xi32, #tpu.memory_space<vmem>>
      %dma_start3A_473 = tpu.memref_squeeze %dma_start3A_472 : memref<1x80xi32, #tpu.memory_space<vmem>> -> memref<80xi32, #tpu.memory_space<vmem>>
      %dma_start3A_474 = arith.constant 0 : i32
      %dma_start3A_475 = arith.constant 0 : i32
      %dma_start3A_476 = tpu.memref_slice %arg8[%dma_start3A_474, %dma_start3A_475] : memref<10240x128xf32, #tpu.memory_space<vmem_shared>> -> memref<10240x128xf32, #tpu.memory_space<vmem_shared>>
      tpu.enqueue_indirect_dma source(%arg13 : memref<80x128xf32, #tpu.memory_space<vmem>>) target(%dma_start3A_476 : memref<10240x128xf32, #tpu.memory_space<vmem_shared>>) offsets(%dma_start3A_473 : memref<80xi32, #tpu.memory_space<vmem>>) semaphore(%arg17 : memref<!tpu.dma_semaphore, #tpu.memory_space<semaphore_mem>>) {add = true}
      %dma_wait3A_477 = arith.constant 7 : i32
      %dma_wait3A_478 = arith.constant 0 : i32
      %dma_wait3A_479 = tpu.memref_slice %arg10[%dma_wait3A_477, %dma_wait3A_478] : memref<16x80xi32, #tpu.memory_space<vmem>> -> memref<1x80xi32, #tpu.memory_space<vmem>>
      %dma_wait3A_480 = tpu.memref_squeeze %dma_wait3A_479 : memref<1x80xi32, #tpu.memory_space<vmem>> -> memref<80xi32, #tpu.memory_space<vmem>>
      %dma_wait3A_481 = arith.constant 0 : i32
      %dma_wait3A_482 = arith.constant 0 : i32
      %dma_wait3A_483 = tpu.memref_slice %arg8[%dma_wait3A_481, %dma_wait3A_482] : memref<10240x128xf32, #tpu.memory_space<vmem_shared>> -> memref<10240x128xf32, #tpu.memory_space<vmem_shared>>
      tpu.wait_indirect_dma semaphore(%arg17 : memref<!tpu.dma_semaphore, #tpu.memory_space<semaphore_mem>>) src(%arg13 : memref<80x128xf32, #tpu.memory_space<vmem>>) dst(%dma_wait3A_483 : memref<10240x128xf32, #tpu.memory_space<vmem_shared>>)
      %dma_start3A_484 = arith.constant 9 : i32
      %dma_start3A_485 = arith.constant 0 : i32
      %dma_start3A_486 = tpu.memref_slice %arg9[%dma_start3A_484, %dma_start3A_485] : memref<16x80xi32, #tpu.memory_space<vmem>> -> memref<1x80xi32, #tpu.memory_space<vmem>>
      %dma_start3A_487 = tpu.memref_squeeze %dma_start3A_486 : memref<1x80xi32, #tpu.memory_space<vmem>> -> memref<80xi32, #tpu.memory_space<vmem>>
      %dma_start3A_488 = arith.constant 0 : i32
      %dma_start3A_489 = arith.constant 0 : i32
      %dma_start3A_490 = tpu.memref_slice %arg2[%dma_start3A_488, %dma_start3A_489] : memref<10240x128xf32, #tpu.memory_space<hbm>> -> memref<10240x128xf32, #tpu.memory_space<hbm>>
      tpu.enqueue_indirect_dma source(%dma_start3A_490 : memref<10240x128xf32, #tpu.memory_space<hbm>>) target(%arg13 : memref<80x128xf32, #tpu.memory_space<vmem>>) offsets(%dma_start3A_487 : memref<80xi32, #tpu.memory_space<vmem>>) semaphore(%arg15 : memref<!tpu.dma_semaphore, #tpu.memory_space<semaphore_mem>>)
      %dma_wait3A_491 = arith.constant 8 : i32
      %dma_wait3A_492 = arith.constant 0 : i32
      %dma_wait3A_493 = tpu.memref_slice %arg9[%dma_wait3A_491, %dma_wait3A_492] : memref<16x80xi32, #tpu.memory_space<vmem>> -> memref<1x80xi32, #tpu.memory_space<vmem>>
      %dma_wait3A_494 = tpu.memref_squeeze %dma_wait3A_493 : memref<1x80xi32, #tpu.memory_space<vmem>> -> memref<80xi32, #tpu.memory_space<vmem>>
      %dma_wait3A_495 = arith.constant 0 : i32
      %dma_wait3A_496 = arith.constant 0 : i32
      %dma_wait3A_497 = tpu.memref_slice %arg2[%dma_wait3A_495, %dma_wait3A_496] : memref<10240x128xf32, #tpu.memory_space<hbm>> -> memref<10240x128xf32, #tpu.memory_space<hbm>>
      tpu.wait_indirect_dma semaphore(%arg14 : memref<!tpu.dma_semaphore, #tpu.memory_space<semaphore_mem>>) src(%dma_wait3A_497 : memref<10240x128xf32, #tpu.memory_space<hbm>>) dst(%arg12 : memref<80x128xf32, #tpu.memory_space<vmem>>)
      %dma_start3A_498 = arith.constant 8 : i32
      %dma_start3A_499 = arith.constant 0 : i32
      %dma_start3A_500 = tpu.memref_slice %arg10[%dma_start3A_498, %dma_start3A_499] : memref<16x80xi32, #tpu.memory_space<vmem>> -> memref<1x80xi32, #tpu.memory_space<vmem>>
      %dma_start3A_501 = tpu.memref_squeeze %dma_start3A_500 : memref<1x80xi32, #tpu.memory_space<vmem>> -> memref<80xi32, #tpu.memory_space<vmem>>
      %dma_start3A_502 = arith.constant 0 : i32
      %dma_start3A_503 = arith.constant 0 : i32
      %dma_start3A_504 = tpu.memref_slice %arg8[%dma_start3A_502, %dma_start3A_503] : memref<10240x128xf32, #tpu.memory_space<vmem_shared>> -> memref<10240x128xf32, #tpu.memory_space<vmem_shared>>
      tpu.enqueue_indirect_dma source(%arg12 : memref<80x128xf32, #tpu.memory_space<vmem>>) target(%dma_start3A_504 : memref<10240x128xf32, #tpu.memory_space<vmem_shared>>) offsets(%dma_start3A_501 : memref<80xi32, #tpu.memory_space<vmem>>) semaphore(%arg16 : memref<!tpu.dma_semaphore, #tpu.memory_space<semaphore_mem>>) {add = true}
      %dma_wait3A_505 = arith.constant 8 : i32
      %dma_wait3A_506 = arith.constant 0 : i32
      %dma_wait3A_507 = tpu.memref_slice %arg10[%dma_wait3A_505, %dma_wait3A_506] : memref<16x80xi32, #tpu.memory_space<vmem>> -> memref<1x80xi32, #tpu.memory_space<vmem>>
      %dma_wait3A_508 = tpu.memref_squeeze %dma_wait3A_507 : memref<1x80xi32, #tpu.memory_space<vmem>> -> memref<80xi32, #tpu.memory_space<vmem>>
      %dma_wait3A_509 = arith.constant 0 : i32
      %dma_wait3A_510 = arith.constant 0 : i32
      %dma_wait3A_511 = tpu.memref_slice %arg8[%dma_wait3A_509, %dma_wait3A_510] : memref<10240x128xf32, #tpu.memory_space<vmem_shared>> -> memref<10240x128xf32, #tpu.memory_space<vmem_shared>>
      tpu.wait_indirect_dma semaphore(%arg16 : memref<!tpu.dma_semaphore, #tpu.memory_space<semaphore_mem>>) src(%arg12 : memref<80x128xf32, #tpu.memory_space<vmem>>) dst(%dma_wait3A_511 : memref<10240x128xf32, #tpu.memory_space<vmem_shared>>)
      %dma_start3A_512 = arith.constant 10 : i32
      %dma_start3A_513 = arith.constant 0 : i32
      %dma_start3A_514 = tpu.memref_slice %arg9[%dma_start3A_512, %dma_start3A_513] : memref<16x80xi32, #tpu.memory_space<vmem>> -> memref<1x80xi32, #tpu.memory_space<vmem>>
      %dma_start3A_515 = tpu.memref_squeeze %dma_start3A_514 : memref<1x80xi32, #tpu.memory_space<vmem>> -> memref<80xi32, #tpu.memory_space<vmem>>
      %dma_start3A_516 = arith.constant 0 : i32
      %dma_start3A_517 = arith.constant 0 : i32
      %dma_start3A_518 = tpu.memref_slice %arg2[%dma_start3A_516, %dma_start3A_517] : memref<10240x128xf32, #tpu.memory_space<hbm>> -> memref<10240x128xf32, #tpu.memory_space<hbm>>
      tpu.enqueue_indirect_dma source(%dma_start3A_518 : memref<10240x128xf32, #tpu.memory_space<hbm>>) target(%arg12 : memref<80x128xf32, #tpu.memory_space<vmem>>) offsets(%dma_start3A_515 : memref<80xi32, #tpu.memory_space<vmem>>) semaphore(%arg14 : memref<!tpu.dma_semaphore, #tpu.memory_space<semaphore_mem>>)
      %dma_wait3A_519 = arith.constant 9 : i32
      %dma_wait3A_520 = arith.constant 0 : i32
      %dma_wait3A_521 = tpu.memref_slice %arg9[%dma_wait3A_519, %dma_wait3A_520] : memref<16x80xi32, #tpu.memory_space<vmem>> -> memref<1x80xi32, #tpu.memory_space<vmem>>
      %dma_wait3A_522 = tpu.memref_squeeze %dma_wait3A_521 : memref<1x80xi32, #tpu.memory_space<vmem>> -> memref<80xi32, #tpu.memory_space<vmem>>
      %dma_wait3A_523 = arith.constant 0 : i32
      %dma_wait3A_524 = arith.constant 0 : i32
      %dma_wait3A_525 = tpu.memref_slice %arg2[%dma_wait3A_523, %dma_wait3A_524] : memref<10240x128xf32, #tpu.memory_space<hbm>> -> memref<10240x128xf32, #tpu.memory_space<hbm>>
      tpu.wait_indirect_dma semaphore(%arg15 : memref<!tpu.dma_semaphore, #tpu.memory_space<semaphore_mem>>) src(%dma_wait3A_525 : memref<10240x128xf32, #tpu.memory_space<hbm>>) dst(%arg13 : memref<80x128xf32, #tpu.memory_space<vmem>>)
      %dma_start3A_526 = arith.constant 9 : i32
      %dma_start3A_527 = arith.constant 0 : i32
      %dma_start3A_528 = tpu.memref_slice %arg10[%dma_start3A_526, %dma_start3A_527] : memref<16x80xi32, #tpu.memory_space<vmem>> -> memref<1x80xi32, #tpu.memory_space<vmem>>
      %dma_start3A_529 = tpu.memref_squeeze %dma_start3A_528 : memref<1x80xi32, #tpu.memory_space<vmem>> -> memref<80xi32, #tpu.memory_space<vmem>>
      %dma_start3A_530 = arith.constant 0 : i32
      %dma_start3A_531 = arith.constant 0 : i32
      %dma_start3A_532 = tpu.memref_slice %arg8[%dma_start3A_530, %dma_start3A_531] : memref<10240x128xf32, #tpu.memory_space<vmem_shared>> -> memref<10240x128xf32, #tpu.memory_space<vmem_shared>>
      tpu.enqueue_indirect_dma source(%arg13 : memref<80x128xf32, #tpu.memory_space<vmem>>) target(%dma_start3A_532 : memref<10240x128xf32, #tpu.memory_space<vmem_shared>>) offsets(%dma_start3A_529 : memref<80xi32, #tpu.memory_space<vmem>>) semaphore(%arg17 : memref<!tpu.dma_semaphore, #tpu.memory_space<semaphore_mem>>) {add = true}
      %dma_wait3A_533 = arith.constant 9 : i32
      %dma_wait3A_534 = arith.constant 0 : i32
      %dma_wait3A_535 = tpu.memref_slice %arg10[%dma_wait3A_533, %dma_wait3A_534] : memref<16x80xi32, #tpu.memory_space<vmem>> -> memref<1x80xi32, #tpu.memory_space<vmem>>
      %dma_wait3A_536 = tpu.memref_squeeze %dma_wait3A_535 : memref<1x80xi32, #tpu.memory_space<vmem>> -> memref<80xi32, #tpu.memory_space<vmem>>
      %dma_wait3A_537 = arith.constant 0 : i32
      %dma_wait3A_538 = arith.constant 0 : i32
      %dma_wait3A_539 = tpu.memref_slice %arg8[%dma_wait3A_537, %dma_wait3A_538] : memref<10240x128xf32, #tpu.memory_space<vmem_shared>> -> memref<10240x128xf32, #tpu.memory_space<vmem_shared>>
      tpu.wait_indirect_dma semaphore(%arg17 : memref<!tpu.dma_semaphore, #tpu.memory_space<semaphore_mem>>) src(%arg13 : memref<80x128xf32, #tpu.memory_space<vmem>>) dst(%dma_wait3A_539 : memref<10240x128xf32, #tpu.memory_space<vmem_shared>>)
      %dma_start3A_540 = arith.constant 11 : i32
      %dma_start3A_541 = arith.constant 0 : i32
      %dma_start3A_542 = tpu.memref_slice %arg9[%dma_start3A_540, %dma_start3A_541] : memref<16x80xi32, #tpu.memory_space<vmem>> -> memref<1x80xi32, #tpu.memory_space<vmem>>
      %dma_start3A_543 = tpu.memref_squeeze %dma_start3A_542 : memref<1x80xi32, #tpu.memory_space<vmem>> -> memref<80xi32, #tpu.memory_space<vmem>>
      %dma_start3A_544 = arith.constant 0 : i32
      %dma_start3A_545 = arith.constant 0 : i32
      %dma_start3A_546 = tpu.memref_slice %arg2[%dma_start3A_544, %dma_start3A_545] : memref<10240x128xf32, #tpu.memory_space<hbm>> -> memref<10240x128xf32, #tpu.memory_space<hbm>>
      tpu.enqueue_indirect_dma source(%dma_start3A_546 : memref<10240x128xf32, #tpu.memory_space<hbm>>) target(%arg13 : memref<80x128xf32, #tpu.memory_space<vmem>>) offsets(%dma_start3A_543 : memref<80xi32, #tpu.memory_space<vmem>>) semaphore(%arg15 : memref<!tpu.dma_semaphore, #tpu.memory_space<semaphore_mem>>)
      %dma_wait3A_547 = arith.constant 10 : i32
      %dma_wait3A_548 = arith.constant 0 : i32
      %dma_wait3A_549 = tpu.memref_slice %arg9[%dma_wait3A_547, %dma_wait3A_548] : memref<16x80xi32, #tpu.memory_space<vmem>> -> memref<1x80xi32, #tpu.memory_space<vmem>>
      %dma_wait3A_550 = tpu.memref_squeeze %dma_wait3A_549 : memref<1x80xi32, #tpu.memory_space<vmem>> -> memref<80xi32, #tpu.memory_space<vmem>>
      %dma_wait3A_551 = arith.constant 0 : i32
      %dma_wait3A_552 = arith.constant 0 : i32
      %dma_wait3A_553 = tpu.memref_slice %arg2[%dma_wait3A_551, %dma_wait3A_552] : memref<10240x128xf32, #tpu.memory_space<hbm>> -> memref<10240x128xf32, #tpu.memory_space<hbm>>
      tpu.wait_indirect_dma semaphore(%arg14 : memref<!tpu.dma_semaphore, #tpu.memory_space<semaphore_mem>>) src(%dma_wait3A_553 : memref<10240x128xf32, #tpu.memory_space<hbm>>) dst(%arg12 : memref<80x128xf32, #tpu.memory_space<vmem>>)
      %dma_start3A_554 = arith.constant 10 : i32
      %dma_start3A_555 = arith.constant 0 : i32
      %dma_start3A_556 = tpu.memref_slice %arg10[%dma_start3A_554, %dma_start3A_555] : memref<16x80xi32, #tpu.memory_space<vmem>> -> memref<1x80xi32, #tpu.memory_space<vmem>>
      %dma_start3A_557 = tpu.memref_squeeze %dma_start3A_556 : memref<1x80xi32, #tpu.memory_space<vmem>> -> memref<80xi32, #tpu.memory_space<vmem>>
      %dma_start3A_558 = arith.constant 0 : i32
      %dma_start3A_559 = arith.constant 0 : i32
      %dma_start3A_560 = tpu.memref_slice %arg8[%dma_start3A_558, %dma_start3A_559] : memref<10240x128xf32, #tpu.memory_space<vmem_shared>> -> memref<10240x128xf32, #tpu.memory_space<vmem_shared>>
      tpu.enqueue_indirect_dma source(%arg12 : memref<80x128xf32, #tpu.memory_space<vmem>>) target(%dma_start3A_560 : memref<10240x128xf32, #tpu.memory_space<vmem_shared>>) offsets(%dma_start3A_557 : memref<80xi32, #tpu.memory_space<vmem>>) semaphore(%arg16 : memref<!tpu.dma_semaphore, #tpu.memory_space<semaphore_mem>>) {add = true}
      %dma_wait3A_561 = arith.constant 10 : i32
      %dma_wait3A_562 = arith.constant 0 : i32
      %dma_wait3A_563 = tpu.memref_slice %arg10[%dma_wait3A_561, %dma_wait3A_562] : memref<16x80xi32, #tpu.memory_space<vmem>> -> memref<1x80xi32, #tpu.memory_space<vmem>>
      %dma_wait3A_564 = tpu.memref_squeeze %dma_wait3A_563 : memref<1x80xi32, #tpu.memory_space<vmem>> -> memref<80xi32, #tpu.memory_space<vmem>>
      %dma_wait3A_565 = arith.constant 0 : i32
      %dma_wait3A_566 = arith.constant 0 : i32
      %dma_wait3A_567 = tpu.memref_slice %arg8[%dma_wait3A_565, %dma_wait3A_566] : memref<10240x128xf32, #tpu.memory_space<vmem_shared>> -> memref<10240x128xf32, #tpu.memory_space<vmem_shared>>
      tpu.wait_indirect_dma semaphore(%arg16 : memref<!tpu.dma_semaphore, #tpu.memory_space<semaphore_mem>>) src(%arg12 : memref<80x128xf32, #tpu.memory_space<vmem>>) dst(%dma_wait3A_567 : memref<10240x128xf32, #tpu.memory_space<vmem_shared>>)
      %dma_start3A_568 = arith.constant 12 : i32
      %dma_start3A_569 = arith.constant 0 : i32
      %dma_start3A_570 = tpu.memref_slice %arg9[%dma_start3A_568, %dma_start3A_569] : memref<16x80xi32, #tpu.memory_space<vmem>> -> memref<1x80xi32, #tpu.memory_space<vmem>>
      %dma_start3A_571 = tpu.memref_squeeze %dma_start3A_570 : memref<1x80xi32, #tpu.memory_space<vmem>> -> memref<80xi32, #tpu.memory_space<vmem>>
      %dma_start3A_572 = arith.constant 0 : i32
      %dma_start3A_573 = arith.constant 0 : i32
      %dma_start3A_574 = tpu.memref_slice %arg2[%dma_start3A_572, %dma_start3A_573] : memref<10240x128xf32, #tpu.memory_space<hbm>> -> memref<10240x128xf32, #tpu.memory_space<hbm>>
      tpu.enqueue_indirect_dma source(%dma_start3A_574 : memref<10240x128xf32, #tpu.memory_space<hbm>>) target(%arg12 : memref<80x128xf32, #tpu.memory_space<vmem>>) offsets(%dma_start3A_571 : memref<80xi32, #tpu.memory_space<vmem>>) semaphore(%arg14 : memref<!tpu.dma_semaphore, #tpu.memory_space<semaphore_mem>>)
      %dma_wait3A_575 = arith.constant 11 : i32
      %dma_wait3A_576 = arith.constant 0 : i32
      %dma_wait3A_577 = tpu.memref_slice %arg9[%dma_wait3A_575, %dma_wait3A_576] : memref<16x80xi32, #tpu.memory_space<vmem>> -> memref<1x80xi32, #tpu.memory_space<vmem>>
      %dma_wait3A_578 = tpu.memref_squeeze %dma_wait3A_577 : memref<1x80xi32, #tpu.memory_space<vmem>> -> memref<80xi32, #tpu.memory_space<vmem>>
      %dma_wait3A_579 = arith.constant 0 : i32
      %dma_wait3A_580 = arith.constant 0 : i32
      %dma_wait3A_581 = tpu.memref_slice %arg2[%dma_wait3A_579, %dma_wait3A_580] : memref<10240x128xf32, #tpu.memory_space<hbm>> -> memref<10240x128xf32, #tpu.memory_space<hbm>>
      tpu.wait_indirect_dma semaphore(%arg15 : memref<!tpu.dma_semaphore, #tpu.memory_space<semaphore_mem>>) src(%dma_wait3A_581 : memref<10240x128xf32, #tpu.memory_space<hbm>>) dst(%arg13 : memref<80x128xf32, #tpu.memory_space<vmem>>)
      %dma_start3A_582 = arith.constant 11 : i32
      %dma_start3A_583 = arith.constant 0 : i32
      %dma_start3A_584 = tpu.memref_slice %arg10[%dma_start3A_582, %dma_start3A_583] : memref<16x80xi32, #tpu.memory_space<vmem>> -> memref<1x80xi32, #tpu.memory_space<vmem>>
      %dma_start3A_585 = tpu.memref_squeeze %dma_start3A_584 : memref<1x80xi32, #tpu.memory_space<vmem>> -> memref<80xi32, #tpu.memory_space<vmem>>
      %dma_start3A_586 = arith.constant 0 : i32
      %dma_start3A_587 = arith.constant 0 : i32
      %dma_start3A_588 = tpu.memref_slice %arg8[%dma_start3A_586, %dma_start3A_587] : memref<10240x128xf32, #tpu.memory_space<vmem_shared>> -> memref<10240x128xf32, #tpu.memory_space<vmem_shared>>
      tpu.enqueue_indirect_dma source(%arg13 : memref<80x128xf32, #tpu.memory_space<vmem>>) target(%dma_start3A_588 : memref<10240x128xf32, #tpu.memory_space<vmem_shared>>) offsets(%dma_start3A_585 : memref<80xi32, #tpu.memory_space<vmem>>) semaphore(%arg17 : memref<!tpu.dma_semaphore, #tpu.memory_space<semaphore_mem>>) {add = true}
      %dma_wait3A_589 = arith.constant 11 : i32
      %dma_wait3A_590 = arith.constant 0 : i32
      %dma_wait3A_591 = tpu.memref_slice %arg10[%dma_wait3A_589, %dma_wait3A_590] : memref<16x80xi32, #tpu.memory_space<vmem>> -> memref<1x80xi32, #tpu.memory_space<vmem>>
      %dma_wait3A_592 = tpu.memref_squeeze %dma_wait3A_591 : memref<1x80xi32, #tpu.memory_space<vmem>> -> memref<80xi32, #tpu.memory_space<vmem>>
      %dma_wait3A_593 = arith.constant 0 : i32
      %dma_wait3A_594 = arith.constant 0 : i32
      %dma_wait3A_595 = tpu.memref_slice %arg8[%dma_wait3A_593, %dma_wait3A_594] : memref<10240x128xf32, #tpu.memory_space<vmem_shared>> -> memref<10240x128xf32, #tpu.memory_space<vmem_shared>>
      tpu.wait_indirect_dma semaphore(%arg17 : memref<!tpu.dma_semaphore, #tpu.memory_space<semaphore_mem>>) src(%arg13 : memref<80x128xf32, #tpu.memory_space<vmem>>) dst(%dma_wait3A_595 : memref<10240x128xf32, #tpu.memory_space<vmem_shared>>)
      %dma_start3A_596 = arith.constant 13 : i32
      %dma_start3A_597 = arith.constant 0 : i32
      %dma_start3A_598 = tpu.memref_slice %arg9[%dma_start3A_596, %dma_start3A_597] : memref<16x80xi32, #tpu.memory_space<vmem>> -> memref<1x80xi32, #tpu.memory_space<vmem>>
      %dma_start3A_599 = tpu.memref_squeeze %dma_start3A_598 : memref<1x80xi32, #tpu.memory_space<vmem>> -> memref<80xi32, #tpu.memory_space<vmem>>
      %dma_start3A_600 = arith.constant 0 : i32
      %dma_start3A_601 = arith.constant 0 : i32
      %dma_start3A_602 = tpu.memref_slice %arg2[%dma_start3A_600, %dma_start3A_601] : memref<10240x128xf32, #tpu.memory_space<hbm>> -> memref<10240x128xf32, #tpu.memory_space<hbm>>
      tpu.enqueue_indirect_dma source(%dma_start3A_602 : memref<10240x128xf32, #tpu.memory_space<hbm>>) target(%arg13 : memref<80x128xf32, #tpu.memory_space<vmem>>) offsets(%dma_start3A_599 : memref<80xi32, #tpu.memory_space<vmem>>) semaphore(%arg15 : memref<!tpu.dma_semaphore, #tpu.memory_space<semaphore_mem>>)
      %dma_wait3A_603 = arith.constant 12 : i32
      %dma_wait3A_604 = arith.constant 0 : i32
      %dma_wait3A_605 = tpu.memref_slice %arg9[%dma_wait3A_603, %dma_wait3A_604] : memref<16x80xi32, #tpu.memory_space<vmem>> -> memref<1x80xi32, #tpu.memory_space<vmem>>
      %dma_wait3A_606 = tpu.memref_squeeze %dma_wait3A_605 : memref<1x80xi32, #tpu.memory_space<vmem>> -> memref<80xi32, #tpu.memory_space<vmem>>
      %dma_wait3A_607 = arith.constant 0 : i32
      %dma_wait3A_608 = arith.constant 0 : i32
      %dma_wait3A_609 = tpu.memref_slice %arg2[%dma_wait3A_607, %dma_wait3A_608] : memref<10240x128xf32, #tpu.memory_space<hbm>> -> memref<10240x128xf32, #tpu.memory_space<hbm>>
      tpu.wait_indirect_dma semaphore(%arg14 : memref<!tpu.dma_semaphore, #tpu.memory_space<semaphore_mem>>) src(%dma_wait3A_609 : memref<10240x128xf32, #tpu.memory_space<hbm>>) dst(%arg12 : memref<80x128xf32, #tpu.memory_space<vmem>>)
      %dma_start3A_610 = arith.constant 12 : i32
      %dma_start3A_611 = arith.constant 0 : i32
      %dma_start3A_612 = tpu.memref_slice %arg10[%dma_start3A_610, %dma_start3A_611] : memref<16x80xi32, #tpu.memory_space<vmem>> -> memref<1x80xi32, #tpu.memory_space<vmem>>
      %dma_start3A_613 = tpu.memref_squeeze %dma_start3A_612 : memref<1x80xi32, #tpu.memory_space<vmem>> -> memref<80xi32, #tpu.memory_space<vmem>>
      %dma_start3A_614 = arith.constant 0 : i32
      %dma_start3A_615 = arith.constant 0 : i32
      %dma_start3A_616 = tpu.memref_slice %arg8[%dma_start3A_614, %dma_start3A_615] : memref<10240x128xf32, #tpu.memory_space<vmem_shared>> -> memref<10240x128xf32, #tpu.memory_space<vmem_shared>>
      tpu.enqueue_indirect_dma source(%arg12 : memref<80x128xf32, #tpu.memory_space<vmem>>) target(%dma_start3A_616 : memref<10240x128xf32, #tpu.memory_space<vmem_shared>>) offsets(%dma_start3A_613 : memref<80xi32, #tpu.memory_space<vmem>>) semaphore(%arg16 : memref<!tpu.dma_semaphore, #tpu.memory_space<semaphore_mem>>) {add = true}
      %dma_wait3A_617 = arith.constant 12 : i32
      %dma_wait3A_618 = arith.constant 0 : i32
      %dma_wait3A_619 = tpu.memref_slice %arg10[%dma_wait3A_617, %dma_wait3A_618] : memref<16x80xi32, #tpu.memory_space<vmem>> -> memref<1x80xi32, #tpu.memory_space<vmem>>
      %dma_wait3A_620 = tpu.memref_squeeze %dma_wait3A_619 : memref<1x80xi32, #tpu.memory_space<vmem>> -> memref<80xi32, #tpu.memory_space<vmem>>
      %dma_wait3A_621 = arith.constant 0 : i32
      %dma_wait3A_622 = arith.constant 0 : i32
      %dma_wait3A_623 = tpu.memref_slice %arg8[%dma_wait3A_621, %dma_wait3A_622] : memref<10240x128xf32, #tpu.memory_space<vmem_shared>> -> memref<10240x128xf32, #tpu.memory_space<vmem_shared>>
      tpu.wait_indirect_dma semaphore(%arg16 : memref<!tpu.dma_semaphore, #tpu.memory_space<semaphore_mem>>) src(%arg12 : memref<80x128xf32, #tpu.memory_space<vmem>>) dst(%dma_wait3A_623 : memref<10240x128xf32, #tpu.memory_space<vmem_shared>>)
      %dma_start3A_624 = arith.constant 14 : i32
      %dma_start3A_625 = arith.constant 0 : i32
      %dma_start3A_626 = tpu.memref_slice %arg9[%dma_start3A_624, %dma_start3A_625] : memref<16x80xi32, #tpu.memory_space<vmem>> -> memref<1x80xi32, #tpu.memory_space<vmem>>
      %dma_start3A_627 = tpu.memref_squeeze %dma_start3A_626 : memref<1x80xi32, #tpu.memory_space<vmem>> -> memref<80xi32, #tpu.memory_space<vmem>>
      %dma_start3A_628 = arith.constant 0 : i32
      %dma_start3A_629 = arith.constant 0 : i32
      %dma_start3A_630 = tpu.memref_slice %arg2[%dma_start3A_628, %dma_start3A_629] : memref<10240x128xf32, #tpu.memory_space<hbm>> -> memref<10240x128xf32, #tpu.memory_space<hbm>>
      tpu.enqueue_indirect_dma source(%dma_start3A_630 : memref<10240x128xf32, #tpu.memory_space<hbm>>) target(%arg12 : memref<80x128xf32, #tpu.memory_space<vmem>>) offsets(%dma_start3A_627 : memref<80xi32, #tpu.memory_space<vmem>>) semaphore(%arg14 : memref<!tpu.dma_semaphore, #tpu.memory_space<semaphore_mem>>)
      %dma_wait3A_631 = arith.constant 13 : i32
      %dma_wait3A_632 = arith.constant 0 : i32
      %dma_wait3A_633 = tpu.memref_slice %arg9[%dma_wait3A_631, %dma_wait3A_632] : memref<16x80xi32, #tpu.memory_space<vmem>> -> memref<1x80xi32, #tpu.memory_space<vmem>>
      %dma_wait3A_634 = tpu.memref_squeeze %dma_wait3A_633 : memref<1x80xi32, #tpu.memory_space<vmem>> -> memref<80xi32, #tpu.memory_space<vmem>>
      %dma_wait3A_635 = arith.constant 0 : i32
      %dma_wait3A_636 = arith.constant 0 : i32
      %dma_wait3A_637 = tpu.memref_slice %arg2[%dma_wait3A_635, %dma_wait3A_636] : memref<10240x128xf32, #tpu.memory_space<hbm>> -> memref<10240x128xf32, #tpu.memory_space<hbm>>
      tpu.wait_indirect_dma semaphore(%arg15 : memref<!tpu.dma_semaphore, #tpu.memory_space<semaphore_mem>>) src(%dma_wait3A_637 : memref<10240x128xf32, #tpu.memory_space<hbm>>) dst(%arg13 : memref<80x128xf32, #tpu.memory_space<vmem>>)
      %dma_start3A_638 = arith.constant 13 : i32
      %dma_start3A_639 = arith.constant 0 : i32
      %dma_start3A_640 = tpu.memref_slice %arg10[%dma_start3A_638, %dma_start3A_639] : memref<16x80xi32, #tpu.memory_space<vmem>> -> memref<1x80xi32, #tpu.memory_space<vmem>>
      %dma_start3A_641 = tpu.memref_squeeze %dma_start3A_640 : memref<1x80xi32, #tpu.memory_space<vmem>> -> memref<80xi32, #tpu.memory_space<vmem>>
      %dma_start3A_642 = arith.constant 0 : i32
      %dma_start3A_643 = arith.constant 0 : i32
      %dma_start3A_644 = tpu.memref_slice %arg8[%dma_start3A_642, %dma_start3A_643] : memref<10240x128xf32, #tpu.memory_space<vmem_shared>> -> memref<10240x128xf32, #tpu.memory_space<vmem_shared>>
      tpu.enqueue_indirect_dma source(%arg13 : memref<80x128xf32, #tpu.memory_space<vmem>>) target(%dma_start3A_644 : memref<10240x128xf32, #tpu.memory_space<vmem_shared>>) offsets(%dma_start3A_641 : memref<80xi32, #tpu.memory_space<vmem>>) semaphore(%arg17 : memref<!tpu.dma_semaphore, #tpu.memory_space<semaphore_mem>>) {add = true}
      %dma_wait3A_645 = arith.constant 13 : i32
      %dma_wait3A_646 = arith.constant 0 : i32
      %dma_wait3A_647 = tpu.memref_slice %arg10[%dma_wait3A_645, %dma_wait3A_646] : memref<16x80xi32, #tpu.memory_space<vmem>> -> memref<1x80xi32, #tpu.memory_space<vmem>>
      %dma_wait3A_648 = tpu.memref_squeeze %dma_wait3A_647 : memref<1x80xi32, #tpu.memory_space<vmem>> -> memref<80xi32, #tpu.memory_space<vmem>>
      %dma_wait3A_649 = arith.constant 0 : i32
      %dma_wait3A_650 = arith.constant 0 : i32
      %dma_wait3A_651 = tpu.memref_slice %arg8[%dma_wait3A_649, %dma_wait3A_650] : memref<10240x128xf32, #tpu.memory_space<vmem_shared>> -> memref<10240x128xf32, #tpu.memory_space<vmem_shared>>
      tpu.wait_indirect_dma semaphore(%arg17 : memref<!tpu.dma_semaphore, #tpu.memory_space<semaphore_mem>>) src(%arg13 : memref<80x128xf32, #tpu.memory_space<vmem>>) dst(%dma_wait3A_651 : memref<10240x128xf32, #tpu.memory_space<vmem_shared>>)
      %dma_start3A_652 = arith.constant 15 : i32
      %dma_start3A_653 = arith.constant 0 : i32
      %dma_start3A_654 = tpu.memref_slice %arg9[%dma_start3A_652, %dma_start3A_653] : memref<16x80xi32, #tpu.memory_space<vmem>> -> memref<1x80xi32, #tpu.memory_space<vmem>>
      %dma_start3A_655 = tpu.memref_squeeze %dma_start3A_654 : memref<1x80xi32, #tpu.memory_space<vmem>> -> memref<80xi32, #tpu.memory_space<vmem>>
      %dma_start3A_656 = arith.constant 0 : i32
      %dma_start3A_657 = arith.constant 0 : i32
      %dma_start3A_658 = tpu.memref_slice %arg2[%dma_start3A_656, %dma_start3A_657] : memref<10240x128xf32, #tpu.memory_space<hbm>> -> memref<10240x128xf32, #tpu.memory_space<hbm>>
      tpu.enqueue_indirect_dma source(%dma_start3A_658 : memref<10240x128xf32, #tpu.memory_space<hbm>>) target(%arg13 : memref<80x128xf32, #tpu.memory_space<vmem>>) offsets(%dma_start3A_655 : memref<80xi32, #tpu.memory_space<vmem>>) semaphore(%arg15 : memref<!tpu.dma_semaphore, #tpu.memory_space<semaphore_mem>>)
      %dma_wait3A_659 = arith.constant 14 : i32
      %dma_wait3A_660 = arith.constant 0 : i32
      %dma_wait3A_661 = tpu.memref_slice %arg9[%dma_wait3A_659, %dma_wait3A_660] : memref<16x80xi32, #tpu.memory_space<vmem>> -> memref<1x80xi32, #tpu.memory_space<vmem>>
      %dma_wait3A_662 = tpu.memref_squeeze %dma_wait3A_661 : memref<1x80xi32, #tpu.memory_space<vmem>> -> memref<80xi32, #tpu.memory_space<vmem>>
      %dma_wait3A_663 = arith.constant 0 : i32
      %dma_wait3A_664 = arith.constant 0 : i32
      %dma_wait3A_665 = tpu.memref_slice %arg2[%dma_wait3A_663, %dma_wait3A_664] : memref<10240x128xf32, #tpu.memory_space<hbm>> -> memref<10240x128xf32, #tpu.memory_space<hbm>>
      tpu.wait_indirect_dma semaphore(%arg14 : memref<!tpu.dma_semaphore, #tpu.memory_space<semaphore_mem>>) src(%dma_wait3A_665 : memref<10240x128xf32, #tpu.memory_space<hbm>>) dst(%arg12 : memref<80x128xf32, #tpu.memory_space<vmem>>)
      %dma_start3A_666 = arith.constant 14 : i32
      %dma_start3A_667 = arith.constant 0 : i32
      %dma_start3A_668 = tpu.memref_slice %arg10[%dma_start3A_666, %dma_start3A_667] : memref<16x80xi32, #tpu.memory_space<vmem>> -> memref<1x80xi32, #tpu.memory_space<vmem>>
      %dma_start3A_669 = tpu.memref_squeeze %dma_start3A_668 : memref<1x80xi32, #tpu.memory_space<vmem>> -> memref<80xi32, #tpu.memory_space<vmem>>
      %dma_start3A_670 = arith.constant 0 : i32
      %dma_start3A_671 = arith.constant 0 : i32
      %dma_start3A_672 = tpu.memref_slice %arg8[%dma_start3A_670, %dma_start3A_671] : memref<10240x128xf32, #tpu.memory_space<vmem_shared>> -> memref<10240x128xf32, #tpu.memory_space<vmem_shared>>
      tpu.enqueue_indirect_dma source(%arg12 : memref<80x128xf32, #tpu.memory_space<vmem>>) target(%dma_start3A_672 : memref<10240x128xf32, #tpu.memory_space<vmem_shared>>) offsets(%dma_start3A_669 : memref<80xi32, #tpu.memory_space<vmem>>) semaphore(%arg16 : memref<!tpu.dma_semaphore, #tpu.memory_space<semaphore_mem>>) {add = true}
      %dma_wait3A_673 = arith.constant 15 : i32
      %dma_wait3A_674 = arith.constant 0 : i32
      %dma_wait3A_675 = tpu.memref_slice %arg9[%dma_wait3A_673, %dma_wait3A_674] : memref<16x80xi32, #tpu.memory_space<vmem>> -> memref<1x80xi32, #tpu.memory_space<vmem>>
      %dma_wait3A_676 = tpu.memref_squeeze %dma_wait3A_675 : memref<1x80xi32, #tpu.memory_space<vmem>> -> memref<80xi32, #tpu.memory_space<vmem>>
      %dma_wait3A_677 = arith.constant 0 : i32
      %dma_wait3A_678 = arith.constant 0 : i32
      %dma_wait3A_679 = tpu.memref_slice %arg2[%dma_wait3A_677, %dma_wait3A_678] : memref<10240x128xf32, #tpu.memory_space<hbm>> -> memref<10240x128xf32, #tpu.memory_space<hbm>>
      tpu.wait_indirect_dma semaphore(%arg15 : memref<!tpu.dma_semaphore, #tpu.memory_space<semaphore_mem>>) src(%dma_wait3A_679 : memref<10240x128xf32, #tpu.memory_space<hbm>>) dst(%arg13 : memref<80x128xf32, #tpu.memory_space<vmem>>)
      %dma_start3A_680 = arith.constant 15 : i32
      %dma_start3A_681 = arith.constant 0 : i32
      %dma_start3A_682 = tpu.memref_slice %arg10[%dma_start3A_680, %dma_start3A_681] : memref<16x80xi32, #tpu.memory_space<vmem>> -> memref<1x80xi32, #tpu.memory_space<vmem>>
      %dma_start3A_683 = tpu.memref_squeeze %dma_start3A_682 : memref<1x80xi32, #tpu.memory_space<vmem>> -> memref<80xi32, #tpu.memory_space<vmem>>
      %dma_start3A_684 = arith.constant 0 : i32
      %dma_start3A_685 = arith.constant 0 : i32
      %dma_start3A_686 = tpu.memref_slice %arg8[%dma_start3A_684, %dma_start3A_685] : memref<10240x128xf32, #tpu.memory_space<vmem_shared>> -> memref<10240x128xf32, #tpu.memory_space<vmem_shared>>
      tpu.enqueue_indirect_dma source(%arg13 : memref<80x128xf32, #tpu.memory_space<vmem>>) target(%dma_start3A_686 : memref<10240x128xf32, #tpu.memory_space<vmem_shared>>) offsets(%dma_start3A_683 : memref<80xi32, #tpu.memory_space<vmem>>) semaphore(%arg17 : memref<!tpu.dma_semaphore, #tpu.memory_space<semaphore_mem>>) {add = true}
      %dma_wait3A_687 = arith.constant 14 : i32
      %dma_wait3A_688 = arith.constant 0 : i32
      %dma_wait3A_689 = tpu.memref_slice %arg10[%dma_wait3A_687, %dma_wait3A_688] : memref<16x80xi32, #tpu.memory_space<vmem>> -> memref<1x80xi32, #tpu.memory_space<vmem>>
      %dma_wait3A_690 = tpu.memref_squeeze %dma_wait3A_689 : memref<1x80xi32, #tpu.memory_space<vmem>> -> memref<80xi32, #tpu.memory_space<vmem>>
      %dma_wait3A_691 = arith.constant 0 : i32
      %dma_wait3A_692 = arith.constant 0 : i32
      %dma_wait3A_693 = tpu.memref_slice %arg8[%dma_wait3A_691, %dma_wait3A_692] : memref<10240x128xf32, #tpu.memory_space<vmem_shared>> -> memref<10240x128xf32, #tpu.memory_space<vmem_shared>>
      tpu.wait_indirect_dma semaphore(%arg16 : memref<!tpu.dma_semaphore, #tpu.memory_space<semaphore_mem>>) src(%arg12 : memref<80x128xf32, #tpu.memory_space<vmem>>) dst(%dma_wait3A_693 : memref<10240x128xf32, #tpu.memory_space<vmem_shared>>)
      %dma_wait3A_694 = arith.constant 15 : i32
      %dma_wait3A_695 = arith.constant 0 : i32
      %dma_wait3A_696 = tpu.memref_slice %arg10[%dma_wait3A_694, %dma_wait3A_695] : memref<16x80xi32, #tpu.memory_space<vmem>> -> memref<1x80xi32, #tpu.memory_space<vmem>>
      %dma_wait3A_697 = tpu.memref_squeeze %dma_wait3A_696 : memref<1x80xi32, #tpu.memory_space<vmem>> -> memref<80xi32, #tpu.memory_space<vmem>>
      %dma_wait3A_698 = arith.constant 0 : i32
      %dma_wait3A_699 = arith.constant 0 : i32
      %dma_wait3A_700 = tpu.memref_slice %arg8[%dma_wait3A_698, %dma_wait3A_699] : memref<10240x128xf32, #tpu.memory_space<vmem_shared>> -> memref<10240x128xf32, #tpu.memory_space<vmem_shared>>
      tpu.wait_indirect_dma semaphore(%arg17 : memref<!tpu.dma_semaphore, #tpu.memory_space<semaphore_mem>>) src(%arg13 : memref<80x128xf32, #tpu.memory_space<vmem>>) dst(%dma_wait3A_700 : memref<10240x128xf32, #tpu.memory_space<vmem_shared>>)
    }
    %barrier3A_123 = arith.constant 0 : index
    tpu.barrier barrier_id(%barrier3A_123)
    %dma_start3A_124 = arith.constant 0 : i32
    %dma_start3A_125 = arith.constant 0 : i32
    %dma_start3A_126 = tpu.memref_slice %arg11[%dma_start3A_124, %dma_start3A_125] : memref<8x80xi32, #tpu.memory_space<vmem>> -> memref<1x80xi32, #tpu.memory_space<vmem>>
    %dma_start3A_127 = tpu.memref_squeeze %dma_start3A_126 : memref<1x80xi32, #tpu.memory_space<vmem>> -> memref<80xi32, #tpu.memory_space<vmem>>
    %dma_start3A_128 = arith.constant 0 : i32
    %dma_start3A_129 = arith.constant 0 : i32
    %dma_start3A_130 = tpu.memref_slice %arg8[%dma_start3A_128, %dma_start3A_129] : memref<10240x128xf32, #tpu.memory_space<vmem_shared>> -> memref<10240x128xf32, #tpu.memory_space<vmem_shared>>
    tpu.enqueue_indirect_dma source(%dma_start3A_130 : memref<10240x128xf32, #tpu.memory_space<vmem_shared>>) target(%arg12 : memref<80x128xf32, #tpu.memory_space<vmem>>) offsets(%dma_start3A_127 : memref<80xi32, #tpu.memory_space<vmem>>) semaphore(%arg14 : memref<!tpu.dma_semaphore, #tpu.memory_space<semaphore_mem>>)
    %dma_start3A_131 = arith.constant 1 : i32
    %dma_start3A_132 = arith.constant 0 : i32
    %dma_start3A_133 = tpu.memref_slice %arg11[%dma_start3A_131, %dma_start3A_132] : memref<8x80xi32, #tpu.memory_space<vmem>> -> memref<1x80xi32, #tpu.memory_space<vmem>>
    %dma_start3A_134 = tpu.memref_squeeze %dma_start3A_133 : memref<1x80xi32, #tpu.memory_space<vmem>> -> memref<80xi32, #tpu.memory_space<vmem>>
    %dma_start3A_135 = arith.constant 0 : i32
    %dma_start3A_136 = arith.constant 0 : i32
    %dma_start3A_137 = tpu.memref_slice %arg8[%dma_start3A_135, %dma_start3A_136] : memref<10240x128xf32, #tpu.memory_space<vmem_shared>> -> memref<10240x128xf32, #tpu.memory_space<vmem_shared>>
    tpu.enqueue_indirect_dma source(%dma_start3A_137 : memref<10240x128xf32, #tpu.memory_space<vmem_shared>>) target(%arg13 : memref<80x128xf32, #tpu.memory_space<vmem>>) offsets(%dma_start3A_134 : memref<80xi32, #tpu.memory_space<vmem>>) semaphore(%arg15 : memref<!tpu.dma_semaphore, #tpu.memory_space<semaphore_mem>>)
    %dma_wait3A_138 = arith.constant 0 : i32
    %dma_wait3A_139 = arith.constant 0 : i32
    %dma_wait3A_140 = tpu.memref_slice %arg11[%dma_wait3A_138, %dma_wait3A_139] : memref<8x80xi32, #tpu.memory_space<vmem>> -> memref<1x80xi32, #tpu.memory_space<vmem>>
    %dma_wait3A_141 = tpu.memref_squeeze %dma_wait3A_140 : memref<1x80xi32, #tpu.memory_space<vmem>> -> memref<80xi32, #tpu.memory_space<vmem>>
    %dma_wait3A_142 = arith.constant 0 : i32
    %dma_wait3A_143 = arith.constant 0 : i32
    %dma_wait3A_144 = tpu.memref_slice %arg8[%dma_wait3A_142, %dma_wait3A_143] : memref<10240x128xf32, #tpu.memory_space<vmem_shared>> -> memref<10240x128xf32, #tpu.memory_space<vmem_shared>>
    tpu.wait_indirect_dma semaphore(%arg14 : memref<!tpu.dma_semaphore, #tpu.memory_space<semaphore_mem>>) src(%dma_wait3A_144 : memref<10240x128xf32, #tpu.memory_space<vmem_shared>>) dst(%arg12 : memref<80x128xf32, #tpu.memory_space<vmem>>)
    %add3A_145 = arith.constant 0 : i32
    %add3A_146 = arith.addi %mul3A_2, %add3A_145 : i32
    "tpu.region"() ({
      %run_scoped3A = tpu.sem_alloc : memref<!tpu.dma_semaphore, #tpu.memory_space<semaphore_mem>>
      %dma_start3A_252 = arith.constant 0 : i32
      %dma_start3A_253 = tpu.memref_slice %arg7[%arg0, %add3A_146, %dma_start3A_252] : memref<2x10240x128xf32, #tpu.memory_space<hbm>> -> memref<1x80x128xf32, #tpu.memory_space<hbm>>
      %dma_start3A_254 = tpu.memref_squeeze %dma_start3A_253 : memref<1x80x128xf32, #tpu.memory_space<hbm>> -> memref<80x128xf32, #tpu.memory_space<hbm>>
      %dma_start3A_255 = arith.constant 0 : i32
      %dma_start3A_256 = tpu.memref_slice %arg7[%arg0, %add3A_146, %dma_start3A_255] : memref<2x10240x128xf32, #tpu.memory_space<hbm>> -> memref<1x80x128xf32, #tpu.memory_space<hbm>>
      %dma_start3A_257 = tpu.memref_squeeze %dma_start3A_256 : memref<1x80x128xf32, #tpu.memory_space<hbm>> -> memref<80x128xf32, #tpu.memory_space<hbm>>
      tpu.enqueue_dma source(%arg12 : memref<80x128xf32, #tpu.memory_space<vmem>>) target(%dma_start3A_257 : memref<80x128xf32, #tpu.memory_space<hbm>>) target_semaphore(%run_scoped3A : memref<!tpu.dma_semaphore, #tpu.memory_space<semaphore_mem>>)
      %dma_wait3A_258 = arith.constant 0 : i32
      %dma_wait3A_259 = tpu.memref_slice %arg7[%arg0, %add3A_146, %dma_wait3A_258] : memref<2x10240x128xf32, #tpu.memory_space<hbm>> -> memref<1x80x128xf32, #tpu.memory_space<hbm>>
      %dma_wait3A_260 = tpu.memref_squeeze %dma_wait3A_259 : memref<1x80x128xf32, #tpu.memory_space<hbm>> -> memref<80x128xf32, #tpu.memory_space<hbm>>
      %dma_wait3A_261 = arith.constant 0 : i32
      %dma_wait3A_262 = tpu.memref_slice %arg7[%arg0, %add3A_146, %dma_wait3A_261] : memref<2x10240x128xf32, #tpu.memory_space<hbm>> -> memref<1x80x128xf32, #tpu.memory_space<hbm>>
      %dma_wait3A_263 = tpu.memref_squeeze %dma_wait3A_262 : memref<1x80x128xf32, #tpu.memory_space<hbm>> -> memref<80x128xf32, #tpu.memory_space<hbm>>
      tpu.wait_dma2 semaphore(%run_scoped3A : memref<!tpu.dma_semaphore, #tpu.memory_space<semaphore_mem>>) src(%arg12 : memref<80x128xf32, #tpu.memory_space<vmem>>) dst(%dma_wait3A_263 : memref<80x128xf32, #tpu.memory_space<hbm>>)
      tpu.yield
    }) : () -> ()
    %dma_start3A_147 = arith.constant 2 : i32
    %dma_start3A_148 = arith.constant 0 : i32
    %dma_start3A_149 = tpu.memref_slice %arg11[%dma_start3A_147, %dma_start3A_148] : memref<8x80xi32, #tpu.memory_space<vmem>> -> memref<1x80xi32, #tpu.memory_space<vmem>>
    %dma_start3A_150 = tpu.memref_squeeze %dma_start3A_149 : memref<1x80xi32, #tpu.memory_space<vmem>> -> memref<80xi32, #tpu.memory_space<vmem>>
    %dma_start3A_151 = arith.constant 0 : i32
    %dma_start3A_152 = arith.constant 0 : i32
    %dma_start3A_153 = tpu.memref_slice %arg8[%dma_start3A_151, %dma_start3A_152] : memref<10240x128xf32, #tpu.memory_space<vmem_shared>> -> memref<10240x128xf32, #tpu.memory_space<vmem_shared>>
    tpu.enqueue_indirect_dma source(%dma_start3A_153 : memref<10240x128xf32, #tpu.memory_space<vmem_shared>>) target(%arg12 : memref<80x128xf32, #tpu.memory_space<vmem>>) offsets(%dma_start3A_150 : memref<80xi32, #tpu.memory_space<vmem>>) semaphore(%arg14 : memref<!tpu.dma_semaphore, #tpu.memory_space<semaphore_mem>>)
    %dma_wait3A_154 = arith.constant 1 : i32
    %dma_wait3A_155 = arith.constant 0 : i32
    %dma_wait3A_156 = tpu.memref_slice %arg11[%dma_wait3A_154, %dma_wait3A_155] : memref<8x80xi32, #tpu.memory_space<vmem>> -> memref<1x80xi32, #tpu.memory_space<vmem>>
    %dma_wait3A_157 = tpu.memref_squeeze %dma_wait3A_156 : memref<1x80xi32, #tpu.memory_space<vmem>> -> memref<80xi32, #tpu.memory_space<vmem>>
    %dma_wait3A_158 = arith.constant 0 : i32
    %dma_wait3A_159 = arith.constant 0 : i32
    %dma_wait3A_160 = tpu.memref_slice %arg8[%dma_wait3A_158, %dma_wait3A_159] : memref<10240x128xf32, #tpu.memory_space<vmem_shared>> -> memref<10240x128xf32, #tpu.memory_space<vmem_shared>>
    tpu.wait_indirect_dma semaphore(%arg15 : memref<!tpu.dma_semaphore, #tpu.memory_space<semaphore_mem>>) src(%dma_wait3A_160 : memref<10240x128xf32, #tpu.memory_space<vmem_shared>>) dst(%arg13 : memref<80x128xf32, #tpu.memory_space<vmem>>)
    %add3A_161 = arith.constant 80 : i32
    %add3A_162 = arith.addi %mul3A_2, %add3A_161 : i32
    "tpu.region"() ({
      %run_scoped3A = tpu.sem_alloc : memref<!tpu.dma_semaphore, #tpu.memory_space<semaphore_mem>>
      %dma_start3A_252 = arith.constant 0 : i32
      %dma_start3A_253 = tpu.memref_slice %arg7[%arg0, %add3A_162, %dma_start3A_252] : memref<2x10240x128xf32, #tpu.memory_space<hbm>> -> memref<1x80x128xf32, #tpu.memory_space<hbm>>
      %dma_start3A_254 = tpu.memref_squeeze %dma_start3A_253 : memref<1x80x128xf32, #tpu.memory_space<hbm>> -> memref<80x128xf32, #tpu.memory_space<hbm>>
      %dma_start3A_255 = arith.constant 0 : i32
      %dma_start3A_256 = tpu.memref_slice %arg7[%arg0, %add3A_162, %dma_start3A_255] : memref<2x10240x128xf32, #tpu.memory_space<hbm>> -> memref<1x80x128xf32, #tpu.memory_space<hbm>>
      %dma_start3A_257 = tpu.memref_squeeze %dma_start3A_256 : memref<1x80x128xf32, #tpu.memory_space<hbm>> -> memref<80x128xf32, #tpu.memory_space<hbm>>
      tpu.enqueue_dma source(%arg13 : memref<80x128xf32, #tpu.memory_space<vmem>>) target(%dma_start3A_257 : memref<80x128xf32, #tpu.memory_space<hbm>>) target_semaphore(%run_scoped3A : memref<!tpu.dma_semaphore, #tpu.memory_space<semaphore_mem>>)
      %dma_wait3A_258 = arith.constant 0 : i32
      %dma_wait3A_259 = tpu.memref_slice %arg7[%arg0, %add3A_162, %dma_wait3A_258] : memref<2x10240x128xf32, #tpu.memory_space<hbm>> -> memref<1x80x128xf32, #tpu.memory_space<hbm>>
      %dma_wait3A_260 = tpu.memref_squeeze %dma_wait3A_259 : memref<1x80x128xf32, #tpu.memory_space<hbm>> -> memref<80x128xf32, #tpu.memory_space<hbm>>
      %dma_wait3A_261 = arith.constant 0 : i32
      %dma_wait3A_262 = tpu.memref_slice %arg7[%arg0, %add3A_162, %dma_wait3A_261] : memref<2x10240x128xf32, #tpu.memory_space<hbm>> -> memref<1x80x128xf32, #tpu.memory_space<hbm>>
      %dma_wait3A_263 = tpu.memref_squeeze %dma_wait3A_262 : memref<1x80x128xf32, #tpu.memory_space<hbm>> -> memref<80x128xf32, #tpu.memory_space<hbm>>
      tpu.wait_dma2 semaphore(%run_scoped3A : memref<!tpu.dma_semaphore, #tpu.memory_space<semaphore_mem>>) src(%arg13 : memref<80x128xf32, #tpu.memory_space<vmem>>) dst(%dma_wait3A_263 : memref<80x128xf32, #tpu.memory_space<hbm>>)
      tpu.yield
    }) : () -> ()
    %dma_start3A_163 = arith.constant 3 : i32
    %dma_start3A_164 = arith.constant 0 : i32
    %dma_start3A_165 = tpu.memref_slice %arg11[%dma_start3A_163, %dma_start3A_164] : memref<8x80xi32, #tpu.memory_space<vmem>> -> memref<1x80xi32, #tpu.memory_space<vmem>>
    %dma_start3A_166 = tpu.memref_squeeze %dma_start3A_165 : memref<1x80xi32, #tpu.memory_space<vmem>> -> memref<80xi32, #tpu.memory_space<vmem>>
    %dma_start3A_167 = arith.constant 0 : i32
    %dma_start3A_168 = arith.constant 0 : i32
    %dma_start3A_169 = tpu.memref_slice %arg8[%dma_start3A_167, %dma_start3A_168] : memref<10240x128xf32, #tpu.memory_space<vmem_shared>> -> memref<10240x128xf32, #tpu.memory_space<vmem_shared>>
    tpu.enqueue_indirect_dma source(%dma_start3A_169 : memref<10240x128xf32, #tpu.memory_space<vmem_shared>>) target(%arg13 : memref<80x128xf32, #tpu.memory_space<vmem>>) offsets(%dma_start3A_166 : memref<80xi32, #tpu.memory_space<vmem>>) semaphore(%arg15 : memref<!tpu.dma_semaphore, #tpu.memory_space<semaphore_mem>>)
    %dma_wait3A_170 = arith.constant 2 : i32
    %dma_wait3A_171 = arith.constant 0 : i32
    %dma_wait3A_172 = tpu.memref_slice %arg11[%dma_wait3A_170, %dma_wait3A_171] : memref<8x80xi32, #tpu.memory_space<vmem>> -> memref<1x80xi32, #tpu.memory_space<vmem>>
    %dma_wait3A_173 = tpu.memref_squeeze %dma_wait3A_172 : memref<1x80xi32, #tpu.memory_space<vmem>> -> memref<80xi32, #tpu.memory_space<vmem>>
    %dma_wait3A_174 = arith.constant 0 : i32
    %dma_wait3A_175 = arith.constant 0 : i32
    %dma_wait3A_176 = tpu.memref_slice %arg8[%dma_wait3A_174, %dma_wait3A_175] : memref<10240x128xf32, #tpu.memory_space<vmem_shared>> -> memref<10240x128xf32, #tpu.memory_space<vmem_shared>>
    tpu.wait_indirect_dma semaphore(%arg14 : memref<!tpu.dma_semaphore, #tpu.memory_space<semaphore_mem>>) src(%dma_wait3A_176 : memref<10240x128xf32, #tpu.memory_space<vmem_shared>>) dst(%arg12 : memref<80x128xf32, #tpu.memory_space<vmem>>)
    %add3A_177 = arith.constant 160 : i32
    %add3A_178 = arith.addi %mul3A_2, %add3A_177 : i32
    "tpu.region"() ({
      %run_scoped3A = tpu.sem_alloc : memref<!tpu.dma_semaphore, #tpu.memory_space<semaphore_mem>>
      %dma_start3A_252 = arith.constant 0 : i32
      %dma_start3A_253 = tpu.memref_slice %arg7[%arg0, %add3A_178, %dma_start3A_252] : memref<2x10240x128xf32, #tpu.memory_space<hbm>> -> memref<1x80x128xf32, #tpu.memory_space<hbm>>
      %dma_start3A_254 = tpu.memref_squeeze %dma_start3A_253 : memref<1x80x128xf32, #tpu.memory_space<hbm>> -> memref<80x128xf32, #tpu.memory_space<hbm>>
      %dma_start3A_255 = arith.constant 0 : i32
      %dma_start3A_256 = tpu.memref_slice %arg7[%arg0, %add3A_178, %dma_start3A_255] : memref<2x10240x128xf32, #tpu.memory_space<hbm>> -> memref<1x80x128xf32, #tpu.memory_space<hbm>>
      %dma_start3A_257 = tpu.memref_squeeze %dma_start3A_256 : memref<1x80x128xf32, #tpu.memory_space<hbm>> -> memref<80x128xf32, #tpu.memory_space<hbm>>
      tpu.enqueue_dma source(%arg12 : memref<80x128xf32, #tpu.memory_space<vmem>>) target(%dma_start3A_257 : memref<80x128xf32, #tpu.memory_space<hbm>>) target_semaphore(%run_scoped3A : memref<!tpu.dma_semaphore, #tpu.memory_space<semaphore_mem>>)
      %dma_wait3A_258 = arith.constant 0 : i32
      %dma_wait3A_259 = tpu.memref_slice %arg7[%arg0, %add3A_178, %dma_wait3A_258] : memref<2x10240x128xf32, #tpu.memory_space<hbm>> -> memref<1x80x128xf32, #tpu.memory_space<hbm>>
      %dma_wait3A_260 = tpu.memref_squeeze %dma_wait3A_259 : memref<1x80x128xf32, #tpu.memory_space<hbm>> -> memref<80x128xf32, #tpu.memory_space<hbm>>
      %dma_wait3A_261 = arith.constant 0 : i32
      %dma_wait3A_262 = tpu.memref_slice %arg7[%arg0, %add3A_178, %dma_wait3A_261] : memref<2x10240x128xf32, #tpu.memory_space<hbm>> -> memref<1x80x128xf32, #tpu.memory_space<hbm>>
      %dma_wait3A_263 = tpu.memref_squeeze %dma_wait3A_262 : memref<1x80x128xf32, #tpu.memory_space<hbm>> -> memref<80x128xf32, #tpu.memory_space<hbm>>
      tpu.wait_dma2 semaphore(%run_scoped3A : memref<!tpu.dma_semaphore, #tpu.memory_space<semaphore_mem>>) src(%arg12 : memref<80x128xf32, #tpu.memory_space<vmem>>) dst(%dma_wait3A_263 : memref<80x128xf32, #tpu.memory_space<hbm>>)
      tpu.yield
    }) : () -> ()
    %dma_start3A_179 = arith.constant 4 : i32
    %dma_start3A_180 = arith.constant 0 : i32
    %dma_start3A_181 = tpu.memref_slice %arg11[%dma_start3A_179, %dma_start3A_180] : memref<8x80xi32, #tpu.memory_space<vmem>> -> memref<1x80xi32, #tpu.memory_space<vmem>>
    %dma_start3A_182 = tpu.memref_squeeze %dma_start3A_181 : memref<1x80xi32, #tpu.memory_space<vmem>> -> memref<80xi32, #tpu.memory_space<vmem>>
    %dma_start3A_183 = arith.constant 0 : i32
    %dma_start3A_184 = arith.constant 0 : i32
    %dma_start3A_185 = tpu.memref_slice %arg8[%dma_start3A_183, %dma_start3A_184] : memref<10240x128xf32, #tpu.memory_space<vmem_shared>> -> memref<10240x128xf32, #tpu.memory_space<vmem_shared>>
    tpu.enqueue_indirect_dma source(%dma_start3A_185 : memref<10240x128xf32, #tpu.memory_space<vmem_shared>>) target(%arg12 : memref<80x128xf32, #tpu.memory_space<vmem>>) offsets(%dma_start3A_182 : memref<80xi32, #tpu.memory_space<vmem>>) semaphore(%arg14 : memref<!tpu.dma_semaphore, #tpu.memory_space<semaphore_mem>>)
    %dma_wait3A_186 = arith.constant 3 : i32
    %dma_wait3A_187 = arith.constant 0 : i32
    %dma_wait3A_188 = tpu.memref_slice %arg11[%dma_wait3A_186, %dma_wait3A_187] : memref<8x80xi32, #tpu.memory_space<vmem>> -> memref<1x80xi32, #tpu.memory_space<vmem>>
    %dma_wait3A_189 = tpu.memref_squeeze %dma_wait3A_188 : memref<1x80xi32, #tpu.memory_space<vmem>> -> memref<80xi32, #tpu.memory_space<vmem>>
    %dma_wait3A_190 = arith.constant 0 : i32
    %dma_wait3A_191 = arith.constant 0 : i32
    %dma_wait3A_192 = tpu.memref_slice %arg8[%dma_wait3A_190, %dma_wait3A_191] : memref<10240x128xf32, #tpu.memory_space<vmem_shared>> -> memref<10240x128xf32, #tpu.memory_space<vmem_shared>>
    tpu.wait_indirect_dma semaphore(%arg15 : memref<!tpu.dma_semaphore, #tpu.memory_space<semaphore_mem>>) src(%dma_wait3A_192 : memref<10240x128xf32, #tpu.memory_space<vmem_shared>>) dst(%arg13 : memref<80x128xf32, #tpu.memory_space<vmem>>)
    %add3A_193 = arith.constant 240 : i32
    %add3A_194 = arith.addi %mul3A_2, %add3A_193 : i32
    "tpu.region"() ({
      %run_scoped3A = tpu.sem_alloc : memref<!tpu.dma_semaphore, #tpu.memory_space<semaphore_mem>>
      %dma_start3A_252 = arith.constant 0 : i32
      %dma_start3A_253 = tpu.memref_slice %arg7[%arg0, %add3A_194, %dma_start3A_252] : memref<2x10240x128xf32, #tpu.memory_space<hbm>> -> memref<1x80x128xf32, #tpu.memory_space<hbm>>
      %dma_start3A_254 = tpu.memref_squeeze %dma_start3A_253 : memref<1x80x128xf32, #tpu.memory_space<hbm>> -> memref<80x128xf32, #tpu.memory_space<hbm>>
      %dma_start3A_255 = arith.constant 0 : i32
      %dma_start3A_256 = tpu.memref_slice %arg7[%arg0, %add3A_194, %dma_start3A_255] : memref<2x10240x128xf32, #tpu.memory_space<hbm>> -> memref<1x80x128xf32, #tpu.memory_space<hbm>>
      %dma_start3A_257 = tpu.memref_squeeze %dma_start3A_256 : memref<1x80x128xf32, #tpu.memory_space<hbm>> -> memref<80x128xf32, #tpu.memory_space<hbm>>
      tpu.enqueue_dma source(%arg13 : memref<80x128xf32, #tpu.memory_space<vmem>>) target(%dma_start3A_257 : memref<80x128xf32, #tpu.memory_space<hbm>>) target_semaphore(%run_scoped3A : memref<!tpu.dma_semaphore, #tpu.memory_space<semaphore_mem>>)
      %dma_wait3A_258 = arith.constant 0 : i32
      %dma_wait3A_259 = tpu.memref_slice %arg7[%arg0, %add3A_194, %dma_wait3A_258] : memref<2x10240x128xf32, #tpu.memory_space<hbm>> -> memref<1x80x128xf32, #tpu.memory_space<hbm>>
      %dma_wait3A_260 = tpu.memref_squeeze %dma_wait3A_259 : memref<1x80x128xf32, #tpu.memory_space<hbm>> -> memref<80x128xf32, #tpu.memory_space<hbm>>
      %dma_wait3A_261 = arith.constant 0 : i32
      %dma_wait3A_262 = tpu.memref_slice %arg7[%arg0, %add3A_194, %dma_wait3A_261] : memref<2x10240x128xf32, #tpu.memory_space<hbm>> -> memref<1x80x128xf32, #tpu.memory_space<hbm>>
      %dma_wait3A_263 = tpu.memref_squeeze %dma_wait3A_262 : memref<1x80x128xf32, #tpu.memory_space<hbm>> -> memref<80x128xf32, #tpu.memory_space<hbm>>
      tpu.wait_dma2 semaphore(%run_scoped3A : memref<!tpu.dma_semaphore, #tpu.memory_space<semaphore_mem>>) src(%arg13 : memref<80x128xf32, #tpu.memory_space<vmem>>) dst(%dma_wait3A_263 : memref<80x128xf32, #tpu.memory_space<hbm>>)
      tpu.yield
    }) : () -> ()
    %dma_start3A_195 = arith.constant 5 : i32
    %dma_start3A_196 = arith.constant 0 : i32
    %dma_start3A_197 = tpu.memref_slice %arg11[%dma_start3A_195, %dma_start3A_196] : memref<8x80xi32, #tpu.memory_space<vmem>> -> memref<1x80xi32, #tpu.memory_space<vmem>>
    %dma_start3A_198 = tpu.memref_squeeze %dma_start3A_197 : memref<1x80xi32, #tpu.memory_space<vmem>> -> memref<80xi32, #tpu.memory_space<vmem>>
    %dma_start3A_199 = arith.constant 0 : i32
    %dma_start3A_200 = arith.constant 0 : i32
    %dma_start3A_201 = tpu.memref_slice %arg8[%dma_start3A_199, %dma_start3A_200] : memref<10240x128xf32, #tpu.memory_space<vmem_shared>> -> memref<10240x128xf32, #tpu.memory_space<vmem_shared>>
    tpu.enqueue_indirect_dma source(%dma_start3A_201 : memref<10240x128xf32, #tpu.memory_space<vmem_shared>>) target(%arg13 : memref<80x128xf32, #tpu.memory_space<vmem>>) offsets(%dma_start3A_198 : memref<80xi32, #tpu.memory_space<vmem>>) semaphore(%arg15 : memref<!tpu.dma_semaphore, #tpu.memory_space<semaphore_mem>>)
    %dma_wait3A_202 = arith.constant 4 : i32
    %dma_wait3A_203 = arith.constant 0 : i32
    %dma_wait3A_204 = tpu.memref_slice %arg11[%dma_wait3A_202, %dma_wait3A_203] : memref<8x80xi32, #tpu.memory_space<vmem>> -> memref<1x80xi32, #tpu.memory_space<vmem>>
    %dma_wait3A_205 = tpu.memref_squeeze %dma_wait3A_204 : memref<1x80xi32, #tpu.memory_space<vmem>> -> memref<80xi32, #tpu.memory_space<vmem>>
    %dma_wait3A_206 = arith.constant 0 : i32
    %dma_wait3A_207 = arith.constant 0 : i32
    %dma_wait3A_208 = tpu.memref_slice %arg8[%dma_wait3A_206, %dma_wait3A_207] : memref<10240x128xf32, #tpu.memory_space<vmem_shared>> -> memref<10240x128xf32, #tpu.memory_space<vmem_shared>>
    tpu.wait_indirect_dma semaphore(%arg14 : memref<!tpu.dma_semaphore, #tpu.memory_space<semaphore_mem>>) src(%dma_wait3A_208 : memref<10240x128xf32, #tpu.memory_space<vmem_shared>>) dst(%arg12 : memref<80x128xf32, #tpu.memory_space<vmem>>)
    %add3A_209 = arith.constant 320 : i32
    %add3A_210 = arith.addi %mul3A_2, %add3A_209 : i32
    "tpu.region"() ({
      %run_scoped3A = tpu.sem_alloc : memref<!tpu.dma_semaphore, #tpu.memory_space<semaphore_mem>>
      %dma_start3A_252 = arith.constant 0 : i32
      %dma_start3A_253 = tpu.memref_slice %arg7[%arg0, %add3A_210, %dma_start3A_252] : memref<2x10240x128xf32, #tpu.memory_space<hbm>> -> memref<1x80x128xf32, #tpu.memory_space<hbm>>
      %dma_start3A_254 = tpu.memref_squeeze %dma_start3A_253 : memref<1x80x128xf32, #tpu.memory_space<hbm>> -> memref<80x128xf32, #tpu.memory_space<hbm>>
      %dma_start3A_255 = arith.constant 0 : i32
      %dma_start3A_256 = tpu.memref_slice %arg7[%arg0, %add3A_210, %dma_start3A_255] : memref<2x10240x128xf32, #tpu.memory_space<hbm>> -> memref<1x80x128xf32, #tpu.memory_space<hbm>>
      %dma_start3A_257 = tpu.memref_squeeze %dma_start3A_256 : memref<1x80x128xf32, #tpu.memory_space<hbm>> -> memref<80x128xf32, #tpu.memory_space<hbm>>
      tpu.enqueue_dma source(%arg12 : memref<80x128xf32, #tpu.memory_space<vmem>>) target(%dma_start3A_257 : memref<80x128xf32, #tpu.memory_space<hbm>>) target_semaphore(%run_scoped3A : memref<!tpu.dma_semaphore, #tpu.memory_space<semaphore_mem>>)
      %dma_wait3A_258 = arith.constant 0 : i32
      %dma_wait3A_259 = tpu.memref_slice %arg7[%arg0, %add3A_210, %dma_wait3A_258] : memref<2x10240x128xf32, #tpu.memory_space<hbm>> -> memref<1x80x128xf32, #tpu.memory_space<hbm>>
      %dma_wait3A_260 = tpu.memref_squeeze %dma_wait3A_259 : memref<1x80x128xf32, #tpu.memory_space<hbm>> -> memref<80x128xf32, #tpu.memory_space<hbm>>
      %dma_wait3A_261 = arith.constant 0 : i32
      %dma_wait3A_262 = tpu.memref_slice %arg7[%arg0, %add3A_210, %dma_wait3A_261] : memref<2x10240x128xf32, #tpu.memory_space<hbm>> -> memref<1x80x128xf32, #tpu.memory_space<hbm>>
      %dma_wait3A_263 = tpu.memref_squeeze %dma_wait3A_262 : memref<1x80x128xf32, #tpu.memory_space<hbm>> -> memref<80x128xf32, #tpu.memory_space<hbm>>
      tpu.wait_dma2 semaphore(%run_scoped3A : memref<!tpu.dma_semaphore, #tpu.memory_space<semaphore_mem>>) src(%arg12 : memref<80x128xf32, #tpu.memory_space<vmem>>) dst(%dma_wait3A_263 : memref<80x128xf32, #tpu.memory_space<hbm>>)
      tpu.yield
    }) : () -> ()
    %dma_start3A_211 = arith.constant 6 : i32
    %dma_start3A_212 = arith.constant 0 : i32
    %dma_start3A_213 = tpu.memref_slice %arg11[%dma_start3A_211, %dma_start3A_212] : memref<8x80xi32, #tpu.memory_space<vmem>> -> memref<1x80xi32, #tpu.memory_space<vmem>>
    %dma_start3A_214 = tpu.memref_squeeze %dma_start3A_213 : memref<1x80xi32, #tpu.memory_space<vmem>> -> memref<80xi32, #tpu.memory_space<vmem>>
    %dma_start3A_215 = arith.constant 0 : i32
    %dma_start3A_216 = arith.constant 0 : i32
    %dma_start3A_217 = tpu.memref_slice %arg8[%dma_start3A_215, %dma_start3A_216] : memref<10240x128xf32, #tpu.memory_space<vmem_shared>> -> memref<10240x128xf32, #tpu.memory_space<vmem_shared>>
    tpu.enqueue_indirect_dma source(%dma_start3A_217 : memref<10240x128xf32, #tpu.memory_space<vmem_shared>>) target(%arg12 : memref<80x128xf32, #tpu.memory_space<vmem>>) offsets(%dma_start3A_214 : memref<80xi32, #tpu.memory_space<vmem>>) semaphore(%arg14 : memref<!tpu.dma_semaphore, #tpu.memory_space<semaphore_mem>>)
    %dma_wait3A_218 = arith.constant 5 : i32
    %dma_wait3A_219 = arith.constant 0 : i32
    %dma_wait3A_220 = tpu.memref_slice %arg11[%dma_wait3A_218, %dma_wait3A_219] : memref<8x80xi32, #tpu.memory_space<vmem>> -> memref<1x80xi32, #tpu.memory_space<vmem>>
    %dma_wait3A_221 = tpu.memref_squeeze %dma_wait3A_220 : memref<1x80xi32, #tpu.memory_space<vmem>> -> memref<80xi32, #tpu.memory_space<vmem>>
    %dma_wait3A_222 = arith.constant 0 : i32
    %dma_wait3A_223 = arith.constant 0 : i32
    %dma_wait3A_224 = tpu.memref_slice %arg8[%dma_wait3A_222, %dma_wait3A_223] : memref<10240x128xf32, #tpu.memory_space<vmem_shared>> -> memref<10240x128xf32, #tpu.memory_space<vmem_shared>>
    tpu.wait_indirect_dma semaphore(%arg15 : memref<!tpu.dma_semaphore, #tpu.memory_space<semaphore_mem>>) src(%dma_wait3A_224 : memref<10240x128xf32, #tpu.memory_space<vmem_shared>>) dst(%arg13 : memref<80x128xf32, #tpu.memory_space<vmem>>)
    %add3A_225 = arith.constant 400 : i32
    %add3A_226 = arith.addi %mul3A_2, %add3A_225 : i32
    "tpu.region"() ({
      %run_scoped3A = tpu.sem_alloc : memref<!tpu.dma_semaphore, #tpu.memory_space<semaphore_mem>>
      %dma_start3A_252 = arith.constant 0 : i32
      %dma_start3A_253 = tpu.memref_slice %arg7[%arg0, %add3A_226, %dma_start3A_252] : memref<2x10240x128xf32, #tpu.memory_space<hbm>> -> memref<1x80x128xf32, #tpu.memory_space<hbm>>
      %dma_start3A_254 = tpu.memref_squeeze %dma_start3A_253 : memref<1x80x128xf32, #tpu.memory_space<hbm>> -> memref<80x128xf32, #tpu.memory_space<hbm>>
      %dma_start3A_255 = arith.constant 0 : i32
      %dma_start3A_256 = tpu.memref_slice %arg7[%arg0, %add3A_226, %dma_start3A_255] : memref<2x10240x128xf32, #tpu.memory_space<hbm>> -> memref<1x80x128xf32, #tpu.memory_space<hbm>>
      %dma_start3A_257 = tpu.memref_squeeze %dma_start3A_256 : memref<1x80x128xf32, #tpu.memory_space<hbm>> -> memref<80x128xf32, #tpu.memory_space<hbm>>
      tpu.enqueue_dma source(%arg13 : memref<80x128xf32, #tpu.memory_space<vmem>>) target(%dma_start3A_257 : memref<80x128xf32, #tpu.memory_space<hbm>>) target_semaphore(%run_scoped3A : memref<!tpu.dma_semaphore, #tpu.memory_space<semaphore_mem>>)
      %dma_wait3A_258 = arith.constant 0 : i32
      %dma_wait3A_259 = tpu.memref_slice %arg7[%arg0, %add3A_226, %dma_wait3A_258] : memref<2x10240x128xf32, #tpu.memory_space<hbm>> -> memref<1x80x128xf32, #tpu.memory_space<hbm>>
      %dma_wait3A_260 = tpu.memref_squeeze %dma_wait3A_259 : memref<1x80x128xf32, #tpu.memory_space<hbm>> -> memref<80x128xf32, #tpu.memory_space<hbm>>
      %dma_wait3A_261 = arith.constant 0 : i32
      %dma_wait3A_262 = tpu.memref_slice %arg7[%arg0, %add3A_226, %dma_wait3A_261] : memref<2x10240x128xf32, #tpu.memory_space<hbm>> -> memref<1x80x128xf32, #tpu.memory_space<hbm>>
      %dma_wait3A_263 = tpu.memref_squeeze %dma_wait3A_262 : memref<1x80x128xf32, #tpu.memory_space<hbm>> -> memref<80x128xf32, #tpu.memory_space<hbm>>
      tpu.wait_dma2 semaphore(%run_scoped3A : memref<!tpu.dma_semaphore, #tpu.memory_space<semaphore_mem>>) src(%arg13 : memref<80x128xf32, #tpu.memory_space<vmem>>) dst(%dma_wait3A_263 : memref<80x128xf32, #tpu.memory_space<hbm>>)
      tpu.yield
    }) : () -> ()
    %dma_start3A_227 = arith.constant 7 : i32
    %dma_start3A_228 = arith.constant 0 : i32
    %dma_start3A_229 = tpu.memref_slice %arg11[%dma_start3A_227, %dma_start3A_228] : memref<8x80xi32, #tpu.memory_space<vmem>> -> memref<1x80xi32, #tpu.memory_space<vmem>>
    %dma_start3A_230 = tpu.memref_squeeze %dma_start3A_229 : memref<1x80xi32, #tpu.memory_space<vmem>> -> memref<80xi32, #tpu.memory_space<vmem>>
    %dma_start3A_231 = arith.constant 0 : i32
    %dma_start3A_232 = arith.constant 0 : i32
    %dma_start3A_233 = tpu.memref_slice %arg8[%dma_start3A_231, %dma_start3A_232] : memref<10240x128xf32, #tpu.memory_space<vmem_shared>> -> memref<10240x128xf32, #tpu.memory_space<vmem_shared>>
    tpu.enqueue_indirect_dma source(%dma_start3A_233 : memref<10240x128xf32, #tpu.memory_space<vmem_shared>>) target(%arg13 : memref<80x128xf32, #tpu.memory_space<vmem>>) offsets(%dma_start3A_230 : memref<80xi32, #tpu.memory_space<vmem>>) semaphore(%arg15 : memref<!tpu.dma_semaphore, #tpu.memory_space<semaphore_mem>>)
    %dma_wait3A_234 = arith.constant 6 : i32
    %dma_wait3A_235 = arith.constant 0 : i32
    %dma_wait3A_236 = tpu.memref_slice %arg11[%dma_wait3A_234, %dma_wait3A_235] : memref<8x80xi32, #tpu.memory_space<vmem>> -> memref<1x80xi32, #tpu.memory_space<vmem>>
    %dma_wait3A_237 = tpu.memref_squeeze %dma_wait3A_236 : memref<1x80xi32, #tpu.memory_space<vmem>> -> memref<80xi32, #tpu.memory_space<vmem>>
    %dma_wait3A_238 = arith.constant 0 : i32
    %dma_wait3A_239 = arith.constant 0 : i32
    %dma_wait3A_240 = tpu.memref_slice %arg8[%dma_wait3A_238, %dma_wait3A_239] : memref<10240x128xf32, #tpu.memory_space<vmem_shared>> -> memref<10240x128xf32, #tpu.memory_space<vmem_shared>>
    tpu.wait_indirect_dma semaphore(%arg14 : memref<!tpu.dma_semaphore, #tpu.memory_space<semaphore_mem>>) src(%dma_wait3A_240 : memref<10240x128xf32, #tpu.memory_space<vmem_shared>>) dst(%arg12 : memref<80x128xf32, #tpu.memory_space<vmem>>)
    %add3A_241 = arith.constant 480 : i32
    %add3A_242 = arith.addi %mul3A_2, %add3A_241 : i32
    "tpu.region"() ({
      %run_scoped3A = tpu.sem_alloc : memref<!tpu.dma_semaphore, #tpu.memory_space<semaphore_mem>>
      %dma_start3A_252 = arith.constant 0 : i32
      %dma_start3A_253 = tpu.memref_slice %arg7[%arg0, %add3A_242, %dma_start3A_252] : memref<2x10240x128xf32, #tpu.memory_space<hbm>> -> memref<1x80x128xf32, #tpu.memory_space<hbm>>
      %dma_start3A_254 = tpu.memref_squeeze %dma_start3A_253 : memref<1x80x128xf32, #tpu.memory_space<hbm>> -> memref<80x128xf32, #tpu.memory_space<hbm>>
      %dma_start3A_255 = arith.constant 0 : i32
      %dma_start3A_256 = tpu.memref_slice %arg7[%arg0, %add3A_242, %dma_start3A_255] : memref<2x10240x128xf32, #tpu.memory_space<hbm>> -> memref<1x80x128xf32, #tpu.memory_space<hbm>>
      %dma_start3A_257 = tpu.memref_squeeze %dma_start3A_256 : memref<1x80x128xf32, #tpu.memory_space<hbm>> -> memref<80x128xf32, #tpu.memory_space<hbm>>
      tpu.enqueue_dma source(%arg12 : memref<80x128xf32, #tpu.memory_space<vmem>>) target(%dma_start3A_257 : memref<80x128xf32, #tpu.memory_space<hbm>>) target_semaphore(%run_scoped3A : memref<!tpu.dma_semaphore, #tpu.memory_space<semaphore_mem>>)
      %dma_wait3A_258 = arith.constant 0 : i32
      %dma_wait3A_259 = tpu.memref_slice %arg7[%arg0, %add3A_242, %dma_wait3A_258] : memref<2x10240x128xf32, #tpu.memory_space<hbm>> -> memref<1x80x128xf32, #tpu.memory_space<hbm>>
      %dma_wait3A_260 = tpu.memref_squeeze %dma_wait3A_259 : memref<1x80x128xf32, #tpu.memory_space<hbm>> -> memref<80x128xf32, #tpu.memory_space<hbm>>
      %dma_wait3A_261 = arith.constant 0 : i32
      %dma_wait3A_262 = tpu.memref_slice %arg7[%arg0, %add3A_242, %dma_wait3A_261] : memref<2x10240x128xf32, #tpu.memory_space<hbm>> -> memref<1x80x128xf32, #tpu.memory_space<hbm>>
      %dma_wait3A_263 = tpu.memref_squeeze %dma_wait3A_262 : memref<1x80x128xf32, #tpu.memory_space<hbm>> -> memref<80x128xf32, #tpu.memory_space<hbm>>
      tpu.wait_dma2 semaphore(%run_scoped3A : memref<!tpu.dma_semaphore, #tpu.memory_space<semaphore_mem>>) src(%arg12 : memref<80x128xf32, #tpu.memory_space<vmem>>) dst(%dma_wait3A_263 : memref<80x128xf32, #tpu.memory_space<hbm>>)
      tpu.yield
    }) : () -> ()
    %dma_wait3A_243 = arith.constant 7 : i32
    %dma_wait3A_244 = arith.constant 0 : i32
    %dma_wait3A_245 = tpu.memref_slice %arg11[%dma_wait3A_243, %dma_wait3A_244] : memref<8x80xi32, #tpu.memory_space<vmem>> -> memref<1x80xi32, #tpu.memory_space<vmem>>
    %dma_wait3A_246 = tpu.memref_squeeze %dma_wait3A_245 : memref<1x80xi32, #tpu.memory_space<vmem>> -> memref<80xi32, #tpu.memory_space<vmem>>
    %dma_wait3A_247 = arith.constant 0 : i32
    %dma_wait3A_248 = arith.constant 0 : i32
    %dma_wait3A_249 = tpu.memref_slice %arg8[%dma_wait3A_247, %dma_wait3A_248] : memref<10240x128xf32, #tpu.memory_space<vmem_shared>> -> memref<10240x128xf32, #tpu.memory_space<vmem_shared>>
    tpu.wait_indirect_dma semaphore(%arg15 : memref<!tpu.dma_semaphore, #tpu.memory_space<semaphore_mem>>) src(%dma_wait3A_249 : memref<10240x128xf32, #tpu.memory_space<vmem_shared>>) dst(%arg13 : memref<80x128xf32, #tpu.memory_space<vmem>>)
    %add3A_250 = arith.constant 560 : i32
    %add3A_251 = arith.addi %mul3A_2, %add3A_250 : i32
    "tpu.region"() ({
      %run_scoped3A = tpu.sem_alloc : memref<!tpu.dma_semaphore, #tpu.memory_space<semaphore_mem>>
      %dma_start3A_252 = arith.constant 0 : i32
      %dma_start3A_253 = tpu.memref_slice %arg7[%arg0, %add3A_251, %dma_start3A_252] : memref<2x10240x128xf32, #tpu.memory_space<hbm>> -> memref<1x80x128xf32, #tpu.memory_space<hbm>>
      %dma_start3A_254 = tpu.memref_squeeze %dma_start3A_253 : memref<1x80x128xf32, #tpu.memory_space<hbm>> -> memref<80x128xf32, #tpu.memory_space<hbm>>
      %dma_start3A_255 = arith.constant 0 : i32
      %dma_start3A_256 = tpu.memref_slice %arg7[%arg0, %add3A_251, %dma_start3A_255] : memref<2x10240x128xf32, #tpu.memory_space<hbm>> -> memref<1x80x128xf32, #tpu.memory_space<hbm>>
      %dma_start3A_257 = tpu.memref_squeeze %dma_start3A_256 : memref<1x80x128xf32, #tpu.memory_space<hbm>> -> memref<80x128xf32, #tpu.memory_space<hbm>>
      tpu.enqueue_dma source(%arg13 : memref<80x128xf32, #tpu.memory_space<vmem>>) target(%dma_start3A_257 : memref<80x128xf32, #tpu.memory_space<hbm>>) target_semaphore(%run_scoped3A : memref<!tpu.dma_semaphore, #tpu.memory_space<semaphore_mem>>)
      %dma_wait3A_258 = arith.constant 0 : i32
      %dma_wait3A_259 = tpu.memref_slice %arg7[%arg0, %add3A_251, %dma_wait3A_258] : memref<2x10240x128xf32, #tpu.memory_space<hbm>> -> memref<1x80x128xf32, #tpu.memory_space<hbm>>
      %dma_wait3A_260 = tpu.memref_squeeze %dma_wait3A_259 : memref<1x80x128xf32, #tpu.memory_space<hbm>> -> memref<80x128xf32, #tpu.memory_space<hbm>>
      %dma_wait3A_261 = arith.constant 0 : i32
      %dma_wait3A_262 = tpu.memref_slice %arg7[%arg0, %add3A_251, %dma_wait3A_261] : memref<2x10240x128xf32, #tpu.memory_space<hbm>> -> memref<1x80x128xf32, #tpu.memory_space<hbm>>
      %dma_wait3A_263 = tpu.memref_squeeze %dma_wait3A_262 : memref<1x80x128xf32, #tpu.memory_space<hbm>> -> memref<80x128xf32, #tpu.memory_space<hbm>>
      tpu.wait_dma2 semaphore(%run_scoped3A : memref<!tpu.dma_semaphore, #tpu.memory_space<semaphore_mem>>) src(%arg13 : memref<80x128xf32, #tpu.memory_space<vmem>>) dst(%dma_wait3A_263 : memref<80x128xf32, #tpu.memory_space<hbm>>)
      tpu.yield
    }) : () -> ()
    return
  }
}

#map = affine_map<(d0, d1) -> (0, 0)>
#map1 = affine_map<(d0, d1) -> (0, 0, 0, 0)>
#map2 = affine_map<(d0, d1) -> (0, 0, 0)>
module attributes {stable_mosaic.version = 14 : i64} {
  func.func @sc_sage_aggregate(%arg0: i32, %arg1: i32, %arg2: memref<10000x128xf32, #tpu.memory_space<hbm>>, %arg3: memref<32x8x16x80xi32, #tpu.memory_space<hbm>>, %arg4: memref<32x8x16x80xi32, #tpu.memory_space<hbm>>, %arg5: memref<16x8x80xi32, #tpu.memory_space<hbm>>, %arg6: memref<80x128xf32, #tpu.memory_space<hbm>>, %arg7: memref<2x10240x128xf32, #tpu.memory_space<hbm>>, %arg8: memref<10240x128xf32, #tpu.memory_space<vmem_shared>>, %arg9: memref<16x80xi32, #tpu.memory_space<vmem>>, %arg10: memref<16x80xi32, #tpu.memory_space<vmem>>, %arg11: memref<8x80xi32, #tpu.memory_space<vmem>>, %arg12: memref<80x128xf32, #tpu.memory_space<vmem>>, %arg13: memref<80x128xf32, #tpu.memory_space<vmem>>, %arg14: memref<!tpu.dma_semaphore, #tpu.memory_space<semaphore_mem>>, %arg15: memref<!tpu.dma_semaphore, #tpu.memory_space<semaphore_mem>>, %arg16: memref<!tpu.dma_semaphore, #tpu.memory_space<semaphore_mem>>, %arg17: memref<!tpu.dma_semaphore, #tpu.memory_space<semaphore_mem>>) attributes {dimension_semantics = [#tpu.dimension_semantics<core_parallel>, #tpu.dimension_semantics<subcore_parallel>], iteration_bounds = array<i64: 2, 16>, scalar_prefetch = 0 : i64, scratch_operands = 10 : i64, tpu.core_type = #tpu.core_type<sc_vector_subcore>, window_params = [{transform_indices = #map}, {transform_indices = #map1}, {transform_indices = #map1}, {transform_indices = #map2}, {transform_indices = #map}, {transform_indices = #map2}]} {
    %mul3A = arith.constant 16 : i32
    %mul3A_0 = arith.muli %arg0, %mul3A : i32
    %add3A = arith.addi %mul3A_0, %arg1 : i32
    %mul3A_1 = arith.constant 640 : i32
    %mul3A_2 = arith.muli %arg1, %mul3A_1 : i32
    "tpu.region"() ({
      %run_scoped3A = tpu.sem_alloc : memref<!tpu.dma_semaphore, #tpu.memory_space<semaphore_mem>>
      tpu.enqueue_dma source(%arg6 : memref<80x128xf32, #tpu.memory_space<hbm>>) target(%arg12 : memref<80x128xf32, #tpu.memory_space<vmem>>) target_semaphore(%run_scoped3A : memref<!tpu.dma_semaphore, #tpu.memory_space<semaphore_mem>>)
      tpu.wait_dma2 semaphore(%run_scoped3A : memref<!tpu.dma_semaphore, #tpu.memory_space<semaphore_mem>>) src(%arg6 : memref<80x128xf32, #tpu.memory_space<hbm>>) dst(%arg12 : memref<80x128xf32, #tpu.memory_space<vmem>>)
      tpu.yield
    }) : () -> ()
    "tpu.region"() ({
      %run_scoped3A = tpu.sem_alloc : memref<!tpu.dma_semaphore, #tpu.memory_space<semaphore_mem>>
      %dma_start3A_252 = arith.constant 0 : i32
      %dma_start3A_253 = arith.constant 0 : i32
      %dma_start3A_254 = tpu.memref_slice %arg5[%arg1, %dma_start3A_252, %dma_start3A_253] : memref<16x8x80xi32, #tpu.memory_space<hbm>> -> memref<1x8x80xi32, #tpu.memory_space<hbm>>
      %dma_start3A_255 = tpu.memref_squeeze %dma_start3A_254 : memref<1x8x80xi32, #tpu.memory_space<hbm>> -> memref<8x80xi32, #tpu.memory_space<hbm>>
      %dma_start3A_256 = arith.constant 0 : i32
      %dma_start3A_257 = arith.constant 0 : i32
      %dma_start3A_258 = tpu.memref_slice %arg5[%arg1, %dma_start3A_256, %dma_start3A_257] : memref<16x8x80xi32, #tpu.memory_space<hbm>> -> memref<1x8x80xi32, #tpu.memory_space<hbm>>
      %dma_start3A_259 = tpu.memref_squeeze %dma_start3A_258 : memref<1x8x80xi32, #tpu.memory_space<hbm>> -> memref<8x80xi32, #tpu.memory_space<hbm>>
      tpu.enqueue_dma source(%dma_start3A_259 : memref<8x80xi32, #tpu.memory_space<hbm>>) target(%arg11 : memref<8x80xi32, #tpu.memory_space<vmem>>) target_semaphore(%run_scoped3A : memref<!tpu.dma_semaphore, #tpu.memory_space<semaphore_mem>>)
      %dma_wait3A_260 = arith.constant 0 : i32
      %dma_wait3A_261 = arith.constant 0 : i32
      %dma_wait3A_262 = tpu.memref_slice %arg5[%arg1, %dma_wait3A_260, %dma_wait3A_261] : memref<16x8x80xi32, #tpu.memory_space<hbm>> -> memref<1x8x80xi32, #tpu.memory_space<hbm>>
      %dma_wait3A_263 = tpu.memref_squeeze %dma_wait3A_262 : memref<1x8x80xi32, #tpu.memory_space<hbm>> -> memref<8x80xi32, #tpu.memory_space<hbm>>
      %dma_wait3A_264 = arith.constant 0 : i32
      %dma_wait3A_265 = arith.constant 0 : i32
      %dma_wait3A_266 = tpu.memref_slice %arg5[%arg1, %dma_wait3A_264, %dma_wait3A_265] : memref<16x8x80xi32, #tpu.memory_space<hbm>> -> memref<1x8x80xi32, #tpu.memory_space<hbm>>
      %dma_wait3A_267 = tpu.memref_squeeze %dma_wait3A_266 : memref<1x8x80xi32, #tpu.memory_space<hbm>> -> memref<8x80xi32, #tpu.memory_space<hbm>>
      tpu.wait_dma2 semaphore(%run_scoped3A : memref<!tpu.dma_semaphore, #tpu.memory_space<semaphore_mem>>) src(%dma_wait3A_267 : memref<8x80xi32, #tpu.memory_space<hbm>>) dst(%arg11 : memref<8x80xi32, #tpu.memory_space<vmem>>)
      tpu.yield
    }) : () -> ()
    %dma_start3A = arith.constant 0 : i32
    %dma_start3A_3 = arith.constant 0 : i32
    %dma_start3A_4 = tpu.memref_slice %arg11[%dma_start3A, %dma_start3A_3] : memref<8x80xi32, #tpu.memory_space<vmem>> -> memref<1x80xi32, #tpu.memory_space<vmem>>
    %dma_start3A_5 = tpu.memref_squeeze %dma_start3A_4 : memref<1x80xi32, #tpu.memory_space<vmem>> -> memref<80xi32, #tpu.memory_space<vmem>>
    %dma_start3A_6 = arith.constant 0 : i32
    %dma_start3A_7 = arith.constant 0 : i32
    %dma_start3A_8 = tpu.memref_slice %arg8[%dma_start3A_6, %dma_start3A_7] : memref<10240x128xf32, #tpu.memory_space<vmem_shared>> -> memref<10240x128xf32, #tpu.memory_space<vmem_shared>>
    tpu.enqueue_indirect_dma source(%arg12 : memref<80x128xf32, #tpu.memory_space<vmem>>) target(%dma_start3A_8 : memref<10240x128xf32, #tpu.memory_space<vmem_shared>>) offsets(%dma_start3A_5 : memref<80xi32, #tpu.memory_space<vmem>>) semaphore(%arg16 : memref<!tpu.dma_semaphore, #tpu.memory_space<semaphore_mem>>)
    %dma_start3A_9 = arith.constant 1 : i32
    %dma_start3A_10 = arith.constant 0 : i32
    %dma_start3A_11 = tpu.memref_slice %arg11[%dma_start3A_9, %dma_start3A_10] : memref<8x80xi32, #tpu.memory_space<vmem>> -> memref<1x80xi32, #tpu.memory_space<vmem>>
    %dma_start3A_12 = tpu.memref_squeeze %dma_start3A_11 : memref<1x80xi32, #tpu.memory_space<vmem>> -> memref<80xi32, #tpu.memory_space<vmem>>
    %dma_start3A_13 = arith.constant 0 : i32
    %dma_start3A_14 = arith.constant 0 : i32
    %dma_start3A_15 = tpu.memref_slice %arg8[%dma_start3A_13, %dma_start3A_14] : memref<10240x128xf32, #tpu.memory_space<vmem_shared>> -> memref<10240x128xf32, #tpu.memory_space<vmem_shared>>
    tpu.enqueue_indirect_dma source(%arg12 : memref<80x128xf32, #tpu.memory_space<vmem>>) target(%dma_start3A_15 : memref<10240x128xf32, #tpu.memory_space<vmem_shared>>) offsets(%dma_start3A_12 : memref<80xi32, #tpu.memory_space<vmem>>) semaphore(%arg16 : memref<!tpu.dma_semaphore, #tpu.memory_space<semaphore_mem>>)
    %dma_start3A_16 = arith.constant 2 : i32
    %dma_start3A_17 = arith.constant 0 : i32
    %dma_start3A_18 = tpu.memref_slice %arg11[%dma_start3A_16, %dma_start3A_17] : memref<8x80xi32, #tpu.memory_space<vmem>> -> memref<1x80xi32, #tpu.memory_space<vmem>>
    %dma_start3A_19 = tpu.memref_squeeze %dma_start3A_18 : memref<1x80xi32, #tpu.memory_space<vmem>> -> memref<80xi32, #tpu.memory_space<vmem>>
    %dma_start3A_20 = arith.constant 0 : i32
    %dma_start3A_21 = arith.constant 0 : i32
    %dma_start3A_22 = tpu.memref_slice %arg8[%dma_start3A_20, %dma_start3A_21] : memref<10240x128xf32, #tpu.memory_space<vmem_shared>> -> memref<10240x128xf32, #tpu.memory_space<vmem_shared>>
    tpu.enqueue_indirect_dma source(%arg12 : memref<80x128xf32, #tpu.memory_space<vmem>>) target(%dma_start3A_22 : memref<10240x128xf32, #tpu.memory_space<vmem_shared>>) offsets(%dma_start3A_19 : memref<80xi32, #tpu.memory_space<vmem>>) semaphore(%arg16 : memref<!tpu.dma_semaphore, #tpu.memory_space<semaphore_mem>>)
    %dma_start3A_23 = arith.constant 3 : i32
    %dma_start3A_24 = arith.constant 0 : i32
    %dma_start3A_25 = tpu.memref_slice %arg11[%dma_start3A_23, %dma_start3A_24] : memref<8x80xi32, #tpu.memory_space<vmem>> -> memref<1x80xi32, #tpu.memory_space<vmem>>
    %dma_start3A_26 = tpu.memref_squeeze %dma_start3A_25 : memref<1x80xi32, #tpu.memory_space<vmem>> -> memref<80xi32, #tpu.memory_space<vmem>>
    %dma_start3A_27 = arith.constant 0 : i32
    %dma_start3A_28 = arith.constant 0 : i32
    %dma_start3A_29 = tpu.memref_slice %arg8[%dma_start3A_27, %dma_start3A_28] : memref<10240x128xf32, #tpu.memory_space<vmem_shared>> -> memref<10240x128xf32, #tpu.memory_space<vmem_shared>>
    tpu.enqueue_indirect_dma source(%arg12 : memref<80x128xf32, #tpu.memory_space<vmem>>) target(%dma_start3A_29 : memref<10240x128xf32, #tpu.memory_space<vmem_shared>>) offsets(%dma_start3A_26 : memref<80xi32, #tpu.memory_space<vmem>>) semaphore(%arg16 : memref<!tpu.dma_semaphore, #tpu.memory_space<semaphore_mem>>)
    %dma_start3A_30 = arith.constant 4 : i32
    %dma_start3A_31 = arith.constant 0 : i32
    %dma_start3A_32 = tpu.memref_slice %arg11[%dma_start3A_30, %dma_start3A_31] : memref<8x80xi32, #tpu.memory_space<vmem>> -> memref<1x80xi32, #tpu.memory_space<vmem>>
    %dma_start3A_33 = tpu.memref_squeeze %dma_start3A_32 : memref<1x80xi32, #tpu.memory_space<vmem>> -> memref<80xi32, #tpu.memory_space<vmem>>
    %dma_start3A_34 = arith.constant 0 : i32
    %dma_start3A_35 = arith.constant 0 : i32
    %dma_start3A_36 = tpu.memref_slice %arg8[%dma_start3A_34, %dma_start3A_35] : memref<10240x128xf32, #tpu.memory_space<vmem_shared>> -> memref<10240x128xf32, #tpu.memory_space<vmem_shared>>
    tpu.enqueue_indirect_dma source(%arg12 : memref<80x128xf32, #tpu.memory_space<vmem>>) target(%dma_start3A_36 : memref<10240x128xf32, #tpu.memory_space<vmem_shared>>) offsets(%dma_start3A_33 : memref<80xi32, #tpu.memory_space<vmem>>) semaphore(%arg16 : memref<!tpu.dma_semaphore, #tpu.memory_space<semaphore_mem>>)
    %dma_start3A_37 = arith.constant 5 : i32
    %dma_start3A_38 = arith.constant 0 : i32
    %dma_start3A_39 = tpu.memref_slice %arg11[%dma_start3A_37, %dma_start3A_38] : memref<8x80xi32, #tpu.memory_space<vmem>> -> memref<1x80xi32, #tpu.memory_space<vmem>>
    %dma_start3A_40 = tpu.memref_squeeze %dma_start3A_39 : memref<1x80xi32, #tpu.memory_space<vmem>> -> memref<80xi32, #tpu.memory_space<vmem>>
    %dma_start3A_41 = arith.constant 0 : i32
    %dma_start3A_42 = arith.constant 0 : i32
    %dma_start3A_43 = tpu.memref_slice %arg8[%dma_start3A_41, %dma_start3A_42] : memref<10240x128xf32, #tpu.memory_space<vmem_shared>> -> memref<10240x128xf32, #tpu.memory_space<vmem_shared>>
    tpu.enqueue_indirect_dma source(%arg12 : memref<80x128xf32, #tpu.memory_space<vmem>>) target(%dma_start3A_43 : memref<10240x128xf32, #tpu.memory_space<vmem_shared>>) offsets(%dma_start3A_40 : memref<80xi32, #tpu.memory_space<vmem>>) semaphore(%arg16 : memref<!tpu.dma_semaphore, #tpu.memory_space<semaphore_mem>>)
    %dma_start3A_44 = arith.constant 6 : i32
    %dma_start3A_45 = arith.constant 0 : i32
    %dma_start3A_46 = tpu.memref_slice %arg11[%dma_start3A_44, %dma_start3A_45] : memref<8x80xi32, #tpu.memory_space<vmem>> -> memref<1x80xi32, #tpu.memory_space<vmem>>
    %dma_start3A_47 = tpu.memref_squeeze %dma_start3A_46 : memref<1x80xi32, #tpu.memory_space<vmem>> -> memref<80xi32, #tpu.memory_space<vmem>>
    %dma_start3A_48 = arith.constant 0 : i32
    %dma_start3A_49 = arith.constant 0 : i32
    %dma_start3A_50 = tpu.memref_slice %arg8[%dma_start3A_48, %dma_start3A_49] : memref<10240x128xf32, #tpu.memory_space<vmem_shared>> -> memref<10240x128xf32, #tpu.memory_space<vmem_shared>>
    tpu.enqueue_indirect_dma source(%arg12 : memref<80x128xf32, #tpu.memory_space<vmem>>) target(%dma_start3A_50 : memref<10240x128xf32, #tpu.memory_space<vmem_shared>>) offsets(%dma_start3A_47 : memref<80xi32, #tpu.memory_space<vmem>>) semaphore(%arg16 : memref<!tpu.dma_semaphore, #tpu.memory_space<semaphore_mem>>)
    %dma_start3A_51 = arith.constant 7 : i32
    %dma_start3A_52 = arith.constant 0 : i32
    %dma_start3A_53 = tpu.memref_slice %arg11[%dma_start3A_51, %dma_start3A_52] : memref<8x80xi32, #tpu.memory_space<vmem>> -> memref<1x80xi32, #tpu.memory_space<vmem>>
    %dma_start3A_54 = tpu.memref_squeeze %dma_start3A_53 : memref<1x80xi32, #tpu.memory_space<vmem>> -> memref<80xi32, #tpu.memory_space<vmem>>
    %dma_start3A_55 = arith.constant 0 : i32
    %dma_start3A_56 = arith.constant 0 : i32
    %dma_start3A_57 = tpu.memref_slice %arg8[%dma_start3A_55, %dma_start3A_56] : memref<10240x128xf32, #tpu.memory_space<vmem_shared>> -> memref<10240x128xf32, #tpu.memory_space<vmem_shared>>
    tpu.enqueue_indirect_dma source(%arg12 : memref<80x128xf32, #tpu.memory_space<vmem>>) target(%dma_start3A_57 : memref<10240x128xf32, #tpu.memory_space<vmem_shared>>) offsets(%dma_start3A_54 : memref<80xi32, #tpu.memory_space<vmem>>) semaphore(%arg16 : memref<!tpu.dma_semaphore, #tpu.memory_space<semaphore_mem>>)
    %dma_wait3A = arith.constant 0 : i32
    %dma_wait3A_58 = arith.constant 0 : i32
    %dma_wait3A_59 = tpu.memref_slice %arg11[%dma_wait3A, %dma_wait3A_58] : memref<8x80xi32, #tpu.memory_space<vmem>> -> memref<1x80xi32, #tpu.memory_space<vmem>>
    %dma_wait3A_60 = tpu.memref_squeeze %dma_wait3A_59 : memref<1x80xi32, #tpu.memory_space<vmem>> -> memref<80xi32, #tpu.memory_space<vmem>>
    %dma_wait3A_61 = arith.constant 0 : i32
    %dma_wait3A_62 = arith.constant 0 : i32
    %dma_wait3A_63 = tpu.memref_slice %arg8[%dma_wait3A_61, %dma_wait3A_62] : memref<10240x128xf32, #tpu.memory_space<vmem_shared>> -> memref<10240x128xf32, #tpu.memory_space<vmem_shared>>
    tpu.wait_indirect_dma semaphore(%arg16 : memref<!tpu.dma_semaphore, #tpu.memory_space<semaphore_mem>>) src(%arg12 : memref<80x128xf32, #tpu.memory_space<vmem>>) dst(%dma_wait3A_63 : memref<10240x128xf32, #tpu.memory_space<vmem_shared>>)
    %dma_wait3A_64 = arith.constant 1 : i32
    %dma_wait3A_65 = arith.constant 0 : i32
    %dma_wait3A_66 = tpu.memref_slice %arg11[%dma_wait3A_64, %dma_wait3A_65] : memref<8x80xi32, #tpu.memory_space<vmem>> -> memref<1x80xi32, #tpu.memory_space<vmem>>
    %dma_wait3A_67 = tpu.memref_squeeze %dma_wait3A_66 : memref<1x80xi32, #tpu.memory_space<vmem>> -> memref<80xi32, #tpu.memory_space<vmem>>
    %dma_wait3A_68 = arith.constant 0 : i32
    %dma_wait3A_69 = arith.constant 0 : i32
    %dma_wait3A_70 = tpu.memref_slice %arg8[%dma_wait3A_68, %dma_wait3A_69] : memref<10240x128xf32, #tpu.memory_space<vmem_shared>> -> memref<10240x128xf32, #tpu.memory_space<vmem_shared>>
    tpu.wait_indirect_dma semaphore(%arg16 : memref<!tpu.dma_semaphore, #tpu.memory_space<semaphore_mem>>) src(%arg12 : memref<80x128xf32, #tpu.memory_space<vmem>>) dst(%dma_wait3A_70 : memref<10240x128xf32, #tpu.memory_space<vmem_shared>>)
    %dma_wait3A_71 = arith.constant 2 : i32
    %dma_wait3A_72 = arith.constant 0 : i32
    %dma_wait3A_73 = tpu.memref_slice %arg11[%dma_wait3A_71, %dma_wait3A_72] : memref<8x80xi32, #tpu.memory_space<vmem>> -> memref<1x80xi32, #tpu.memory_space<vmem>>
    %dma_wait3A_74 = tpu.memref_squeeze %dma_wait3A_73 : memref<1x80xi32, #tpu.memory_space<vmem>> -> memref<80xi32, #tpu.memory_space<vmem>>
    %dma_wait3A_75 = arith.constant 0 : i32
    %dma_wait3A_76 = arith.constant 0 : i32
    %dma_wait3A_77 = tpu.memref_slice %arg8[%dma_wait3A_75, %dma_wait3A_76] : memref<10240x128xf32, #tpu.memory_space<vmem_shared>> -> memref<10240x128xf32, #tpu.memory_space<vmem_shared>>
    tpu.wait_indirect_dma semaphore(%arg16 : memref<!tpu.dma_semaphore, #tpu.memory_space<semaphore_mem>>) src(%arg12 : memref<80x128xf32, #tpu.memory_space<vmem>>) dst(%dma_wait3A_77 : memref<10240x128xf32, #tpu.memory_space<vmem_shared>>)
    %dma_wait3A_78 = arith.constant 3 : i32
    %dma_wait3A_79 = arith.constant 0 : i32
    %dma_wait3A_80 = tpu.memref_slice %arg11[%dma_wait3A_78, %dma_wait3A_79] : memref<8x80xi32, #tpu.memory_space<vmem>> -> memref<1x80xi32, #tpu.memory_space<vmem>>
    %dma_wait3A_81 = tpu.memref_squeeze %dma_wait3A_80 : memref<1x80xi32, #tpu.memory_space<vmem>> -> memref<80xi32, #tpu.memory_space<vmem>>
    %dma_wait3A_82 = arith.constant 0 : i32
    %dma_wait3A_83 = arith.constant 0 : i32
    %dma_wait3A_84 = tpu.memref_slice %arg8[%dma_wait3A_82, %dma_wait3A_83] : memref<10240x128xf32, #tpu.memory_space<vmem_shared>> -> memref<10240x128xf32, #tpu.memory_space<vmem_shared>>
    tpu.wait_indirect_dma semaphore(%arg16 : memref<!tpu.dma_semaphore, #tpu.memory_space<semaphore_mem>>) src(%arg12 : memref<80x128xf32, #tpu.memory_space<vmem>>) dst(%dma_wait3A_84 : memref<10240x128xf32, #tpu.memory_space<vmem_shared>>)
    %dma_wait3A_85 = arith.constant 4 : i32
    %dma_wait3A_86 = arith.constant 0 : i32
    %dma_wait3A_87 = tpu.memref_slice %arg11[%dma_wait3A_85, %dma_wait3A_86] : memref<8x80xi32, #tpu.memory_space<vmem>> -> memref<1x80xi32, #tpu.memory_space<vmem>>
    %dma_wait3A_88 = tpu.memref_squeeze %dma_wait3A_87 : memref<1x80xi32, #tpu.memory_space<vmem>> -> memref<80xi32, #tpu.memory_space<vmem>>
    %dma_wait3A_89 = arith.constant 0 : i32
    %dma_wait3A_90 = arith.constant 0 : i32
    %dma_wait3A_91 = tpu.memref_slice %arg8[%dma_wait3A_89, %dma_wait3A_90] : memref<10240x128xf32, #tpu.memory_space<vmem_shared>> -> memref<10240x128xf32, #tpu.memory_space<vmem_shared>>
    tpu.wait_indirect_dma semaphore(%arg16 : memref<!tpu.dma_semaphore, #tpu.memory_space<semaphore_mem>>) src(%arg12 : memref<80x128xf32, #tpu.memory_space<vmem>>) dst(%dma_wait3A_91 : memref<10240x128xf32, #tpu.memory_space<vmem_shared>>)
    %dma_wait3A_92 = arith.constant 5 : i32
    %dma_wait3A_93 = arith.constant 0 : i32
    %dma_wait3A_94 = tpu.memref_slice %arg11[%dma_wait3A_92, %dma_wait3A_93] : memref<8x80xi32, #tpu.memory_space<vmem>> -> memref<1x80xi32, #tpu.memory_space<vmem>>
    %dma_wait3A_95 = tpu.memref_squeeze %dma_wait3A_94 : memref<1x80xi32, #tpu.memory_space<vmem>> -> memref<80xi32, #tpu.memory_space<vmem>>
    %dma_wait3A_96 = arith.constant 0 : i32
    %dma_wait3A_97 = arith.constant 0 : i32
    %dma_wait3A_98 = tpu.memref_slice %arg8[%dma_wait3A_96, %dma_wait3A_97] : memref<10240x128xf32, #tpu.memory_space<vmem_shared>> -> memref<10240x128xf32, #tpu.memory_space<vmem_shared>>
    tpu.wait_indirect_dma semaphore(%arg16 : memref<!tpu.dma_semaphore, #tpu.memory_space<semaphore_mem>>) src(%arg12 : memref<80x128xf32, #tpu.memory_space<vmem>>) dst(%dma_wait3A_98 : memref<10240x128xf32, #tpu.memory_space<vmem_shared>>)
    %dma_wait3A_99 = arith.constant 6 : i32
    %dma_wait3A_100 = arith.constant 0 : i32
    %dma_wait3A_101 = tpu.memref_slice %arg11[%dma_wait3A_99, %dma_wait3A_100] : memref<8x80xi32, #tpu.memory_space<vmem>> -> memref<1x80xi32, #tpu.memory_space<vmem>>
    %dma_wait3A_102 = tpu.memref_squeeze %dma_wait3A_101 : memref<1x80xi32, #tpu.memory_space<vmem>> -> memref<80xi32, #tpu.memory_space<vmem>>
    %dma_wait3A_103 = arith.constant 0 : i32
    %dma_wait3A_104 = arith.constant 0 : i32
    %dma_wait3A_105 = tpu.memref_slice %arg8[%dma_wait3A_103, %dma_wait3A_104] : memref<10240x128xf32, #tpu.memory_space<vmem_shared>> -> memref<10240x128xf32, #tpu.memory_space<vmem_shared>>
    tpu.wait_indirect_dma semaphore(%arg16 : memref<!tpu.dma_semaphore, #tpu.memory_space<semaphore_mem>>) src(%arg12 : memref<80x128xf32, #tpu.memory_space<vmem>>) dst(%dma_wait3A_105 : memref<10240x128xf32, #tpu.memory_space<vmem_shared>>)
    %dma_wait3A_106 = arith.constant 7 : i32
    %dma_wait3A_107 = arith.constant 0 : i32
    %dma_wait3A_108 = tpu.memref_slice %arg11[%dma_wait3A_106, %dma_wait3A_107] : memref<8x80xi32, #tpu.memory_space<vmem>> -> memref<1x80xi32, #tpu.memory_space<vmem>>
    %dma_wait3A_109 = tpu.memref_squeeze %dma_wait3A_108 : memref<1x80xi32, #tpu.memory_space<vmem>> -> memref<80xi32, #tpu.memory_space<vmem>>
    %dma_wait3A_110 = arith.constant 0 : i32
    %dma_wait3A_111 = arith.constant 0 : i32
    %dma_wait3A_112 = tpu.memref_slice %arg8[%dma_wait3A_110, %dma_wait3A_111] : memref<10240x128xf32, #tpu.memory_space<vmem_shared>> -> memref<10240x128xf32, #tpu.memory_space<vmem_shared>>
    tpu.wait_indirect_dma semaphore(%arg16 : memref<!tpu.dma_semaphore, #tpu.memory_space<semaphore_mem>>) src(%arg12 : memref<80x128xf32, #tpu.memory_space<vmem>>) dst(%dma_wait3A_112 : memref<10240x128xf32, #tpu.memory_space<vmem_shared>>)
    %barrier3A = arith.constant 0 : index
    tpu.barrier barrier_id(%barrier3A)
    %while3A = arith.constant 0 : i32
    %while3A_113 = arith.constant 0 : i32
    %while3A_114 = arith.constant 8 : i32
    %while3A_115 = arith.subi %while3A_114, %while3A_113 : i32
    %while3A_116 = arith.addi %while3A_113, %while3A_115 : i32
    %while3A_117 = arith.constant 1 : i32
    %while3A_118 = arith.divsi %while3A_115, %while3A_117 : i32
    %while3A_119 = arith.muli %while3A_118, %while3A_117 : i32
    %while3A_120 = arith.addi %while3A_113, %while3A_119 : i32
    %while3A_121 = arith.constant 1 : i32
    scf.for %while3A_252 = %while3A_113 to %while3A_120 step %while3A_121  : i32 {
      "tpu.region"() ({
        %run_scoped3A = tpu.sem_alloc : memref<!tpu.dma_semaphore, #tpu.memory_space<semaphore_mem>>
        %dma_start3A_701 = arith.constant 0 : i32
        %dma_start3A_702 = arith.constant 0 : i32
        %dma_start3A_703 = tpu.memref_slice %arg3[%add3A, %while3A_252, %dma_start3A_701, %dma_start3A_702] : memref<32x8x16x80xi32, #tpu.memory_space<hbm>> -> memref<1x1x16x80xi32, #tpu.memory_space<hbm>>
        %dma_start3A_704 = tpu.memref_squeeze %dma_start3A_703 : memref<1x1x16x80xi32, #tpu.memory_space<hbm>> -> memref<16x80xi32, #tpu.memory_space<hbm>>
        %dma_start3A_705 = arith.constant 0 : i32
        %dma_start3A_706 = arith.constant 0 : i32
        %dma_start3A_707 = tpu.memref_slice %arg3[%add3A, %while3A_252, %dma_start3A_705, %dma_start3A_706] : memref<32x8x16x80xi32, #tpu.memory_space<hbm>> -> memref<1x1x16x80xi32, #tpu.memory_space<hbm>>
        %dma_start3A_708 = tpu.memref_squeeze %dma_start3A_707 : memref<1x1x16x80xi32, #tpu.memory_space<hbm>> -> memref<16x80xi32, #tpu.memory_space<hbm>>
        tpu.enqueue_dma source(%dma_start3A_708 : memref<16x80xi32, #tpu.memory_space<hbm>>) target(%arg9 : memref<16x80xi32, #tpu.memory_space<vmem>>) target_semaphore(%run_scoped3A : memref<!tpu.dma_semaphore, #tpu.memory_space<semaphore_mem>>)
        %dma_wait3A_709 = arith.constant 0 : i32
        %dma_wait3A_710 = arith.constant 0 : i32
        %dma_wait3A_711 = tpu.memref_slice %arg3[%add3A, %while3A_252, %dma_wait3A_709, %dma_wait3A_710] : memref<32x8x16x80xi32, #tpu.memory_space<hbm>> -> memref<1x1x16x80xi32, #tpu.memory_space<hbm>>
        %dma_wait3A_712 = tpu.memref_squeeze %dma_wait3A_711 : memref<1x1x16x80xi32, #tpu.memory_space<hbm>> -> memref<16x80xi32, #tpu.memory_space<hbm>>
        %dma_wait3A_713 = arith.constant 0 : i32
        %dma_wait3A_714 = arith.constant 0 : i32
        %dma_wait3A_715 = tpu.memref_slice %arg3[%add3A, %while3A_252, %dma_wait3A_713, %dma_wait3A_714] : memref<32x8x16x80xi32, #tpu.memory_space<hbm>> -> memref<1x1x16x80xi32, #tpu.memory_space<hbm>>
        %dma_wait3A_716 = tpu.memref_squeeze %dma_wait3A_715 : memref<1x1x16x80xi32, #tpu.memory_space<hbm>> -> memref<16x80xi32, #tpu.memory_space<hbm>>
        tpu.wait_dma2 semaphore(%run_scoped3A : memref<!tpu.dma_semaphore, #tpu.memory_space<semaphore_mem>>) src(%dma_wait3A_716 : memref<16x80xi32, #tpu.memory_space<hbm>>) dst(%arg9 : memref<16x80xi32, #tpu.memory_space<vmem>>)
        tpu.yield
      }) : () -> ()
      "tpu.region"() ({
        %run_scoped3A = tpu.sem_alloc : memref<!tpu.dma_semaphore, #tpu.memory_space<semaphore_mem>>
        %dma_start3A_701 = arith.constant 0 : i32
        %dma_start3A_702 = arith.constant 0 : i32
        %dma_start3A_703 = tpu.memref_slice %arg4[%add3A, %while3A_252, %dma_start3A_701, %dma_start3A_702] : memref<32x8x16x80xi32, #tpu.memory_space<hbm>> -> memref<1x1x16x80xi32, #tpu.memory_space<hbm>>
        %dma_start3A_704 = tpu.memref_squeeze %dma_start3A_703 : memref<1x1x16x80xi32, #tpu.memory_space<hbm>> -> memref<16x80xi32, #tpu.memory_space<hbm>>
        %dma_start3A_705 = arith.constant 0 : i32
        %dma_start3A_706 = arith.constant 0 : i32
        %dma_start3A_707 = tpu.memref_slice %arg4[%add3A, %while3A_252, %dma_start3A_705, %dma_start3A_706] : memref<32x8x16x80xi32, #tpu.memory_space<hbm>> -> memref<1x1x16x80xi32, #tpu.memory_space<hbm>>
        %dma_start3A_708 = tpu.memref_squeeze %dma_start3A_707 : memref<1x1x16x80xi32, #tpu.memory_space<hbm>> -> memref<16x80xi32, #tpu.memory_space<hbm>>
        tpu.enqueue_dma source(%dma_start3A_708 : memref<16x80xi32, #tpu.memory_space<hbm>>) target(%arg10 : memref<16x80xi32, #tpu.memory_space<vmem>>) target_semaphore(%run_scoped3A : memref<!tpu.dma_semaphore, #tpu.memory_space<semaphore_mem>>)
        %dma_wait3A_709 = arith.constant 0 : i32
        %dma_wait3A_710 = arith.constant 0 : i32
        %dma_wait3A_711 = tpu.memref_slice %arg4[%add3A, %while3A_252, %dma_wait3A_709, %dma_wait3A_710] : memref<32x8x16x80xi32, #tpu.memory_space<hbm>> -> memref<1x1x16x80xi32, #tpu.memory_space<hbm>>
        %dma_wait3A_712 = tpu.memref_squeeze %dma_wait3A_711 : memref<1x1x16x80xi32, #tpu.memory_space<hbm>> -> memref<16x80xi32, #tpu.memory_space<hbm>>
        %dma_wait3A_713 = arith.constant 0 : i32
        %dma_wait3A_714 = arith.constant 0 : i32
        %dma_wait3A_715 = tpu.memref_slice %arg4[%add3A, %while3A_252, %dma_wait3A_713, %dma_wait3A_714] : memref<32x8x16x80xi32, #tpu.memory_space<hbm>> -> memref<1x1x16x80xi32, #tpu.memory_space<hbm>>
        %dma_wait3A_716 = tpu.memref_squeeze %dma_wait3A_715 : memref<1x1x16x80xi32, #tpu.memory_space<hbm>> -> memref<16x80xi32, #tpu.memory_space<hbm>>
        tpu.wait_dma2 semaphore(%run_scoped3A : memref<!tpu.dma_semaphore, #tpu.memory_space<semaphore_mem>>) src(%dma_wait3A_716 : memref<16x80xi32, #tpu.memory_space<hbm>>) dst(%arg10 : memref<16x80xi32, #tpu.memory_space<vmem>>)
        tpu.yield
      }) : () -> ()
      %dma_start3A_253 = arith.constant 0 : i32
      %dma_start3A_254 = arith.constant 0 : i32
      %dma_start3A_255 = tpu.memref_slice %arg9[%dma_start3A_253, %dma_start3A_254] : memref<16x80xi32, #tpu.memory_space<vmem>> -> memref<1x80xi32, #tpu.memory_space<vmem>>
      %dma_start3A_256 = tpu.memref_squeeze %dma_start3A_255 : memref<1x80xi32, #tpu.memory_space<vmem>> -> memref<80xi32, #tpu.memory_space<vmem>>
      %dma_start3A_257 = arith.constant 0 : i32
      %dma_start3A_258 = arith.constant 0 : i32
      %dma_start3A_259 = tpu.memref_slice %arg2[%dma_start3A_257, %dma_start3A_258] : memref<10000x128xf32, #tpu.memory_space<hbm>> -> memref<10000x128xf32, #tpu.memory_space<hbm>>
      tpu.enqueue_indirect_dma source(%dma_start3A_259 : memref<10000x128xf32, #tpu.memory_space<hbm>>) target(%arg12 : memref<80x128xf32, #tpu.memory_space<vmem>>) offsets(%dma_start3A_256 : memref<80xi32, #tpu.memory_space<vmem>>) semaphore(%arg14 : memref<!tpu.dma_semaphore, #tpu.memory_space<semaphore_mem>>)
      %dma_start3A_260 = arith.constant 1 : i32
      %dma_start3A_261 = arith.constant 0 : i32
      %dma_start3A_262 = tpu.memref_slice %arg9[%dma_start3A_260, %dma_start3A_261] : memref<16x80xi32, #tpu.memory_space<vmem>> -> memref<1x80xi32, #tpu.memory_space<vmem>>
      %dma_start3A_263 = tpu.memref_squeeze %dma_start3A_262 : memref<1x80xi32, #tpu.memory_space<vmem>> -> memref<80xi32, #tpu.memory_space<vmem>>
      %dma_start3A_264 = arith.constant 0 : i32
      %dma_start3A_265 = arith.constant 0 : i32
      %dma_start3A_266 = tpu.memref_slice %arg2[%dma_start3A_264, %dma_start3A_265] : memref<10000x128xf32, #tpu.memory_space<hbm>> -> memref<10000x128xf32, #tpu.memory_space<hbm>>
      tpu.enqueue_indirect_dma source(%dma_start3A_266 : memref<10000x128xf32, #tpu.memory_space<hbm>>) target(%arg13 : memref<80x128xf32, #tpu.memory_space<vmem>>) offsets(%dma_start3A_263 : memref<80xi32, #tpu.memory_space<vmem>>) semaphore(%arg15 : memref<!tpu.dma_semaphore, #tpu.memory_space<semaphore_mem>>)
      %dma_wait3A_267 = arith.constant 0 : i32
      %dma_wait3A_268 = arith.constant 0 : i32
      %dma_wait3A_269 = tpu.memref_slice %arg9[%dma_wait3A_267, %dma_wait3A_268] : memref<16x80xi32, #tpu.memory_space<vmem>> -> memref<1x80xi32, #tpu.memory_space<vmem>>
      %dma_wait3A_270 = tpu.memref_squeeze %dma_wait3A_269 : memref<1x80xi32, #tpu.memory_space<vmem>> -> memref<80xi32, #tpu.memory_space<vmem>>
      %dma_wait3A_271 = arith.constant 0 : i32
      %dma_wait3A_272 = arith.constant 0 : i32
      %dma_wait3A_273 = tpu.memref_slice %arg2[%dma_wait3A_271, %dma_wait3A_272] : memref<10000x128xf32, #tpu.memory_space<hbm>> -> memref<10000x128xf32, #tpu.memory_space<hbm>>
      tpu.wait_indirect_dma semaphore(%arg14 : memref<!tpu.dma_semaphore, #tpu.memory_space<semaphore_mem>>) src(%dma_wait3A_273 : memref<10000x128xf32, #tpu.memory_space<hbm>>) dst(%arg12 : memref<80x128xf32, #tpu.memory_space<vmem>>)
      %dma_start3A_274 = arith.constant 0 : i32
      %dma_start3A_275 = arith.constant 0 : i32
      %dma_start3A_276 = tpu.memref_slice %arg10[%dma_start3A_274, %dma_start3A_275] : memref<16x80xi32, #tpu.memory_space<vmem>> -> memref<1x80xi32, #tpu.memory_space<vmem>>
      %dma_start3A_277 = tpu.memref_squeeze %dma_start3A_276 : memref<1x80xi32, #tpu.memory_space<vmem>> -> memref<80xi32, #tpu.memory_space<vmem>>
      %dma_start3A_278 = arith.constant 0 : i32
      %dma_start3A_279 = arith.constant 0 : i32
      %dma_start3A_280 = tpu.memref_slice %arg8[%dma_start3A_278, %dma_start3A_279] : memref<10240x128xf32, #tpu.memory_space<vmem_shared>> -> memref<10240x128xf32, #tpu.memory_space<vmem_shared>>
      tpu.enqueue_indirect_dma source(%arg12 : memref<80x128xf32, #tpu.memory_space<vmem>>) target(%dma_start3A_280 : memref<10240x128xf32, #tpu.memory_space<vmem_shared>>) offsets(%dma_start3A_277 : memref<80xi32, #tpu.memory_space<vmem>>) semaphore(%arg16 : memref<!tpu.dma_semaphore, #tpu.memory_space<semaphore_mem>>) {add = true}
      %dma_wait3A_281 = arith.constant 0 : i32
      %dma_wait3A_282 = arith.constant 0 : i32
      %dma_wait3A_283 = tpu.memref_slice %arg10[%dma_wait3A_281, %dma_wait3A_282] : memref<16x80xi32, #tpu.memory_space<vmem>> -> memref<1x80xi32, #tpu.memory_space<vmem>>
      %dma_wait3A_284 = tpu.memref_squeeze %dma_wait3A_283 : memref<1x80xi32, #tpu.memory_space<vmem>> -> memref<80xi32, #tpu.memory_space<vmem>>
      %dma_wait3A_285 = arith.constant 0 : i32
      %dma_wait3A_286 = arith.constant 0 : i32
      %dma_wait3A_287 = tpu.memref_slice %arg8[%dma_wait3A_285, %dma_wait3A_286] : memref<10240x128xf32, #tpu.memory_space<vmem_shared>> -> memref<10240x128xf32, #tpu.memory_space<vmem_shared>>
      tpu.wait_indirect_dma semaphore(%arg16 : memref<!tpu.dma_semaphore, #tpu.memory_space<semaphore_mem>>) src(%arg12 : memref<80x128xf32, #tpu.memory_space<vmem>>) dst(%dma_wait3A_287 : memref<10240x128xf32, #tpu.memory_space<vmem_shared>>)
      %dma_start3A_288 = arith.constant 2 : i32
      %dma_start3A_289 = arith.constant 0 : i32
      %dma_start3A_290 = tpu.memref_slice %arg9[%dma_start3A_288, %dma_start3A_289] : memref<16x80xi32, #tpu.memory_space<vmem>> -> memref<1x80xi32, #tpu.memory_space<vmem>>
      %dma_start3A_291 = tpu.memref_squeeze %dma_start3A_290 : memref<1x80xi32, #tpu.memory_space<vmem>> -> memref<80xi32, #tpu.memory_space<vmem>>
      %dma_start3A_292 = arith.constant 0 : i32
      %dma_start3A_293 = arith.constant 0 : i32
      %dma_start3A_294 = tpu.memref_slice %arg2[%dma_start3A_292, %dma_start3A_293] : memref<10000x128xf32, #tpu.memory_space<hbm>> -> memref<10000x128xf32, #tpu.memory_space<hbm>>
      tpu.enqueue_indirect_dma source(%dma_start3A_294 : memref<10000x128xf32, #tpu.memory_space<hbm>>) target(%arg12 : memref<80x128xf32, #tpu.memory_space<vmem>>) offsets(%dma_start3A_291 : memref<80xi32, #tpu.memory_space<vmem>>) semaphore(%arg14 : memref<!tpu.dma_semaphore, #tpu.memory_space<semaphore_mem>>)
      %dma_wait3A_295 = arith.constant 1 : i32
      %dma_wait3A_296 = arith.constant 0 : i32
      %dma_wait3A_297 = tpu.memref_slice %arg9[%dma_wait3A_295, %dma_wait3A_296] : memref<16x80xi32, #tpu.memory_space<vmem>> -> memref<1x80xi32, #tpu.memory_space<vmem>>
      %dma_wait3A_298 = tpu.memref_squeeze %dma_wait3A_297 : memref<1x80xi32, #tpu.memory_space<vmem>> -> memref<80xi32, #tpu.memory_space<vmem>>
      %dma_wait3A_299 = arith.constant 0 : i32
      %dma_wait3A_300 = arith.constant 0 : i32
      %dma_wait3A_301 = tpu.memref_slice %arg2[%dma_wait3A_299, %dma_wait3A_300] : memref<10000x128xf32, #tpu.memory_space<hbm>> -> memref<10000x128xf32, #tpu.memory_space<hbm>>
      tpu.wait_indirect_dma semaphore(%arg15 : memref<!tpu.dma_semaphore, #tpu.memory_space<semaphore_mem>>) src(%dma_wait3A_301 : memref<10000x128xf32, #tpu.memory_space<hbm>>) dst(%arg13 : memref<80x128xf32, #tpu.memory_space<vmem>>)
      %dma_start3A_302 = arith.constant 1 : i32
      %dma_start3A_303 = arith.constant 0 : i32
      %dma_start3A_304 = tpu.memref_slice %arg10[%dma_start3A_302, %dma_start3A_303] : memref<16x80xi32, #tpu.memory_space<vmem>> -> memref<1x80xi32, #tpu.memory_space<vmem>>
      %dma_start3A_305 = tpu.memref_squeeze %dma_start3A_304 : memref<1x80xi32, #tpu.memory_space<vmem>> -> memref<80xi32, #tpu.memory_space<vmem>>
      %dma_start3A_306 = arith.constant 0 : i32
      %dma_start3A_307 = arith.constant 0 : i32
      %dma_start3A_308 = tpu.memref_slice %arg8[%dma_start3A_306, %dma_start3A_307] : memref<10240x128xf32, #tpu.memory_space<vmem_shared>> -> memref<10240x128xf32, #tpu.memory_space<vmem_shared>>
      tpu.enqueue_indirect_dma source(%arg13 : memref<80x128xf32, #tpu.memory_space<vmem>>) target(%dma_start3A_308 : memref<10240x128xf32, #tpu.memory_space<vmem_shared>>) offsets(%dma_start3A_305 : memref<80xi32, #tpu.memory_space<vmem>>) semaphore(%arg17 : memref<!tpu.dma_semaphore, #tpu.memory_space<semaphore_mem>>) {add = true}
      %dma_wait3A_309 = arith.constant 1 : i32
      %dma_wait3A_310 = arith.constant 0 : i32
      %dma_wait3A_311 = tpu.memref_slice %arg10[%dma_wait3A_309, %dma_wait3A_310] : memref<16x80xi32, #tpu.memory_space<vmem>> -> memref<1x80xi32, #tpu.memory_space<vmem>>
      %dma_wait3A_312 = tpu.memref_squeeze %dma_wait3A_311 : memref<1x80xi32, #tpu.memory_space<vmem>> -> memref<80xi32, #tpu.memory_space<vmem>>
      %dma_wait3A_313 = arith.constant 0 : i32
      %dma_wait3A_314 = arith.constant 0 : i32
      %dma_wait3A_315 = tpu.memref_slice %arg8[%dma_wait3A_313, %dma_wait3A_314] : memref<10240x128xf32, #tpu.memory_space<vmem_shared>> -> memref<10240x128xf32, #tpu.memory_space<vmem_shared>>
      tpu.wait_indirect_dma semaphore(%arg17 : memref<!tpu.dma_semaphore, #tpu.memory_space<semaphore_mem>>) src(%arg13 : memref<80x128xf32, #tpu.memory_space<vmem>>) dst(%dma_wait3A_315 : memref<10240x128xf32, #tpu.memory_space<vmem_shared>>)
      %dma_start3A_316 = arith.constant 3 : i32
      %dma_start3A_317 = arith.constant 0 : i32
      %dma_start3A_318 = tpu.memref_slice %arg9[%dma_start3A_316, %dma_start3A_317] : memref<16x80xi32, #tpu.memory_space<vmem>> -> memref<1x80xi32, #tpu.memory_space<vmem>>
      %dma_start3A_319 = tpu.memref_squeeze %dma_start3A_318 : memref<1x80xi32, #tpu.memory_space<vmem>> -> memref<80xi32, #tpu.memory_space<vmem>>
      %dma_start3A_320 = arith.constant 0 : i32
      %dma_start3A_321 = arith.constant 0 : i32
      %dma_start3A_322 = tpu.memref_slice %arg2[%dma_start3A_320, %dma_start3A_321] : memref<10000x128xf32, #tpu.memory_space<hbm>> -> memref<10000x128xf32, #tpu.memory_space<hbm>>
      tpu.enqueue_indirect_dma source(%dma_start3A_322 : memref<10000x128xf32, #tpu.memory_space<hbm>>) target(%arg13 : memref<80x128xf32, #tpu.memory_space<vmem>>) offsets(%dma_start3A_319 : memref<80xi32, #tpu.memory_space<vmem>>) semaphore(%arg15 : memref<!tpu.dma_semaphore, #tpu.memory_space<semaphore_mem>>)
      %dma_wait3A_323 = arith.constant 2 : i32
      %dma_wait3A_324 = arith.constant 0 : i32
      %dma_wait3A_325 = tpu.memref_slice %arg9[%dma_wait3A_323, %dma_wait3A_324] : memref<16x80xi32, #tpu.memory_space<vmem>> -> memref<1x80xi32, #tpu.memory_space<vmem>>
      %dma_wait3A_326 = tpu.memref_squeeze %dma_wait3A_325 : memref<1x80xi32, #tpu.memory_space<vmem>> -> memref<80xi32, #tpu.memory_space<vmem>>
      %dma_wait3A_327 = arith.constant 0 : i32
      %dma_wait3A_328 = arith.constant 0 : i32
      %dma_wait3A_329 = tpu.memref_slice %arg2[%dma_wait3A_327, %dma_wait3A_328] : memref<10000x128xf32, #tpu.memory_space<hbm>> -> memref<10000x128xf32, #tpu.memory_space<hbm>>
      tpu.wait_indirect_dma semaphore(%arg14 : memref<!tpu.dma_semaphore, #tpu.memory_space<semaphore_mem>>) src(%dma_wait3A_329 : memref<10000x128xf32, #tpu.memory_space<hbm>>) dst(%arg12 : memref<80x128xf32, #tpu.memory_space<vmem>>)
      %dma_start3A_330 = arith.constant 2 : i32
      %dma_start3A_331 = arith.constant 0 : i32
      %dma_start3A_332 = tpu.memref_slice %arg10[%dma_start3A_330, %dma_start3A_331] : memref<16x80xi32, #tpu.memory_space<vmem>> -> memref<1x80xi32, #tpu.memory_space<vmem>>
      %dma_start3A_333 = tpu.memref_squeeze %dma_start3A_332 : memref<1x80xi32, #tpu.memory_space<vmem>> -> memref<80xi32, #tpu.memory_space<vmem>>
      %dma_start3A_334 = arith.constant 0 : i32
      %dma_start3A_335 = arith.constant 0 : i32
      %dma_start3A_336 = tpu.memref_slice %arg8[%dma_start3A_334, %dma_start3A_335] : memref<10240x128xf32, #tpu.memory_space<vmem_shared>> -> memref<10240x128xf32, #tpu.memory_space<vmem_shared>>
      tpu.enqueue_indirect_dma source(%arg12 : memref<80x128xf32, #tpu.memory_space<vmem>>) target(%dma_start3A_336 : memref<10240x128xf32, #tpu.memory_space<vmem_shared>>) offsets(%dma_start3A_333 : memref<80xi32, #tpu.memory_space<vmem>>) semaphore(%arg16 : memref<!tpu.dma_semaphore, #tpu.memory_space<semaphore_mem>>) {add = true}
      %dma_wait3A_337 = arith.constant 2 : i32
      %dma_wait3A_338 = arith.constant 0 : i32
      %dma_wait3A_339 = tpu.memref_slice %arg10[%dma_wait3A_337, %dma_wait3A_338] : memref<16x80xi32, #tpu.memory_space<vmem>> -> memref<1x80xi32, #tpu.memory_space<vmem>>
      %dma_wait3A_340 = tpu.memref_squeeze %dma_wait3A_339 : memref<1x80xi32, #tpu.memory_space<vmem>> -> memref<80xi32, #tpu.memory_space<vmem>>
      %dma_wait3A_341 = arith.constant 0 : i32
      %dma_wait3A_342 = arith.constant 0 : i32
      %dma_wait3A_343 = tpu.memref_slice %arg8[%dma_wait3A_341, %dma_wait3A_342] : memref<10240x128xf32, #tpu.memory_space<vmem_shared>> -> memref<10240x128xf32, #tpu.memory_space<vmem_shared>>
      tpu.wait_indirect_dma semaphore(%arg16 : memref<!tpu.dma_semaphore, #tpu.memory_space<semaphore_mem>>) src(%arg12 : memref<80x128xf32, #tpu.memory_space<vmem>>) dst(%dma_wait3A_343 : memref<10240x128xf32, #tpu.memory_space<vmem_shared>>)
      %dma_start3A_344 = arith.constant 4 : i32
      %dma_start3A_345 = arith.constant 0 : i32
      %dma_start3A_346 = tpu.memref_slice %arg9[%dma_start3A_344, %dma_start3A_345] : memref<16x80xi32, #tpu.memory_space<vmem>> -> memref<1x80xi32, #tpu.memory_space<vmem>>
      %dma_start3A_347 = tpu.memref_squeeze %dma_start3A_346 : memref<1x80xi32, #tpu.memory_space<vmem>> -> memref<80xi32, #tpu.memory_space<vmem>>
      %dma_start3A_348 = arith.constant 0 : i32
      %dma_start3A_349 = arith.constant 0 : i32
      %dma_start3A_350 = tpu.memref_slice %arg2[%dma_start3A_348, %dma_start3A_349] : memref<10000x128xf32, #tpu.memory_space<hbm>> -> memref<10000x128xf32, #tpu.memory_space<hbm>>
      tpu.enqueue_indirect_dma source(%dma_start3A_350 : memref<10000x128xf32, #tpu.memory_space<hbm>>) target(%arg12 : memref<80x128xf32, #tpu.memory_space<vmem>>) offsets(%dma_start3A_347 : memref<80xi32, #tpu.memory_space<vmem>>) semaphore(%arg14 : memref<!tpu.dma_semaphore, #tpu.memory_space<semaphore_mem>>)
      %dma_wait3A_351 = arith.constant 3 : i32
      %dma_wait3A_352 = arith.constant 0 : i32
      %dma_wait3A_353 = tpu.memref_slice %arg9[%dma_wait3A_351, %dma_wait3A_352] : memref<16x80xi32, #tpu.memory_space<vmem>> -> memref<1x80xi32, #tpu.memory_space<vmem>>
      %dma_wait3A_354 = tpu.memref_squeeze %dma_wait3A_353 : memref<1x80xi32, #tpu.memory_space<vmem>> -> memref<80xi32, #tpu.memory_space<vmem>>
      %dma_wait3A_355 = arith.constant 0 : i32
      %dma_wait3A_356 = arith.constant 0 : i32
      %dma_wait3A_357 = tpu.memref_slice %arg2[%dma_wait3A_355, %dma_wait3A_356] : memref<10000x128xf32, #tpu.memory_space<hbm>> -> memref<10000x128xf32, #tpu.memory_space<hbm>>
      tpu.wait_indirect_dma semaphore(%arg15 : memref<!tpu.dma_semaphore, #tpu.memory_space<semaphore_mem>>) src(%dma_wait3A_357 : memref<10000x128xf32, #tpu.memory_space<hbm>>) dst(%arg13 : memref<80x128xf32, #tpu.memory_space<vmem>>)
      %dma_start3A_358 = arith.constant 3 : i32
      %dma_start3A_359 = arith.constant 0 : i32
      %dma_start3A_360 = tpu.memref_slice %arg10[%dma_start3A_358, %dma_start3A_359] : memref<16x80xi32, #tpu.memory_space<vmem>> -> memref<1x80xi32, #tpu.memory_space<vmem>>
      %dma_start3A_361 = tpu.memref_squeeze %dma_start3A_360 : memref<1x80xi32, #tpu.memory_space<vmem>> -> memref<80xi32, #tpu.memory_space<vmem>>
      %dma_start3A_362 = arith.constant 0 : i32
      %dma_start3A_363 = arith.constant 0 : i32
      %dma_start3A_364 = tpu.memref_slice %arg8[%dma_start3A_362, %dma_start3A_363] : memref<10240x128xf32, #tpu.memory_space<vmem_shared>> -> memref<10240x128xf32, #tpu.memory_space<vmem_shared>>
      tpu.enqueue_indirect_dma source(%arg13 : memref<80x128xf32, #tpu.memory_space<vmem>>) target(%dma_start3A_364 : memref<10240x128xf32, #tpu.memory_space<vmem_shared>>) offsets(%dma_start3A_361 : memref<80xi32, #tpu.memory_space<vmem>>) semaphore(%arg17 : memref<!tpu.dma_semaphore, #tpu.memory_space<semaphore_mem>>) {add = true}
      %dma_wait3A_365 = arith.constant 3 : i32
      %dma_wait3A_366 = arith.constant 0 : i32
      %dma_wait3A_367 = tpu.memref_slice %arg10[%dma_wait3A_365, %dma_wait3A_366] : memref<16x80xi32, #tpu.memory_space<vmem>> -> memref<1x80xi32, #tpu.memory_space<vmem>>
      %dma_wait3A_368 = tpu.memref_squeeze %dma_wait3A_367 : memref<1x80xi32, #tpu.memory_space<vmem>> -> memref<80xi32, #tpu.memory_space<vmem>>
      %dma_wait3A_369 = arith.constant 0 : i32
      %dma_wait3A_370 = arith.constant 0 : i32
      %dma_wait3A_371 = tpu.memref_slice %arg8[%dma_wait3A_369, %dma_wait3A_370] : memref<10240x128xf32, #tpu.memory_space<vmem_shared>> -> memref<10240x128xf32, #tpu.memory_space<vmem_shared>>
      tpu.wait_indirect_dma semaphore(%arg17 : memref<!tpu.dma_semaphore, #tpu.memory_space<semaphore_mem>>) src(%arg13 : memref<80x128xf32, #tpu.memory_space<vmem>>) dst(%dma_wait3A_371 : memref<10240x128xf32, #tpu.memory_space<vmem_shared>>)
      %dma_start3A_372 = arith.constant 5 : i32
      %dma_start3A_373 = arith.constant 0 : i32
      %dma_start3A_374 = tpu.memref_slice %arg9[%dma_start3A_372, %dma_start3A_373] : memref<16x80xi32, #tpu.memory_space<vmem>> -> memref<1x80xi32, #tpu.memory_space<vmem>>
      %dma_start3A_375 = tpu.memref_squeeze %dma_start3A_374 : memref<1x80xi32, #tpu.memory_space<vmem>> -> memref<80xi32, #tpu.memory_space<vmem>>
      %dma_start3A_376 = arith.constant 0 : i32
      %dma_start3A_377 = arith.constant 0 : i32
      %dma_start3A_378 = tpu.memref_slice %arg2[%dma_start3A_376, %dma_start3A_377] : memref<10000x128xf32, #tpu.memory_space<hbm>> -> memref<10000x128xf32, #tpu.memory_space<hbm>>
      tpu.enqueue_indirect_dma source(%dma_start3A_378 : memref<10000x128xf32, #tpu.memory_space<hbm>>) target(%arg13 : memref<80x128xf32, #tpu.memory_space<vmem>>) offsets(%dma_start3A_375 : memref<80xi32, #tpu.memory_space<vmem>>) semaphore(%arg15 : memref<!tpu.dma_semaphore, #tpu.memory_space<semaphore_mem>>)
      %dma_wait3A_379 = arith.constant 4 : i32
      %dma_wait3A_380 = arith.constant 0 : i32
      %dma_wait3A_381 = tpu.memref_slice %arg9[%dma_wait3A_379, %dma_wait3A_380] : memref<16x80xi32, #tpu.memory_space<vmem>> -> memref<1x80xi32, #tpu.memory_space<vmem>>
      %dma_wait3A_382 = tpu.memref_squeeze %dma_wait3A_381 : memref<1x80xi32, #tpu.memory_space<vmem>> -> memref<80xi32, #tpu.memory_space<vmem>>
      %dma_wait3A_383 = arith.constant 0 : i32
      %dma_wait3A_384 = arith.constant 0 : i32
      %dma_wait3A_385 = tpu.memref_slice %arg2[%dma_wait3A_383, %dma_wait3A_384] : memref<10000x128xf32, #tpu.memory_space<hbm>> -> memref<10000x128xf32, #tpu.memory_space<hbm>>
      tpu.wait_indirect_dma semaphore(%arg14 : memref<!tpu.dma_semaphore, #tpu.memory_space<semaphore_mem>>) src(%dma_wait3A_385 : memref<10000x128xf32, #tpu.memory_space<hbm>>) dst(%arg12 : memref<80x128xf32, #tpu.memory_space<vmem>>)
      %dma_start3A_386 = arith.constant 4 : i32
      %dma_start3A_387 = arith.constant 0 : i32
      %dma_start3A_388 = tpu.memref_slice %arg10[%dma_start3A_386, %dma_start3A_387] : memref<16x80xi32, #tpu.memory_space<vmem>> -> memref<1x80xi32, #tpu.memory_space<vmem>>
      %dma_start3A_389 = tpu.memref_squeeze %dma_start3A_388 : memref<1x80xi32, #tpu.memory_space<vmem>> -> memref<80xi32, #tpu.memory_space<vmem>>
      %dma_start3A_390 = arith.constant 0 : i32
      %dma_start3A_391 = arith.constant 0 : i32
      %dma_start3A_392 = tpu.memref_slice %arg8[%dma_start3A_390, %dma_start3A_391] : memref<10240x128xf32, #tpu.memory_space<vmem_shared>> -> memref<10240x128xf32, #tpu.memory_space<vmem_shared>>
      tpu.enqueue_indirect_dma source(%arg12 : memref<80x128xf32, #tpu.memory_space<vmem>>) target(%dma_start3A_392 : memref<10240x128xf32, #tpu.memory_space<vmem_shared>>) offsets(%dma_start3A_389 : memref<80xi32, #tpu.memory_space<vmem>>) semaphore(%arg16 : memref<!tpu.dma_semaphore, #tpu.memory_space<semaphore_mem>>) {add = true}
      %dma_wait3A_393 = arith.constant 4 : i32
      %dma_wait3A_394 = arith.constant 0 : i32
      %dma_wait3A_395 = tpu.memref_slice %arg10[%dma_wait3A_393, %dma_wait3A_394] : memref<16x80xi32, #tpu.memory_space<vmem>> -> memref<1x80xi32, #tpu.memory_space<vmem>>
      %dma_wait3A_396 = tpu.memref_squeeze %dma_wait3A_395 : memref<1x80xi32, #tpu.memory_space<vmem>> -> memref<80xi32, #tpu.memory_space<vmem>>
      %dma_wait3A_397 = arith.constant 0 : i32
      %dma_wait3A_398 = arith.constant 0 : i32
      %dma_wait3A_399 = tpu.memref_slice %arg8[%dma_wait3A_397, %dma_wait3A_398] : memref<10240x128xf32, #tpu.memory_space<vmem_shared>> -> memref<10240x128xf32, #tpu.memory_space<vmem_shared>>
      tpu.wait_indirect_dma semaphore(%arg16 : memref<!tpu.dma_semaphore, #tpu.memory_space<semaphore_mem>>) src(%arg12 : memref<80x128xf32, #tpu.memory_space<vmem>>) dst(%dma_wait3A_399 : memref<10240x128xf32, #tpu.memory_space<vmem_shared>>)
      %dma_start3A_400 = arith.constant 6 : i32
      %dma_start3A_401 = arith.constant 0 : i32
      %dma_start3A_402 = tpu.memref_slice %arg9[%dma_start3A_400, %dma_start3A_401] : memref<16x80xi32, #tpu.memory_space<vmem>> -> memref<1x80xi32, #tpu.memory_space<vmem>>
      %dma_start3A_403 = tpu.memref_squeeze %dma_start3A_402 : memref<1x80xi32, #tpu.memory_space<vmem>> -> memref<80xi32, #tpu.memory_space<vmem>>
      %dma_start3A_404 = arith.constant 0 : i32
      %dma_start3A_405 = arith.constant 0 : i32
      %dma_start3A_406 = tpu.memref_slice %arg2[%dma_start3A_404, %dma_start3A_405] : memref<10000x128xf32, #tpu.memory_space<hbm>> -> memref<10000x128xf32, #tpu.memory_space<hbm>>
      tpu.enqueue_indirect_dma source(%dma_start3A_406 : memref<10000x128xf32, #tpu.memory_space<hbm>>) target(%arg12 : memref<80x128xf32, #tpu.memory_space<vmem>>) offsets(%dma_start3A_403 : memref<80xi32, #tpu.memory_space<vmem>>) semaphore(%arg14 : memref<!tpu.dma_semaphore, #tpu.memory_space<semaphore_mem>>)
      %dma_wait3A_407 = arith.constant 5 : i32
      %dma_wait3A_408 = arith.constant 0 : i32
      %dma_wait3A_409 = tpu.memref_slice %arg9[%dma_wait3A_407, %dma_wait3A_408] : memref<16x80xi32, #tpu.memory_space<vmem>> -> memref<1x80xi32, #tpu.memory_space<vmem>>
      %dma_wait3A_410 = tpu.memref_squeeze %dma_wait3A_409 : memref<1x80xi32, #tpu.memory_space<vmem>> -> memref<80xi32, #tpu.memory_space<vmem>>
      %dma_wait3A_411 = arith.constant 0 : i32
      %dma_wait3A_412 = arith.constant 0 : i32
      %dma_wait3A_413 = tpu.memref_slice %arg2[%dma_wait3A_411, %dma_wait3A_412] : memref<10000x128xf32, #tpu.memory_space<hbm>> -> memref<10000x128xf32, #tpu.memory_space<hbm>>
      tpu.wait_indirect_dma semaphore(%arg15 : memref<!tpu.dma_semaphore, #tpu.memory_space<semaphore_mem>>) src(%dma_wait3A_413 : memref<10000x128xf32, #tpu.memory_space<hbm>>) dst(%arg13 : memref<80x128xf32, #tpu.memory_space<vmem>>)
      %dma_start3A_414 = arith.constant 5 : i32
      %dma_start3A_415 = arith.constant 0 : i32
      %dma_start3A_416 = tpu.memref_slice %arg10[%dma_start3A_414, %dma_start3A_415] : memref<16x80xi32, #tpu.memory_space<vmem>> -> memref<1x80xi32, #tpu.memory_space<vmem>>
      %dma_start3A_417 = tpu.memref_squeeze %dma_start3A_416 : memref<1x80xi32, #tpu.memory_space<vmem>> -> memref<80xi32, #tpu.memory_space<vmem>>
      %dma_start3A_418 = arith.constant 0 : i32
      %dma_start3A_419 = arith.constant 0 : i32
      %dma_start3A_420 = tpu.memref_slice %arg8[%dma_start3A_418, %dma_start3A_419] : memref<10240x128xf32, #tpu.memory_space<vmem_shared>> -> memref<10240x128xf32, #tpu.memory_space<vmem_shared>>
      tpu.enqueue_indirect_dma source(%arg13 : memref<80x128xf32, #tpu.memory_space<vmem>>) target(%dma_start3A_420 : memref<10240x128xf32, #tpu.memory_space<vmem_shared>>) offsets(%dma_start3A_417 : memref<80xi32, #tpu.memory_space<vmem>>) semaphore(%arg17 : memref<!tpu.dma_semaphore, #tpu.memory_space<semaphore_mem>>) {add = true}
      %dma_wait3A_421 = arith.constant 5 : i32
      %dma_wait3A_422 = arith.constant 0 : i32
      %dma_wait3A_423 = tpu.memref_slice %arg10[%dma_wait3A_421, %dma_wait3A_422] : memref<16x80xi32, #tpu.memory_space<vmem>> -> memref<1x80xi32, #tpu.memory_space<vmem>>
      %dma_wait3A_424 = tpu.memref_squeeze %dma_wait3A_423 : memref<1x80xi32, #tpu.memory_space<vmem>> -> memref<80xi32, #tpu.memory_space<vmem>>
      %dma_wait3A_425 = arith.constant 0 : i32
      %dma_wait3A_426 = arith.constant 0 : i32
      %dma_wait3A_427 = tpu.memref_slice %arg8[%dma_wait3A_425, %dma_wait3A_426] : memref<10240x128xf32, #tpu.memory_space<vmem_shared>> -> memref<10240x128xf32, #tpu.memory_space<vmem_shared>>
      tpu.wait_indirect_dma semaphore(%arg17 : memref<!tpu.dma_semaphore, #tpu.memory_space<semaphore_mem>>) src(%arg13 : memref<80x128xf32, #tpu.memory_space<vmem>>) dst(%dma_wait3A_427 : memref<10240x128xf32, #tpu.memory_space<vmem_shared>>)
      %dma_start3A_428 = arith.constant 7 : i32
      %dma_start3A_429 = arith.constant 0 : i32
      %dma_start3A_430 = tpu.memref_slice %arg9[%dma_start3A_428, %dma_start3A_429] : memref<16x80xi32, #tpu.memory_space<vmem>> -> memref<1x80xi32, #tpu.memory_space<vmem>>
      %dma_start3A_431 = tpu.memref_squeeze %dma_start3A_430 : memref<1x80xi32, #tpu.memory_space<vmem>> -> memref<80xi32, #tpu.memory_space<vmem>>
      %dma_start3A_432 = arith.constant 0 : i32
      %dma_start3A_433 = arith.constant 0 : i32
      %dma_start3A_434 = tpu.memref_slice %arg2[%dma_start3A_432, %dma_start3A_433] : memref<10000x128xf32, #tpu.memory_space<hbm>> -> memref<10000x128xf32, #tpu.memory_space<hbm>>
      tpu.enqueue_indirect_dma source(%dma_start3A_434 : memref<10000x128xf32, #tpu.memory_space<hbm>>) target(%arg13 : memref<80x128xf32, #tpu.memory_space<vmem>>) offsets(%dma_start3A_431 : memref<80xi32, #tpu.memory_space<vmem>>) semaphore(%arg15 : memref<!tpu.dma_semaphore, #tpu.memory_space<semaphore_mem>>)
      %dma_wait3A_435 = arith.constant 6 : i32
      %dma_wait3A_436 = arith.constant 0 : i32
      %dma_wait3A_437 = tpu.memref_slice %arg9[%dma_wait3A_435, %dma_wait3A_436] : memref<16x80xi32, #tpu.memory_space<vmem>> -> memref<1x80xi32, #tpu.memory_space<vmem>>
      %dma_wait3A_438 = tpu.memref_squeeze %dma_wait3A_437 : memref<1x80xi32, #tpu.memory_space<vmem>> -> memref<80xi32, #tpu.memory_space<vmem>>
      %dma_wait3A_439 = arith.constant 0 : i32
      %dma_wait3A_440 = arith.constant 0 : i32
      %dma_wait3A_441 = tpu.memref_slice %arg2[%dma_wait3A_439, %dma_wait3A_440] : memref<10000x128xf32, #tpu.memory_space<hbm>> -> memref<10000x128xf32, #tpu.memory_space<hbm>>
      tpu.wait_indirect_dma semaphore(%arg14 : memref<!tpu.dma_semaphore, #tpu.memory_space<semaphore_mem>>) src(%dma_wait3A_441 : memref<10000x128xf32, #tpu.memory_space<hbm>>) dst(%arg12 : memref<80x128xf32, #tpu.memory_space<vmem>>)
      %dma_start3A_442 = arith.constant 6 : i32
      %dma_start3A_443 = arith.constant 0 : i32
      %dma_start3A_444 = tpu.memref_slice %arg10[%dma_start3A_442, %dma_start3A_443] : memref<16x80xi32, #tpu.memory_space<vmem>> -> memref<1x80xi32, #tpu.memory_space<vmem>>
      %dma_start3A_445 = tpu.memref_squeeze %dma_start3A_444 : memref<1x80xi32, #tpu.memory_space<vmem>> -> memref<80xi32, #tpu.memory_space<vmem>>
      %dma_start3A_446 = arith.constant 0 : i32
      %dma_start3A_447 = arith.constant 0 : i32
      %dma_start3A_448 = tpu.memref_slice %arg8[%dma_start3A_446, %dma_start3A_447] : memref<10240x128xf32, #tpu.memory_space<vmem_shared>> -> memref<10240x128xf32, #tpu.memory_space<vmem_shared>>
      tpu.enqueue_indirect_dma source(%arg12 : memref<80x128xf32, #tpu.memory_space<vmem>>) target(%dma_start3A_448 : memref<10240x128xf32, #tpu.memory_space<vmem_shared>>) offsets(%dma_start3A_445 : memref<80xi32, #tpu.memory_space<vmem>>) semaphore(%arg16 : memref<!tpu.dma_semaphore, #tpu.memory_space<semaphore_mem>>) {add = true}
      %dma_wait3A_449 = arith.constant 6 : i32
      %dma_wait3A_450 = arith.constant 0 : i32
      %dma_wait3A_451 = tpu.memref_slice %arg10[%dma_wait3A_449, %dma_wait3A_450] : memref<16x80xi32, #tpu.memory_space<vmem>> -> memref<1x80xi32, #tpu.memory_space<vmem>>
      %dma_wait3A_452 = tpu.memref_squeeze %dma_wait3A_451 : memref<1x80xi32, #tpu.memory_space<vmem>> -> memref<80xi32, #tpu.memory_space<vmem>>
      %dma_wait3A_453 = arith.constant 0 : i32
      %dma_wait3A_454 = arith.constant 0 : i32
      %dma_wait3A_455 = tpu.memref_slice %arg8[%dma_wait3A_453, %dma_wait3A_454] : memref<10240x128xf32, #tpu.memory_space<vmem_shared>> -> memref<10240x128xf32, #tpu.memory_space<vmem_shared>>
      tpu.wait_indirect_dma semaphore(%arg16 : memref<!tpu.dma_semaphore, #tpu.memory_space<semaphore_mem>>) src(%arg12 : memref<80x128xf32, #tpu.memory_space<vmem>>) dst(%dma_wait3A_455 : memref<10240x128xf32, #tpu.memory_space<vmem_shared>>)
      %dma_start3A_456 = arith.constant 8 : i32
      %dma_start3A_457 = arith.constant 0 : i32
      %dma_start3A_458 = tpu.memref_slice %arg9[%dma_start3A_456, %dma_start3A_457] : memref<16x80xi32, #tpu.memory_space<vmem>> -> memref<1x80xi32, #tpu.memory_space<vmem>>
      %dma_start3A_459 = tpu.memref_squeeze %dma_start3A_458 : memref<1x80xi32, #tpu.memory_space<vmem>> -> memref<80xi32, #tpu.memory_space<vmem>>
      %dma_start3A_460 = arith.constant 0 : i32
      %dma_start3A_461 = arith.constant 0 : i32
      %dma_start3A_462 = tpu.memref_slice %arg2[%dma_start3A_460, %dma_start3A_461] : memref<10000x128xf32, #tpu.memory_space<hbm>> -> memref<10000x128xf32, #tpu.memory_space<hbm>>
      tpu.enqueue_indirect_dma source(%dma_start3A_462 : memref<10000x128xf32, #tpu.memory_space<hbm>>) target(%arg12 : memref<80x128xf32, #tpu.memory_space<vmem>>) offsets(%dma_start3A_459 : memref<80xi32, #tpu.memory_space<vmem>>) semaphore(%arg14 : memref<!tpu.dma_semaphore, #tpu.memory_space<semaphore_mem>>)
      %dma_wait3A_463 = arith.constant 7 : i32
      %dma_wait3A_464 = arith.constant 0 : i32
      %dma_wait3A_465 = tpu.memref_slice %arg9[%dma_wait3A_463, %dma_wait3A_464] : memref<16x80xi32, #tpu.memory_space<vmem>> -> memref<1x80xi32, #tpu.memory_space<vmem>>
      %dma_wait3A_466 = tpu.memref_squeeze %dma_wait3A_465 : memref<1x80xi32, #tpu.memory_space<vmem>> -> memref<80xi32, #tpu.memory_space<vmem>>
      %dma_wait3A_467 = arith.constant 0 : i32
      %dma_wait3A_468 = arith.constant 0 : i32
      %dma_wait3A_469 = tpu.memref_slice %arg2[%dma_wait3A_467, %dma_wait3A_468] : memref<10000x128xf32, #tpu.memory_space<hbm>> -> memref<10000x128xf32, #tpu.memory_space<hbm>>
      tpu.wait_indirect_dma semaphore(%arg15 : memref<!tpu.dma_semaphore, #tpu.memory_space<semaphore_mem>>) src(%dma_wait3A_469 : memref<10000x128xf32, #tpu.memory_space<hbm>>) dst(%arg13 : memref<80x128xf32, #tpu.memory_space<vmem>>)
      %dma_start3A_470 = arith.constant 7 : i32
      %dma_start3A_471 = arith.constant 0 : i32
      %dma_start3A_472 = tpu.memref_slice %arg10[%dma_start3A_470, %dma_start3A_471] : memref<16x80xi32, #tpu.memory_space<vmem>> -> memref<1x80xi32, #tpu.memory_space<vmem>>
      %dma_start3A_473 = tpu.memref_squeeze %dma_start3A_472 : memref<1x80xi32, #tpu.memory_space<vmem>> -> memref<80xi32, #tpu.memory_space<vmem>>
      %dma_start3A_474 = arith.constant 0 : i32
      %dma_start3A_475 = arith.constant 0 : i32
      %dma_start3A_476 = tpu.memref_slice %arg8[%dma_start3A_474, %dma_start3A_475] : memref<10240x128xf32, #tpu.memory_space<vmem_shared>> -> memref<10240x128xf32, #tpu.memory_space<vmem_shared>>
      tpu.enqueue_indirect_dma source(%arg13 : memref<80x128xf32, #tpu.memory_space<vmem>>) target(%dma_start3A_476 : memref<10240x128xf32, #tpu.memory_space<vmem_shared>>) offsets(%dma_start3A_473 : memref<80xi32, #tpu.memory_space<vmem>>) semaphore(%arg17 : memref<!tpu.dma_semaphore, #tpu.memory_space<semaphore_mem>>) {add = true}
      %dma_wait3A_477 = arith.constant 7 : i32
      %dma_wait3A_478 = arith.constant 0 : i32
      %dma_wait3A_479 = tpu.memref_slice %arg10[%dma_wait3A_477, %dma_wait3A_478] : memref<16x80xi32, #tpu.memory_space<vmem>> -> memref<1x80xi32, #tpu.memory_space<vmem>>
      %dma_wait3A_480 = tpu.memref_squeeze %dma_wait3A_479 : memref<1x80xi32, #tpu.memory_space<vmem>> -> memref<80xi32, #tpu.memory_space<vmem>>
      %dma_wait3A_481 = arith.constant 0 : i32
      %dma_wait3A_482 = arith.constant 0 : i32
      %dma_wait3A_483 = tpu.memref_slice %arg8[%dma_wait3A_481, %dma_wait3A_482] : memref<10240x128xf32, #tpu.memory_space<vmem_shared>> -> memref<10240x128xf32, #tpu.memory_space<vmem_shared>>
      tpu.wait_indirect_dma semaphore(%arg17 : memref<!tpu.dma_semaphore, #tpu.memory_space<semaphore_mem>>) src(%arg13 : memref<80x128xf32, #tpu.memory_space<vmem>>) dst(%dma_wait3A_483 : memref<10240x128xf32, #tpu.memory_space<vmem_shared>>)
      %dma_start3A_484 = arith.constant 9 : i32
      %dma_start3A_485 = arith.constant 0 : i32
      %dma_start3A_486 = tpu.memref_slice %arg9[%dma_start3A_484, %dma_start3A_485] : memref<16x80xi32, #tpu.memory_space<vmem>> -> memref<1x80xi32, #tpu.memory_space<vmem>>
      %dma_start3A_487 = tpu.memref_squeeze %dma_start3A_486 : memref<1x80xi32, #tpu.memory_space<vmem>> -> memref<80xi32, #tpu.memory_space<vmem>>
      %dma_start3A_488 = arith.constant 0 : i32
      %dma_start3A_489 = arith.constant 0 : i32
      %dma_start3A_490 = tpu.memref_slice %arg2[%dma_start3A_488, %dma_start3A_489] : memref<10000x128xf32, #tpu.memory_space<hbm>> -> memref<10000x128xf32, #tpu.memory_space<hbm>>
      tpu.enqueue_indirect_dma source(%dma_start3A_490 : memref<10000x128xf32, #tpu.memory_space<hbm>>) target(%arg13 : memref<80x128xf32, #tpu.memory_space<vmem>>) offsets(%dma_start3A_487 : memref<80xi32, #tpu.memory_space<vmem>>) semaphore(%arg15 : memref<!tpu.dma_semaphore, #tpu.memory_space<semaphore_mem>>)
      %dma_wait3A_491 = arith.constant 8 : i32
      %dma_wait3A_492 = arith.constant 0 : i32
      %dma_wait3A_493 = tpu.memref_slice %arg9[%dma_wait3A_491, %dma_wait3A_492] : memref<16x80xi32, #tpu.memory_space<vmem>> -> memref<1x80xi32, #tpu.memory_space<vmem>>
      %dma_wait3A_494 = tpu.memref_squeeze %dma_wait3A_493 : memref<1x80xi32, #tpu.memory_space<vmem>> -> memref<80xi32, #tpu.memory_space<vmem>>
      %dma_wait3A_495 = arith.constant 0 : i32
      %dma_wait3A_496 = arith.constant 0 : i32
      %dma_wait3A_497 = tpu.memref_slice %arg2[%dma_wait3A_495, %dma_wait3A_496] : memref<10000x128xf32, #tpu.memory_space<hbm>> -> memref<10000x128xf32, #tpu.memory_space<hbm>>
      tpu.wait_indirect_dma semaphore(%arg14 : memref<!tpu.dma_semaphore, #tpu.memory_space<semaphore_mem>>) src(%dma_wait3A_497 : memref<10000x128xf32, #tpu.memory_space<hbm>>) dst(%arg12 : memref<80x128xf32, #tpu.memory_space<vmem>>)
      %dma_start3A_498 = arith.constant 8 : i32
      %dma_start3A_499 = arith.constant 0 : i32
      %dma_start3A_500 = tpu.memref_slice %arg10[%dma_start3A_498, %dma_start3A_499] : memref<16x80xi32, #tpu.memory_space<vmem>> -> memref<1x80xi32, #tpu.memory_space<vmem>>
      %dma_start3A_501 = tpu.memref_squeeze %dma_start3A_500 : memref<1x80xi32, #tpu.memory_space<vmem>> -> memref<80xi32, #tpu.memory_space<vmem>>
      %dma_start3A_502 = arith.constant 0 : i32
      %dma_start3A_503 = arith.constant 0 : i32
      %dma_start3A_504 = tpu.memref_slice %arg8[%dma_start3A_502, %dma_start3A_503] : memref<10240x128xf32, #tpu.memory_space<vmem_shared>> -> memref<10240x128xf32, #tpu.memory_space<vmem_shared>>
      tpu.enqueue_indirect_dma source(%arg12 : memref<80x128xf32, #tpu.memory_space<vmem>>) target(%dma_start3A_504 : memref<10240x128xf32, #tpu.memory_space<vmem_shared>>) offsets(%dma_start3A_501 : memref<80xi32, #tpu.memory_space<vmem>>) semaphore(%arg16 : memref<!tpu.dma_semaphore, #tpu.memory_space<semaphore_mem>>) {add = true}
      %dma_wait3A_505 = arith.constant 8 : i32
      %dma_wait3A_506 = arith.constant 0 : i32
      %dma_wait3A_507 = tpu.memref_slice %arg10[%dma_wait3A_505, %dma_wait3A_506] : memref<16x80xi32, #tpu.memory_space<vmem>> -> memref<1x80xi32, #tpu.memory_space<vmem>>
      %dma_wait3A_508 = tpu.memref_squeeze %dma_wait3A_507 : memref<1x80xi32, #tpu.memory_space<vmem>> -> memref<80xi32, #tpu.memory_space<vmem>>
      %dma_wait3A_509 = arith.constant 0 : i32
      %dma_wait3A_510 = arith.constant 0 : i32
      %dma_wait3A_511 = tpu.memref_slice %arg8[%dma_wait3A_509, %dma_wait3A_510] : memref<10240x128xf32, #tpu.memory_space<vmem_shared>> -> memref<10240x128xf32, #tpu.memory_space<vmem_shared>>
      tpu.wait_indirect_dma semaphore(%arg16 : memref<!tpu.dma_semaphore, #tpu.memory_space<semaphore_mem>>) src(%arg12 : memref<80x128xf32, #tpu.memory_space<vmem>>) dst(%dma_wait3A_511 : memref<10240x128xf32, #tpu.memory_space<vmem_shared>>)
      %dma_start3A_512 = arith.constant 10 : i32
      %dma_start3A_513 = arith.constant 0 : i32
      %dma_start3A_514 = tpu.memref_slice %arg9[%dma_start3A_512, %dma_start3A_513] : memref<16x80xi32, #tpu.memory_space<vmem>> -> memref<1x80xi32, #tpu.memory_space<vmem>>
      %dma_start3A_515 = tpu.memref_squeeze %dma_start3A_514 : memref<1x80xi32, #tpu.memory_space<vmem>> -> memref<80xi32, #tpu.memory_space<vmem>>
      %dma_start3A_516 = arith.constant 0 : i32
      %dma_start3A_517 = arith.constant 0 : i32
      %dma_start3A_518 = tpu.memref_slice %arg2[%dma_start3A_516, %dma_start3A_517] : memref<10000x128xf32, #tpu.memory_space<hbm>> -> memref<10000x128xf32, #tpu.memory_space<hbm>>
      tpu.enqueue_indirect_dma source(%dma_start3A_518 : memref<10000x128xf32, #tpu.memory_space<hbm>>) target(%arg12 : memref<80x128xf32, #tpu.memory_space<vmem>>) offsets(%dma_start3A_515 : memref<80xi32, #tpu.memory_space<vmem>>) semaphore(%arg14 : memref<!tpu.dma_semaphore, #tpu.memory_space<semaphore_mem>>)
      %dma_wait3A_519 = arith.constant 9 : i32
      %dma_wait3A_520 = arith.constant 0 : i32
      %dma_wait3A_521 = tpu.memref_slice %arg9[%dma_wait3A_519, %dma_wait3A_520] : memref<16x80xi32, #tpu.memory_space<vmem>> -> memref<1x80xi32, #tpu.memory_space<vmem>>
      %dma_wait3A_522 = tpu.memref_squeeze %dma_wait3A_521 : memref<1x80xi32, #tpu.memory_space<vmem>> -> memref<80xi32, #tpu.memory_space<vmem>>
      %dma_wait3A_523 = arith.constant 0 : i32
      %dma_wait3A_524 = arith.constant 0 : i32
      %dma_wait3A_525 = tpu.memref_slice %arg2[%dma_wait3A_523, %dma_wait3A_524] : memref<10000x128xf32, #tpu.memory_space<hbm>> -> memref<10000x128xf32, #tpu.memory_space<hbm>>
      tpu.wait_indirect_dma semaphore(%arg15 : memref<!tpu.dma_semaphore, #tpu.memory_space<semaphore_mem>>) src(%dma_wait3A_525 : memref<10000x128xf32, #tpu.memory_space<hbm>>) dst(%arg13 : memref<80x128xf32, #tpu.memory_space<vmem>>)
      %dma_start3A_526 = arith.constant 9 : i32
      %dma_start3A_527 = arith.constant 0 : i32
      %dma_start3A_528 = tpu.memref_slice %arg10[%dma_start3A_526, %dma_start3A_527] : memref<16x80xi32, #tpu.memory_space<vmem>> -> memref<1x80xi32, #tpu.memory_space<vmem>>
      %dma_start3A_529 = tpu.memref_squeeze %dma_start3A_528 : memref<1x80xi32, #tpu.memory_space<vmem>> -> memref<80xi32, #tpu.memory_space<vmem>>
      %dma_start3A_530 = arith.constant 0 : i32
      %dma_start3A_531 = arith.constant 0 : i32
      %dma_start3A_532 = tpu.memref_slice %arg8[%dma_start3A_530, %dma_start3A_531] : memref<10240x128xf32, #tpu.memory_space<vmem_shared>> -> memref<10240x128xf32, #tpu.memory_space<vmem_shared>>
      tpu.enqueue_indirect_dma source(%arg13 : memref<80x128xf32, #tpu.memory_space<vmem>>) target(%dma_start3A_532 : memref<10240x128xf32, #tpu.memory_space<vmem_shared>>) offsets(%dma_start3A_529 : memref<80xi32, #tpu.memory_space<vmem>>) semaphore(%arg17 : memref<!tpu.dma_semaphore, #tpu.memory_space<semaphore_mem>>) {add = true}
      %dma_wait3A_533 = arith.constant 9 : i32
      %dma_wait3A_534 = arith.constant 0 : i32
      %dma_wait3A_535 = tpu.memref_slice %arg10[%dma_wait3A_533, %dma_wait3A_534] : memref<16x80xi32, #tpu.memory_space<vmem>> -> memref<1x80xi32, #tpu.memory_space<vmem>>
      %dma_wait3A_536 = tpu.memref_squeeze %dma_wait3A_535 : memref<1x80xi32, #tpu.memory_space<vmem>> -> memref<80xi32, #tpu.memory_space<vmem>>
      %dma_wait3A_537 = arith.constant 0 : i32
      %dma_wait3A_538 = arith.constant 0 : i32
      %dma_wait3A_539 = tpu.memref_slice %arg8[%dma_wait3A_537, %dma_wait3A_538] : memref<10240x128xf32, #tpu.memory_space<vmem_shared>> -> memref<10240x128xf32, #tpu.memory_space<vmem_shared>>
      tpu.wait_indirect_dma semaphore(%arg17 : memref<!tpu.dma_semaphore, #tpu.memory_space<semaphore_mem>>) src(%arg13 : memref<80x128xf32, #tpu.memory_space<vmem>>) dst(%dma_wait3A_539 : memref<10240x128xf32, #tpu.memory_space<vmem_shared>>)
      %dma_start3A_540 = arith.constant 11 : i32
      %dma_start3A_541 = arith.constant 0 : i32
      %dma_start3A_542 = tpu.memref_slice %arg9[%dma_start3A_540, %dma_start3A_541] : memref<16x80xi32, #tpu.memory_space<vmem>> -> memref<1x80xi32, #tpu.memory_space<vmem>>
      %dma_start3A_543 = tpu.memref_squeeze %dma_start3A_542 : memref<1x80xi32, #tpu.memory_space<vmem>> -> memref<80xi32, #tpu.memory_space<vmem>>
      %dma_start3A_544 = arith.constant 0 : i32
      %dma_start3A_545 = arith.constant 0 : i32
      %dma_start3A_546 = tpu.memref_slice %arg2[%dma_start3A_544, %dma_start3A_545] : memref<10000x128xf32, #tpu.memory_space<hbm>> -> memref<10000x128xf32, #tpu.memory_space<hbm>>
      tpu.enqueue_indirect_dma source(%dma_start3A_546 : memref<10000x128xf32, #tpu.memory_space<hbm>>) target(%arg13 : memref<80x128xf32, #tpu.memory_space<vmem>>) offsets(%dma_start3A_543 : memref<80xi32, #tpu.memory_space<vmem>>) semaphore(%arg15 : memref<!tpu.dma_semaphore, #tpu.memory_space<semaphore_mem>>)
      %dma_wait3A_547 = arith.constant 10 : i32
      %dma_wait3A_548 = arith.constant 0 : i32
      %dma_wait3A_549 = tpu.memref_slice %arg9[%dma_wait3A_547, %dma_wait3A_548] : memref<16x80xi32, #tpu.memory_space<vmem>> -> memref<1x80xi32, #tpu.memory_space<vmem>>
      %dma_wait3A_550 = tpu.memref_squeeze %dma_wait3A_549 : memref<1x80xi32, #tpu.memory_space<vmem>> -> memref<80xi32, #tpu.memory_space<vmem>>
      %dma_wait3A_551 = arith.constant 0 : i32
      %dma_wait3A_552 = arith.constant 0 : i32
      %dma_wait3A_553 = tpu.memref_slice %arg2[%dma_wait3A_551, %dma_wait3A_552] : memref<10000x128xf32, #tpu.memory_space<hbm>> -> memref<10000x128xf32, #tpu.memory_space<hbm>>
      tpu.wait_indirect_dma semaphore(%arg14 : memref<!tpu.dma_semaphore, #tpu.memory_space<semaphore_mem>>) src(%dma_wait3A_553 : memref<10000x128xf32, #tpu.memory_space<hbm>>) dst(%arg12 : memref<80x128xf32, #tpu.memory_space<vmem>>)
      %dma_start3A_554 = arith.constant 10 : i32
      %dma_start3A_555 = arith.constant 0 : i32
      %dma_start3A_556 = tpu.memref_slice %arg10[%dma_start3A_554, %dma_start3A_555] : memref<16x80xi32, #tpu.memory_space<vmem>> -> memref<1x80xi32, #tpu.memory_space<vmem>>
      %dma_start3A_557 = tpu.memref_squeeze %dma_start3A_556 : memref<1x80xi32, #tpu.memory_space<vmem>> -> memref<80xi32, #tpu.memory_space<vmem>>
      %dma_start3A_558 = arith.constant 0 : i32
      %dma_start3A_559 = arith.constant 0 : i32
      %dma_start3A_560 = tpu.memref_slice %arg8[%dma_start3A_558, %dma_start3A_559] : memref<10240x128xf32, #tpu.memory_space<vmem_shared>> -> memref<10240x128xf32, #tpu.memory_space<vmem_shared>>
      tpu.enqueue_indirect_dma source(%arg12 : memref<80x128xf32, #tpu.memory_space<vmem>>) target(%dma_start3A_560 : memref<10240x128xf32, #tpu.memory_space<vmem_shared>>) offsets(%dma_start3A_557 : memref<80xi32, #tpu.memory_space<vmem>>) semaphore(%arg16 : memref<!tpu.dma_semaphore, #tpu.memory_space<semaphore_mem>>) {add = true}
      %dma_wait3A_561 = arith.constant 10 : i32
      %dma_wait3A_562 = arith.constant 0 : i32
      %dma_wait3A_563 = tpu.memref_slice %arg10[%dma_wait3A_561, %dma_wait3A_562] : memref<16x80xi32, #tpu.memory_space<vmem>> -> memref<1x80xi32, #tpu.memory_space<vmem>>
      %dma_wait3A_564 = tpu.memref_squeeze %dma_wait3A_563 : memref<1x80xi32, #tpu.memory_space<vmem>> -> memref<80xi32, #tpu.memory_space<vmem>>
      %dma_wait3A_565 = arith.constant 0 : i32
      %dma_wait3A_566 = arith.constant 0 : i32
      %dma_wait3A_567 = tpu.memref_slice %arg8[%dma_wait3A_565, %dma_wait3A_566] : memref<10240x128xf32, #tpu.memory_space<vmem_shared>> -> memref<10240x128xf32, #tpu.memory_space<vmem_shared>>
      tpu.wait_indirect_dma semaphore(%arg16 : memref<!tpu.dma_semaphore, #tpu.memory_space<semaphore_mem>>) src(%arg12 : memref<80x128xf32, #tpu.memory_space<vmem>>) dst(%dma_wait3A_567 : memref<10240x128xf32, #tpu.memory_space<vmem_shared>>)
      %dma_start3A_568 = arith.constant 12 : i32
      %dma_start3A_569 = arith.constant 0 : i32
      %dma_start3A_570 = tpu.memref_slice %arg9[%dma_start3A_568, %dma_start3A_569] : memref<16x80xi32, #tpu.memory_space<vmem>> -> memref<1x80xi32, #tpu.memory_space<vmem>>
      %dma_start3A_571 = tpu.memref_squeeze %dma_start3A_570 : memref<1x80xi32, #tpu.memory_space<vmem>> -> memref<80xi32, #tpu.memory_space<vmem>>
      %dma_start3A_572 = arith.constant 0 : i32
      %dma_start3A_573 = arith.constant 0 : i32
      %dma_start3A_574 = tpu.memref_slice %arg2[%dma_start3A_572, %dma_start3A_573] : memref<10000x128xf32, #tpu.memory_space<hbm>> -> memref<10000x128xf32, #tpu.memory_space<hbm>>
      tpu.enqueue_indirect_dma source(%dma_start3A_574 : memref<10000x128xf32, #tpu.memory_space<hbm>>) target(%arg12 : memref<80x128xf32, #tpu.memory_space<vmem>>) offsets(%dma_start3A_571 : memref<80xi32, #tpu.memory_space<vmem>>) semaphore(%arg14 : memref<!tpu.dma_semaphore, #tpu.memory_space<semaphore_mem>>)
      %dma_wait3A_575 = arith.constant 11 : i32
      %dma_wait3A_576 = arith.constant 0 : i32
      %dma_wait3A_577 = tpu.memref_slice %arg9[%dma_wait3A_575, %dma_wait3A_576] : memref<16x80xi32, #tpu.memory_space<vmem>> -> memref<1x80xi32, #tpu.memory_space<vmem>>
      %dma_wait3A_578 = tpu.memref_squeeze %dma_wait3A_577 : memref<1x80xi32, #tpu.memory_space<vmem>> -> memref<80xi32, #tpu.memory_space<vmem>>
      %dma_wait3A_579 = arith.constant 0 : i32
      %dma_wait3A_580 = arith.constant 0 : i32
      %dma_wait3A_581 = tpu.memref_slice %arg2[%dma_wait3A_579, %dma_wait3A_580] : memref<10000x128xf32, #tpu.memory_space<hbm>> -> memref<10000x128xf32, #tpu.memory_space<hbm>>
      tpu.wait_indirect_dma semaphore(%arg15 : memref<!tpu.dma_semaphore, #tpu.memory_space<semaphore_mem>>) src(%dma_wait3A_581 : memref<10000x128xf32, #tpu.memory_space<hbm>>) dst(%arg13 : memref<80x128xf32, #tpu.memory_space<vmem>>)
      %dma_start3A_582 = arith.constant 11 : i32
      %dma_start3A_583 = arith.constant 0 : i32
      %dma_start3A_584 = tpu.memref_slice %arg10[%dma_start3A_582, %dma_start3A_583] : memref<16x80xi32, #tpu.memory_space<vmem>> -> memref<1x80xi32, #tpu.memory_space<vmem>>
      %dma_start3A_585 = tpu.memref_squeeze %dma_start3A_584 : memref<1x80xi32, #tpu.memory_space<vmem>> -> memref<80xi32, #tpu.memory_space<vmem>>
      %dma_start3A_586 = arith.constant 0 : i32
      %dma_start3A_587 = arith.constant 0 : i32
      %dma_start3A_588 = tpu.memref_slice %arg8[%dma_start3A_586, %dma_start3A_587] : memref<10240x128xf32, #tpu.memory_space<vmem_shared>> -> memref<10240x128xf32, #tpu.memory_space<vmem_shared>>
      tpu.enqueue_indirect_dma source(%arg13 : memref<80x128xf32, #tpu.memory_space<vmem>>) target(%dma_start3A_588 : memref<10240x128xf32, #tpu.memory_space<vmem_shared>>) offsets(%dma_start3A_585 : memref<80xi32, #tpu.memory_space<vmem>>) semaphore(%arg17 : memref<!tpu.dma_semaphore, #tpu.memory_space<semaphore_mem>>) {add = true}
      %dma_wait3A_589 = arith.constant 11 : i32
      %dma_wait3A_590 = arith.constant 0 : i32
      %dma_wait3A_591 = tpu.memref_slice %arg10[%dma_wait3A_589, %dma_wait3A_590] : memref<16x80xi32, #tpu.memory_space<vmem>> -> memref<1x80xi32, #tpu.memory_space<vmem>>
      %dma_wait3A_592 = tpu.memref_squeeze %dma_wait3A_591 : memref<1x80xi32, #tpu.memory_space<vmem>> -> memref<80xi32, #tpu.memory_space<vmem>>
      %dma_wait3A_593 = arith.constant 0 : i32
      %dma_wait3A_594 = arith.constant 0 : i32
      %dma_wait3A_595 = tpu.memref_slice %arg8[%dma_wait3A_593, %dma_wait3A_594] : memref<10240x128xf32, #tpu.memory_space<vmem_shared>> -> memref<10240x128xf32, #tpu.memory_space<vmem_shared>>
      tpu.wait_indirect_dma semaphore(%arg17 : memref<!tpu.dma_semaphore, #tpu.memory_space<semaphore_mem>>) src(%arg13 : memref<80x128xf32, #tpu.memory_space<vmem>>) dst(%dma_wait3A_595 : memref<10240x128xf32, #tpu.memory_space<vmem_shared>>)
      %dma_start3A_596 = arith.constant 13 : i32
      %dma_start3A_597 = arith.constant 0 : i32
      %dma_start3A_598 = tpu.memref_slice %arg9[%dma_start3A_596, %dma_start3A_597] : memref<16x80xi32, #tpu.memory_space<vmem>> -> memref<1x80xi32, #tpu.memory_space<vmem>>
      %dma_start3A_599 = tpu.memref_squeeze %dma_start3A_598 : memref<1x80xi32, #tpu.memory_space<vmem>> -> memref<80xi32, #tpu.memory_space<vmem>>
      %dma_start3A_600 = arith.constant 0 : i32
      %dma_start3A_601 = arith.constant 0 : i32
      %dma_start3A_602 = tpu.memref_slice %arg2[%dma_start3A_600, %dma_start3A_601] : memref<10000x128xf32, #tpu.memory_space<hbm>> -> memref<10000x128xf32, #tpu.memory_space<hbm>>
      tpu.enqueue_indirect_dma source(%dma_start3A_602 : memref<10000x128xf32, #tpu.memory_space<hbm>>) target(%arg13 : memref<80x128xf32, #tpu.memory_space<vmem>>) offsets(%dma_start3A_599 : memref<80xi32, #tpu.memory_space<vmem>>) semaphore(%arg15 : memref<!tpu.dma_semaphore, #tpu.memory_space<semaphore_mem>>)
      %dma_wait3A_603 = arith.constant 12 : i32
      %dma_wait3A_604 = arith.constant 0 : i32
      %dma_wait3A_605 = tpu.memref_slice %arg9[%dma_wait3A_603, %dma_wait3A_604] : memref<16x80xi32, #tpu.memory_space<vmem>> -> memref<1x80xi32, #tpu.memory_space<vmem>>
      %dma_wait3A_606 = tpu.memref_squeeze %dma_wait3A_605 : memref<1x80xi32, #tpu.memory_space<vmem>> -> memref<80xi32, #tpu.memory_space<vmem>>
      %dma_wait3A_607 = arith.constant 0 : i32
      %dma_wait3A_608 = arith.constant 0 : i32
      %dma_wait3A_609 = tpu.memref_slice %arg2[%dma_wait3A_607, %dma_wait3A_608] : memref<10000x128xf32, #tpu.memory_space<hbm>> -> memref<10000x128xf32, #tpu.memory_space<hbm>>
      tpu.wait_indirect_dma semaphore(%arg14 : memref<!tpu.dma_semaphore, #tpu.memory_space<semaphore_mem>>) src(%dma_wait3A_609 : memref<10000x128xf32, #tpu.memory_space<hbm>>) dst(%arg12 : memref<80x128xf32, #tpu.memory_space<vmem>>)
      %dma_start3A_610 = arith.constant 12 : i32
      %dma_start3A_611 = arith.constant 0 : i32
      %dma_start3A_612 = tpu.memref_slice %arg10[%dma_start3A_610, %dma_start3A_611] : memref<16x80xi32, #tpu.memory_space<vmem>> -> memref<1x80xi32, #tpu.memory_space<vmem>>
      %dma_start3A_613 = tpu.memref_squeeze %dma_start3A_612 : memref<1x80xi32, #tpu.memory_space<vmem>> -> memref<80xi32, #tpu.memory_space<vmem>>
      %dma_start3A_614 = arith.constant 0 : i32
      %dma_start3A_615 = arith.constant 0 : i32
      %dma_start3A_616 = tpu.memref_slice %arg8[%dma_start3A_614, %dma_start3A_615] : memref<10240x128xf32, #tpu.memory_space<vmem_shared>> -> memref<10240x128xf32, #tpu.memory_space<vmem_shared>>
      tpu.enqueue_indirect_dma source(%arg12 : memref<80x128xf32, #tpu.memory_space<vmem>>) target(%dma_start3A_616 : memref<10240x128xf32, #tpu.memory_space<vmem_shared>>) offsets(%dma_start3A_613 : memref<80xi32, #tpu.memory_space<vmem>>) semaphore(%arg16 : memref<!tpu.dma_semaphore, #tpu.memory_space<semaphore_mem>>) {add = true}
      %dma_wait3A_617 = arith.constant 12 : i32
      %dma_wait3A_618 = arith.constant 0 : i32
      %dma_wait3A_619 = tpu.memref_slice %arg10[%dma_wait3A_617, %dma_wait3A_618] : memref<16x80xi32, #tpu.memory_space<vmem>> -> memref<1x80xi32, #tpu.memory_space<vmem>>
      %dma_wait3A_620 = tpu.memref_squeeze %dma_wait3A_619 : memref<1x80xi32, #tpu.memory_space<vmem>> -> memref<80xi32, #tpu.memory_space<vmem>>
      %dma_wait3A_621 = arith.constant 0 : i32
      %dma_wait3A_622 = arith.constant 0 : i32
      %dma_wait3A_623 = tpu.memref_slice %arg8[%dma_wait3A_621, %dma_wait3A_622] : memref<10240x128xf32, #tpu.memory_space<vmem_shared>> -> memref<10240x128xf32, #tpu.memory_space<vmem_shared>>
      tpu.wait_indirect_dma semaphore(%arg16 : memref<!tpu.dma_semaphore, #tpu.memory_space<semaphore_mem>>) src(%arg12 : memref<80x128xf32, #tpu.memory_space<vmem>>) dst(%dma_wait3A_623 : memref<10240x128xf32, #tpu.memory_space<vmem_shared>>)
      %dma_start3A_624 = arith.constant 14 : i32
      %dma_start3A_625 = arith.constant 0 : i32
      %dma_start3A_626 = tpu.memref_slice %arg9[%dma_start3A_624, %dma_start3A_625] : memref<16x80xi32, #tpu.memory_space<vmem>> -> memref<1x80xi32, #tpu.memory_space<vmem>>
      %dma_start3A_627 = tpu.memref_squeeze %dma_start3A_626 : memref<1x80xi32, #tpu.memory_space<vmem>> -> memref<80xi32, #tpu.memory_space<vmem>>
      %dma_start3A_628 = arith.constant 0 : i32
      %dma_start3A_629 = arith.constant 0 : i32
      %dma_start3A_630 = tpu.memref_slice %arg2[%dma_start3A_628, %dma_start3A_629] : memref<10000x128xf32, #tpu.memory_space<hbm>> -> memref<10000x128xf32, #tpu.memory_space<hbm>>
      tpu.enqueue_indirect_dma source(%dma_start3A_630 : memref<10000x128xf32, #tpu.memory_space<hbm>>) target(%arg12 : memref<80x128xf32, #tpu.memory_space<vmem>>) offsets(%dma_start3A_627 : memref<80xi32, #tpu.memory_space<vmem>>) semaphore(%arg14 : memref<!tpu.dma_semaphore, #tpu.memory_space<semaphore_mem>>)
      %dma_wait3A_631 = arith.constant 13 : i32
      %dma_wait3A_632 = arith.constant 0 : i32
      %dma_wait3A_633 = tpu.memref_slice %arg9[%dma_wait3A_631, %dma_wait3A_632] : memref<16x80xi32, #tpu.memory_space<vmem>> -> memref<1x80xi32, #tpu.memory_space<vmem>>
      %dma_wait3A_634 = tpu.memref_squeeze %dma_wait3A_633 : memref<1x80xi32, #tpu.memory_space<vmem>> -> memref<80xi32, #tpu.memory_space<vmem>>
      %dma_wait3A_635 = arith.constant 0 : i32
      %dma_wait3A_636 = arith.constant 0 : i32
      %dma_wait3A_637 = tpu.memref_slice %arg2[%dma_wait3A_635, %dma_wait3A_636] : memref<10000x128xf32, #tpu.memory_space<hbm>> -> memref<10000x128xf32, #tpu.memory_space<hbm>>
      tpu.wait_indirect_dma semaphore(%arg15 : memref<!tpu.dma_semaphore, #tpu.memory_space<semaphore_mem>>) src(%dma_wait3A_637 : memref<10000x128xf32, #tpu.memory_space<hbm>>) dst(%arg13 : memref<80x128xf32, #tpu.memory_space<vmem>>)
      %dma_start3A_638 = arith.constant 13 : i32
      %dma_start3A_639 = arith.constant 0 : i32
      %dma_start3A_640 = tpu.memref_slice %arg10[%dma_start3A_638, %dma_start3A_639] : memref<16x80xi32, #tpu.memory_space<vmem>> -> memref<1x80xi32, #tpu.memory_space<vmem>>
      %dma_start3A_641 = tpu.memref_squeeze %dma_start3A_640 : memref<1x80xi32, #tpu.memory_space<vmem>> -> memref<80xi32, #tpu.memory_space<vmem>>
      %dma_start3A_642 = arith.constant 0 : i32
      %dma_start3A_643 = arith.constant 0 : i32
      %dma_start3A_644 = tpu.memref_slice %arg8[%dma_start3A_642, %dma_start3A_643] : memref<10240x128xf32, #tpu.memory_space<vmem_shared>> -> memref<10240x128xf32, #tpu.memory_space<vmem_shared>>
      tpu.enqueue_indirect_dma source(%arg13 : memref<80x128xf32, #tpu.memory_space<vmem>>) target(%dma_start3A_644 : memref<10240x128xf32, #tpu.memory_space<vmem_shared>>) offsets(%dma_start3A_641 : memref<80xi32, #tpu.memory_space<vmem>>) semaphore(%arg17 : memref<!tpu.dma_semaphore, #tpu.memory_space<semaphore_mem>>) {add = true}
      %dma_wait3A_645 = arith.constant 13 : i32
      %dma_wait3A_646 = arith.constant 0 : i32
      %dma_wait3A_647 = tpu.memref_slice %arg10[%dma_wait3A_645, %dma_wait3A_646] : memref<16x80xi32, #tpu.memory_space<vmem>> -> memref<1x80xi32, #tpu.memory_space<vmem>>
      %dma_wait3A_648 = tpu.memref_squeeze %dma_wait3A_647 : memref<1x80xi32, #tpu.memory_space<vmem>> -> memref<80xi32, #tpu.memory_space<vmem>>
      %dma_wait3A_649 = arith.constant 0 : i32
      %dma_wait3A_650 = arith.constant 0 : i32
      %dma_wait3A_651 = tpu.memref_slice %arg8[%dma_wait3A_649, %dma_wait3A_650] : memref<10240x128xf32, #tpu.memory_space<vmem_shared>> -> memref<10240x128xf32, #tpu.memory_space<vmem_shared>>
      tpu.wait_indirect_dma semaphore(%arg17 : memref<!tpu.dma_semaphore, #tpu.memory_space<semaphore_mem>>) src(%arg13 : memref<80x128xf32, #tpu.memory_space<vmem>>) dst(%dma_wait3A_651 : memref<10240x128xf32, #tpu.memory_space<vmem_shared>>)
      %dma_start3A_652 = arith.constant 15 : i32
      %dma_start3A_653 = arith.constant 0 : i32
      %dma_start3A_654 = tpu.memref_slice %arg9[%dma_start3A_652, %dma_start3A_653] : memref<16x80xi32, #tpu.memory_space<vmem>> -> memref<1x80xi32, #tpu.memory_space<vmem>>
      %dma_start3A_655 = tpu.memref_squeeze %dma_start3A_654 : memref<1x80xi32, #tpu.memory_space<vmem>> -> memref<80xi32, #tpu.memory_space<vmem>>
      %dma_start3A_656 = arith.constant 0 : i32
      %dma_start3A_657 = arith.constant 0 : i32
      %dma_start3A_658 = tpu.memref_slice %arg2[%dma_start3A_656, %dma_start3A_657] : memref<10000x128xf32, #tpu.memory_space<hbm>> -> memref<10000x128xf32, #tpu.memory_space<hbm>>
      tpu.enqueue_indirect_dma source(%dma_start3A_658 : memref<10000x128xf32, #tpu.memory_space<hbm>>) target(%arg13 : memref<80x128xf32, #tpu.memory_space<vmem>>) offsets(%dma_start3A_655 : memref<80xi32, #tpu.memory_space<vmem>>) semaphore(%arg15 : memref<!tpu.dma_semaphore, #tpu.memory_space<semaphore_mem>>)
      %dma_wait3A_659 = arith.constant 14 : i32
      %dma_wait3A_660 = arith.constant 0 : i32
      %dma_wait3A_661 = tpu.memref_slice %arg9[%dma_wait3A_659, %dma_wait3A_660] : memref<16x80xi32, #tpu.memory_space<vmem>> -> memref<1x80xi32, #tpu.memory_space<vmem>>
      %dma_wait3A_662 = tpu.memref_squeeze %dma_wait3A_661 : memref<1x80xi32, #tpu.memory_space<vmem>> -> memref<80xi32, #tpu.memory_space<vmem>>
      %dma_wait3A_663 = arith.constant 0 : i32
      %dma_wait3A_664 = arith.constant 0 : i32
      %dma_wait3A_665 = tpu.memref_slice %arg2[%dma_wait3A_663, %dma_wait3A_664] : memref<10000x128xf32, #tpu.memory_space<hbm>> -> memref<10000x128xf32, #tpu.memory_space<hbm>>
      tpu.wait_indirect_dma semaphore(%arg14 : memref<!tpu.dma_semaphore, #tpu.memory_space<semaphore_mem>>) src(%dma_wait3A_665 : memref<10000x128xf32, #tpu.memory_space<hbm>>) dst(%arg12 : memref<80x128xf32, #tpu.memory_space<vmem>>)
      %dma_start3A_666 = arith.constant 14 : i32
      %dma_start3A_667 = arith.constant 0 : i32
      %dma_start3A_668 = tpu.memref_slice %arg10[%dma_start3A_666, %dma_start3A_667] : memref<16x80xi32, #tpu.memory_space<vmem>> -> memref<1x80xi32, #tpu.memory_space<vmem>>
      %dma_start3A_669 = tpu.memref_squeeze %dma_start3A_668 : memref<1x80xi32, #tpu.memory_space<vmem>> -> memref<80xi32, #tpu.memory_space<vmem>>
      %dma_start3A_670 = arith.constant 0 : i32
      %dma_start3A_671 = arith.constant 0 : i32
      %dma_start3A_672 = tpu.memref_slice %arg8[%dma_start3A_670, %dma_start3A_671] : memref<10240x128xf32, #tpu.memory_space<vmem_shared>> -> memref<10240x128xf32, #tpu.memory_space<vmem_shared>>
      tpu.enqueue_indirect_dma source(%arg12 : memref<80x128xf32, #tpu.memory_space<vmem>>) target(%dma_start3A_672 : memref<10240x128xf32, #tpu.memory_space<vmem_shared>>) offsets(%dma_start3A_669 : memref<80xi32, #tpu.memory_space<vmem>>) semaphore(%arg16 : memref<!tpu.dma_semaphore, #tpu.memory_space<semaphore_mem>>) {add = true}
      %dma_wait3A_673 = arith.constant 15 : i32
      %dma_wait3A_674 = arith.constant 0 : i32
      %dma_wait3A_675 = tpu.memref_slice %arg9[%dma_wait3A_673, %dma_wait3A_674] : memref<16x80xi32, #tpu.memory_space<vmem>> -> memref<1x80xi32, #tpu.memory_space<vmem>>
      %dma_wait3A_676 = tpu.memref_squeeze %dma_wait3A_675 : memref<1x80xi32, #tpu.memory_space<vmem>> -> memref<80xi32, #tpu.memory_space<vmem>>
      %dma_wait3A_677 = arith.constant 0 : i32
      %dma_wait3A_678 = arith.constant 0 : i32
      %dma_wait3A_679 = tpu.memref_slice %arg2[%dma_wait3A_677, %dma_wait3A_678] : memref<10000x128xf32, #tpu.memory_space<hbm>> -> memref<10000x128xf32, #tpu.memory_space<hbm>>
      tpu.wait_indirect_dma semaphore(%arg15 : memref<!tpu.dma_semaphore, #tpu.memory_space<semaphore_mem>>) src(%dma_wait3A_679 : memref<10000x128xf32, #tpu.memory_space<hbm>>) dst(%arg13 : memref<80x128xf32, #tpu.memory_space<vmem>>)
      %dma_start3A_680 = arith.constant 15 : i32
      %dma_start3A_681 = arith.constant 0 : i32
      %dma_start3A_682 = tpu.memref_slice %arg10[%dma_start3A_680, %dma_start3A_681] : memref<16x80xi32, #tpu.memory_space<vmem>> -> memref<1x80xi32, #tpu.memory_space<vmem>>
      %dma_start3A_683 = tpu.memref_squeeze %dma_start3A_682 : memref<1x80xi32, #tpu.memory_space<vmem>> -> memref<80xi32, #tpu.memory_space<vmem>>
      %dma_start3A_684 = arith.constant 0 : i32
      %dma_start3A_685 = arith.constant 0 : i32
      %dma_start3A_686 = tpu.memref_slice %arg8[%dma_start3A_684, %dma_start3A_685] : memref<10240x128xf32, #tpu.memory_space<vmem_shared>> -> memref<10240x128xf32, #tpu.memory_space<vmem_shared>>
      tpu.enqueue_indirect_dma source(%arg13 : memref<80x128xf32, #tpu.memory_space<vmem>>) target(%dma_start3A_686 : memref<10240x128xf32, #tpu.memory_space<vmem_shared>>) offsets(%dma_start3A_683 : memref<80xi32, #tpu.memory_space<vmem>>) semaphore(%arg17 : memref<!tpu.dma_semaphore, #tpu.memory_space<semaphore_mem>>) {add = true}
      %dma_wait3A_687 = arith.constant 14 : i32
      %dma_wait3A_688 = arith.constant 0 : i32
      %dma_wait3A_689 = tpu.memref_slice %arg10[%dma_wait3A_687, %dma_wait3A_688] : memref<16x80xi32, #tpu.memory_space<vmem>> -> memref<1x80xi32, #tpu.memory_space<vmem>>
      %dma_wait3A_690 = tpu.memref_squeeze %dma_wait3A_689 : memref<1x80xi32, #tpu.memory_space<vmem>> -> memref<80xi32, #tpu.memory_space<vmem>>
      %dma_wait3A_691 = arith.constant 0 : i32
      %dma_wait3A_692 = arith.constant 0 : i32
      %dma_wait3A_693 = tpu.memref_slice %arg8[%dma_wait3A_691, %dma_wait3A_692] : memref<10240x128xf32, #tpu.memory_space<vmem_shared>> -> memref<10240x128xf32, #tpu.memory_space<vmem_shared>>
      tpu.wait_indirect_dma semaphore(%arg16 : memref<!tpu.dma_semaphore, #tpu.memory_space<semaphore_mem>>) src(%arg12 : memref<80x128xf32, #tpu.memory_space<vmem>>) dst(%dma_wait3A_693 : memref<10240x128xf32, #tpu.memory_space<vmem_shared>>)
      %dma_wait3A_694 = arith.constant 15 : i32
      %dma_wait3A_695 = arith.constant 0 : i32
      %dma_wait3A_696 = tpu.memref_slice %arg10[%dma_wait3A_694, %dma_wait3A_695] : memref<16x80xi32, #tpu.memory_space<vmem>> -> memref<1x80xi32, #tpu.memory_space<vmem>>
      %dma_wait3A_697 = tpu.memref_squeeze %dma_wait3A_696 : memref<1x80xi32, #tpu.memory_space<vmem>> -> memref<80xi32, #tpu.memory_space<vmem>>
      %dma_wait3A_698 = arith.constant 0 : i32
      %dma_wait3A_699 = arith.constant 0 : i32
      %dma_wait3A_700 = tpu.memref_slice %arg8[%dma_wait3A_698, %dma_wait3A_699] : memref<10240x128xf32, #tpu.memory_space<vmem_shared>> -> memref<10240x128xf32, #tpu.memory_space<vmem_shared>>
      tpu.wait_indirect_dma semaphore(%arg17 : memref<!tpu.dma_semaphore, #tpu.memory_space<semaphore_mem>>) src(%arg13 : memref<80x128xf32, #tpu.memory_space<vmem>>) dst(%dma_wait3A_700 : memref<10240x128xf32, #tpu.memory_space<vmem_shared>>)
    }
    %while3A_122 = arith.constant 1 : i32
    scf.for %while3A_252 = %while3A_120 to %while3A_116 step %while3A_122  : i32 {
      "tpu.region"() ({
        %run_scoped3A = tpu.sem_alloc : memref<!tpu.dma_semaphore, #tpu.memory_space<semaphore_mem>>
        %dma_start3A_701 = arith.constant 0 : i32
        %dma_start3A_702 = arith.constant 0 : i32
        %dma_start3A_703 = tpu.memref_slice %arg3[%add3A, %while3A_252, %dma_start3A_701, %dma_start3A_702] : memref<32x8x16x80xi32, #tpu.memory_space<hbm>> -> memref<1x1x16x80xi32, #tpu.memory_space<hbm>>
        %dma_start3A_704 = tpu.memref_squeeze %dma_start3A_703 : memref<1x1x16x80xi32, #tpu.memory_space<hbm>> -> memref<16x80xi32, #tpu.memory_space<hbm>>
        %dma_start3A_705 = arith.constant 0 : i32
        %dma_start3A_706 = arith.constant 0 : i32
        %dma_start3A_707 = tpu.memref_slice %arg3[%add3A, %while3A_252, %dma_start3A_705, %dma_start3A_706] : memref<32x8x16x80xi32, #tpu.memory_space<hbm>> -> memref<1x1x16x80xi32, #tpu.memory_space<hbm>>
        %dma_start3A_708 = tpu.memref_squeeze %dma_start3A_707 : memref<1x1x16x80xi32, #tpu.memory_space<hbm>> -> memref<16x80xi32, #tpu.memory_space<hbm>>
        tpu.enqueue_dma source(%dma_start3A_708 : memref<16x80xi32, #tpu.memory_space<hbm>>) target(%arg9 : memref<16x80xi32, #tpu.memory_space<vmem>>) target_semaphore(%run_scoped3A : memref<!tpu.dma_semaphore, #tpu.memory_space<semaphore_mem>>)
        %dma_wait3A_709 = arith.constant 0 : i32
        %dma_wait3A_710 = arith.constant 0 : i32
        %dma_wait3A_711 = tpu.memref_slice %arg3[%add3A, %while3A_252, %dma_wait3A_709, %dma_wait3A_710] : memref<32x8x16x80xi32, #tpu.memory_space<hbm>> -> memref<1x1x16x80xi32, #tpu.memory_space<hbm>>
        %dma_wait3A_712 = tpu.memref_squeeze %dma_wait3A_711 : memref<1x1x16x80xi32, #tpu.memory_space<hbm>> -> memref<16x80xi32, #tpu.memory_space<hbm>>
        %dma_wait3A_713 = arith.constant 0 : i32
        %dma_wait3A_714 = arith.constant 0 : i32
        %dma_wait3A_715 = tpu.memref_slice %arg3[%add3A, %while3A_252, %dma_wait3A_713, %dma_wait3A_714] : memref<32x8x16x80xi32, #tpu.memory_space<hbm>> -> memref<1x1x16x80xi32, #tpu.memory_space<hbm>>
        %dma_wait3A_716 = tpu.memref_squeeze %dma_wait3A_715 : memref<1x1x16x80xi32, #tpu.memory_space<hbm>> -> memref<16x80xi32, #tpu.memory_space<hbm>>
        tpu.wait_dma2 semaphore(%run_scoped3A : memref<!tpu.dma_semaphore, #tpu.memory_space<semaphore_mem>>) src(%dma_wait3A_716 : memref<16x80xi32, #tpu.memory_space<hbm>>) dst(%arg9 : memref<16x80xi32, #tpu.memory_space<vmem>>)
        tpu.yield
      }) : () -> ()
      "tpu.region"() ({
        %run_scoped3A = tpu.sem_alloc : memref<!tpu.dma_semaphore, #tpu.memory_space<semaphore_mem>>
        %dma_start3A_701 = arith.constant 0 : i32
        %dma_start3A_702 = arith.constant 0 : i32
        %dma_start3A_703 = tpu.memref_slice %arg4[%add3A, %while3A_252, %dma_start3A_701, %dma_start3A_702] : memref<32x8x16x80xi32, #tpu.memory_space<hbm>> -> memref<1x1x16x80xi32, #tpu.memory_space<hbm>>
        %dma_start3A_704 = tpu.memref_squeeze %dma_start3A_703 : memref<1x1x16x80xi32, #tpu.memory_space<hbm>> -> memref<16x80xi32, #tpu.memory_space<hbm>>
        %dma_start3A_705 = arith.constant 0 : i32
        %dma_start3A_706 = arith.constant 0 : i32
        %dma_start3A_707 = tpu.memref_slice %arg4[%add3A, %while3A_252, %dma_start3A_705, %dma_start3A_706] : memref<32x8x16x80xi32, #tpu.memory_space<hbm>> -> memref<1x1x16x80xi32, #tpu.memory_space<hbm>>
        %dma_start3A_708 = tpu.memref_squeeze %dma_start3A_707 : memref<1x1x16x80xi32, #tpu.memory_space<hbm>> -> memref<16x80xi32, #tpu.memory_space<hbm>>
        tpu.enqueue_dma source(%dma_start3A_708 : memref<16x80xi32, #tpu.memory_space<hbm>>) target(%arg10 : memref<16x80xi32, #tpu.memory_space<vmem>>) target_semaphore(%run_scoped3A : memref<!tpu.dma_semaphore, #tpu.memory_space<semaphore_mem>>)
        %dma_wait3A_709 = arith.constant 0 : i32
        %dma_wait3A_710 = arith.constant 0 : i32
        %dma_wait3A_711 = tpu.memref_slice %arg4[%add3A, %while3A_252, %dma_wait3A_709, %dma_wait3A_710] : memref<32x8x16x80xi32, #tpu.memory_space<hbm>> -> memref<1x1x16x80xi32, #tpu.memory_space<hbm>>
        %dma_wait3A_712 = tpu.memref_squeeze %dma_wait3A_711 : memref<1x1x16x80xi32, #tpu.memory_space<hbm>> -> memref<16x80xi32, #tpu.memory_space<hbm>>
        %dma_wait3A_713 = arith.constant 0 : i32
        %dma_wait3A_714 = arith.constant 0 : i32
        %dma_wait3A_715 = tpu.memref_slice %arg4[%add3A, %while3A_252, %dma_wait3A_713, %dma_wait3A_714] : memref<32x8x16x80xi32, #tpu.memory_space<hbm>> -> memref<1x1x16x80xi32, #tpu.memory_space<hbm>>
        %dma_wait3A_716 = tpu.memref_squeeze %dma_wait3A_715 : memref<1x1x16x80xi32, #tpu.memory_space<hbm>> -> memref<16x80xi32, #tpu.memory_space<hbm>>
        tpu.wait_dma2 semaphore(%run_scoped3A : memref<!tpu.dma_semaphore, #tpu.memory_space<semaphore_mem>>) src(%dma_wait3A_716 : memref<16x80xi32, #tpu.memory_space<hbm>>) dst(%arg10 : memref<16x80xi32, #tpu.memory_space<vmem>>)
        tpu.yield
      }) : () -> ()
      %dma_start3A_253 = arith.constant 0 : i32
      %dma_start3A_254 = arith.constant 0 : i32
      %dma_start3A_255 = tpu.memref_slice %arg9[%dma_start3A_253, %dma_start3A_254] : memref<16x80xi32, #tpu.memory_space<vmem>> -> memref<1x80xi32, #tpu.memory_space<vmem>>
      %dma_start3A_256 = tpu.memref_squeeze %dma_start3A_255 : memref<1x80xi32, #tpu.memory_space<vmem>> -> memref<80xi32, #tpu.memory_space<vmem>>
      %dma_start3A_257 = arith.constant 0 : i32
      %dma_start3A_258 = arith.constant 0 : i32
      %dma_start3A_259 = tpu.memref_slice %arg2[%dma_start3A_257, %dma_start3A_258] : memref<10000x128xf32, #tpu.memory_space<hbm>> -> memref<10000x128xf32, #tpu.memory_space<hbm>>
      tpu.enqueue_indirect_dma source(%dma_start3A_259 : memref<10000x128xf32, #tpu.memory_space<hbm>>) target(%arg12 : memref<80x128xf32, #tpu.memory_space<vmem>>) offsets(%dma_start3A_256 : memref<80xi32, #tpu.memory_space<vmem>>) semaphore(%arg14 : memref<!tpu.dma_semaphore, #tpu.memory_space<semaphore_mem>>)
      %dma_start3A_260 = arith.constant 1 : i32
      %dma_start3A_261 = arith.constant 0 : i32
      %dma_start3A_262 = tpu.memref_slice %arg9[%dma_start3A_260, %dma_start3A_261] : memref<16x80xi32, #tpu.memory_space<vmem>> -> memref<1x80xi32, #tpu.memory_space<vmem>>
      %dma_start3A_263 = tpu.memref_squeeze %dma_start3A_262 : memref<1x80xi32, #tpu.memory_space<vmem>> -> memref<80xi32, #tpu.memory_space<vmem>>
      %dma_start3A_264 = arith.constant 0 : i32
      %dma_start3A_265 = arith.constant 0 : i32
      %dma_start3A_266 = tpu.memref_slice %arg2[%dma_start3A_264, %dma_start3A_265] : memref<10000x128xf32, #tpu.memory_space<hbm>> -> memref<10000x128xf32, #tpu.memory_space<hbm>>
      tpu.enqueue_indirect_dma source(%dma_start3A_266 : memref<10000x128xf32, #tpu.memory_space<hbm>>) target(%arg13 : memref<80x128xf32, #tpu.memory_space<vmem>>) offsets(%dma_start3A_263 : memref<80xi32, #tpu.memory_space<vmem>>) semaphore(%arg15 : memref<!tpu.dma_semaphore, #tpu.memory_space<semaphore_mem>>)
      %dma_wait3A_267 = arith.constant 0 : i32
      %dma_wait3A_268 = arith.constant 0 : i32
      %dma_wait3A_269 = tpu.memref_slice %arg9[%dma_wait3A_267, %dma_wait3A_268] : memref<16x80xi32, #tpu.memory_space<vmem>> -> memref<1x80xi32, #tpu.memory_space<vmem>>
      %dma_wait3A_270 = tpu.memref_squeeze %dma_wait3A_269 : memref<1x80xi32, #tpu.memory_space<vmem>> -> memref<80xi32, #tpu.memory_space<vmem>>
      %dma_wait3A_271 = arith.constant 0 : i32
      %dma_wait3A_272 = arith.constant 0 : i32
      %dma_wait3A_273 = tpu.memref_slice %arg2[%dma_wait3A_271, %dma_wait3A_272] : memref<10000x128xf32, #tpu.memory_space<hbm>> -> memref<10000x128xf32, #tpu.memory_space<hbm>>
      tpu.wait_indirect_dma semaphore(%arg14 : memref<!tpu.dma_semaphore, #tpu.memory_space<semaphore_mem>>) src(%dma_wait3A_273 : memref<10000x128xf32, #tpu.memory_space<hbm>>) dst(%arg12 : memref<80x128xf32, #tpu.memory_space<vmem>>)
      %dma_start3A_274 = arith.constant 0 : i32
      %dma_start3A_275 = arith.constant 0 : i32
      %dma_start3A_276 = tpu.memref_slice %arg10[%dma_start3A_274, %dma_start3A_275] : memref<16x80xi32, #tpu.memory_space<vmem>> -> memref<1x80xi32, #tpu.memory_space<vmem>>
      %dma_start3A_277 = tpu.memref_squeeze %dma_start3A_276 : memref<1x80xi32, #tpu.memory_space<vmem>> -> memref<80xi32, #tpu.memory_space<vmem>>
      %dma_start3A_278 = arith.constant 0 : i32
      %dma_start3A_279 = arith.constant 0 : i32
      %dma_start3A_280 = tpu.memref_slice %arg8[%dma_start3A_278, %dma_start3A_279] : memref<10240x128xf32, #tpu.memory_space<vmem_shared>> -> memref<10240x128xf32, #tpu.memory_space<vmem_shared>>
      tpu.enqueue_indirect_dma source(%arg12 : memref<80x128xf32, #tpu.memory_space<vmem>>) target(%dma_start3A_280 : memref<10240x128xf32, #tpu.memory_space<vmem_shared>>) offsets(%dma_start3A_277 : memref<80xi32, #tpu.memory_space<vmem>>) semaphore(%arg16 : memref<!tpu.dma_semaphore, #tpu.memory_space<semaphore_mem>>) {add = true}
      %dma_wait3A_281 = arith.constant 0 : i32
      %dma_wait3A_282 = arith.constant 0 : i32
      %dma_wait3A_283 = tpu.memref_slice %arg10[%dma_wait3A_281, %dma_wait3A_282] : memref<16x80xi32, #tpu.memory_space<vmem>> -> memref<1x80xi32, #tpu.memory_space<vmem>>
      %dma_wait3A_284 = tpu.memref_squeeze %dma_wait3A_283 : memref<1x80xi32, #tpu.memory_space<vmem>> -> memref<80xi32, #tpu.memory_space<vmem>>
      %dma_wait3A_285 = arith.constant 0 : i32
      %dma_wait3A_286 = arith.constant 0 : i32
      %dma_wait3A_287 = tpu.memref_slice %arg8[%dma_wait3A_285, %dma_wait3A_286] : memref<10240x128xf32, #tpu.memory_space<vmem_shared>> -> memref<10240x128xf32, #tpu.memory_space<vmem_shared>>
      tpu.wait_indirect_dma semaphore(%arg16 : memref<!tpu.dma_semaphore, #tpu.memory_space<semaphore_mem>>) src(%arg12 : memref<80x128xf32, #tpu.memory_space<vmem>>) dst(%dma_wait3A_287 : memref<10240x128xf32, #tpu.memory_space<vmem_shared>>)
      %dma_start3A_288 = arith.constant 2 : i32
      %dma_start3A_289 = arith.constant 0 : i32
      %dma_start3A_290 = tpu.memref_slice %arg9[%dma_start3A_288, %dma_start3A_289] : memref<16x80xi32, #tpu.memory_space<vmem>> -> memref<1x80xi32, #tpu.memory_space<vmem>>
      %dma_start3A_291 = tpu.memref_squeeze %dma_start3A_290 : memref<1x80xi32, #tpu.memory_space<vmem>> -> memref<80xi32, #tpu.memory_space<vmem>>
      %dma_start3A_292 = arith.constant 0 : i32
      %dma_start3A_293 = arith.constant 0 : i32
      %dma_start3A_294 = tpu.memref_slice %arg2[%dma_start3A_292, %dma_start3A_293] : memref<10000x128xf32, #tpu.memory_space<hbm>> -> memref<10000x128xf32, #tpu.memory_space<hbm>>
      tpu.enqueue_indirect_dma source(%dma_start3A_294 : memref<10000x128xf32, #tpu.memory_space<hbm>>) target(%arg12 : memref<80x128xf32, #tpu.memory_space<vmem>>) offsets(%dma_start3A_291 : memref<80xi32, #tpu.memory_space<vmem>>) semaphore(%arg14 : memref<!tpu.dma_semaphore, #tpu.memory_space<semaphore_mem>>)
      %dma_wait3A_295 = arith.constant 1 : i32
      %dma_wait3A_296 = arith.constant 0 : i32
      %dma_wait3A_297 = tpu.memref_slice %arg9[%dma_wait3A_295, %dma_wait3A_296] : memref<16x80xi32, #tpu.memory_space<vmem>> -> memref<1x80xi32, #tpu.memory_space<vmem>>
      %dma_wait3A_298 = tpu.memref_squeeze %dma_wait3A_297 : memref<1x80xi32, #tpu.memory_space<vmem>> -> memref<80xi32, #tpu.memory_space<vmem>>
      %dma_wait3A_299 = arith.constant 0 : i32
      %dma_wait3A_300 = arith.constant 0 : i32
      %dma_wait3A_301 = tpu.memref_slice %arg2[%dma_wait3A_299, %dma_wait3A_300] : memref<10000x128xf32, #tpu.memory_space<hbm>> -> memref<10000x128xf32, #tpu.memory_space<hbm>>
      tpu.wait_indirect_dma semaphore(%arg15 : memref<!tpu.dma_semaphore, #tpu.memory_space<semaphore_mem>>) src(%dma_wait3A_301 : memref<10000x128xf32, #tpu.memory_space<hbm>>) dst(%arg13 : memref<80x128xf32, #tpu.memory_space<vmem>>)
      %dma_start3A_302 = arith.constant 1 : i32
      %dma_start3A_303 = arith.constant 0 : i32
      %dma_start3A_304 = tpu.memref_slice %arg10[%dma_start3A_302, %dma_start3A_303] : memref<16x80xi32, #tpu.memory_space<vmem>> -> memref<1x80xi32, #tpu.memory_space<vmem>>
      %dma_start3A_305 = tpu.memref_squeeze %dma_start3A_304 : memref<1x80xi32, #tpu.memory_space<vmem>> -> memref<80xi32, #tpu.memory_space<vmem>>
      %dma_start3A_306 = arith.constant 0 : i32
      %dma_start3A_307 = arith.constant 0 : i32
      %dma_start3A_308 = tpu.memref_slice %arg8[%dma_start3A_306, %dma_start3A_307] : memref<10240x128xf32, #tpu.memory_space<vmem_shared>> -> memref<10240x128xf32, #tpu.memory_space<vmem_shared>>
      tpu.enqueue_indirect_dma source(%arg13 : memref<80x128xf32, #tpu.memory_space<vmem>>) target(%dma_start3A_308 : memref<10240x128xf32, #tpu.memory_space<vmem_shared>>) offsets(%dma_start3A_305 : memref<80xi32, #tpu.memory_space<vmem>>) semaphore(%arg17 : memref<!tpu.dma_semaphore, #tpu.memory_space<semaphore_mem>>) {add = true}
      %dma_wait3A_309 = arith.constant 1 : i32
      %dma_wait3A_310 = arith.constant 0 : i32
      %dma_wait3A_311 = tpu.memref_slice %arg10[%dma_wait3A_309, %dma_wait3A_310] : memref<16x80xi32, #tpu.memory_space<vmem>> -> memref<1x80xi32, #tpu.memory_space<vmem>>
      %dma_wait3A_312 = tpu.memref_squeeze %dma_wait3A_311 : memref<1x80xi32, #tpu.memory_space<vmem>> -> memref<80xi32, #tpu.memory_space<vmem>>
      %dma_wait3A_313 = arith.constant 0 : i32
      %dma_wait3A_314 = arith.constant 0 : i32
      %dma_wait3A_315 = tpu.memref_slice %arg8[%dma_wait3A_313, %dma_wait3A_314] : memref<10240x128xf32, #tpu.memory_space<vmem_shared>> -> memref<10240x128xf32, #tpu.memory_space<vmem_shared>>
      tpu.wait_indirect_dma semaphore(%arg17 : memref<!tpu.dma_semaphore, #tpu.memory_space<semaphore_mem>>) src(%arg13 : memref<80x128xf32, #tpu.memory_space<vmem>>) dst(%dma_wait3A_315 : memref<10240x128xf32, #tpu.memory_space<vmem_shared>>)
      %dma_start3A_316 = arith.constant 3 : i32
      %dma_start3A_317 = arith.constant 0 : i32
      %dma_start3A_318 = tpu.memref_slice %arg9[%dma_start3A_316, %dma_start3A_317] : memref<16x80xi32, #tpu.memory_space<vmem>> -> memref<1x80xi32, #tpu.memory_space<vmem>>
      %dma_start3A_319 = tpu.memref_squeeze %dma_start3A_318 : memref<1x80xi32, #tpu.memory_space<vmem>> -> memref<80xi32, #tpu.memory_space<vmem>>
      %dma_start3A_320 = arith.constant 0 : i32
      %dma_start3A_321 = arith.constant 0 : i32
      %dma_start3A_322 = tpu.memref_slice %arg2[%dma_start3A_320, %dma_start3A_321] : memref<10000x128xf32, #tpu.memory_space<hbm>> -> memref<10000x128xf32, #tpu.memory_space<hbm>>
      tpu.enqueue_indirect_dma source(%dma_start3A_322 : memref<10000x128xf32, #tpu.memory_space<hbm>>) target(%arg13 : memref<80x128xf32, #tpu.memory_space<vmem>>) offsets(%dma_start3A_319 : memref<80xi32, #tpu.memory_space<vmem>>) semaphore(%arg15 : memref<!tpu.dma_semaphore, #tpu.memory_space<semaphore_mem>>)
      %dma_wait3A_323 = arith.constant 2 : i32
      %dma_wait3A_324 = arith.constant 0 : i32
      %dma_wait3A_325 = tpu.memref_slice %arg9[%dma_wait3A_323, %dma_wait3A_324] : memref<16x80xi32, #tpu.memory_space<vmem>> -> memref<1x80xi32, #tpu.memory_space<vmem>>
      %dma_wait3A_326 = tpu.memref_squeeze %dma_wait3A_325 : memref<1x80xi32, #tpu.memory_space<vmem>> -> memref<80xi32, #tpu.memory_space<vmem>>
      %dma_wait3A_327 = arith.constant 0 : i32
      %dma_wait3A_328 = arith.constant 0 : i32
      %dma_wait3A_329 = tpu.memref_slice %arg2[%dma_wait3A_327, %dma_wait3A_328] : memref<10000x128xf32, #tpu.memory_space<hbm>> -> memref<10000x128xf32, #tpu.memory_space<hbm>>
      tpu.wait_indirect_dma semaphore(%arg14 : memref<!tpu.dma_semaphore, #tpu.memory_space<semaphore_mem>>) src(%dma_wait3A_329 : memref<10000x128xf32, #tpu.memory_space<hbm>>) dst(%arg12 : memref<80x128xf32, #tpu.memory_space<vmem>>)
      %dma_start3A_330 = arith.constant 2 : i32
      %dma_start3A_331 = arith.constant 0 : i32
      %dma_start3A_332 = tpu.memref_slice %arg10[%dma_start3A_330, %dma_start3A_331] : memref<16x80xi32, #tpu.memory_space<vmem>> -> memref<1x80xi32, #tpu.memory_space<vmem>>
      %dma_start3A_333 = tpu.memref_squeeze %dma_start3A_332 : memref<1x80xi32, #tpu.memory_space<vmem>> -> memref<80xi32, #tpu.memory_space<vmem>>
      %dma_start3A_334 = arith.constant 0 : i32
      %dma_start3A_335 = arith.constant 0 : i32
      %dma_start3A_336 = tpu.memref_slice %arg8[%dma_start3A_334, %dma_start3A_335] : memref<10240x128xf32, #tpu.memory_space<vmem_shared>> -> memref<10240x128xf32, #tpu.memory_space<vmem_shared>>
      tpu.enqueue_indirect_dma source(%arg12 : memref<80x128xf32, #tpu.memory_space<vmem>>) target(%dma_start3A_336 : memref<10240x128xf32, #tpu.memory_space<vmem_shared>>) offsets(%dma_start3A_333 : memref<80xi32, #tpu.memory_space<vmem>>) semaphore(%arg16 : memref<!tpu.dma_semaphore, #tpu.memory_space<semaphore_mem>>) {add = true}
      %dma_wait3A_337 = arith.constant 2 : i32
      %dma_wait3A_338 = arith.constant 0 : i32
      %dma_wait3A_339 = tpu.memref_slice %arg10[%dma_wait3A_337, %dma_wait3A_338] : memref<16x80xi32, #tpu.memory_space<vmem>> -> memref<1x80xi32, #tpu.memory_space<vmem>>
      %dma_wait3A_340 = tpu.memref_squeeze %dma_wait3A_339 : memref<1x80xi32, #tpu.memory_space<vmem>> -> memref<80xi32, #tpu.memory_space<vmem>>
      %dma_wait3A_341 = arith.constant 0 : i32
      %dma_wait3A_342 = arith.constant 0 : i32
      %dma_wait3A_343 = tpu.memref_slice %arg8[%dma_wait3A_341, %dma_wait3A_342] : memref<10240x128xf32, #tpu.memory_space<vmem_shared>> -> memref<10240x128xf32, #tpu.memory_space<vmem_shared>>
      tpu.wait_indirect_dma semaphore(%arg16 : memref<!tpu.dma_semaphore, #tpu.memory_space<semaphore_mem>>) src(%arg12 : memref<80x128xf32, #tpu.memory_space<vmem>>) dst(%dma_wait3A_343 : memref<10240x128xf32, #tpu.memory_space<vmem_shared>>)
      %dma_start3A_344 = arith.constant 4 : i32
      %dma_start3A_345 = arith.constant 0 : i32
      %dma_start3A_346 = tpu.memref_slice %arg9[%dma_start3A_344, %dma_start3A_345] : memref<16x80xi32, #tpu.memory_space<vmem>> -> memref<1x80xi32, #tpu.memory_space<vmem>>
      %dma_start3A_347 = tpu.memref_squeeze %dma_start3A_346 : memref<1x80xi32, #tpu.memory_space<vmem>> -> memref<80xi32, #tpu.memory_space<vmem>>
      %dma_start3A_348 = arith.constant 0 : i32
      %dma_start3A_349 = arith.constant 0 : i32
      %dma_start3A_350 = tpu.memref_slice %arg2[%dma_start3A_348, %dma_start3A_349] : memref<10000x128xf32, #tpu.memory_space<hbm>> -> memref<10000x128xf32, #tpu.memory_space<hbm>>
      tpu.enqueue_indirect_dma source(%dma_start3A_350 : memref<10000x128xf32, #tpu.memory_space<hbm>>) target(%arg12 : memref<80x128xf32, #tpu.memory_space<vmem>>) offsets(%dma_start3A_347 : memref<80xi32, #tpu.memory_space<vmem>>) semaphore(%arg14 : memref<!tpu.dma_semaphore, #tpu.memory_space<semaphore_mem>>)
      %dma_wait3A_351 = arith.constant 3 : i32
      %dma_wait3A_352 = arith.constant 0 : i32
      %dma_wait3A_353 = tpu.memref_slice %arg9[%dma_wait3A_351, %dma_wait3A_352] : memref<16x80xi32, #tpu.memory_space<vmem>> -> memref<1x80xi32, #tpu.memory_space<vmem>>
      %dma_wait3A_354 = tpu.memref_squeeze %dma_wait3A_353 : memref<1x80xi32, #tpu.memory_space<vmem>> -> memref<80xi32, #tpu.memory_space<vmem>>
      %dma_wait3A_355 = arith.constant 0 : i32
      %dma_wait3A_356 = arith.constant 0 : i32
      %dma_wait3A_357 = tpu.memref_slice %arg2[%dma_wait3A_355, %dma_wait3A_356] : memref<10000x128xf32, #tpu.memory_space<hbm>> -> memref<10000x128xf32, #tpu.memory_space<hbm>>
      tpu.wait_indirect_dma semaphore(%arg15 : memref<!tpu.dma_semaphore, #tpu.memory_space<semaphore_mem>>) src(%dma_wait3A_357 : memref<10000x128xf32, #tpu.memory_space<hbm>>) dst(%arg13 : memref<80x128xf32, #tpu.memory_space<vmem>>)
      %dma_start3A_358 = arith.constant 3 : i32
      %dma_start3A_359 = arith.constant 0 : i32
      %dma_start3A_360 = tpu.memref_slice %arg10[%dma_start3A_358, %dma_start3A_359] : memref<16x80xi32, #tpu.memory_space<vmem>> -> memref<1x80xi32, #tpu.memory_space<vmem>>
      %dma_start3A_361 = tpu.memref_squeeze %dma_start3A_360 : memref<1x80xi32, #tpu.memory_space<vmem>> -> memref<80xi32, #tpu.memory_space<vmem>>
      %dma_start3A_362 = arith.constant 0 : i32
      %dma_start3A_363 = arith.constant 0 : i32
      %dma_start3A_364 = tpu.memref_slice %arg8[%dma_start3A_362, %dma_start3A_363] : memref<10240x128xf32, #tpu.memory_space<vmem_shared>> -> memref<10240x128xf32, #tpu.memory_space<vmem_shared>>
      tpu.enqueue_indirect_dma source(%arg13 : memref<80x128xf32, #tpu.memory_space<vmem>>) target(%dma_start3A_364 : memref<10240x128xf32, #tpu.memory_space<vmem_shared>>) offsets(%dma_start3A_361 : memref<80xi32, #tpu.memory_space<vmem>>) semaphore(%arg17 : memref<!tpu.dma_semaphore, #tpu.memory_space<semaphore_mem>>) {add = true}
      %dma_wait3A_365 = arith.constant 3 : i32
      %dma_wait3A_366 = arith.constant 0 : i32
      %dma_wait3A_367 = tpu.memref_slice %arg10[%dma_wait3A_365, %dma_wait3A_366] : memref<16x80xi32, #tpu.memory_space<vmem>> -> memref<1x80xi32, #tpu.memory_space<vmem>>
      %dma_wait3A_368 = tpu.memref_squeeze %dma_wait3A_367 : memref<1x80xi32, #tpu.memory_space<vmem>> -> memref<80xi32, #tpu.memory_space<vmem>>
      %dma_wait3A_369 = arith.constant 0 : i32
      %dma_wait3A_370 = arith.constant 0 : i32
      %dma_wait3A_371 = tpu.memref_slice %arg8[%dma_wait3A_369, %dma_wait3A_370] : memref<10240x128xf32, #tpu.memory_space<vmem_shared>> -> memref<10240x128xf32, #tpu.memory_space<vmem_shared>>
      tpu.wait_indirect_dma semaphore(%arg17 : memref<!tpu.dma_semaphore, #tpu.memory_space<semaphore_mem>>) src(%arg13 : memref<80x128xf32, #tpu.memory_space<vmem>>) dst(%dma_wait3A_371 : memref<10240x128xf32, #tpu.memory_space<vmem_shared>>)
      %dma_start3A_372 = arith.constant 5 : i32
      %dma_start3A_373 = arith.constant 0 : i32
      %dma_start3A_374 = tpu.memref_slice %arg9[%dma_start3A_372, %dma_start3A_373] : memref<16x80xi32, #tpu.memory_space<vmem>> -> memref<1x80xi32, #tpu.memory_space<vmem>>
      %dma_start3A_375 = tpu.memref_squeeze %dma_start3A_374 : memref<1x80xi32, #tpu.memory_space<vmem>> -> memref<80xi32, #tpu.memory_space<vmem>>
      %dma_start3A_376 = arith.constant 0 : i32
      %dma_start3A_377 = arith.constant 0 : i32
      %dma_start3A_378 = tpu.memref_slice %arg2[%dma_start3A_376, %dma_start3A_377] : memref<10000x128xf32, #tpu.memory_space<hbm>> -> memref<10000x128xf32, #tpu.memory_space<hbm>>
      tpu.enqueue_indirect_dma source(%dma_start3A_378 : memref<10000x128xf32, #tpu.memory_space<hbm>>) target(%arg13 : memref<80x128xf32, #tpu.memory_space<vmem>>) offsets(%dma_start3A_375 : memref<80xi32, #tpu.memory_space<vmem>>) semaphore(%arg15 : memref<!tpu.dma_semaphore, #tpu.memory_space<semaphore_mem>>)
      %dma_wait3A_379 = arith.constant 4 : i32
      %dma_wait3A_380 = arith.constant 0 : i32
      %dma_wait3A_381 = tpu.memref_slice %arg9[%dma_wait3A_379, %dma_wait3A_380] : memref<16x80xi32, #tpu.memory_space<vmem>> -> memref<1x80xi32, #tpu.memory_space<vmem>>
      %dma_wait3A_382 = tpu.memref_squeeze %dma_wait3A_381 : memref<1x80xi32, #tpu.memory_space<vmem>> -> memref<80xi32, #tpu.memory_space<vmem>>
      %dma_wait3A_383 = arith.constant 0 : i32
      %dma_wait3A_384 = arith.constant 0 : i32
      %dma_wait3A_385 = tpu.memref_slice %arg2[%dma_wait3A_383, %dma_wait3A_384] : memref<10000x128xf32, #tpu.memory_space<hbm>> -> memref<10000x128xf32, #tpu.memory_space<hbm>>
      tpu.wait_indirect_dma semaphore(%arg14 : memref<!tpu.dma_semaphore, #tpu.memory_space<semaphore_mem>>) src(%dma_wait3A_385 : memref<10000x128xf32, #tpu.memory_space<hbm>>) dst(%arg12 : memref<80x128xf32, #tpu.memory_space<vmem>>)
      %dma_start3A_386 = arith.constant 4 : i32
      %dma_start3A_387 = arith.constant 0 : i32
      %dma_start3A_388 = tpu.memref_slice %arg10[%dma_start3A_386, %dma_start3A_387] : memref<16x80xi32, #tpu.memory_space<vmem>> -> memref<1x80xi32, #tpu.memory_space<vmem>>
      %dma_start3A_389 = tpu.memref_squeeze %dma_start3A_388 : memref<1x80xi32, #tpu.memory_space<vmem>> -> memref<80xi32, #tpu.memory_space<vmem>>
      %dma_start3A_390 = arith.constant 0 : i32
      %dma_start3A_391 = arith.constant 0 : i32
      %dma_start3A_392 = tpu.memref_slice %arg8[%dma_start3A_390, %dma_start3A_391] : memref<10240x128xf32, #tpu.memory_space<vmem_shared>> -> memref<10240x128xf32, #tpu.memory_space<vmem_shared>>
      tpu.enqueue_indirect_dma source(%arg12 : memref<80x128xf32, #tpu.memory_space<vmem>>) target(%dma_start3A_392 : memref<10240x128xf32, #tpu.memory_space<vmem_shared>>) offsets(%dma_start3A_389 : memref<80xi32, #tpu.memory_space<vmem>>) semaphore(%arg16 : memref<!tpu.dma_semaphore, #tpu.memory_space<semaphore_mem>>) {add = true}
      %dma_wait3A_393 = arith.constant 4 : i32
      %dma_wait3A_394 = arith.constant 0 : i32
      %dma_wait3A_395 = tpu.memref_slice %arg10[%dma_wait3A_393, %dma_wait3A_394] : memref<16x80xi32, #tpu.memory_space<vmem>> -> memref<1x80xi32, #tpu.memory_space<vmem>>
      %dma_wait3A_396 = tpu.memref_squeeze %dma_wait3A_395 : memref<1x80xi32, #tpu.memory_space<vmem>> -> memref<80xi32, #tpu.memory_space<vmem>>
      %dma_wait3A_397 = arith.constant 0 : i32
      %dma_wait3A_398 = arith.constant 0 : i32
      %dma_wait3A_399 = tpu.memref_slice %arg8[%dma_wait3A_397, %dma_wait3A_398] : memref<10240x128xf32, #tpu.memory_space<vmem_shared>> -> memref<10240x128xf32, #tpu.memory_space<vmem_shared>>
      tpu.wait_indirect_dma semaphore(%arg16 : memref<!tpu.dma_semaphore, #tpu.memory_space<semaphore_mem>>) src(%arg12 : memref<80x128xf32, #tpu.memory_space<vmem>>) dst(%dma_wait3A_399 : memref<10240x128xf32, #tpu.memory_space<vmem_shared>>)
      %dma_start3A_400 = arith.constant 6 : i32
      %dma_start3A_401 = arith.constant 0 : i32
      %dma_start3A_402 = tpu.memref_slice %arg9[%dma_start3A_400, %dma_start3A_401] : memref<16x80xi32, #tpu.memory_space<vmem>> -> memref<1x80xi32, #tpu.memory_space<vmem>>
      %dma_start3A_403 = tpu.memref_squeeze %dma_start3A_402 : memref<1x80xi32, #tpu.memory_space<vmem>> -> memref<80xi32, #tpu.memory_space<vmem>>
      %dma_start3A_404 = arith.constant 0 : i32
      %dma_start3A_405 = arith.constant 0 : i32
      %dma_start3A_406 = tpu.memref_slice %arg2[%dma_start3A_404, %dma_start3A_405] : memref<10000x128xf32, #tpu.memory_space<hbm>> -> memref<10000x128xf32, #tpu.memory_space<hbm>>
      tpu.enqueue_indirect_dma source(%dma_start3A_406 : memref<10000x128xf32, #tpu.memory_space<hbm>>) target(%arg12 : memref<80x128xf32, #tpu.memory_space<vmem>>) offsets(%dma_start3A_403 : memref<80xi32, #tpu.memory_space<vmem>>) semaphore(%arg14 : memref<!tpu.dma_semaphore, #tpu.memory_space<semaphore_mem>>)
      %dma_wait3A_407 = arith.constant 5 : i32
      %dma_wait3A_408 = arith.constant 0 : i32
      %dma_wait3A_409 = tpu.memref_slice %arg9[%dma_wait3A_407, %dma_wait3A_408] : memref<16x80xi32, #tpu.memory_space<vmem>> -> memref<1x80xi32, #tpu.memory_space<vmem>>
      %dma_wait3A_410 = tpu.memref_squeeze %dma_wait3A_409 : memref<1x80xi32, #tpu.memory_space<vmem>> -> memref<80xi32, #tpu.memory_space<vmem>>
      %dma_wait3A_411 = arith.constant 0 : i32
      %dma_wait3A_412 = arith.constant 0 : i32
      %dma_wait3A_413 = tpu.memref_slice %arg2[%dma_wait3A_411, %dma_wait3A_412] : memref<10000x128xf32, #tpu.memory_space<hbm>> -> memref<10000x128xf32, #tpu.memory_space<hbm>>
      tpu.wait_indirect_dma semaphore(%arg15 : memref<!tpu.dma_semaphore, #tpu.memory_space<semaphore_mem>>) src(%dma_wait3A_413 : memref<10000x128xf32, #tpu.memory_space<hbm>>) dst(%arg13 : memref<80x128xf32, #tpu.memory_space<vmem>>)
      %dma_start3A_414 = arith.constant 5 : i32
      %dma_start3A_415 = arith.constant 0 : i32
      %dma_start3A_416 = tpu.memref_slice %arg10[%dma_start3A_414, %dma_start3A_415] : memref<16x80xi32, #tpu.memory_space<vmem>> -> memref<1x80xi32, #tpu.memory_space<vmem>>
      %dma_start3A_417 = tpu.memref_squeeze %dma_start3A_416 : memref<1x80xi32, #tpu.memory_space<vmem>> -> memref<80xi32, #tpu.memory_space<vmem>>
      %dma_start3A_418 = arith.constant 0 : i32
      %dma_start3A_419 = arith.constant 0 : i32
      %dma_start3A_420 = tpu.memref_slice %arg8[%dma_start3A_418, %dma_start3A_419] : memref<10240x128xf32, #tpu.memory_space<vmem_shared>> -> memref<10240x128xf32, #tpu.memory_space<vmem_shared>>
      tpu.enqueue_indirect_dma source(%arg13 : memref<80x128xf32, #tpu.memory_space<vmem>>) target(%dma_start3A_420 : memref<10240x128xf32, #tpu.memory_space<vmem_shared>>) offsets(%dma_start3A_417 : memref<80xi32, #tpu.memory_space<vmem>>) semaphore(%arg17 : memref<!tpu.dma_semaphore, #tpu.memory_space<semaphore_mem>>) {add = true}
      %dma_wait3A_421 = arith.constant 5 : i32
      %dma_wait3A_422 = arith.constant 0 : i32
      %dma_wait3A_423 = tpu.memref_slice %arg10[%dma_wait3A_421, %dma_wait3A_422] : memref<16x80xi32, #tpu.memory_space<vmem>> -> memref<1x80xi32, #tpu.memory_space<vmem>>
      %dma_wait3A_424 = tpu.memref_squeeze %dma_wait3A_423 : memref<1x80xi32, #tpu.memory_space<vmem>> -> memref<80xi32, #tpu.memory_space<vmem>>
      %dma_wait3A_425 = arith.constant 0 : i32
      %dma_wait3A_426 = arith.constant 0 : i32
      %dma_wait3A_427 = tpu.memref_slice %arg8[%dma_wait3A_425, %dma_wait3A_426] : memref<10240x128xf32, #tpu.memory_space<vmem_shared>> -> memref<10240x128xf32, #tpu.memory_space<vmem_shared>>
      tpu.wait_indirect_dma semaphore(%arg17 : memref<!tpu.dma_semaphore, #tpu.memory_space<semaphore_mem>>) src(%arg13 : memref<80x128xf32, #tpu.memory_space<vmem>>) dst(%dma_wait3A_427 : memref<10240x128xf32, #tpu.memory_space<vmem_shared>>)
      %dma_start3A_428 = arith.constant 7 : i32
      %dma_start3A_429 = arith.constant 0 : i32
      %dma_start3A_430 = tpu.memref_slice %arg9[%dma_start3A_428, %dma_start3A_429] : memref<16x80xi32, #tpu.memory_space<vmem>> -> memref<1x80xi32, #tpu.memory_space<vmem>>
      %dma_start3A_431 = tpu.memref_squeeze %dma_start3A_430 : memref<1x80xi32, #tpu.memory_space<vmem>> -> memref<80xi32, #tpu.memory_space<vmem>>
      %dma_start3A_432 = arith.constant 0 : i32
      %dma_start3A_433 = arith.constant 0 : i32
      %dma_start3A_434 = tpu.memref_slice %arg2[%dma_start3A_432, %dma_start3A_433] : memref<10000x128xf32, #tpu.memory_space<hbm>> -> memref<10000x128xf32, #tpu.memory_space<hbm>>
      tpu.enqueue_indirect_dma source(%dma_start3A_434 : memref<10000x128xf32, #tpu.memory_space<hbm>>) target(%arg13 : memref<80x128xf32, #tpu.memory_space<vmem>>) offsets(%dma_start3A_431 : memref<80xi32, #tpu.memory_space<vmem>>) semaphore(%arg15 : memref<!tpu.dma_semaphore, #tpu.memory_space<semaphore_mem>>)
      %dma_wait3A_435 = arith.constant 6 : i32
      %dma_wait3A_436 = arith.constant 0 : i32
      %dma_wait3A_437 = tpu.memref_slice %arg9[%dma_wait3A_435, %dma_wait3A_436] : memref<16x80xi32, #tpu.memory_space<vmem>> -> memref<1x80xi32, #tpu.memory_space<vmem>>
      %dma_wait3A_438 = tpu.memref_squeeze %dma_wait3A_437 : memref<1x80xi32, #tpu.memory_space<vmem>> -> memref<80xi32, #tpu.memory_space<vmem>>
      %dma_wait3A_439 = arith.constant 0 : i32
      %dma_wait3A_440 = arith.constant 0 : i32
      %dma_wait3A_441 = tpu.memref_slice %arg2[%dma_wait3A_439, %dma_wait3A_440] : memref<10000x128xf32, #tpu.memory_space<hbm>> -> memref<10000x128xf32, #tpu.memory_space<hbm>>
      tpu.wait_indirect_dma semaphore(%arg14 : memref<!tpu.dma_semaphore, #tpu.memory_space<semaphore_mem>>) src(%dma_wait3A_441 : memref<10000x128xf32, #tpu.memory_space<hbm>>) dst(%arg12 : memref<80x128xf32, #tpu.memory_space<vmem>>)
      %dma_start3A_442 = arith.constant 6 : i32
      %dma_start3A_443 = arith.constant 0 : i32
      %dma_start3A_444 = tpu.memref_slice %arg10[%dma_start3A_442, %dma_start3A_443] : memref<16x80xi32, #tpu.memory_space<vmem>> -> memref<1x80xi32, #tpu.memory_space<vmem>>
      %dma_start3A_445 = tpu.memref_squeeze %dma_start3A_444 : memref<1x80xi32, #tpu.memory_space<vmem>> -> memref<80xi32, #tpu.memory_space<vmem>>
      %dma_start3A_446 = arith.constant 0 : i32
      %dma_start3A_447 = arith.constant 0 : i32
      %dma_start3A_448 = tpu.memref_slice %arg8[%dma_start3A_446, %dma_start3A_447] : memref<10240x128xf32, #tpu.memory_space<vmem_shared>> -> memref<10240x128xf32, #tpu.memory_space<vmem_shared>>
      tpu.enqueue_indirect_dma source(%arg12 : memref<80x128xf32, #tpu.memory_space<vmem>>) target(%dma_start3A_448 : memref<10240x128xf32, #tpu.memory_space<vmem_shared>>) offsets(%dma_start3A_445 : memref<80xi32, #tpu.memory_space<vmem>>) semaphore(%arg16 : memref<!tpu.dma_semaphore, #tpu.memory_space<semaphore_mem>>) {add = true}
      %dma_wait3A_449 = arith.constant 6 : i32
      %dma_wait3A_450 = arith.constant 0 : i32
      %dma_wait3A_451 = tpu.memref_slice %arg10[%dma_wait3A_449, %dma_wait3A_450] : memref<16x80xi32, #tpu.memory_space<vmem>> -> memref<1x80xi32, #tpu.memory_space<vmem>>
      %dma_wait3A_452 = tpu.memref_squeeze %dma_wait3A_451 : memref<1x80xi32, #tpu.memory_space<vmem>> -> memref<80xi32, #tpu.memory_space<vmem>>
      %dma_wait3A_453 = arith.constant 0 : i32
      %dma_wait3A_454 = arith.constant 0 : i32
      %dma_wait3A_455 = tpu.memref_slice %arg8[%dma_wait3A_453, %dma_wait3A_454] : memref<10240x128xf32, #tpu.memory_space<vmem_shared>> -> memref<10240x128xf32, #tpu.memory_space<vmem_shared>>
      tpu.wait_indirect_dma semaphore(%arg16 : memref<!tpu.dma_semaphore, #tpu.memory_space<semaphore_mem>>) src(%arg12 : memref<80x128xf32, #tpu.memory_space<vmem>>) dst(%dma_wait3A_455 : memref<10240x128xf32, #tpu.memory_space<vmem_shared>>)
      %dma_start3A_456 = arith.constant 8 : i32
      %dma_start3A_457 = arith.constant 0 : i32
      %dma_start3A_458 = tpu.memref_slice %arg9[%dma_start3A_456, %dma_start3A_457] : memref<16x80xi32, #tpu.memory_space<vmem>> -> memref<1x80xi32, #tpu.memory_space<vmem>>
      %dma_start3A_459 = tpu.memref_squeeze %dma_start3A_458 : memref<1x80xi32, #tpu.memory_space<vmem>> -> memref<80xi32, #tpu.memory_space<vmem>>
      %dma_start3A_460 = arith.constant 0 : i32
      %dma_start3A_461 = arith.constant 0 : i32
      %dma_start3A_462 = tpu.memref_slice %arg2[%dma_start3A_460, %dma_start3A_461] : memref<10000x128xf32, #tpu.memory_space<hbm>> -> memref<10000x128xf32, #tpu.memory_space<hbm>>
      tpu.enqueue_indirect_dma source(%dma_start3A_462 : memref<10000x128xf32, #tpu.memory_space<hbm>>) target(%arg12 : memref<80x128xf32, #tpu.memory_space<vmem>>) offsets(%dma_start3A_459 : memref<80xi32, #tpu.memory_space<vmem>>) semaphore(%arg14 : memref<!tpu.dma_semaphore, #tpu.memory_space<semaphore_mem>>)
      %dma_wait3A_463 = arith.constant 7 : i32
      %dma_wait3A_464 = arith.constant 0 : i32
      %dma_wait3A_465 = tpu.memref_slice %arg9[%dma_wait3A_463, %dma_wait3A_464] : memref<16x80xi32, #tpu.memory_space<vmem>> -> memref<1x80xi32, #tpu.memory_space<vmem>>
      %dma_wait3A_466 = tpu.memref_squeeze %dma_wait3A_465 : memref<1x80xi32, #tpu.memory_space<vmem>> -> memref<80xi32, #tpu.memory_space<vmem>>
      %dma_wait3A_467 = arith.constant 0 : i32
      %dma_wait3A_468 = arith.constant 0 : i32
      %dma_wait3A_469 = tpu.memref_slice %arg2[%dma_wait3A_467, %dma_wait3A_468] : memref<10000x128xf32, #tpu.memory_space<hbm>> -> memref<10000x128xf32, #tpu.memory_space<hbm>>
      tpu.wait_indirect_dma semaphore(%arg15 : memref<!tpu.dma_semaphore, #tpu.memory_space<semaphore_mem>>) src(%dma_wait3A_469 : memref<10000x128xf32, #tpu.memory_space<hbm>>) dst(%arg13 : memref<80x128xf32, #tpu.memory_space<vmem>>)
      %dma_start3A_470 = arith.constant 7 : i32
      %dma_start3A_471 = arith.constant 0 : i32
      %dma_start3A_472 = tpu.memref_slice %arg10[%dma_start3A_470, %dma_start3A_471] : memref<16x80xi32, #tpu.memory_space<vmem>> -> memref<1x80xi32, #tpu.memory_space<vmem>>
      %dma_start3A_473 = tpu.memref_squeeze %dma_start3A_472 : memref<1x80xi32, #tpu.memory_space<vmem>> -> memref<80xi32, #tpu.memory_space<vmem>>
      %dma_start3A_474 = arith.constant 0 : i32
      %dma_start3A_475 = arith.constant 0 : i32
      %dma_start3A_476 = tpu.memref_slice %arg8[%dma_start3A_474, %dma_start3A_475] : memref<10240x128xf32, #tpu.memory_space<vmem_shared>> -> memref<10240x128xf32, #tpu.memory_space<vmem_shared>>
      tpu.enqueue_indirect_dma source(%arg13 : memref<80x128xf32, #tpu.memory_space<vmem>>) target(%dma_start3A_476 : memref<10240x128xf32, #tpu.memory_space<vmem_shared>>) offsets(%dma_start3A_473 : memref<80xi32, #tpu.memory_space<vmem>>) semaphore(%arg17 : memref<!tpu.dma_semaphore, #tpu.memory_space<semaphore_mem>>) {add = true}
      %dma_wait3A_477 = arith.constant 7 : i32
      %dma_wait3A_478 = arith.constant 0 : i32
      %dma_wait3A_479 = tpu.memref_slice %arg10[%dma_wait3A_477, %dma_wait3A_478] : memref<16x80xi32, #tpu.memory_space<vmem>> -> memref<1x80xi32, #tpu.memory_space<vmem>>
      %dma_wait3A_480 = tpu.memref_squeeze %dma_wait3A_479 : memref<1x80xi32, #tpu.memory_space<vmem>> -> memref<80xi32, #tpu.memory_space<vmem>>
      %dma_wait3A_481 = arith.constant 0 : i32
      %dma_wait3A_482 = arith.constant 0 : i32
      %dma_wait3A_483 = tpu.memref_slice %arg8[%dma_wait3A_481, %dma_wait3A_482] : memref<10240x128xf32, #tpu.memory_space<vmem_shared>> -> memref<10240x128xf32, #tpu.memory_space<vmem_shared>>
      tpu.wait_indirect_dma semaphore(%arg17 : memref<!tpu.dma_semaphore, #tpu.memory_space<semaphore_mem>>) src(%arg13 : memref<80x128xf32, #tpu.memory_space<vmem>>) dst(%dma_wait3A_483 : memref<10240x128xf32, #tpu.memory_space<vmem_shared>>)
      %dma_start3A_484 = arith.constant 9 : i32
      %dma_start3A_485 = arith.constant 0 : i32
      %dma_start3A_486 = tpu.memref_slice %arg9[%dma_start3A_484, %dma_start3A_485] : memref<16x80xi32, #tpu.memory_space<vmem>> -> memref<1x80xi32, #tpu.memory_space<vmem>>
      %dma_start3A_487 = tpu.memref_squeeze %dma_start3A_486 : memref<1x80xi32, #tpu.memory_space<vmem>> -> memref<80xi32, #tpu.memory_space<vmem>>
      %dma_start3A_488 = arith.constant 0 : i32
      %dma_start3A_489 = arith.constant 0 : i32
      %dma_start3A_490 = tpu.memref_slice %arg2[%dma_start3A_488, %dma_start3A_489] : memref<10000x128xf32, #tpu.memory_space<hbm>> -> memref<10000x128xf32, #tpu.memory_space<hbm>>
      tpu.enqueue_indirect_dma source(%dma_start3A_490 : memref<10000x128xf32, #tpu.memory_space<hbm>>) target(%arg13 : memref<80x128xf32, #tpu.memory_space<vmem>>) offsets(%dma_start3A_487 : memref<80xi32, #tpu.memory_space<vmem>>) semaphore(%arg15 : memref<!tpu.dma_semaphore, #tpu.memory_space<semaphore_mem>>)
      %dma_wait3A_491 = arith.constant 8 : i32
      %dma_wait3A_492 = arith.constant 0 : i32
      %dma_wait3A_493 = tpu.memref_slice %arg9[%dma_wait3A_491, %dma_wait3A_492] : memref<16x80xi32, #tpu.memory_space<vmem>> -> memref<1x80xi32, #tpu.memory_space<vmem>>
      %dma_wait3A_494 = tpu.memref_squeeze %dma_wait3A_493 : memref<1x80xi32, #tpu.memory_space<vmem>> -> memref<80xi32, #tpu.memory_space<vmem>>
      %dma_wait3A_495 = arith.constant 0 : i32
      %dma_wait3A_496 = arith.constant 0 : i32
      %dma_wait3A_497 = tpu.memref_slice %arg2[%dma_wait3A_495, %dma_wait3A_496] : memref<10000x128xf32, #tpu.memory_space<hbm>> -> memref<10000x128xf32, #tpu.memory_space<hbm>>
      tpu.wait_indirect_dma semaphore(%arg14 : memref<!tpu.dma_semaphore, #tpu.memory_space<semaphore_mem>>) src(%dma_wait3A_497 : memref<10000x128xf32, #tpu.memory_space<hbm>>) dst(%arg12 : memref<80x128xf32, #tpu.memory_space<vmem>>)
      %dma_start3A_498 = arith.constant 8 : i32
      %dma_start3A_499 = arith.constant 0 : i32
      %dma_start3A_500 = tpu.memref_slice %arg10[%dma_start3A_498, %dma_start3A_499] : memref<16x80xi32, #tpu.memory_space<vmem>> -> memref<1x80xi32, #tpu.memory_space<vmem>>
      %dma_start3A_501 = tpu.memref_squeeze %dma_start3A_500 : memref<1x80xi32, #tpu.memory_space<vmem>> -> memref<80xi32, #tpu.memory_space<vmem>>
      %dma_start3A_502 = arith.constant 0 : i32
      %dma_start3A_503 = arith.constant 0 : i32
      %dma_start3A_504 = tpu.memref_slice %arg8[%dma_start3A_502, %dma_start3A_503] : memref<10240x128xf32, #tpu.memory_space<vmem_shared>> -> memref<10240x128xf32, #tpu.memory_space<vmem_shared>>
      tpu.enqueue_indirect_dma source(%arg12 : memref<80x128xf32, #tpu.memory_space<vmem>>) target(%dma_start3A_504 : memref<10240x128xf32, #tpu.memory_space<vmem_shared>>) offsets(%dma_start3A_501 : memref<80xi32, #tpu.memory_space<vmem>>) semaphore(%arg16 : memref<!tpu.dma_semaphore, #tpu.memory_space<semaphore_mem>>) {add = true}
      %dma_wait3A_505 = arith.constant 8 : i32
      %dma_wait3A_506 = arith.constant 0 : i32
      %dma_wait3A_507 = tpu.memref_slice %arg10[%dma_wait3A_505, %dma_wait3A_506] : memref<16x80xi32, #tpu.memory_space<vmem>> -> memref<1x80xi32, #tpu.memory_space<vmem>>
      %dma_wait3A_508 = tpu.memref_squeeze %dma_wait3A_507 : memref<1x80xi32, #tpu.memory_space<vmem>> -> memref<80xi32, #tpu.memory_space<vmem>>
      %dma_wait3A_509 = arith.constant 0 : i32
      %dma_wait3A_510 = arith.constant 0 : i32
      %dma_wait3A_511 = tpu.memref_slice %arg8[%dma_wait3A_509, %dma_wait3A_510] : memref<10240x128xf32, #tpu.memory_space<vmem_shared>> -> memref<10240x128xf32, #tpu.memory_space<vmem_shared>>
      tpu.wait_indirect_dma semaphore(%arg16 : memref<!tpu.dma_semaphore, #tpu.memory_space<semaphore_mem>>) src(%arg12 : memref<80x128xf32, #tpu.memory_space<vmem>>) dst(%dma_wait3A_511 : memref<10240x128xf32, #tpu.memory_space<vmem_shared>>)
      %dma_start3A_512 = arith.constant 10 : i32
      %dma_start3A_513 = arith.constant 0 : i32
      %dma_start3A_514 = tpu.memref_slice %arg9[%dma_start3A_512, %dma_start3A_513] : memref<16x80xi32, #tpu.memory_space<vmem>> -> memref<1x80xi32, #tpu.memory_space<vmem>>
      %dma_start3A_515 = tpu.memref_squeeze %dma_start3A_514 : memref<1x80xi32, #tpu.memory_space<vmem>> -> memref<80xi32, #tpu.memory_space<vmem>>
      %dma_start3A_516 = arith.constant 0 : i32
      %dma_start3A_517 = arith.constant 0 : i32
      %dma_start3A_518 = tpu.memref_slice %arg2[%dma_start3A_516, %dma_start3A_517] : memref<10000x128xf32, #tpu.memory_space<hbm>> -> memref<10000x128xf32, #tpu.memory_space<hbm>>
      tpu.enqueue_indirect_dma source(%dma_start3A_518 : memref<10000x128xf32, #tpu.memory_space<hbm>>) target(%arg12 : memref<80x128xf32, #tpu.memory_space<vmem>>) offsets(%dma_start3A_515 : memref<80xi32, #tpu.memory_space<vmem>>) semaphore(%arg14 : memref<!tpu.dma_semaphore, #tpu.memory_space<semaphore_mem>>)
      %dma_wait3A_519 = arith.constant 9 : i32
      %dma_wait3A_520 = arith.constant 0 : i32
      %dma_wait3A_521 = tpu.memref_slice %arg9[%dma_wait3A_519, %dma_wait3A_520] : memref<16x80xi32, #tpu.memory_space<vmem>> -> memref<1x80xi32, #tpu.memory_space<vmem>>
      %dma_wait3A_522 = tpu.memref_squeeze %dma_wait3A_521 : memref<1x80xi32, #tpu.memory_space<vmem>> -> memref<80xi32, #tpu.memory_space<vmem>>
      %dma_wait3A_523 = arith.constant 0 : i32
      %dma_wait3A_524 = arith.constant 0 : i32
      %dma_wait3A_525 = tpu.memref_slice %arg2[%dma_wait3A_523, %dma_wait3A_524] : memref<10000x128xf32, #tpu.memory_space<hbm>> -> memref<10000x128xf32, #tpu.memory_space<hbm>>
      tpu.wait_indirect_dma semaphore(%arg15 : memref<!tpu.dma_semaphore, #tpu.memory_space<semaphore_mem>>) src(%dma_wait3A_525 : memref<10000x128xf32, #tpu.memory_space<hbm>>) dst(%arg13 : memref<80x128xf32, #tpu.memory_space<vmem>>)
      %dma_start3A_526 = arith.constant 9 : i32
      %dma_start3A_527 = arith.constant 0 : i32
      %dma_start3A_528 = tpu.memref_slice %arg10[%dma_start3A_526, %dma_start3A_527] : memref<16x80xi32, #tpu.memory_space<vmem>> -> memref<1x80xi32, #tpu.memory_space<vmem>>
      %dma_start3A_529 = tpu.memref_squeeze %dma_start3A_528 : memref<1x80xi32, #tpu.memory_space<vmem>> -> memref<80xi32, #tpu.memory_space<vmem>>
      %dma_start3A_530 = arith.constant 0 : i32
      %dma_start3A_531 = arith.constant 0 : i32
      %dma_start3A_532 = tpu.memref_slice %arg8[%dma_start3A_530, %dma_start3A_531] : memref<10240x128xf32, #tpu.memory_space<vmem_shared>> -> memref<10240x128xf32, #tpu.memory_space<vmem_shared>>
      tpu.enqueue_indirect_dma source(%arg13 : memref<80x128xf32, #tpu.memory_space<vmem>>) target(%dma_start3A_532 : memref<10240x128xf32, #tpu.memory_space<vmem_shared>>) offsets(%dma_start3A_529 : memref<80xi32, #tpu.memory_space<vmem>>) semaphore(%arg17 : memref<!tpu.dma_semaphore, #tpu.memory_space<semaphore_mem>>) {add = true}
      %dma_wait3A_533 = arith.constant 9 : i32
      %dma_wait3A_534 = arith.constant 0 : i32
      %dma_wait3A_535 = tpu.memref_slice %arg10[%dma_wait3A_533, %dma_wait3A_534] : memref<16x80xi32, #tpu.memory_space<vmem>> -> memref<1x80xi32, #tpu.memory_space<vmem>>
      %dma_wait3A_536 = tpu.memref_squeeze %dma_wait3A_535 : memref<1x80xi32, #tpu.memory_space<vmem>> -> memref<80xi32, #tpu.memory_space<vmem>>
      %dma_wait3A_537 = arith.constant 0 : i32
      %dma_wait3A_538 = arith.constant 0 : i32
      %dma_wait3A_539 = tpu.memref_slice %arg8[%dma_wait3A_537, %dma_wait3A_538] : memref<10240x128xf32, #tpu.memory_space<vmem_shared>> -> memref<10240x128xf32, #tpu.memory_space<vmem_shared>>
      tpu.wait_indirect_dma semaphore(%arg17 : memref<!tpu.dma_semaphore, #tpu.memory_space<semaphore_mem>>) src(%arg13 : memref<80x128xf32, #tpu.memory_space<vmem>>) dst(%dma_wait3A_539 : memref<10240x128xf32, #tpu.memory_space<vmem_shared>>)
      %dma_start3A_540 = arith.constant 11 : i32
      %dma_start3A_541 = arith.constant 0 : i32
      %dma_start3A_542 = tpu.memref_slice %arg9[%dma_start3A_540, %dma_start3A_541] : memref<16x80xi32, #tpu.memory_space<vmem>> -> memref<1x80xi32, #tpu.memory_space<vmem>>
      %dma_start3A_543 = tpu.memref_squeeze %dma_start3A_542 : memref<1x80xi32, #tpu.memory_space<vmem>> -> memref<80xi32, #tpu.memory_space<vmem>>
      %dma_start3A_544 = arith.constant 0 : i32
      %dma_start3A_545 = arith.constant 0 : i32
      %dma_start3A_546 = tpu.memref_slice %arg2[%dma_start3A_544, %dma_start3A_545] : memref<10000x128xf32, #tpu.memory_space<hbm>> -> memref<10000x128xf32, #tpu.memory_space<hbm>>
      tpu.enqueue_indirect_dma source(%dma_start3A_546 : memref<10000x128xf32, #tpu.memory_space<hbm>>) target(%arg13 : memref<80x128xf32, #tpu.memory_space<vmem>>) offsets(%dma_start3A_543 : memref<80xi32, #tpu.memory_space<vmem>>) semaphore(%arg15 : memref<!tpu.dma_semaphore, #tpu.memory_space<semaphore_mem>>)
      %dma_wait3A_547 = arith.constant 10 : i32
      %dma_wait3A_548 = arith.constant 0 : i32
      %dma_wait3A_549 = tpu.memref_slice %arg9[%dma_wait3A_547, %dma_wait3A_548] : memref<16x80xi32, #tpu.memory_space<vmem>> -> memref<1x80xi32, #tpu.memory_space<vmem>>
      %dma_wait3A_550 = tpu.memref_squeeze %dma_wait3A_549 : memref<1x80xi32, #tpu.memory_space<vmem>> -> memref<80xi32, #tpu.memory_space<vmem>>
      %dma_wait3A_551 = arith.constant 0 : i32
      %dma_wait3A_552 = arith.constant 0 : i32
      %dma_wait3A_553 = tpu.memref_slice %arg2[%dma_wait3A_551, %dma_wait3A_552] : memref<10000x128xf32, #tpu.memory_space<hbm>> -> memref<10000x128xf32, #tpu.memory_space<hbm>>
      tpu.wait_indirect_dma semaphore(%arg14 : memref<!tpu.dma_semaphore, #tpu.memory_space<semaphore_mem>>) src(%dma_wait3A_553 : memref<10000x128xf32, #tpu.memory_space<hbm>>) dst(%arg12 : memref<80x128xf32, #tpu.memory_space<vmem>>)
      %dma_start3A_554 = arith.constant 10 : i32
      %dma_start3A_555 = arith.constant 0 : i32
      %dma_start3A_556 = tpu.memref_slice %arg10[%dma_start3A_554, %dma_start3A_555] : memref<16x80xi32, #tpu.memory_space<vmem>> -> memref<1x80xi32, #tpu.memory_space<vmem>>
      %dma_start3A_557 = tpu.memref_squeeze %dma_start3A_556 : memref<1x80xi32, #tpu.memory_space<vmem>> -> memref<80xi32, #tpu.memory_space<vmem>>
      %dma_start3A_558 = arith.constant 0 : i32
      %dma_start3A_559 = arith.constant 0 : i32
      %dma_start3A_560 = tpu.memref_slice %arg8[%dma_start3A_558, %dma_start3A_559] : memref<10240x128xf32, #tpu.memory_space<vmem_shared>> -> memref<10240x128xf32, #tpu.memory_space<vmem_shared>>
      tpu.enqueue_indirect_dma source(%arg12 : memref<80x128xf32, #tpu.memory_space<vmem>>) target(%dma_start3A_560 : memref<10240x128xf32, #tpu.memory_space<vmem_shared>>) offsets(%dma_start3A_557 : memref<80xi32, #tpu.memory_space<vmem>>) semaphore(%arg16 : memref<!tpu.dma_semaphore, #tpu.memory_space<semaphore_mem>>) {add = true}
      %dma_wait3A_561 = arith.constant 10 : i32
      %dma_wait3A_562 = arith.constant 0 : i32
      %dma_wait3A_563 = tpu.memref_slice %arg10[%dma_wait3A_561, %dma_wait3A_562] : memref<16x80xi32, #tpu.memory_space<vmem>> -> memref<1x80xi32, #tpu.memory_space<vmem>>
      %dma_wait3A_564 = tpu.memref_squeeze %dma_wait3A_563 : memref<1x80xi32, #tpu.memory_space<vmem>> -> memref<80xi32, #tpu.memory_space<vmem>>
      %dma_wait3A_565 = arith.constant 0 : i32
      %dma_wait3A_566 = arith.constant 0 : i32
      %dma_wait3A_567 = tpu.memref_slice %arg8[%dma_wait3A_565, %dma_wait3A_566] : memref<10240x128xf32, #tpu.memory_space<vmem_shared>> -> memref<10240x128xf32, #tpu.memory_space<vmem_shared>>
      tpu.wait_indirect_dma semaphore(%arg16 : memref<!tpu.dma_semaphore, #tpu.memory_space<semaphore_mem>>) src(%arg12 : memref<80x128xf32, #tpu.memory_space<vmem>>) dst(%dma_wait3A_567 : memref<10240x128xf32, #tpu.memory_space<vmem_shared>>)
      %dma_start3A_568 = arith.constant 12 : i32
      %dma_start3A_569 = arith.constant 0 : i32
      %dma_start3A_570 = tpu.memref_slice %arg9[%dma_start3A_568, %dma_start3A_569] : memref<16x80xi32, #tpu.memory_space<vmem>> -> memref<1x80xi32, #tpu.memory_space<vmem>>
      %dma_start3A_571 = tpu.memref_squeeze %dma_start3A_570 : memref<1x80xi32, #tpu.memory_space<vmem>> -> memref<80xi32, #tpu.memory_space<vmem>>
      %dma_start3A_572 = arith.constant 0 : i32
      %dma_start3A_573 = arith.constant 0 : i32
      %dma_start3A_574 = tpu.memref_slice %arg2[%dma_start3A_572, %dma_start3A_573] : memref<10000x128xf32, #tpu.memory_space<hbm>> -> memref<10000x128xf32, #tpu.memory_space<hbm>>
      tpu.enqueue_indirect_dma source(%dma_start3A_574 : memref<10000x128xf32, #tpu.memory_space<hbm>>) target(%arg12 : memref<80x128xf32, #tpu.memory_space<vmem>>) offsets(%dma_start3A_571 : memref<80xi32, #tpu.memory_space<vmem>>) semaphore(%arg14 : memref<!tpu.dma_semaphore, #tpu.memory_space<semaphore_mem>>)
      %dma_wait3A_575 = arith.constant 11 : i32
      %dma_wait3A_576 = arith.constant 0 : i32
      %dma_wait3A_577 = tpu.memref_slice %arg9[%dma_wait3A_575, %dma_wait3A_576] : memref<16x80xi32, #tpu.memory_space<vmem>> -> memref<1x80xi32, #tpu.memory_space<vmem>>
      %dma_wait3A_578 = tpu.memref_squeeze %dma_wait3A_577 : memref<1x80xi32, #tpu.memory_space<vmem>> -> memref<80xi32, #tpu.memory_space<vmem>>
      %dma_wait3A_579 = arith.constant 0 : i32
      %dma_wait3A_580 = arith.constant 0 : i32
      %dma_wait3A_581 = tpu.memref_slice %arg2[%dma_wait3A_579, %dma_wait3A_580] : memref<10000x128xf32, #tpu.memory_space<hbm>> -> memref<10000x128xf32, #tpu.memory_space<hbm>>
      tpu.wait_indirect_dma semaphore(%arg15 : memref<!tpu.dma_semaphore, #tpu.memory_space<semaphore_mem>>) src(%dma_wait3A_581 : memref<10000x128xf32, #tpu.memory_space<hbm>>) dst(%arg13 : memref<80x128xf32, #tpu.memory_space<vmem>>)
      %dma_start3A_582 = arith.constant 11 : i32
      %dma_start3A_583 = arith.constant 0 : i32
      %dma_start3A_584 = tpu.memref_slice %arg10[%dma_start3A_582, %dma_start3A_583] : memref<16x80xi32, #tpu.memory_space<vmem>> -> memref<1x80xi32, #tpu.memory_space<vmem>>
      %dma_start3A_585 = tpu.memref_squeeze %dma_start3A_584 : memref<1x80xi32, #tpu.memory_space<vmem>> -> memref<80xi32, #tpu.memory_space<vmem>>
      %dma_start3A_586 = arith.constant 0 : i32
      %dma_start3A_587 = arith.constant 0 : i32
      %dma_start3A_588 = tpu.memref_slice %arg8[%dma_start3A_586, %dma_start3A_587] : memref<10240x128xf32, #tpu.memory_space<vmem_shared>> -> memref<10240x128xf32, #tpu.memory_space<vmem_shared>>
      tpu.enqueue_indirect_dma source(%arg13 : memref<80x128xf32, #tpu.memory_space<vmem>>) target(%dma_start3A_588 : memref<10240x128xf32, #tpu.memory_space<vmem_shared>>) offsets(%dma_start3A_585 : memref<80xi32, #tpu.memory_space<vmem>>) semaphore(%arg17 : memref<!tpu.dma_semaphore, #tpu.memory_space<semaphore_mem>>) {add = true}
      %dma_wait3A_589 = arith.constant 11 : i32
      %dma_wait3A_590 = arith.constant 0 : i32
      %dma_wait3A_591 = tpu.memref_slice %arg10[%dma_wait3A_589, %dma_wait3A_590] : memref<16x80xi32, #tpu.memory_space<vmem>> -> memref<1x80xi32, #tpu.memory_space<vmem>>
      %dma_wait3A_592 = tpu.memref_squeeze %dma_wait3A_591 : memref<1x80xi32, #tpu.memory_space<vmem>> -> memref<80xi32, #tpu.memory_space<vmem>>
      %dma_wait3A_593 = arith.constant 0 : i32
      %dma_wait3A_594 = arith.constant 0 : i32
      %dma_wait3A_595 = tpu.memref_slice %arg8[%dma_wait3A_593, %dma_wait3A_594] : memref<10240x128xf32, #tpu.memory_space<vmem_shared>> -> memref<10240x128xf32, #tpu.memory_space<vmem_shared>>
      tpu.wait_indirect_dma semaphore(%arg17 : memref<!tpu.dma_semaphore, #tpu.memory_space<semaphore_mem>>) src(%arg13 : memref<80x128xf32, #tpu.memory_space<vmem>>) dst(%dma_wait3A_595 : memref<10240x128xf32, #tpu.memory_space<vmem_shared>>)
      %dma_start3A_596 = arith.constant 13 : i32
      %dma_start3A_597 = arith.constant 0 : i32
      %dma_start3A_598 = tpu.memref_slice %arg9[%dma_start3A_596, %dma_start3A_597] : memref<16x80xi32, #tpu.memory_space<vmem>> -> memref<1x80xi32, #tpu.memory_space<vmem>>
      %dma_start3A_599 = tpu.memref_squeeze %dma_start3A_598 : memref<1x80xi32, #tpu.memory_space<vmem>> -> memref<80xi32, #tpu.memory_space<vmem>>
      %dma_start3A_600 = arith.constant 0 : i32
      %dma_start3A_601 = arith.constant 0 : i32
      %dma_start3A_602 = tpu.memref_slice %arg2[%dma_start3A_600, %dma_start3A_601] : memref<10000x128xf32, #tpu.memory_space<hbm>> -> memref<10000x128xf32, #tpu.memory_space<hbm>>
      tpu.enqueue_indirect_dma source(%dma_start3A_602 : memref<10000x128xf32, #tpu.memory_space<hbm>>) target(%arg13 : memref<80x128xf32, #tpu.memory_space<vmem>>) offsets(%dma_start3A_599 : memref<80xi32, #tpu.memory_space<vmem>>) semaphore(%arg15 : memref<!tpu.dma_semaphore, #tpu.memory_space<semaphore_mem>>)
      %dma_wait3A_603 = arith.constant 12 : i32
      %dma_wait3A_604 = arith.constant 0 : i32
      %dma_wait3A_605 = tpu.memref_slice %arg9[%dma_wait3A_603, %dma_wait3A_604] : memref<16x80xi32, #tpu.memory_space<vmem>> -> memref<1x80xi32, #tpu.memory_space<vmem>>
      %dma_wait3A_606 = tpu.memref_squeeze %dma_wait3A_605 : memref<1x80xi32, #tpu.memory_space<vmem>> -> memref<80xi32, #tpu.memory_space<vmem>>
      %dma_wait3A_607 = arith.constant 0 : i32
      %dma_wait3A_608 = arith.constant 0 : i32
      %dma_wait3A_609 = tpu.memref_slice %arg2[%dma_wait3A_607, %dma_wait3A_608] : memref<10000x128xf32, #tpu.memory_space<hbm>> -> memref<10000x128xf32, #tpu.memory_space<hbm>>
      tpu.wait_indirect_dma semaphore(%arg14 : memref<!tpu.dma_semaphore, #tpu.memory_space<semaphore_mem>>) src(%dma_wait3A_609 : memref<10000x128xf32, #tpu.memory_space<hbm>>) dst(%arg12 : memref<80x128xf32, #tpu.memory_space<vmem>>)
      %dma_start3A_610 = arith.constant 12 : i32
      %dma_start3A_611 = arith.constant 0 : i32
      %dma_start3A_612 = tpu.memref_slice %arg10[%dma_start3A_610, %dma_start3A_611] : memref<16x80xi32, #tpu.memory_space<vmem>> -> memref<1x80xi32, #tpu.memory_space<vmem>>
      %dma_start3A_613 = tpu.memref_squeeze %dma_start3A_612 : memref<1x80xi32, #tpu.memory_space<vmem>> -> memref<80xi32, #tpu.memory_space<vmem>>
      %dma_start3A_614 = arith.constant 0 : i32
      %dma_start3A_615 = arith.constant 0 : i32
      %dma_start3A_616 = tpu.memref_slice %arg8[%dma_start3A_614, %dma_start3A_615] : memref<10240x128xf32, #tpu.memory_space<vmem_shared>> -> memref<10240x128xf32, #tpu.memory_space<vmem_shared>>
      tpu.enqueue_indirect_dma source(%arg12 : memref<80x128xf32, #tpu.memory_space<vmem>>) target(%dma_start3A_616 : memref<10240x128xf32, #tpu.memory_space<vmem_shared>>) offsets(%dma_start3A_613 : memref<80xi32, #tpu.memory_space<vmem>>) semaphore(%arg16 : memref<!tpu.dma_semaphore, #tpu.memory_space<semaphore_mem>>) {add = true}
      %dma_wait3A_617 = arith.constant 12 : i32
      %dma_wait3A_618 = arith.constant 0 : i32
      %dma_wait3A_619 = tpu.memref_slice %arg10[%dma_wait3A_617, %dma_wait3A_618] : memref<16x80xi32, #tpu.memory_space<vmem>> -> memref<1x80xi32, #tpu.memory_space<vmem>>
      %dma_wait3A_620 = tpu.memref_squeeze %dma_wait3A_619 : memref<1x80xi32, #tpu.memory_space<vmem>> -> memref<80xi32, #tpu.memory_space<vmem>>
      %dma_wait3A_621 = arith.constant 0 : i32
      %dma_wait3A_622 = arith.constant 0 : i32
      %dma_wait3A_623 = tpu.memref_slice %arg8[%dma_wait3A_621, %dma_wait3A_622] : memref<10240x128xf32, #tpu.memory_space<vmem_shared>> -> memref<10240x128xf32, #tpu.memory_space<vmem_shared>>
      tpu.wait_indirect_dma semaphore(%arg16 : memref<!tpu.dma_semaphore, #tpu.memory_space<semaphore_mem>>) src(%arg12 : memref<80x128xf32, #tpu.memory_space<vmem>>) dst(%dma_wait3A_623 : memref<10240x128xf32, #tpu.memory_space<vmem_shared>>)
      %dma_start3A_624 = arith.constant 14 : i32
      %dma_start3A_625 = arith.constant 0 : i32
      %dma_start3A_626 = tpu.memref_slice %arg9[%dma_start3A_624, %dma_start3A_625] : memref<16x80xi32, #tpu.memory_space<vmem>> -> memref<1x80xi32, #tpu.memory_space<vmem>>
      %dma_start3A_627 = tpu.memref_squeeze %dma_start3A_626 : memref<1x80xi32, #tpu.memory_space<vmem>> -> memref<80xi32, #tpu.memory_space<vmem>>
      %dma_start3A_628 = arith.constant 0 : i32
      %dma_start3A_629 = arith.constant 0 : i32
      %dma_start3A_630 = tpu.memref_slice %arg2[%dma_start3A_628, %dma_start3A_629] : memref<10000x128xf32, #tpu.memory_space<hbm>> -> memref<10000x128xf32, #tpu.memory_space<hbm>>
      tpu.enqueue_indirect_dma source(%dma_start3A_630 : memref<10000x128xf32, #tpu.memory_space<hbm>>) target(%arg12 : memref<80x128xf32, #tpu.memory_space<vmem>>) offsets(%dma_start3A_627 : memref<80xi32, #tpu.memory_space<vmem>>) semaphore(%arg14 : memref<!tpu.dma_semaphore, #tpu.memory_space<semaphore_mem>>)
      %dma_wait3A_631 = arith.constant 13 : i32
      %dma_wait3A_632 = arith.constant 0 : i32
      %dma_wait3A_633 = tpu.memref_slice %arg9[%dma_wait3A_631, %dma_wait3A_632] : memref<16x80xi32, #tpu.memory_space<vmem>> -> memref<1x80xi32, #tpu.memory_space<vmem>>
      %dma_wait3A_634 = tpu.memref_squeeze %dma_wait3A_633 : memref<1x80xi32, #tpu.memory_space<vmem>> -> memref<80xi32, #tpu.memory_space<vmem>>
      %dma_wait3A_635 = arith.constant 0 : i32
      %dma_wait3A_636 = arith.constant 0 : i32
      %dma_wait3A_637 = tpu.memref_slice %arg2[%dma_wait3A_635, %dma_wait3A_636] : memref<10000x128xf32, #tpu.memory_space<hbm>> -> memref<10000x128xf32, #tpu.memory_space<hbm>>
      tpu.wait_indirect_dma semaphore(%arg15 : memref<!tpu.dma_semaphore, #tpu.memory_space<semaphore_mem>>) src(%dma_wait3A_637 : memref<10000x128xf32, #tpu.memory_space<hbm>>) dst(%arg13 : memref<80x128xf32, #tpu.memory_space<vmem>>)
      %dma_start3A_638 = arith.constant 13 : i32
      %dma_start3A_639 = arith.constant 0 : i32
      %dma_start3A_640 = tpu.memref_slice %arg10[%dma_start3A_638, %dma_start3A_639] : memref<16x80xi32, #tpu.memory_space<vmem>> -> memref<1x80xi32, #tpu.memory_space<vmem>>
      %dma_start3A_641 = tpu.memref_squeeze %dma_start3A_640 : memref<1x80xi32, #tpu.memory_space<vmem>> -> memref<80xi32, #tpu.memory_space<vmem>>
      %dma_start3A_642 = arith.constant 0 : i32
      %dma_start3A_643 = arith.constant 0 : i32
      %dma_start3A_644 = tpu.memref_slice %arg8[%dma_start3A_642, %dma_start3A_643] : memref<10240x128xf32, #tpu.memory_space<vmem_shared>> -> memref<10240x128xf32, #tpu.memory_space<vmem_shared>>
      tpu.enqueue_indirect_dma source(%arg13 : memref<80x128xf32, #tpu.memory_space<vmem>>) target(%dma_start3A_644 : memref<10240x128xf32, #tpu.memory_space<vmem_shared>>) offsets(%dma_start3A_641 : memref<80xi32, #tpu.memory_space<vmem>>) semaphore(%arg17 : memref<!tpu.dma_semaphore, #tpu.memory_space<semaphore_mem>>) {add = true}
      %dma_wait3A_645 = arith.constant 13 : i32
      %dma_wait3A_646 = arith.constant 0 : i32
      %dma_wait3A_647 = tpu.memref_slice %arg10[%dma_wait3A_645, %dma_wait3A_646] : memref<16x80xi32, #tpu.memory_space<vmem>> -> memref<1x80xi32, #tpu.memory_space<vmem>>
      %dma_wait3A_648 = tpu.memref_squeeze %dma_wait3A_647 : memref<1x80xi32, #tpu.memory_space<vmem>> -> memref<80xi32, #tpu.memory_space<vmem>>
      %dma_wait3A_649 = arith.constant 0 : i32
      %dma_wait3A_650 = arith.constant 0 : i32
      %dma_wait3A_651 = tpu.memref_slice %arg8[%dma_wait3A_649, %dma_wait3A_650] : memref<10240x128xf32, #tpu.memory_space<vmem_shared>> -> memref<10240x128xf32, #tpu.memory_space<vmem_shared>>
      tpu.wait_indirect_dma semaphore(%arg17 : memref<!tpu.dma_semaphore, #tpu.memory_space<semaphore_mem>>) src(%arg13 : memref<80x128xf32, #tpu.memory_space<vmem>>) dst(%dma_wait3A_651 : memref<10240x128xf32, #tpu.memory_space<vmem_shared>>)
      %dma_start3A_652 = arith.constant 15 : i32
      %dma_start3A_653 = arith.constant 0 : i32
      %dma_start3A_654 = tpu.memref_slice %arg9[%dma_start3A_652, %dma_start3A_653] : memref<16x80xi32, #tpu.memory_space<vmem>> -> memref<1x80xi32, #tpu.memory_space<vmem>>
      %dma_start3A_655 = tpu.memref_squeeze %dma_start3A_654 : memref<1x80xi32, #tpu.memory_space<vmem>> -> memref<80xi32, #tpu.memory_space<vmem>>
      %dma_start3A_656 = arith.constant 0 : i32
      %dma_start3A_657 = arith.constant 0 : i32
      %dma_start3A_658 = tpu.memref_slice %arg2[%dma_start3A_656, %dma_start3A_657] : memref<10000x128xf32, #tpu.memory_space<hbm>> -> memref<10000x128xf32, #tpu.memory_space<hbm>>
      tpu.enqueue_indirect_dma source(%dma_start3A_658 : memref<10000x128xf32, #tpu.memory_space<hbm>>) target(%arg13 : memref<80x128xf32, #tpu.memory_space<vmem>>) offsets(%dma_start3A_655 : memref<80xi32, #tpu.memory_space<vmem>>) semaphore(%arg15 : memref<!tpu.dma_semaphore, #tpu.memory_space<semaphore_mem>>)
      %dma_wait3A_659 = arith.constant 14 : i32
      %dma_wait3A_660 = arith.constant 0 : i32
      %dma_wait3A_661 = tpu.memref_slice %arg9[%dma_wait3A_659, %dma_wait3A_660] : memref<16x80xi32, #tpu.memory_space<vmem>> -> memref<1x80xi32, #tpu.memory_space<vmem>>
      %dma_wait3A_662 = tpu.memref_squeeze %dma_wait3A_661 : memref<1x80xi32, #tpu.memory_space<vmem>> -> memref<80xi32, #tpu.memory_space<vmem>>
      %dma_wait3A_663 = arith.constant 0 : i32
      %dma_wait3A_664 = arith.constant 0 : i32
      %dma_wait3A_665 = tpu.memref_slice %arg2[%dma_wait3A_663, %dma_wait3A_664] : memref<10000x128xf32, #tpu.memory_space<hbm>> -> memref<10000x128xf32, #tpu.memory_space<hbm>>
      tpu.wait_indirect_dma semaphore(%arg14 : memref<!tpu.dma_semaphore, #tpu.memory_space<semaphore_mem>>) src(%dma_wait3A_665 : memref<10000x128xf32, #tpu.memory_space<hbm>>) dst(%arg12 : memref<80x128xf32, #tpu.memory_space<vmem>>)
      %dma_start3A_666 = arith.constant 14 : i32
      %dma_start3A_667 = arith.constant 0 : i32
      %dma_start3A_668 = tpu.memref_slice %arg10[%dma_start3A_666, %dma_start3A_667] : memref<16x80xi32, #tpu.memory_space<vmem>> -> memref<1x80xi32, #tpu.memory_space<vmem>>
      %dma_start3A_669 = tpu.memref_squeeze %dma_start3A_668 : memref<1x80xi32, #tpu.memory_space<vmem>> -> memref<80xi32, #tpu.memory_space<vmem>>
      %dma_start3A_670 = arith.constant 0 : i32
      %dma_start3A_671 = arith.constant 0 : i32
      %dma_start3A_672 = tpu.memref_slice %arg8[%dma_start3A_670, %dma_start3A_671] : memref<10240x128xf32, #tpu.memory_space<vmem_shared>> -> memref<10240x128xf32, #tpu.memory_space<vmem_shared>>
      tpu.enqueue_indirect_dma source(%arg12 : memref<80x128xf32, #tpu.memory_space<vmem>>) target(%dma_start3A_672 : memref<10240x128xf32, #tpu.memory_space<vmem_shared>>) offsets(%dma_start3A_669 : memref<80xi32, #tpu.memory_space<vmem>>) semaphore(%arg16 : memref<!tpu.dma_semaphore, #tpu.memory_space<semaphore_mem>>) {add = true}
      %dma_wait3A_673 = arith.constant 15 : i32
      %dma_wait3A_674 = arith.constant 0 : i32
      %dma_wait3A_675 = tpu.memref_slice %arg9[%dma_wait3A_673, %dma_wait3A_674] : memref<16x80xi32, #tpu.memory_space<vmem>> -> memref<1x80xi32, #tpu.memory_space<vmem>>
      %dma_wait3A_676 = tpu.memref_squeeze %dma_wait3A_675 : memref<1x80xi32, #tpu.memory_space<vmem>> -> memref<80xi32, #tpu.memory_space<vmem>>
      %dma_wait3A_677 = arith.constant 0 : i32
      %dma_wait3A_678 = arith.constant 0 : i32
      %dma_wait3A_679 = tpu.memref_slice %arg2[%dma_wait3A_677, %dma_wait3A_678] : memref<10000x128xf32, #tpu.memory_space<hbm>> -> memref<10000x128xf32, #tpu.memory_space<hbm>>
      tpu.wait_indirect_dma semaphore(%arg15 : memref<!tpu.dma_semaphore, #tpu.memory_space<semaphore_mem>>) src(%dma_wait3A_679 : memref<10000x128xf32, #tpu.memory_space<hbm>>) dst(%arg13 : memref<80x128xf32, #tpu.memory_space<vmem>>)
      %dma_start3A_680 = arith.constant 15 : i32
      %dma_start3A_681 = arith.constant 0 : i32
      %dma_start3A_682 = tpu.memref_slice %arg10[%dma_start3A_680, %dma_start3A_681] : memref<16x80xi32, #tpu.memory_space<vmem>> -> memref<1x80xi32, #tpu.memory_space<vmem>>
      %dma_start3A_683 = tpu.memref_squeeze %dma_start3A_682 : memref<1x80xi32, #tpu.memory_space<vmem>> -> memref<80xi32, #tpu.memory_space<vmem>>
      %dma_start3A_684 = arith.constant 0 : i32
      %dma_start3A_685 = arith.constant 0 : i32
      %dma_start3A_686 = tpu.memref_slice %arg8[%dma_start3A_684, %dma_start3A_685] : memref<10240x128xf32, #tpu.memory_space<vmem_shared>> -> memref<10240x128xf32, #tpu.memory_space<vmem_shared>>
      tpu.enqueue_indirect_dma source(%arg13 : memref<80x128xf32, #tpu.memory_space<vmem>>) target(%dma_start3A_686 : memref<10240x128xf32, #tpu.memory_space<vmem_shared>>) offsets(%dma_start3A_683 : memref<80xi32, #tpu.memory_space<vmem>>) semaphore(%arg17 : memref<!tpu.dma_semaphore, #tpu.memory_space<semaphore_mem>>) {add = true}
      %dma_wait3A_687 = arith.constant 14 : i32
      %dma_wait3A_688 = arith.constant 0 : i32
      %dma_wait3A_689 = tpu.memref_slice %arg10[%dma_wait3A_687, %dma_wait3A_688] : memref<16x80xi32, #tpu.memory_space<vmem>> -> memref<1x80xi32, #tpu.memory_space<vmem>>
      %dma_wait3A_690 = tpu.memref_squeeze %dma_wait3A_689 : memref<1x80xi32, #tpu.memory_space<vmem>> -> memref<80xi32, #tpu.memory_space<vmem>>
      %dma_wait3A_691 = arith.constant 0 : i32
      %dma_wait3A_692 = arith.constant 0 : i32
      %dma_wait3A_693 = tpu.memref_slice %arg8[%dma_wait3A_691, %dma_wait3A_692] : memref<10240x128xf32, #tpu.memory_space<vmem_shared>> -> memref<10240x128xf32, #tpu.memory_space<vmem_shared>>
      tpu.wait_indirect_dma semaphore(%arg16 : memref<!tpu.dma_semaphore, #tpu.memory_space<semaphore_mem>>) src(%arg12 : memref<80x128xf32, #tpu.memory_space<vmem>>) dst(%dma_wait3A_693 : memref<10240x128xf32, #tpu.memory_space<vmem_shared>>)
      %dma_wait3A_694 = arith.constant 15 : i32
      %dma_wait3A_695 = arith.constant 0 : i32
      %dma_wait3A_696 = tpu.memref_slice %arg10[%dma_wait3A_694, %dma_wait3A_695] : memref<16x80xi32, #tpu.memory_space<vmem>> -> memref<1x80xi32, #tpu.memory_space<vmem>>
      %dma_wait3A_697 = tpu.memref_squeeze %dma_wait3A_696 : memref<1x80xi32, #tpu.memory_space<vmem>> -> memref<80xi32, #tpu.memory_space<vmem>>
      %dma_wait3A_698 = arith.constant 0 : i32
      %dma_wait3A_699 = arith.constant 0 : i32
      %dma_wait3A_700 = tpu.memref_slice %arg8[%dma_wait3A_698, %dma_wait3A_699] : memref<10240x128xf32, #tpu.memory_space<vmem_shared>> -> memref<10240x128xf32, #tpu.memory_space<vmem_shared>>
      tpu.wait_indirect_dma semaphore(%arg17 : memref<!tpu.dma_semaphore, #tpu.memory_space<semaphore_mem>>) src(%arg13 : memref<80x128xf32, #tpu.memory_space<vmem>>) dst(%dma_wait3A_700 : memref<10240x128xf32, #tpu.memory_space<vmem_shared>>)
    }
    %barrier3A_123 = arith.constant 0 : index
    tpu.barrier barrier_id(%barrier3A_123)
    %dma_start3A_124 = arith.constant 0 : i32
    %dma_start3A_125 = arith.constant 0 : i32
    %dma_start3A_126 = tpu.memref_slice %arg11[%dma_start3A_124, %dma_start3A_125] : memref<8x80xi32, #tpu.memory_space<vmem>> -> memref<1x80xi32, #tpu.memory_space<vmem>>
    %dma_start3A_127 = tpu.memref_squeeze %dma_start3A_126 : memref<1x80xi32, #tpu.memory_space<vmem>> -> memref<80xi32, #tpu.memory_space<vmem>>
    %dma_start3A_128 = arith.constant 0 : i32
    %dma_start3A_129 = arith.constant 0 : i32
    %dma_start3A_130 = tpu.memref_slice %arg8[%dma_start3A_128, %dma_start3A_129] : memref<10240x128xf32, #tpu.memory_space<vmem_shared>> -> memref<10240x128xf32, #tpu.memory_space<vmem_shared>>
    tpu.enqueue_indirect_dma source(%dma_start3A_130 : memref<10240x128xf32, #tpu.memory_space<vmem_shared>>) target(%arg12 : memref<80x128xf32, #tpu.memory_space<vmem>>) offsets(%dma_start3A_127 : memref<80xi32, #tpu.memory_space<vmem>>) semaphore(%arg14 : memref<!tpu.dma_semaphore, #tpu.memory_space<semaphore_mem>>)
    %dma_start3A_131 = arith.constant 1 : i32
    %dma_start3A_132 = arith.constant 0 : i32
    %dma_start3A_133 = tpu.memref_slice %arg11[%dma_start3A_131, %dma_start3A_132] : memref<8x80xi32, #tpu.memory_space<vmem>> -> memref<1x80xi32, #tpu.memory_space<vmem>>
    %dma_start3A_134 = tpu.memref_squeeze %dma_start3A_133 : memref<1x80xi32, #tpu.memory_space<vmem>> -> memref<80xi32, #tpu.memory_space<vmem>>
    %dma_start3A_135 = arith.constant 0 : i32
    %dma_start3A_136 = arith.constant 0 : i32
    %dma_start3A_137 = tpu.memref_slice %arg8[%dma_start3A_135, %dma_start3A_136] : memref<10240x128xf32, #tpu.memory_space<vmem_shared>> -> memref<10240x128xf32, #tpu.memory_space<vmem_shared>>
    tpu.enqueue_indirect_dma source(%dma_start3A_137 : memref<10240x128xf32, #tpu.memory_space<vmem_shared>>) target(%arg13 : memref<80x128xf32, #tpu.memory_space<vmem>>) offsets(%dma_start3A_134 : memref<80xi32, #tpu.memory_space<vmem>>) semaphore(%arg15 : memref<!tpu.dma_semaphore, #tpu.memory_space<semaphore_mem>>)
    %dma_wait3A_138 = arith.constant 0 : i32
    %dma_wait3A_139 = arith.constant 0 : i32
    %dma_wait3A_140 = tpu.memref_slice %arg11[%dma_wait3A_138, %dma_wait3A_139] : memref<8x80xi32, #tpu.memory_space<vmem>> -> memref<1x80xi32, #tpu.memory_space<vmem>>
    %dma_wait3A_141 = tpu.memref_squeeze %dma_wait3A_140 : memref<1x80xi32, #tpu.memory_space<vmem>> -> memref<80xi32, #tpu.memory_space<vmem>>
    %dma_wait3A_142 = arith.constant 0 : i32
    %dma_wait3A_143 = arith.constant 0 : i32
    %dma_wait3A_144 = tpu.memref_slice %arg8[%dma_wait3A_142, %dma_wait3A_143] : memref<10240x128xf32, #tpu.memory_space<vmem_shared>> -> memref<10240x128xf32, #tpu.memory_space<vmem_shared>>
    tpu.wait_indirect_dma semaphore(%arg14 : memref<!tpu.dma_semaphore, #tpu.memory_space<semaphore_mem>>) src(%dma_wait3A_144 : memref<10240x128xf32, #tpu.memory_space<vmem_shared>>) dst(%arg12 : memref<80x128xf32, #tpu.memory_space<vmem>>)
    %add3A_145 = arith.constant 0 : i32
    %add3A_146 = arith.addi %mul3A_2, %add3A_145 : i32
    "tpu.region"() ({
      %run_scoped3A = tpu.sem_alloc : memref<!tpu.dma_semaphore, #tpu.memory_space<semaphore_mem>>
      %dma_start3A_252 = arith.constant 0 : i32
      %dma_start3A_253 = tpu.memref_slice %arg7[%arg0, %add3A_146, %dma_start3A_252] : memref<2x10240x128xf32, #tpu.memory_space<hbm>> -> memref<1x80x128xf32, #tpu.memory_space<hbm>>
      %dma_start3A_254 = tpu.memref_squeeze %dma_start3A_253 : memref<1x80x128xf32, #tpu.memory_space<hbm>> -> memref<80x128xf32, #tpu.memory_space<hbm>>
      %dma_start3A_255 = arith.constant 0 : i32
      %dma_start3A_256 = tpu.memref_slice %arg7[%arg0, %add3A_146, %dma_start3A_255] : memref<2x10240x128xf32, #tpu.memory_space<hbm>> -> memref<1x80x128xf32, #tpu.memory_space<hbm>>
      %dma_start3A_257 = tpu.memref_squeeze %dma_start3A_256 : memref<1x80x128xf32, #tpu.memory_space<hbm>> -> memref<80x128xf32, #tpu.memory_space<hbm>>
      tpu.enqueue_dma source(%arg12 : memref<80x128xf32, #tpu.memory_space<vmem>>) target(%dma_start3A_257 : memref<80x128xf32, #tpu.memory_space<hbm>>) target_semaphore(%run_scoped3A : memref<!tpu.dma_semaphore, #tpu.memory_space<semaphore_mem>>)
      %dma_wait3A_258 = arith.constant 0 : i32
      %dma_wait3A_259 = tpu.memref_slice %arg7[%arg0, %add3A_146, %dma_wait3A_258] : memref<2x10240x128xf32, #tpu.memory_space<hbm>> -> memref<1x80x128xf32, #tpu.memory_space<hbm>>
      %dma_wait3A_260 = tpu.memref_squeeze %dma_wait3A_259 : memref<1x80x128xf32, #tpu.memory_space<hbm>> -> memref<80x128xf32, #tpu.memory_space<hbm>>
      %dma_wait3A_261 = arith.constant 0 : i32
      %dma_wait3A_262 = tpu.memref_slice %arg7[%arg0, %add3A_146, %dma_wait3A_261] : memref<2x10240x128xf32, #tpu.memory_space<hbm>> -> memref<1x80x128xf32, #tpu.memory_space<hbm>>
      %dma_wait3A_263 = tpu.memref_squeeze %dma_wait3A_262 : memref<1x80x128xf32, #tpu.memory_space<hbm>> -> memref<80x128xf32, #tpu.memory_space<hbm>>
      tpu.wait_dma2 semaphore(%run_scoped3A : memref<!tpu.dma_semaphore, #tpu.memory_space<semaphore_mem>>) src(%arg12 : memref<80x128xf32, #tpu.memory_space<vmem>>) dst(%dma_wait3A_263 : memref<80x128xf32, #tpu.memory_space<hbm>>)
      tpu.yield
    }) : () -> ()
    %dma_start3A_147 = arith.constant 2 : i32
    %dma_start3A_148 = arith.constant 0 : i32
    %dma_start3A_149 = tpu.memref_slice %arg11[%dma_start3A_147, %dma_start3A_148] : memref<8x80xi32, #tpu.memory_space<vmem>> -> memref<1x80xi32, #tpu.memory_space<vmem>>
    %dma_start3A_150 = tpu.memref_squeeze %dma_start3A_149 : memref<1x80xi32, #tpu.memory_space<vmem>> -> memref<80xi32, #tpu.memory_space<vmem>>
    %dma_start3A_151 = arith.constant 0 : i32
    %dma_start3A_152 = arith.constant 0 : i32
    %dma_start3A_153 = tpu.memref_slice %arg8[%dma_start3A_151, %dma_start3A_152] : memref<10240x128xf32, #tpu.memory_space<vmem_shared>> -> memref<10240x128xf32, #tpu.memory_space<vmem_shared>>
    tpu.enqueue_indirect_dma source(%dma_start3A_153 : memref<10240x128xf32, #tpu.memory_space<vmem_shared>>) target(%arg12 : memref<80x128xf32, #tpu.memory_space<vmem>>) offsets(%dma_start3A_150 : memref<80xi32, #tpu.memory_space<vmem>>) semaphore(%arg14 : memref<!tpu.dma_semaphore, #tpu.memory_space<semaphore_mem>>)
    %dma_wait3A_154 = arith.constant 1 : i32
    %dma_wait3A_155 = arith.constant 0 : i32
    %dma_wait3A_156 = tpu.memref_slice %arg11[%dma_wait3A_154, %dma_wait3A_155] : memref<8x80xi32, #tpu.memory_space<vmem>> -> memref<1x80xi32, #tpu.memory_space<vmem>>
    %dma_wait3A_157 = tpu.memref_squeeze %dma_wait3A_156 : memref<1x80xi32, #tpu.memory_space<vmem>> -> memref<80xi32, #tpu.memory_space<vmem>>
    %dma_wait3A_158 = arith.constant 0 : i32
    %dma_wait3A_159 = arith.constant 0 : i32
    %dma_wait3A_160 = tpu.memref_slice %arg8[%dma_wait3A_158, %dma_wait3A_159] : memref<10240x128xf32, #tpu.memory_space<vmem_shared>> -> memref<10240x128xf32, #tpu.memory_space<vmem_shared>>
    tpu.wait_indirect_dma semaphore(%arg15 : memref<!tpu.dma_semaphore, #tpu.memory_space<semaphore_mem>>) src(%dma_wait3A_160 : memref<10240x128xf32, #tpu.memory_space<vmem_shared>>) dst(%arg13 : memref<80x128xf32, #tpu.memory_space<vmem>>)
    %add3A_161 = arith.constant 80 : i32
    %add3A_162 = arith.addi %mul3A_2, %add3A_161 : i32
    "tpu.region"() ({
      %run_scoped3A = tpu.sem_alloc : memref<!tpu.dma_semaphore, #tpu.memory_space<semaphore_mem>>
      %dma_start3A_252 = arith.constant 0 : i32
      %dma_start3A_253 = tpu.memref_slice %arg7[%arg0, %add3A_162, %dma_start3A_252] : memref<2x10240x128xf32, #tpu.memory_space<hbm>> -> memref<1x80x128xf32, #tpu.memory_space<hbm>>
      %dma_start3A_254 = tpu.memref_squeeze %dma_start3A_253 : memref<1x80x128xf32, #tpu.memory_space<hbm>> -> memref<80x128xf32, #tpu.memory_space<hbm>>
      %dma_start3A_255 = arith.constant 0 : i32
      %dma_start3A_256 = tpu.memref_slice %arg7[%arg0, %add3A_162, %dma_start3A_255] : memref<2x10240x128xf32, #tpu.memory_space<hbm>> -> memref<1x80x128xf32, #tpu.memory_space<hbm>>
      %dma_start3A_257 = tpu.memref_squeeze %dma_start3A_256 : memref<1x80x128xf32, #tpu.memory_space<hbm>> -> memref<80x128xf32, #tpu.memory_space<hbm>>
      tpu.enqueue_dma source(%arg13 : memref<80x128xf32, #tpu.memory_space<vmem>>) target(%dma_start3A_257 : memref<80x128xf32, #tpu.memory_space<hbm>>) target_semaphore(%run_scoped3A : memref<!tpu.dma_semaphore, #tpu.memory_space<semaphore_mem>>)
      %dma_wait3A_258 = arith.constant 0 : i32
      %dma_wait3A_259 = tpu.memref_slice %arg7[%arg0, %add3A_162, %dma_wait3A_258] : memref<2x10240x128xf32, #tpu.memory_space<hbm>> -> memref<1x80x128xf32, #tpu.memory_space<hbm>>
      %dma_wait3A_260 = tpu.memref_squeeze %dma_wait3A_259 : memref<1x80x128xf32, #tpu.memory_space<hbm>> -> memref<80x128xf32, #tpu.memory_space<hbm>>
      %dma_wait3A_261 = arith.constant 0 : i32
      %dma_wait3A_262 = tpu.memref_slice %arg7[%arg0, %add3A_162, %dma_wait3A_261] : memref<2x10240x128xf32, #tpu.memory_space<hbm>> -> memref<1x80x128xf32, #tpu.memory_space<hbm>>
      %dma_wait3A_263 = tpu.memref_squeeze %dma_wait3A_262 : memref<1x80x128xf32, #tpu.memory_space<hbm>> -> memref<80x128xf32, #tpu.memory_space<hbm>>
      tpu.wait_dma2 semaphore(%run_scoped3A : memref<!tpu.dma_semaphore, #tpu.memory_space<semaphore_mem>>) src(%arg13 : memref<80x128xf32, #tpu.memory_space<vmem>>) dst(%dma_wait3A_263 : memref<80x128xf32, #tpu.memory_space<hbm>>)
      tpu.yield
    }) : () -> ()
    %dma_start3A_163 = arith.constant 3 : i32
    %dma_start3A_164 = arith.constant 0 : i32
    %dma_start3A_165 = tpu.memref_slice %arg11[%dma_start3A_163, %dma_start3A_164] : memref<8x80xi32, #tpu.memory_space<vmem>> -> memref<1x80xi32, #tpu.memory_space<vmem>>
    %dma_start3A_166 = tpu.memref_squeeze %dma_start3A_165 : memref<1x80xi32, #tpu.memory_space<vmem>> -> memref<80xi32, #tpu.memory_space<vmem>>
    %dma_start3A_167 = arith.constant 0 : i32
    %dma_start3A_168 = arith.constant 0 : i32
    %dma_start3A_169 = tpu.memref_slice %arg8[%dma_start3A_167, %dma_start3A_168] : memref<10240x128xf32, #tpu.memory_space<vmem_shared>> -> memref<10240x128xf32, #tpu.memory_space<vmem_shared>>
    tpu.enqueue_indirect_dma source(%dma_start3A_169 : memref<10240x128xf32, #tpu.memory_space<vmem_shared>>) target(%arg13 : memref<80x128xf32, #tpu.memory_space<vmem>>) offsets(%dma_start3A_166 : memref<80xi32, #tpu.memory_space<vmem>>) semaphore(%arg15 : memref<!tpu.dma_semaphore, #tpu.memory_space<semaphore_mem>>)
    %dma_wait3A_170 = arith.constant 2 : i32
    %dma_wait3A_171 = arith.constant 0 : i32
    %dma_wait3A_172 = tpu.memref_slice %arg11[%dma_wait3A_170, %dma_wait3A_171] : memref<8x80xi32, #tpu.memory_space<vmem>> -> memref<1x80xi32, #tpu.memory_space<vmem>>
    %dma_wait3A_173 = tpu.memref_squeeze %dma_wait3A_172 : memref<1x80xi32, #tpu.memory_space<vmem>> -> memref<80xi32, #tpu.memory_space<vmem>>
    %dma_wait3A_174 = arith.constant 0 : i32
    %dma_wait3A_175 = arith.constant 0 : i32
    %dma_wait3A_176 = tpu.memref_slice %arg8[%dma_wait3A_174, %dma_wait3A_175] : memref<10240x128xf32, #tpu.memory_space<vmem_shared>> -> memref<10240x128xf32, #tpu.memory_space<vmem_shared>>
    tpu.wait_indirect_dma semaphore(%arg14 : memref<!tpu.dma_semaphore, #tpu.memory_space<semaphore_mem>>) src(%dma_wait3A_176 : memref<10240x128xf32, #tpu.memory_space<vmem_shared>>) dst(%arg12 : memref<80x128xf32, #tpu.memory_space<vmem>>)
    %add3A_177 = arith.constant 160 : i32
    %add3A_178 = arith.addi %mul3A_2, %add3A_177 : i32
    "tpu.region"() ({
      %run_scoped3A = tpu.sem_alloc : memref<!tpu.dma_semaphore, #tpu.memory_space<semaphore_mem>>
      %dma_start3A_252 = arith.constant 0 : i32
      %dma_start3A_253 = tpu.memref_slice %arg7[%arg0, %add3A_178, %dma_start3A_252] : memref<2x10240x128xf32, #tpu.memory_space<hbm>> -> memref<1x80x128xf32, #tpu.memory_space<hbm>>
      %dma_start3A_254 = tpu.memref_squeeze %dma_start3A_253 : memref<1x80x128xf32, #tpu.memory_space<hbm>> -> memref<80x128xf32, #tpu.memory_space<hbm>>
      %dma_start3A_255 = arith.constant 0 : i32
      %dma_start3A_256 = tpu.memref_slice %arg7[%arg0, %add3A_178, %dma_start3A_255] : memref<2x10240x128xf32, #tpu.memory_space<hbm>> -> memref<1x80x128xf32, #tpu.memory_space<hbm>>
      %dma_start3A_257 = tpu.memref_squeeze %dma_start3A_256 : memref<1x80x128xf32, #tpu.memory_space<hbm>> -> memref<80x128xf32, #tpu.memory_space<hbm>>
      tpu.enqueue_dma source(%arg12 : memref<80x128xf32, #tpu.memory_space<vmem>>) target(%dma_start3A_257 : memref<80x128xf32, #tpu.memory_space<hbm>>) target_semaphore(%run_scoped3A : memref<!tpu.dma_semaphore, #tpu.memory_space<semaphore_mem>>)
      %dma_wait3A_258 = arith.constant 0 : i32
      %dma_wait3A_259 = tpu.memref_slice %arg7[%arg0, %add3A_178, %dma_wait3A_258] : memref<2x10240x128xf32, #tpu.memory_space<hbm>> -> memref<1x80x128xf32, #tpu.memory_space<hbm>>
      %dma_wait3A_260 = tpu.memref_squeeze %dma_wait3A_259 : memref<1x80x128xf32, #tpu.memory_space<hbm>> -> memref<80x128xf32, #tpu.memory_space<hbm>>
      %dma_wait3A_261 = arith.constant 0 : i32
      %dma_wait3A_262 = tpu.memref_slice %arg7[%arg0, %add3A_178, %dma_wait3A_261] : memref<2x10240x128xf32, #tpu.memory_space<hbm>> -> memref<1x80x128xf32, #tpu.memory_space<hbm>>
      %dma_wait3A_263 = tpu.memref_squeeze %dma_wait3A_262 : memref<1x80x128xf32, #tpu.memory_space<hbm>> -> memref<80x128xf32, #tpu.memory_space<hbm>>
      tpu.wait_dma2 semaphore(%run_scoped3A : memref<!tpu.dma_semaphore, #tpu.memory_space<semaphore_mem>>) src(%arg12 : memref<80x128xf32, #tpu.memory_space<vmem>>) dst(%dma_wait3A_263 : memref<80x128xf32, #tpu.memory_space<hbm>>)
      tpu.yield
    }) : () -> ()
    %dma_start3A_179 = arith.constant 4 : i32
    %dma_start3A_180 = arith.constant 0 : i32
    %dma_start3A_181 = tpu.memref_slice %arg11[%dma_start3A_179, %dma_start3A_180] : memref<8x80xi32, #tpu.memory_space<vmem>> -> memref<1x80xi32, #tpu.memory_space<vmem>>
    %dma_start3A_182 = tpu.memref_squeeze %dma_start3A_181 : memref<1x80xi32, #tpu.memory_space<vmem>> -> memref<80xi32, #tpu.memory_space<vmem>>
    %dma_start3A_183 = arith.constant 0 : i32
    %dma_start3A_184 = arith.constant 0 : i32
    %dma_start3A_185 = tpu.memref_slice %arg8[%dma_start3A_183, %dma_start3A_184] : memref<10240x128xf32, #tpu.memory_space<vmem_shared>> -> memref<10240x128xf32, #tpu.memory_space<vmem_shared>>
    tpu.enqueue_indirect_dma source(%dma_start3A_185 : memref<10240x128xf32, #tpu.memory_space<vmem_shared>>) target(%arg12 : memref<80x128xf32, #tpu.memory_space<vmem>>) offsets(%dma_start3A_182 : memref<80xi32, #tpu.memory_space<vmem>>) semaphore(%arg14 : memref<!tpu.dma_semaphore, #tpu.memory_space<semaphore_mem>>)
    %dma_wait3A_186 = arith.constant 3 : i32
    %dma_wait3A_187 = arith.constant 0 : i32
    %dma_wait3A_188 = tpu.memref_slice %arg11[%dma_wait3A_186, %dma_wait3A_187] : memref<8x80xi32, #tpu.memory_space<vmem>> -> memref<1x80xi32, #tpu.memory_space<vmem>>
    %dma_wait3A_189 = tpu.memref_squeeze %dma_wait3A_188 : memref<1x80xi32, #tpu.memory_space<vmem>> -> memref<80xi32, #tpu.memory_space<vmem>>
    %dma_wait3A_190 = arith.constant 0 : i32
    %dma_wait3A_191 = arith.constant 0 : i32
    %dma_wait3A_192 = tpu.memref_slice %arg8[%dma_wait3A_190, %dma_wait3A_191] : memref<10240x128xf32, #tpu.memory_space<vmem_shared>> -> memref<10240x128xf32, #tpu.memory_space<vmem_shared>>
    tpu.wait_indirect_dma semaphore(%arg15 : memref<!tpu.dma_semaphore, #tpu.memory_space<semaphore_mem>>) src(%dma_wait3A_192 : memref<10240x128xf32, #tpu.memory_space<vmem_shared>>) dst(%arg13 : memref<80x128xf32, #tpu.memory_space<vmem>>)
    %add3A_193 = arith.constant 240 : i32
    %add3A_194 = arith.addi %mul3A_2, %add3A_193 : i32
    "tpu.region"() ({
      %run_scoped3A = tpu.sem_alloc : memref<!tpu.dma_semaphore, #tpu.memory_space<semaphore_mem>>
      %dma_start3A_252 = arith.constant 0 : i32
      %dma_start3A_253 = tpu.memref_slice %arg7[%arg0, %add3A_194, %dma_start3A_252] : memref<2x10240x128xf32, #tpu.memory_space<hbm>> -> memref<1x80x128xf32, #tpu.memory_space<hbm>>
      %dma_start3A_254 = tpu.memref_squeeze %dma_start3A_253 : memref<1x80x128xf32, #tpu.memory_space<hbm>> -> memref<80x128xf32, #tpu.memory_space<hbm>>
      %dma_start3A_255 = arith.constant 0 : i32
      %dma_start3A_256 = tpu.memref_slice %arg7[%arg0, %add3A_194, %dma_start3A_255] : memref<2x10240x128xf32, #tpu.memory_space<hbm>> -> memref<1x80x128xf32, #tpu.memory_space<hbm>>
      %dma_start3A_257 = tpu.memref_squeeze %dma_start3A_256 : memref<1x80x128xf32, #tpu.memory_space<hbm>> -> memref<80x128xf32, #tpu.memory_space<hbm>>
      tpu.enqueue_dma source(%arg13 : memref<80x128xf32, #tpu.memory_space<vmem>>) target(%dma_start3A_257 : memref<80x128xf32, #tpu.memory_space<hbm>>) target_semaphore(%run_scoped3A : memref<!tpu.dma_semaphore, #tpu.memory_space<semaphore_mem>>)
      %dma_wait3A_258 = arith.constant 0 : i32
      %dma_wait3A_259 = tpu.memref_slice %arg7[%arg0, %add3A_194, %dma_wait3A_258] : memref<2x10240x128xf32, #tpu.memory_space<hbm>> -> memref<1x80x128xf32, #tpu.memory_space<hbm>>
      %dma_wait3A_260 = tpu.memref_squeeze %dma_wait3A_259 : memref<1x80x128xf32, #tpu.memory_space<hbm>> -> memref<80x128xf32, #tpu.memory_space<hbm>>
      %dma_wait3A_261 = arith.constant 0 : i32
      %dma_wait3A_262 = tpu.memref_slice %arg7[%arg0, %add3A_194, %dma_wait3A_261] : memref<2x10240x128xf32, #tpu.memory_space<hbm>> -> memref<1x80x128xf32, #tpu.memory_space<hbm>>
      %dma_wait3A_263 = tpu.memref_squeeze %dma_wait3A_262 : memref<1x80x128xf32, #tpu.memory_space<hbm>> -> memref<80x128xf32, #tpu.memory_space<hbm>>
      tpu.wait_dma2 semaphore(%run_scoped3A : memref<!tpu.dma_semaphore, #tpu.memory_space<semaphore_mem>>) src(%arg13 : memref<80x128xf32, #tpu.memory_space<vmem>>) dst(%dma_wait3A_263 : memref<80x128xf32, #tpu.memory_space<hbm>>)
      tpu.yield
    }) : () -> ()
    %dma_start3A_195 = arith.constant 5 : i32
    %dma_start3A_196 = arith.constant 0 : i32
    %dma_start3A_197 = tpu.memref_slice %arg11[%dma_start3A_195, %dma_start3A_196] : memref<8x80xi32, #tpu.memory_space<vmem>> -> memref<1x80xi32, #tpu.memory_space<vmem>>
    %dma_start3A_198 = tpu.memref_squeeze %dma_start3A_197 : memref<1x80xi32, #tpu.memory_space<vmem>> -> memref<80xi32, #tpu.memory_space<vmem>>
    %dma_start3A_199 = arith.constant 0 : i32
    %dma_start3A_200 = arith.constant 0 : i32
    %dma_start3A_201 = tpu.memref_slice %arg8[%dma_start3A_199, %dma_start3A_200] : memref<10240x128xf32, #tpu.memory_space<vmem_shared>> -> memref<10240x128xf32, #tpu.memory_space<vmem_shared>>
    tpu.enqueue_indirect_dma source(%dma_start3A_201 : memref<10240x128xf32, #tpu.memory_space<vmem_shared>>) target(%arg13 : memref<80x128xf32, #tpu.memory_space<vmem>>) offsets(%dma_start3A_198 : memref<80xi32, #tpu.memory_space<vmem>>) semaphore(%arg15 : memref<!tpu.dma_semaphore, #tpu.memory_space<semaphore_mem>>)
    %dma_wait3A_202 = arith.constant 4 : i32
    %dma_wait3A_203 = arith.constant 0 : i32
    %dma_wait3A_204 = tpu.memref_slice %arg11[%dma_wait3A_202, %dma_wait3A_203] : memref<8x80xi32, #tpu.memory_space<vmem>> -> memref<1x80xi32, #tpu.memory_space<vmem>>
    %dma_wait3A_205 = tpu.memref_squeeze %dma_wait3A_204 : memref<1x80xi32, #tpu.memory_space<vmem>> -> memref<80xi32, #tpu.memory_space<vmem>>
    %dma_wait3A_206 = arith.constant 0 : i32
    %dma_wait3A_207 = arith.constant 0 : i32
    %dma_wait3A_208 = tpu.memref_slice %arg8[%dma_wait3A_206, %dma_wait3A_207] : memref<10240x128xf32, #tpu.memory_space<vmem_shared>> -> memref<10240x128xf32, #tpu.memory_space<vmem_shared>>
    tpu.wait_indirect_dma semaphore(%arg14 : memref<!tpu.dma_semaphore, #tpu.memory_space<semaphore_mem>>) src(%dma_wait3A_208 : memref<10240x128xf32, #tpu.memory_space<vmem_shared>>) dst(%arg12 : memref<80x128xf32, #tpu.memory_space<vmem>>)
    %add3A_209 = arith.constant 320 : i32
    %add3A_210 = arith.addi %mul3A_2, %add3A_209 : i32
    "tpu.region"() ({
      %run_scoped3A = tpu.sem_alloc : memref<!tpu.dma_semaphore, #tpu.memory_space<semaphore_mem>>
      %dma_start3A_252 = arith.constant 0 : i32
      %dma_start3A_253 = tpu.memref_slice %arg7[%arg0, %add3A_210, %dma_start3A_252] : memref<2x10240x128xf32, #tpu.memory_space<hbm>> -> memref<1x80x128xf32, #tpu.memory_space<hbm>>
      %dma_start3A_254 = tpu.memref_squeeze %dma_start3A_253 : memref<1x80x128xf32, #tpu.memory_space<hbm>> -> memref<80x128xf32, #tpu.memory_space<hbm>>
      %dma_start3A_255 = arith.constant 0 : i32
      %dma_start3A_256 = tpu.memref_slice %arg7[%arg0, %add3A_210, %dma_start3A_255] : memref<2x10240x128xf32, #tpu.memory_space<hbm>> -> memref<1x80x128xf32, #tpu.memory_space<hbm>>
      %dma_start3A_257 = tpu.memref_squeeze %dma_start3A_256 : memref<1x80x128xf32, #tpu.memory_space<hbm>> -> memref<80x128xf32, #tpu.memory_space<hbm>>
      tpu.enqueue_dma source(%arg12 : memref<80x128xf32, #tpu.memory_space<vmem>>) target(%dma_start3A_257 : memref<80x128xf32, #tpu.memory_space<hbm>>) target_semaphore(%run_scoped3A : memref<!tpu.dma_semaphore, #tpu.memory_space<semaphore_mem>>)
      %dma_wait3A_258 = arith.constant 0 : i32
      %dma_wait3A_259 = tpu.memref_slice %arg7[%arg0, %add3A_210, %dma_wait3A_258] : memref<2x10240x128xf32, #tpu.memory_space<hbm>> -> memref<1x80x128xf32, #tpu.memory_space<hbm>>
      %dma_wait3A_260 = tpu.memref_squeeze %dma_wait3A_259 : memref<1x80x128xf32, #tpu.memory_space<hbm>> -> memref<80x128xf32, #tpu.memory_space<hbm>>
      %dma_wait3A_261 = arith.constant 0 : i32
      %dma_wait3A_262 = tpu.memref_slice %arg7[%arg0, %add3A_210, %dma_wait3A_261] : memref<2x10240x128xf32, #tpu.memory_space<hbm>> -> memref<1x80x128xf32, #tpu.memory_space<hbm>>
      %dma_wait3A_263 = tpu.memref_squeeze %dma_wait3A_262 : memref<1x80x128xf32, #tpu.memory_space<hbm>> -> memref<80x128xf32, #tpu.memory_space<hbm>>
      tpu.wait_dma2 semaphore(%run_scoped3A : memref<!tpu.dma_semaphore, #tpu.memory_space<semaphore_mem>>) src(%arg12 : memref<80x128xf32, #tpu.memory_space<vmem>>) dst(%dma_wait3A_263 : memref<80x128xf32, #tpu.memory_space<hbm>>)
      tpu.yield
    }) : () -> ()
    %dma_start3A_211 = arith.constant 6 : i32
    %dma_start3A_212 = arith.constant 0 : i32
    %dma_start3A_213 = tpu.memref_slice %arg11[%dma_start3A_211, %dma_start3A_212] : memref<8x80xi32, #tpu.memory_space<vmem>> -> memref<1x80xi32, #tpu.memory_space<vmem>>
    %dma_start3A_214 = tpu.memref_squeeze %dma_start3A_213 : memref<1x80xi32, #tpu.memory_space<vmem>> -> memref<80xi32, #tpu.memory_space<vmem>>
    %dma_start3A_215 = arith.constant 0 : i32
    %dma_start3A_216 = arith.constant 0 : i32
    %dma_start3A_217 = tpu.memref_slice %arg8[%dma_start3A_215, %dma_start3A_216] : memref<10240x128xf32, #tpu.memory_space<vmem_shared>> -> memref<10240x128xf32, #tpu.memory_space<vmem_shared>>
    tpu.enqueue_indirect_dma source(%dma_start3A_217 : memref<10240x128xf32, #tpu.memory_space<vmem_shared>>) target(%arg12 : memref<80x128xf32, #tpu.memory_space<vmem>>) offsets(%dma_start3A_214 : memref<80xi32, #tpu.memory_space<vmem>>) semaphore(%arg14 : memref<!tpu.dma_semaphore, #tpu.memory_space<semaphore_mem>>)
    %dma_wait3A_218 = arith.constant 5 : i32
    %dma_wait3A_219 = arith.constant 0 : i32
    %dma_wait3A_220 = tpu.memref_slice %arg11[%dma_wait3A_218, %dma_wait3A_219] : memref<8x80xi32, #tpu.memory_space<vmem>> -> memref<1x80xi32, #tpu.memory_space<vmem>>
    %dma_wait3A_221 = tpu.memref_squeeze %dma_wait3A_220 : memref<1x80xi32, #tpu.memory_space<vmem>> -> memref<80xi32, #tpu.memory_space<vmem>>
    %dma_wait3A_222 = arith.constant 0 : i32
    %dma_wait3A_223 = arith.constant 0 : i32
    %dma_wait3A_224 = tpu.memref_slice %arg8[%dma_wait3A_222, %dma_wait3A_223] : memref<10240x128xf32, #tpu.memory_space<vmem_shared>> -> memref<10240x128xf32, #tpu.memory_space<vmem_shared>>
    tpu.wait_indirect_dma semaphore(%arg15 : memref<!tpu.dma_semaphore, #tpu.memory_space<semaphore_mem>>) src(%dma_wait3A_224 : memref<10240x128xf32, #tpu.memory_space<vmem_shared>>) dst(%arg13 : memref<80x128xf32, #tpu.memory_space<vmem>>)
    %add3A_225 = arith.constant 400 : i32
    %add3A_226 = arith.addi %mul3A_2, %add3A_225 : i32
    "tpu.region"() ({
      %run_scoped3A = tpu.sem_alloc : memref<!tpu.dma_semaphore, #tpu.memory_space<semaphore_mem>>
      %dma_start3A_252 = arith.constant 0 : i32
      %dma_start3A_253 = tpu.memref_slice %arg7[%arg0, %add3A_226, %dma_start3A_252] : memref<2x10240x128xf32, #tpu.memory_space<hbm>> -> memref<1x80x128xf32, #tpu.memory_space<hbm>>
      %dma_start3A_254 = tpu.memref_squeeze %dma_start3A_253 : memref<1x80x128xf32, #tpu.memory_space<hbm>> -> memref<80x128xf32, #tpu.memory_space<hbm>>
      %dma_start3A_255 = arith.constant 0 : i32
      %dma_start3A_256 = tpu.memref_slice %arg7[%arg0, %add3A_226, %dma_start3A_255] : memref<2x10240x128xf32, #tpu.memory_space<hbm>> -> memref<1x80x128xf32, #tpu.memory_space<hbm>>
      %dma_start3A_257 = tpu.memref_squeeze %dma_start3A_256 : memref<1x80x128xf32, #tpu.memory_space<hbm>> -> memref<80x128xf32, #tpu.memory_space<hbm>>
      tpu.enqueue_dma source(%arg13 : memref<80x128xf32, #tpu.memory_space<vmem>>) target(%dma_start3A_257 : memref<80x128xf32, #tpu.memory_space<hbm>>) target_semaphore(%run_scoped3A : memref<!tpu.dma_semaphore, #tpu.memory_space<semaphore_mem>>)
      %dma_wait3A_258 = arith.constant 0 : i32
      %dma_wait3A_259 = tpu.memref_slice %arg7[%arg0, %add3A_226, %dma_wait3A_258] : memref<2x10240x128xf32, #tpu.memory_space<hbm>> -> memref<1x80x128xf32, #tpu.memory_space<hbm>>
      %dma_wait3A_260 = tpu.memref_squeeze %dma_wait3A_259 : memref<1x80x128xf32, #tpu.memory_space<hbm>> -> memref<80x128xf32, #tpu.memory_space<hbm>>
      %dma_wait3A_261 = arith.constant 0 : i32
      %dma_wait3A_262 = tpu.memref_slice %arg7[%arg0, %add3A_226, %dma_wait3A_261] : memref<2x10240x128xf32, #tpu.memory_space<hbm>> -> memref<1x80x128xf32, #tpu.memory_space<hbm>>
      %dma_wait3A_263 = tpu.memref_squeeze %dma_wait3A_262 : memref<1x80x128xf32, #tpu.memory_space<hbm>> -> memref<80x128xf32, #tpu.memory_space<hbm>>
      tpu.wait_dma2 semaphore(%run_scoped3A : memref<!tpu.dma_semaphore, #tpu.memory_space<semaphore_mem>>) src(%arg13 : memref<80x128xf32, #tpu.memory_space<vmem>>) dst(%dma_wait3A_263 : memref<80x128xf32, #tpu.memory_space<hbm>>)
      tpu.yield
    }) : () -> ()
    %dma_start3A_227 = arith.constant 7 : i32
    %dma_start3A_228 = arith.constant 0 : i32
    %dma_start3A_229 = tpu.memref_slice %arg11[%dma_start3A_227, %dma_start3A_228] : memref<8x80xi32, #tpu.memory_space<vmem>> -> memref<1x80xi32, #tpu.memory_space<vmem>>
    %dma_start3A_230 = tpu.memref_squeeze %dma_start3A_229 : memref<1x80xi32, #tpu.memory_space<vmem>> -> memref<80xi32, #tpu.memory_space<vmem>>
    %dma_start3A_231 = arith.constant 0 : i32
    %dma_start3A_232 = arith.constant 0 : i32
    %dma_start3A_233 = tpu.memref_slice %arg8[%dma_start3A_231, %dma_start3A_232] : memref<10240x128xf32, #tpu.memory_space<vmem_shared>> -> memref<10240x128xf32, #tpu.memory_space<vmem_shared>>
    tpu.enqueue_indirect_dma source(%dma_start3A_233 : memref<10240x128xf32, #tpu.memory_space<vmem_shared>>) target(%arg13 : memref<80x128xf32, #tpu.memory_space<vmem>>) offsets(%dma_start3A_230 : memref<80xi32, #tpu.memory_space<vmem>>) semaphore(%arg15 : memref<!tpu.dma_semaphore, #tpu.memory_space<semaphore_mem>>)
    %dma_wait3A_234 = arith.constant 6 : i32
    %dma_wait3A_235 = arith.constant 0 : i32
    %dma_wait3A_236 = tpu.memref_slice %arg11[%dma_wait3A_234, %dma_wait3A_235] : memref<8x80xi32, #tpu.memory_space<vmem>> -> memref<1x80xi32, #tpu.memory_space<vmem>>
    %dma_wait3A_237 = tpu.memref_squeeze %dma_wait3A_236 : memref<1x80xi32, #tpu.memory_space<vmem>> -> memref<80xi32, #tpu.memory_space<vmem>>
    %dma_wait3A_238 = arith.constant 0 : i32
    %dma_wait3A_239 = arith.constant 0 : i32
    %dma_wait3A_240 = tpu.memref_slice %arg8[%dma_wait3A_238, %dma_wait3A_239] : memref<10240x128xf32, #tpu.memory_space<vmem_shared>> -> memref<10240x128xf32, #tpu.memory_space<vmem_shared>>
    tpu.wait_indirect_dma semaphore(%arg14 : memref<!tpu.dma_semaphore, #tpu.memory_space<semaphore_mem>>) src(%dma_wait3A_240 : memref<10240x128xf32, #tpu.memory_space<vmem_shared>>) dst(%arg12 : memref<80x128xf32, #tpu.memory_space<vmem>>)
    %add3A_241 = arith.constant 480 : i32
    %add3A_242 = arith.addi %mul3A_2, %add3A_241 : i32
    "tpu.region"() ({
      %run_scoped3A = tpu.sem_alloc : memref<!tpu.dma_semaphore, #tpu.memory_space<semaphore_mem>>
      %dma_start3A_252 = arith.constant 0 : i32
      %dma_start3A_253 = tpu.memref_slice %arg7[%arg0, %add3A_242, %dma_start3A_252] : memref<2x10240x128xf32, #tpu.memory_space<hbm>> -> memref<1x80x128xf32, #tpu.memory_space<hbm>>
      %dma_start3A_254 = tpu.memref_squeeze %dma_start3A_253 : memref<1x80x128xf32, #tpu.memory_space<hbm>> -> memref<80x128xf32, #tpu.memory_space<hbm>>
      %dma_start3A_255 = arith.constant 0 : i32
      %dma_start3A_256 = tpu.memref_slice %arg7[%arg0, %add3A_242, %dma_start3A_255] : memref<2x10240x128xf32, #tpu.memory_space<hbm>> -> memref<1x80x128xf32, #tpu.memory_space<hbm>>
      %dma_start3A_257 = tpu.memref_squeeze %dma_start3A_256 : memref<1x80x128xf32, #tpu.memory_space<hbm>> -> memref<80x128xf32, #tpu.memory_space<hbm>>
      tpu.enqueue_dma source(%arg12 : memref<80x128xf32, #tpu.memory_space<vmem>>) target(%dma_start3A_257 : memref<80x128xf32, #tpu.memory_space<hbm>>) target_semaphore(%run_scoped3A : memref<!tpu.dma_semaphore, #tpu.memory_space<semaphore_mem>>)
      %dma_wait3A_258 = arith.constant 0 : i32
      %dma_wait3A_259 = tpu.memref_slice %arg7[%arg0, %add3A_242, %dma_wait3A_258] : memref<2x10240x128xf32, #tpu.memory_space<hbm>> -> memref<1x80x128xf32, #tpu.memory_space<hbm>>
      %dma_wait3A_260 = tpu.memref_squeeze %dma_wait3A_259 : memref<1x80x128xf32, #tpu.memory_space<hbm>> -> memref<80x128xf32, #tpu.memory_space<hbm>>
      %dma_wait3A_261 = arith.constant 0 : i32
      %dma_wait3A_262 = tpu.memref_slice %arg7[%arg0, %add3A_242, %dma_wait3A_261] : memref<2x10240x128xf32, #tpu.memory_space<hbm>> -> memref<1x80x128xf32, #tpu.memory_space<hbm>>
      %dma_wait3A_263 = tpu.memref_squeeze %dma_wait3A_262 : memref<1x80x128xf32, #tpu.memory_space<hbm>> -> memref<80x128xf32, #tpu.memory_space<hbm>>
      tpu.wait_dma2 semaphore(%run_scoped3A : memref<!tpu.dma_semaphore, #tpu.memory_space<semaphore_mem>>) src(%arg12 : memref<80x128xf32, #tpu.memory_space<vmem>>) dst(%dma_wait3A_263 : memref<80x128xf32, #tpu.memory_space<hbm>>)
      tpu.yield
    }) : () -> ()
    %dma_wait3A_243 = arith.constant 7 : i32
    %dma_wait3A_244 = arith.constant 0 : i32
    %dma_wait3A_245 = tpu.memref_slice %arg11[%dma_wait3A_243, %dma_wait3A_244] : memref<8x80xi32, #tpu.memory_space<vmem>> -> memref<1x80xi32, #tpu.memory_space<vmem>>
    %dma_wait3A_246 = tpu.memref_squeeze %dma_wait3A_245 : memref<1x80xi32, #tpu.memory_space<vmem>> -> memref<80xi32, #tpu.memory_space<vmem>>
    %dma_wait3A_247 = arith.constant 0 : i32
    %dma_wait3A_248 = arith.constant 0 : i32
    %dma_wait3A_249 = tpu.memref_slice %arg8[%dma_wait3A_247, %dma_wait3A_248] : memref<10240x128xf32, #tpu.memory_space<vmem_shared>> -> memref<10240x128xf32, #tpu.memory_space<vmem_shared>>
    tpu.wait_indirect_dma semaphore(%arg15 : memref<!tpu.dma_semaphore, #tpu.memory_space<semaphore_mem>>) src(%dma_wait3A_249 : memref<10240x128xf32, #tpu.memory_space<vmem_shared>>) dst(%arg13 : memref<80x128xf32, #tpu.memory_space<vmem>>)
    %add3A_250 = arith.constant 560 : i32
    %add3A_251 = arith.addi %mul3A_2, %add3A_250 : i32
    "tpu.region"() ({
      %run_scoped3A = tpu.sem_alloc : memref<!tpu.dma_semaphore, #tpu.memory_space<semaphore_mem>>
      %dma_start3A_252 = arith.constant 0 : i32
      %dma_start3A_253 = tpu.memref_slice %arg7[%arg0, %add3A_251, %dma_start3A_252] : memref<2x10240x128xf32, #tpu.memory_space<hbm>> -> memref<1x80x128xf32, #tpu.memory_space<hbm>>
      %dma_start3A_254 = tpu.memref_squeeze %dma_start3A_253 : memref<1x80x128xf32, #tpu.memory_space<hbm>> -> memref<80x128xf32, #tpu.memory_space<hbm>>
      %dma_start3A_255 = arith.constant 0 : i32
      %dma_start3A_256 = tpu.memref_slice %arg7[%arg0, %add3A_251, %dma_start3A_255] : memref<2x10240x128xf32, #tpu.memory_space<hbm>> -> memref<1x80x128xf32, #tpu.memory_space<hbm>>
      %dma_start3A_257 = tpu.memref_squeeze %dma_start3A_256 : memref<1x80x128xf32, #tpu.memory_space<hbm>> -> memref<80x128xf32, #tpu.memory_space<hbm>>
      tpu.enqueue_dma source(%arg13 : memref<80x128xf32, #tpu.memory_space<vmem>>) target(%dma_start3A_257 : memref<80x128xf32, #tpu.memory_space<hbm>>) target_semaphore(%run_scoped3A : memref<!tpu.dma_semaphore, #tpu.memory_space<semaphore_mem>>)
      %dma_wait3A_258 = arith.constant 0 : i32
      %dma_wait3A_259 = tpu.memref_slice %arg7[%arg0, %add3A_251, %dma_wait3A_258] : memref<2x10240x128xf32, #tpu.memory_space<hbm>> -> memref<1x80x128xf32, #tpu.memory_space<hbm>>
      %dma_wait3A_260 = tpu.memref_squeeze %dma_wait3A_259 : memref<1x80x128xf32, #tpu.memory_space<hbm>> -> memref<80x128xf32, #tpu.memory_space<hbm>>
      %dma_wait3A_261 = arith.constant 0 : i32
      %dma_wait3A_262 = tpu.memref_slice %arg7[%arg0, %add3A_251, %dma_wait3A_261] : memref<2x10240x128xf32, #tpu.memory_space<hbm>> -> memref<1x80x128xf32, #tpu.memory_space<hbm>>
      %dma_wait3A_263 = tpu.memref_squeeze %dma_wait3A_262 : memref<1x80x128xf32, #tpu.memory_space<hbm>> -> memref<80x128xf32, #tpu.memory_space<hbm>>
      tpu.wait_dma2 semaphore(%run_scoped3A : memref<!tpu.dma_semaphore, #tpu.memory_space<semaphore_mem>>) src(%arg13 : memref<80x128xf32, #tpu.memory_space<vmem>>) dst(%dma_wait3A_263 : memref<80x128xf32, #tpu.memory_space<hbm>>)
      tpu.yield
    }) : () -> ()
    return
  }
}

module attributes {stable_mosaic.version = 14 : i64} {
  func.func @_tc_prep_body(%arg0: memref<10000x128xf32, #tpu.memory_space<vmem>>, %arg1: memref<128x40xf32, #tpu.memory_space<vmem>>, %arg2: memref<128x40xf32, #tpu.memory_space<vmem>>, %arg3: memref<10000x128xf32, #tpu.memory_space<vmem>>) attributes {dimension_semantics = [], scalar_prefetch = 0 : i64, scratch_operands = 0 : i64, tpu.core_type = #tpu.core_type<tc>} {
    %get3A = arith.constant 0 : index
    %get3A_0 = arith.constant 0 : index
    %get3A_1 = vector.load %arg0[%get3A, %get3A_0] : memref<10000x128xf32, #tpu.memory_space<vmem>>, vector<10000x128xf32>
    %get3A_2 = arith.constant 0 : index
    %get3A_3 = arith.constant 0 : index
    %get3A_4 = vector.load %arg1[%get3A_2, %get3A_3] : memref<128x40xf32, #tpu.memory_space<vmem>>, vector<128x40xf32>
    %dot_general3A = arith.constant dense<0.000000e+00> : vector<10000x40xf32>
    %dot_general3A_5 = tpu.matmul %get3A_1, %get3A_4, %dot_general3A {dimension_numbers = #tpu.dot_dimension_numbers<[1], [0], [0], [1], [0, 0, 1, 1], [], []>, transpose_lhs_hint = false} : vector<10000x128xf32>, vector<128x40xf32>, vector<10000x40xf32> -> vector<10000x40xf32>
    %get3A_6 = arith.constant 0 : index
    %get3A_7 = arith.constant 0 : index
    %get3A_8 = vector.load %arg2[%get3A_6, %get3A_7] : memref<128x40xf32, #tpu.memory_space<vmem>>, vector<128x40xf32>
    %dot_general3A_9 = arith.constant dense<0.000000e+00> : vector<10000x40xf32>
    %dot_general3A_10 = tpu.matmul %get3A_1, %get3A_8, %dot_general3A_9 {dimension_numbers = #tpu.dot_dimension_numbers<[1], [0], [0], [1], [0, 0, 1, 1], [], []>, transpose_lhs_hint = false} : vector<10000x128xf32>, vector<128x40xf32>, vector<10000x40xf32> -> vector<10000x40xf32>
    %broadcast_in_dim3A = arith.constant 1.000000e+00 : f32
    %broadcast_in_dim3A_11 = vector.broadcast %broadcast_in_dim3A : f32 to vector<10000x1xf32>
    %broadcast_in_dim3A_12 = arith.constant 0.000000e+00 : f32
    %broadcast_in_dim3A_13 = vector.broadcast %broadcast_in_dim3A_12 : f32 to vector<10000x47xf32>
    %concatenate3A = tpu.concatenate %dot_general3A_5, %dot_general3A_10, %broadcast_in_dim3A_11, %broadcast_in_dim3A_13 in 1 : vector<10000x40xf32>, vector<10000x40xf32>, vector<10000x1xf32>, vector<10000x47xf32> -> vector<10000x128xf32>
    %swap3A = arith.constant 0 : index
    %swap3A_14 = arith.constant 0 : index
    %swap3A_15 = vector.load %arg3[%swap3A, %swap3A_14] : memref<10000x128xf32, #tpu.memory_space<vmem>>, vector<10000x128xf32>
    tpu.vector_store %arg3[%swap3A, %swap3A_14], %concatenate3A {strides = array<i32>} : memref<10000x128xf32, #tpu.memory_space<vmem>>, vector<10000x128xf32>,
    return
  }
}

module attributes {stable_mosaic.version = 14 : i64} {
  func.func @_tc_mid_body(%arg0: memref<2x10240x128xf32, #tpu.memory_space<vmem>>, %arg1: memref<10240x128xf32, #tpu.memory_space<vmem>>, %arg2: memref<10240x40xf32, #tpu.memory_space<vmem>>, %arg3: memref<2x10240xf32, #tpu.memory_space<vmem>>) attributes {dimension_semantics = [], scalar_prefetch = 0 : i64, scratch_operands = 0 : i64, tpu.core_type = #tpu.core_type<tc>} {
    %get3A = arith.constant 0 : index
    %get3A_0 = arith.constant 0 : index
    %get3A_1 = arith.constant 0 : index
    %get3A_2 = vector.load %arg0[%get3A, %get3A_0, %get3A_1] : memref<2x10240x128xf32, #tpu.memory_space<vmem>>, vector<1x10240x128xf32>
    %get3A_3 = vector.shape_cast %get3A_2 : vector<1x10240x128xf32> to vector<10240x128xf32>
    %get3A_4 = arith.constant 1 : index
    %get3A_5 = arith.constant 0 : index
    %get3A_6 = arith.constant 0 : index
    %get3A_7 = vector.load %arg0[%get3A_4, %get3A_5, %get3A_6] : memref<2x10240x128xf32, #tpu.memory_space<vmem>>, vector<1x10240x128xf32>
    %get3A_8 = vector.shape_cast %get3A_7 : vector<1x10240x128xf32> to vector<10240x128xf32>
    %add3A = arith.addf %get3A_3, %get3A_8 : vector<10240x128xf32>
    %slice3A = vector.extract_strided_slice %add3A {offsets = [0, 80], sizes = [10240, 1], strides = [1, 1]} : vector<10240x128xf32> to vector<10240x1xf32>
    %squeeze3A = vector.shape_cast %slice3A : vector<10240x1xf32> to vector<10240xf32>
    %max3A = arith.constant 1.000000e+00 : f32
    %max3A_9 = vector.broadcast %max3A : f32 to vector<10240xf32>
    %max3A_10 = arith.maximumf %squeeze3A, %max3A_9 : vector<10240xf32>
    %div3A = arith.constant 1.000000e+00 : f32
    %div3A_11 = vector.broadcast %div3A : f32 to vector<10240xf32>
    %div3A_12 = arith.divf %div3A_11, %max3A_10 : vector<10240xf32>
    %stack3A = vector.shape_cast %squeeze3A : vector<10240xf32> to vector<1x10240xf32>
    %stack3A_13 = vector.shape_cast %div3A_12 : vector<10240xf32> to vector<1x10240xf32>
    %stack3A_14 = tpu.concatenate %stack3A, %stack3A_13 in 0 : vector<1x10240xf32>, vector<1x10240xf32> -> vector<2x10240xf32>
    %swap3A = arith.constant 0 : index
    %swap3A_15 = arith.constant 0 : index
    %swap3A_16 = vector.load %arg3[%swap3A, %swap3A_15] : memref<2x10240xf32, #tpu.memory_space<vmem>>, vector<2x10240xf32>
    tpu.vector_store %arg3[%swap3A, %swap3A_15], %stack3A_14 {strides = array<i32>} : memref<2x10240xf32, #tpu.memory_space<vmem>>, vector<2x10240xf32>,
    %slice3A_17 = vector.extract_strided_slice %add3A {offsets = [0, 0], sizes = [10240, 40], strides = [1, 1]} : vector<10240x128xf32> to vector<10240x40xf32>
    %broadcast_in_dim3A = vector.shape_cast %div3A_12 : vector<10240xf32> to vector<10240x1xf32>
    %mul3A = vector.broadcast %broadcast_in_dim3A : vector<10240x1xf32> to vector<10240x40xf32>
    %mul3A_18 = arith.mulf %slice3A_17, %mul3A : vector<10240x40xf32>
    %swap3A_19 = arith.constant 0 : index
    %swap3A_20 = arith.constant 0 : index
    %swap3A_21 = vector.load %arg2[%swap3A_19, %swap3A_20] : memref<10240x40xf32, #tpu.memory_space<vmem>>, vector<10240x40xf32>
    tpu.vector_store %arg2[%swap3A_19, %swap3A_20], %mul3A_18 {strides = array<i32>} : memref<10240x40xf32, #tpu.memory_space<vmem>>, vector<10240x40xf32>,
    %slice3A_22 = vector.extract_strided_slice %add3A {offsets = [0, 40], sizes = [10240, 40], strides = [1, 1]} : vector<10240x128xf32> to vector<10240x40xf32>
    %broadcast_in_dim3A_23 = vector.shape_cast %div3A_12 : vector<10240xf32> to vector<10240x1xf32>
    %mul3A_24 = vector.broadcast %broadcast_in_dim3A_23 : vector<10240x1xf32> to vector<10240x40xf32>
    %mul3A_25 = arith.mulf %slice3A_22, %mul3A_24 : vector<10240x40xf32>
    %broadcast_in_dim3A_26 = arith.constant 0.000000e+00 : f32
    %broadcast_in_dim3A_27 = vector.broadcast %broadcast_in_dim3A_26 : f32 to vector<10240x88xf32>
    %concatenate3A = tpu.concatenate %mul3A_25, %broadcast_in_dim3A_27 in 1 : vector<10240x40xf32>, vector<10240x88xf32> -> vector<10240x128xf32>
    %swap3A_28 = arith.constant 0 : index
    %swap3A_29 = arith.constant 0 : index
    %swap3A_30 = vector.load %arg1[%swap3A_28, %swap3A_29] : memref<10240x128xf32, #tpu.memory_space<vmem>>, vector<10240x128xf32>
    tpu.vector_store %arg1[%swap3A_28, %swap3A_29], %concatenate3A {strides = array<i32>} : memref<10240x128xf32, #tpu.memory_space<vmem>>, vector<10240x128xf32>,
    return
  }
}

module attributes {stable_mosaic.version = 14 : i64} {
  func.func @_tc_final_body(%arg0: memref<10240x128xf32, #tpu.memory_space<vmem>>, %arg1: memref<10240x40xf32, #tpu.memory_space<vmem>>, %arg2: memref<2x10240x128xf32, #tpu.memory_space<vmem>>, %arg3: memref<2x10240xf32, #tpu.memory_space<vmem>>, %arg4: memref<128x40xf32, #tpu.memory_space<vmem>>, %arg5: memref<2x40xf32, #tpu.memory_space<vmem>>, %arg6: memref<10240x40xf32, #tpu.memory_space<vmem>>) attributes {dimension_semantics = [], scalar_prefetch = 0 : i64, scratch_operands = 0 : i64, tpu.core_type = #tpu.core_type<tc>} {
    %get3A = arith.constant 0 : index
    %get3A_0 = arith.constant 0 : index
    %get3A_1 = vector.load %arg3[%get3A, %get3A_0] : memref<2x10240xf32, #tpu.memory_space<vmem>>, vector<1x10240xf32>
    %get3A_2 = vector.shape_cast %get3A_1 : vector<1x10240xf32> to vector<10240xf32>
    %get3A_3 = arith.constant 1 : index
    %get3A_4 = arith.constant 0 : index
    %get3A_5 = vector.load %arg3[%get3A_3, %get3A_4] : memref<2x10240xf32, #tpu.memory_space<vmem>>, vector<1x10240xf32>
    %get3A_6 = vector.shape_cast %get3A_5 : vector<1x10240xf32> to vector<10240xf32>
    %mul3A = arith.mulf %get3A_2, %get3A_6 : vector<10240xf32>
    %get3A_7 = arith.constant 0 : index
    %get3A_8 = arith.constant 0 : index
    %get3A_9 = arith.constant 0 : index
    %get3A_10 = vector.load %arg2[%get3A_7, %get3A_8, %get3A_9] : memref<2x10240x128xf32, #tpu.memory_space<vmem>>, vector<1x10240x40xf32>
    %get3A_11 = vector.shape_cast %get3A_10 : vector<1x10240x40xf32> to vector<10240x40xf32>
    %get3A_12 = arith.constant 1 : index
    %get3A_13 = arith.constant 0 : index
    %get3A_14 = arith.constant 0 : index
    %get3A_15 = vector.load %arg2[%get3A_12, %get3A_13, %get3A_14] : memref<2x10240x128xf32, #tpu.memory_space<vmem>>, vector<1x10240x40xf32>
    %get3A_16 = vector.shape_cast %get3A_15 : vector<1x10240x40xf32> to vector<10240x40xf32>
    %add3A = arith.addf %get3A_11, %get3A_16 : vector<10240x40xf32>
    %broadcast_in_dim3A = vector.shape_cast %get3A_6 : vector<10240xf32> to vector<10240x1xf32>
    %mul3A_17 = vector.broadcast %broadcast_in_dim3A : vector<10240x1xf32> to vector<10240x40xf32>
    %mul3A_18 = arith.mulf %add3A, %mul3A_17 : vector<10240x40xf32>
    %get3A_19 = arith.constant 0 : index
    %get3A_20 = arith.constant 0 : index
    %get3A_21 = vector.load %arg0[%get3A_19, %get3A_20] : memref<10240x128xf32, #tpu.memory_space<vmem>>, vector<10240x128xf32>
    %get3A_22 = arith.constant 0 : index
    %get3A_23 = arith.constant 0 : index
    %get3A_24 = vector.load %arg4[%get3A_22, %get3A_23] : memref<128x40xf32, #tpu.memory_space<vmem>>, vector<128x40xf32>
    %dot_general3A = arith.constant dense<0.000000e+00> : vector<10240x40xf32>
    %dot_general3A_25 = tpu.matmul %get3A_21, %get3A_24, %dot_general3A {dimension_numbers = #tpu.dot_dimension_numbers<[1], [0], [0], [1], [0, 0, 1, 1], [], []>, transpose_lhs_hint = false} : vector<10240x128xf32>, vector<128x40xf32>, vector<10240x40xf32> -> vector<10240x40xf32>
    %get3A_26 = arith.constant 0 : index
    %get3A_27 = arith.constant 0 : index
    %get3A_28 = vector.load %arg1[%get3A_26, %get3A_27] : memref<10240x40xf32, #tpu.memory_space<vmem>>, vector<10240x40xf32>
    %add3A_29 = arith.addf %dot_general3A_25, %get3A_28 : vector<10240x40xf32>
    %add3A_30 = arith.addf %add3A_29, %mul3A_18 : vector<10240x40xf32>
    %get3A_31 = arith.constant 0 : index
    %get3A_32 = arith.constant 0 : index
    %get3A_33 = vector.load %arg5[%get3A_31, %get3A_32] : memref<2x40xf32, #tpu.memory_space<vmem>>, vector<1x40xf32>
    %get3A_34 = vector.shape_cast %get3A_33 : vector<1x40xf32> to vector<40xf32>
    %broadcast_in_dim3A_35 = vector.shape_cast %get3A_34 : vector<40xf32> to vector<1x40xf32>
    %add3A_36 = vector.broadcast %broadcast_in_dim3A_35 : vector<1x40xf32> to vector<10240x40xf32>
    %add3A_37 = arith.addf %add3A_30, %add3A_36 : vector<10240x40xf32>
    %broadcast_in_dim3A_38 = vector.shape_cast %mul3A : vector<10240xf32> to vector<10240x1xf32>
    %get3A_39 = arith.constant 1 : index
    %get3A_40 = arith.constant 0 : index
    %get3A_41 = vector.load %arg5[%get3A_39, %get3A_40] : memref<2x40xf32, #tpu.memory_space<vmem>>, vector<1x40xf32>
    %get3A_42 = vector.shape_cast %get3A_41 : vector<1x40xf32> to vector<40xf32>
    %broadcast_in_dim3A_43 = vector.shape_cast %get3A_42 : vector<40xf32> to vector<1x40xf32>
    %mul3A_44 = vector.broadcast %broadcast_in_dim3A_38 : vector<10240x1xf32> to vector<10240x40xf32>
    %mul3A_45 = vector.broadcast %broadcast_in_dim3A_43 : vector<1x40xf32> to vector<10240x40xf32>
    %mul3A_46 = arith.mulf %mul3A_44, %mul3A_45 : vector<10240x40xf32>
    %add3A_47 = arith.addf %add3A_37, %mul3A_46 : vector<10240x40xf32>
    %swap3A = arith.constant 0 : index
    %swap3A_48 = arith.constant 0 : index
    %swap3A_49 = vector.load %arg6[%swap3A, %swap3A_48] : memref<10240x40xf32, #tpu.memory_space<vmem>>, vector<10240x40xf32>
    tpu.vector_store %arg6[%swap3A, %swap3A_48], %add3A_47 {strides = array<i32>} : memref<10240x40xf32, #tpu.memory_space<vmem>>, vector<10240x40xf32>,
    return
  }
}

</mosaic_0001>

<sc_bundles>
// kernel: sc_sage_aggregate.4.cloned.1.call-start
scs
__scs_entry_jumppad:
0x0: {  	(pc) =	sbr.rel $0x88, $3  }
0x1: {  	(tag) =	ssettag $0x0;
	lr =	simm.s32 $0x1  }
0x2: {  	[smem:$0x3F99] =	sst lr;
	_ =	strace $0xD0000000  }
0x3: {  	_ = 	snop  }
0x4: {  	_ = 	snop  }
0x5: {  	_ = 	snop  }
0x6: {  	_ = 	snop  }
0x7: {  	_ = 	snop  }
__scs_overlays_trampoline_lowered:
0x8: {  	[smem:$0x3FA8] =	sst s0  }
0x9: {  	[smem:$0x3FA9] =	sst s1  }
0xa: {  	[smem:$0x3FAA] =	sst s2  }
0xb: {  	[smem:$0x3FAB] =	sst s3  }
0xc: {  	[smem:$0x3FAC] =	sst s4  }
0xd: {  	[smem:$0x3FAD] =	sst s5  }
0xe: {  	[smem:$0x3FAE] =	sst s6  }
0xf: {  	[smem:$0x3FAF] =	sst s7  }
0x10: {  	[smem:$0x3FB0] =	sst s8  }
0x11: {  	[smem:$0x3FB1] =	sst s9;
	s0 =	simm.s32 @!p0 $0x0  }
0x12: {  	s1 =	sld [smem:$0x3F97];
	s0 =	simm.s32 @p0 $0x1  }
0x13: {  	[smem:$0x3FB2] =	sst s0;
	s0 =	simm.s32 @!p1 $0x0  }
0x14: {  	s2 =	sld [smem:$0x3F96];
	s0 =	simm.s32 @p1 $0x1  }
0x15: {  	[smem:$0x3FB3] =	sst s0;
	s0 =	simm.s32 @!p2 $0x0  }
0x16: {  	s3 =	sld [smem:$0x3FDB];
	s0 =	simm.s32 @p2 $0x1  }
0x17: {  	s4 =	simm.s32 $0x1BF5;
	[smem:$0x3FB5] =	sst s0  }
0x18: {  	s0 =	sld [smem:$0x3F98];
	_ =	swait.ge [sflag:s4], $0x0  }
0x19: {  	s7 =	sld [smem:$0x3F99]  }
0x1a: {  	s8 =	sadd.s32 $0xFFFFE003, lr  }
0x1b: {  	s9 =	sadd.s32 $0xFFFFFEF7, lr;
	s5 =	simm.s32 $0xFFFFFFFF;
	p2 =	slt.u32 s8, $0xFFFFF086  }
0x1c: {  	p1 =	slt.u32 s9, $0xF7A;
	s5 =	simm.s32 @!p2 $0x0  }
0x1d: {  	s5 =	simm.s32 @p1 $0x1;
	p0 =	seq.s32 s7, s2  }
0x1e: {  	s7 =	smul.u32 @!p0 $0xF7A, s2;
	p2 =	seq.s32 @!p0 s5, $0x0  }
0x1f: {  	s9 =	smul.u32 $0xF7A, s1;
	s8 =	simm.s32 @!p0 $0x1BF5;
	p2 =	por !p2, p0  }
0x20: {  	[sflag:s8] =	ssyncset.s32 @!p0 $0xFFFFF086;
	s6 =	sadd.s32 @!p0 s3, s7;
	s7 =	simm.s32 @!p0 $0x108  }
0x21: {  	s3 =	sadd.s32 s3, s9;
	s6 =	sadd.s32 @!p0 $0x88, s6;
	s7 =	simm.s32 @p2 $0x1082  }
0x22: {  	[simem:s7], [sflag:s8] =	dma.local @!p0 [hbm:s6], $0xF7A  }
0x23: {  	s9 =	sor.u32 $0xD0000000, s2;
	s6 =	simm.s32 $0x108;
	_ =	swait.ge @!p0 [sflag:s8], $0x0  }
0x24: {  	s3 =	sadd.s32 $0x88, s3;
	s6 =	simm.s32 @!p1 $0x1082;
	[sflag:s4] =	ssyncset.s32 $0xFFFFF086  }
0x25: {  	[simem:s6], [sflag:s4] =	dma.local [hbm:s3], $0xF7A  }
0x26: {  	[smem:$0x3F99] =	sst s1;
	(tag) =	ssettag s2;
	_ =	strace s9  }
0x27: {  	s1 =	sld [smem:$0x3FA9]  }
0x28: {  	s2 =	sld [smem:$0x3FAA]  }
0x29: {  	s4 =	sld [smem:$0x3FAC]  }
0x2a: {  	p0 =	seq.s32 s5, $0x0;
	s5 =	sld [smem:$0x3FAD]  }
0x2b: {  	s6 =	sld [smem:$0x3FAE]  }
0x2c: {  	s7 =	sld [smem:$0x3FAF]  }
0x2d: {  	s3 =	simm.s32 $0x108;
	s8 =	sld [smem:$0x3FB0]  }
0x2e: {  	s3 =	simm.s32 @!p0 $0x1082;
	s9 =	sld [smem:$0x3FB1]  }
0x2f: {  	lr =	sadd.s32 s0, s3;
	s0 =	sld [smem:$0x3FA8]  }
0x30: {  	s3 =	sld [smem:$0x3FAB]  }
0x31: {  	[smem:$0x3FB4] =	sst s10  }
0x32: {  	s10 =	sld [smem:$0x3FB2];
	_ =	sdelay $0x3  }
0x33: {  	p0 =	seq.s32 s10, $0x1;
	s10 =	sld [smem:$0x3FB4];
	_ =	sdelay $0x3  }
0x34: {  	[smem:$0x3FB4] =	sst s10  }
0x35: {  	s10 =	sld [smem:$0x3FB3];
	_ =	sdelay $0x3  }
0x36: {  	p1 =	seq.s32 s10, $0x1;
	s10 =	sld [smem:$0x3FB4];
	_ =	sdelay $0x3  }
0x37: {  	[smem:$0x3FB4] =	sst s10  }
0x38: {  	s10 =	sld [smem:$0x3FB5]  }
0x39: {  	_ = 	snop;
	(pc) =	sbr.ind lr, $3  }
0x3a: {  	_ = 	snop  }
0x3b: {  	_ = 	snop  }
0x3c: {  	p2 =	seq.s32 s10, $0x1;
	s10 =	sld [smem:$0x3FB4]  }
0x3d: {  	_ =	shalt  }
0x3e: {  	_ =	shalt  }
0x3f: {  	_ =	shalt  }
0x40: {  	_ =	shalt  }
0x41: {  	_ =	shalt  }
0x42: {  	_ =	shalt  }
0x43: {  	_ =	shalt  }
0x44: {  	_ =	shalt  }
0x45: {  	_ =	shalt  }
0x46: {  	_ =	shalt  }
0x47: {  	_ =	shalt  }
0x48: {  	_ =	shalt  }
0x49: {  	_ =	shalt  }
0x4a: {  	_ =	shalt  }
0x4b: {  	_ =	shalt  }
0x4c: {  	_ =	shalt  }
0x4d: {  	_ =	shalt  }
0x4e: {  	_ =	shalt  }
0x4f: {  	_ =	shalt  }
0x50: {  	_ =	shalt  }
0x51: {  	_ =	shalt  }
0x52: {  	_ =	shalt  }
0x53: {  	_ =	shalt  }
0x54: {  	_ =	shalt  }
0x55: {  	_ =	shalt  }
0x56: {  	_ =	shalt  }
0x57: {  	_ =	shalt  }
0x58: {  	_ =	shalt  }
0x59: {  	_ =	shalt  }
0x5a: {  	_ =	shalt  }
0x5b: {  	_ =	shalt  }
0x5c: {  	_ =	shalt  }
0x5d: {  	_ =	shalt  }
0x5e: {  	_ =	shalt  }
0x5f: {  	_ =	shalt  }
0x60: {  	_ =	shalt  }
0x61: {  	_ =	shalt  }
0x62: {  	_ =	shalt  }
0x63: {  	_ =	shalt  }
0x64: {  	_ =	shalt  }
0x65: {  	_ =	shalt  }
0x66: {  	_ =	shalt  }
0x67: {  	_ =	shalt  }
0x68: {  	_ =	shalt  }
0x69: {  	_ =	shalt  }
0x6a: {  	_ =	shalt  }
0x6b: {  	_ =	shalt  }
0x6c: {  	_ =	shalt  }
0x6d: {  	_ =	shalt  }
0x6e: {  	_ =	shalt  }
0x6f: {  	_ =	shalt  }
0x70: {  	_ =	shalt  }
0x71: {  	_ =	shalt  }
0x72: {  	_ =	shalt  }
0x73: {  	_ =	shalt  }
0x74: {  	_ =	shalt  }
0x75: {  	_ =	shalt  }
0x76: {  	_ =	shalt  }
0x77: {  	_ =	shalt  }
0x78: {  	_ =	shalt  }
0x79: {  	_ =	shalt  }
0x7a: {  	_ =	shalt  }
0x7b: {  	_ =	shalt  }
0x7c: {  	_ =	shalt  }
0x7d: {  	_ =	shalt  }
0x7e: {  	_ =	shalt  }
0x7f: {  	_ =	shalt  }
0x80: {  	_ =	shalt  }
0x81: {  	_ =	shalt  }
0x82: {  	_ =	shalt  }
0x83: {  	_ =	shalt  }
0x84: {  	_ =	shalt  }
0x85: {  	_ =	shalt  }
0x86: {  	_ =	shalt  }
0x87: {  	_ =	shalt  }
.Lfunc_end0:
.L_simem_size_0:
called_computation_lowered:
.L_overlay_start_0:
0x88: {  	s2 =	sld [smem:$0x3FD9]  }
0x89: {  	s3 =	sld [smem:$0x3FFE];
	_ =	sdelay $0x1  }
0x8a: {  	s1 =	srdreg.scid  }
0x8b: {  	s0 =	sand.u32 $0x1, s1  }
0x8c: {  	s17 =	sshll.u32 s0, $0xA;
	s2 =	sadd.s32 s3, s2  }
0x8d: {  	s2 =	sadd.s32 s2, s17  }
0x8e: {  	[smem:$0x3FC0] =	sst s2  }
0x8f: {  	_ = 	snop  }
0x90: {  	s2 =	sld [smem:$0x3FD0];
	(tm) =	ssettm $0x1  }
0x91: {  	s18 =	sld [smem:$0x3FFB];
	_ =	sdelay $0x3  }
0x92: {  	_ =	strace s18  }
0x93: {  	s3 =	sld [smem:$0x3FFC];
	_ =	sdelay $0x3  }
0x94: {  	_ =	strace s3  }
0x95: {  	s3 =	sld [smem:$0x3FFD];
	_ =	sdelay $0x3  }
0x96: {  	_ =	strace s3  }
0x97: {  	_ =	strace $0x8FFFFFFF  }
0x98: {  	s19 =	sld [smem:$0x3FDB];
	_ =	sdelay $0x1  }
0x99: {  	s4 =	simm.s32 $_scs_section_size  }
0x9a: {  	s5 =	simm.s32 $_size__tile_overlayer_lowered;
	s6 =	simm.s32 $_tile_overlayer_lowered  }
0x9b: {  	s22 =	simm.s32 $0x1BFF;
	s21 =	sshll.u32 s6, $0x1;
	s3 =	sadd.s32 s4, s19  }
0x9c: {  	s7 =	simm.s32 $0x0;
	s20 =	sshll.u32 s5, $0x1;
	s5 =	sadd.s32 s21, s3  }
0x9d: {  	[timem:s7], [sflag:s22] =	dma.local [hbm:s5], s20  }
0x9e: {  	_ =	swait.ge [sflag:s22], s20  }
0x9f: {  	s4 =	ssub.s32 $0x0, s20;
	[sflag:s22] =	ssyncset.done $0x0  }
0xa0: {  	[sflag:s22] =	ssyncadd.s32 s4;
	_ =	sdelay $0x1  }
0xa1: {  	s23 =	simm.s32 $0x1B8B  }
0xa2: {  	_ =	swait.ge [sflag:s23], $0x1  }
0xa3: {  	[sflag:s23] =	ssyncset.done $0x0  }
0xa4: {  	s25 =	simm.s32 $0x1B8E;
	s24 =	sld [smem:$0x3FFE];
	[sflag:s23] =	ssyncadd.s32 $0xFFFFFFFF  }
0xa5: {  	s26 =	simm.s32 $execute0_lowered;
	[smem:$0x3FD2] =	sst s25  }
0xa6: {  	s5 =	sshll.u32 s26, $0x1;
	_ =	strace $0x80000046;
	[dreg:$0x1] =	wrdreg $0xFFFFFFFF  }
0xa7: {  	s28 =	simm.s32 $_size_execute0_lowered;
	s3 =	sadd.s32 s3, s5;
	[dreg:$0x0] =	wrdreg $0x0  }
0xa8: {  	s5 =	sshll.u32 s28, $0x1;
	[dreg:$0x2] =	wrdreg s3  }
0xa9: {  	[dreg:$0x3] =	wrdreg s5  }
0xaa: {  	[dreg:$0x4] =	wrdreg $0xC0  }
0xab: {  	_ =	task [dreg:s7], $0x5FFFF  }
0xac: {  	[dreg:$0x1] =	wrdreg $0xFFFFFFFF  }
0xad: {  	[dreg:$0x0] =	wrdreg $0x60  }
0xae: {  	[dreg:$0x2] =	wrdreg s24  }
0xaf: {  	[dreg:$0x3] =	wrdreg s2  }
0xb0: {  	[dreg:$0x4] =	wrdreg $0x0  }
0xb1: {  	[dreg:$0x5] =	wrdreg $0x9  }
0xb2: {  	_ =	task.clear_ibuf [dreg:s7], $0x6FFFF;
	_ =	strace $0x90000046  }
0xb3: {  	s29 =	simm.s32 $0x9;
	_ =	strace $0x80000048  }
0xb4: {  	_ =	swait.ge [sflag:s29], $0x1  }
0xb5: {  	[sflag:s29] =	ssyncadd.s32 $0xFFFFFFFF  }
0xb6: {  	_ =	strace $0x90000048  }
0xb7: {  	_ =	sfence  }
0xb8: {  	s30 =	sld [smem:$0x0];
	_ =	sdelay $0x2  }
0xb9: {  	s31 =	sshll.u32 s1, $0xD;
	s1 =	sshrl.u32 s1, $0x2  }
0xba: {  	s3 =	sand.u32 $0x4000, s31;
	s1 =	sadd.s32 s1, s30  }
0xbb: {  	s0 =	sor.u32 s3, s0;
	s1 =	sshll.u32 s1, $0x11  }
0xbc: {  	s0 =	sor.u32 s1, s0  }
0xbd: {  	s0 =	sadd.s32 $0x8F2B, s0  }
0xbe: {  	[sflag:s0] =	ssyncadd.remote.s32 $0x1  }
0xbf: {  	_ =	sfence.sel $0xFFFF  }
0xc0: {  	[dreg:$0x0] =	wrdreg $0xFFFFFFFF;
	(pc) =	sbr.abs _section_cstart, $3  }
0xc1: {  	[dreg:$0x1] =	wrdreg $0xFFFFFFFF  }
0xc2: {  	_ =	task.clear_ibuf [dreg:s7], $0x2FFFF;
	_ =	strace $0x9FFFFFFF  }
0xc3: {  	(tm) =	ssettm $0x7FFFFFFF  }
tec
execute0_lowered:
.L_overlay_start_1:
0x0: {  	(tag) =	ssettag $0x1  }
0x1: {  	s0 =	rddreg [dreg:$0x0]  }
0x2: {  	s2 =	rddreg [dreg:$0x1]  }
0x3: {  	s1 =	rddreg [dreg:$0x2];
	s3 =	simm.s32 $0x0  }
0x4: {  	s4 =	srdreg.scid;
	s11 =	stileid.u32;
	s23 =	simm.s32 $0x14080  }
0x5: {  	s25 =	simm.s32 $0x14100;
	s13 =	simm.s32 $0x14200;
	s15 =	simm.s32 $0x14980  }
0x6: {  	s16 =	simm.s32 $0x14280;
	s28 =	simm.s32 $0x3;
	s29 =	simm.s32 $0x14000  }
0x7: {  	s30 =	simm.s32 $0x14800;
	[smem:$0x7FF] =	sst s3;
	s12 =	sadd.s32 $0x7400, s0  }
0x8: {  	s31 =	simm.s32 $0x17C00;
	_ =	strace $0x80000047;
	[dreg:$0x16] =	wrdreg s12  }
0x9: {  	s8 =	smul.u32 $0x14000, s11;
	s10 =	sshll.u32 s11, $0x7;
	[dreg:$0x6] =	wrdreg s23  }
0xa: {  	s18 =	sshll.u32 s11, $0xB;
	s11 =	simm.s32 $0x14900;
	[dreg:$0x7] =	wrdreg s25  }
0xb: {  	s5 =	sand.u32 $0x1, s4;
	s4 =	sadd.s32 $0x19000, s0;
	[dreg:$0xa] =	wrdreg s11  }
0xc: {  	s6 =	smul.u32 $0x140000, s5;
	s7 =	sshll.u32 s5, $0xF;
	[dreg:$0xb] =	wrdreg s13  }
0xd: {  	s10 =	sadd.s32 s10, s0;
	s5 =	ssub.s32 $0x2, s5;
	[dreg:$0xc] =	wrdreg s15  }
0xe: {  	[dreg:$0xd] =	wrdreg s16;
	s16 =	simm.s32 $0x15400;
	s23 =	simm.s32 $0x14400  }
0xf: {  	s25 =	simm.s32 $0x14B80;
	s11 =	simm.s32 $0x14600;
	[dreg:$0x13] =	wrdreg s23  }
0x10: {  	s9 =	sadd.s32 s7, s0;
	s21 =	sadd.s32 $0x8800, s10;
	[dreg:$0x14] =	wrdreg s25  }
0x11: {  	s2 =	sadd.s32 s7, s2;
	s7 =	simm.s32 $0x14880;
	[dreg:$0x17] =	wrdreg s21  }
0x12: {  	s19 =	sshrl.u32 s5, $0x1;
	s2 =	sadd.s32 s18, s2;
	[dreg:$0x8] =	wrdreg s7  }
0x13: {  	s9 =	sadd.s32 s18, s9;
	s18 =	simm.s32 $0x14A00;
	[dreg:$0x5] =	wrdreg s2  }
0x14: {  	s5 =	ssub.s32 s5, s19;
	s19 =	simm.s32 $0x14300;
	[dreg:$0xe] =	wrdreg s18  }
0x15: {  	s13 =	simm.s32 $0x14680;
	s21 =	simm.s32 $0x14380;
	[dreg:$0xf] =	wrdreg s19  }
0x16: {  	s15 =	simm.s32 $0x14700;
	s20 =	sadd.s32 $0x9000, s9;
	[dreg:$0x11] =	wrdreg s21  }
0x17: {  	s25 =	simm.s32 $0x15300;
	s9 =	simm.s32 $0x14180;
	[dreg:$0x4] =	wrdreg s20  }
0x18: {  	s6 =	sadd.s32 s8, s6;
	s17 =	smax.u32 s5, $0x1;
	[dreg:$0x9] =	wrdreg s9  }
0x19: {  	s6 =	sshrl.u32 s6, $0x3;
	s18 =	simm.s32 $0x0;
	[smem:$0x7FC] =	sst s17  }
0x1a: {  	s0 =	sadd.s32 s6, s0;
	s20 =	simm.s32 $0x14A80;
	[smem:$0x7FD] =	sst s18  }
0x1b: {  	s23 =	simm.s32 $0x14F80;
	s22 =	sadd.s32 $0x40200, s0;
	[dreg:$0x10] =	wrdreg s20  }
0x1c: {  	s7 =	simm.s32 $0x14500;
	s24 =	sadd.s32 $0x40700, s0;
	[dreg:$0x18] =	wrdreg s22  }
0x1d: {  	s19 =	simm.s32 $0x50;
	s26 =	sadd.s32 $0x40C00, s0;
	[dreg:$0x19] =	wrdreg s24  }
0x1e: {  	s2 =	simm.s32 $0x2;
	s8 =	sadd.s32 $0x41100, s0;
	[dreg:$0x1a] =	wrdreg s26  }
0x1f: {  	s5 =	simm.s32 $0x4;
	s10 =	sadd.s32 $0x41600, s0;
	[dreg:$0x1b] =	wrdreg s8  }
0x20: {  	s21 =	simm.s32 $0x14780;
	s12 =	sadd.s32 $0x41B00, s0;
	[dreg:$0x1c] =	wrdreg s10  }
0x21: {  	s17 =	simm.s32 $0x5;
	s14 =	sadd.s32 $0x42000, s0;
	[dreg:$0x1d] =	wrdreg s12  }
0x22: {  	s6 =	simm.s32 $0x14C00;
	s0 =	sadd.s32 $0x42500, s0;
	[dreg:$0x1e] =	wrdreg s14  }
0x23: {  	s9 =	simm.s32 $0x14580;
	s20 =	simm.s32 $0x14E80;
	[dreg:$0x1f] =	wrdreg s0  }
0x24: {  	s24 =	simm.s32 $0x15000;
	s22 =	simm.s32 $0x14B00;
	s26 =	simm.s32 $0x14480  }
0x25: {  	s0 =	simm.s32 $0x1;
	s8 =	simm.s32 $0x14C80;
	s10 =	simm.s32 $0x14D00  }
0x26: {  	s12 =	simm.s32 $0x14D80;
	s14 =	simm.s32 $0x14E00;
	[dreg:$0x12] =	wrdreg s22  }
0x27: {  	[dreg:$0x15] =	wrdreg s26;
	s26 =	simm.s32 $0x15380;
	s22 =	simm.s32 $0x14F00  }
.LBB2_1:
0x28: {  	s18 =	rddreg [dreg:$0x16]  }
0x29: {  	[tilespmem:s16], [sflag:$0x5] =	stream.linear.gather [hbm4b:s18+s3], $0x2800, $0x38;
	[tilespmem:$0x1A400] =	vst v63  }
0x2a: {  	_ =	swait.ge [sflag:s17], $0x2800  }
0x2b: {  	[sflag:s17] =	ssyncset.done $0x0  }
0x2c: {  	s18 =	rddreg [dreg:$0x17];
	[sflag:s17] =	ssyncadd.s32 $0xFFFFD800  }
0x2d: {  	[tilespmem:s24], [sflag:$0x5] =	stream.linear.gather [hbm4b:s18+s3], $0x400, $0x38;
	[tilespmem:$0x1A400] =	vst v63  }
0x2e: {  	_ =	swait.ge [sflag:s17], $0x400  }
0x2f: {  	[sflag:s17] =	ssyncset.done $0x0  }
0x30: {  	[sflag:s17] =	ssyncadd.s32 $0xFFFFFC00  }
0x31: {  	[spmem:s1] =	stream.indirect.scatter [tilespmem:s16], [sflag:$0x3], $0x80, s24, s19, $0xb8;
	[tilespmem:$0x1A400] =	vst v63  }
0x32: {  	s24 =	simm.s32 $0x15080  }
0x33: {  	[spmem:s1] =	stream.indirect.scatter [tilespmem:s16], [sflag:$0x3], $0x80, s24, s19, $0xb8;
	[tilespmem:$0x1A400] =	vst v63  }
0x34: {  	s24 =	simm.s32 $0x15100  }
0x35: {  	[spmem:s1] =	stream.indirect.scatter [tilespmem:s16], [sflag:$0x3], $0x80, s24, s19, $0xb8;
	[tilespmem:$0x1A400] =	vst v63  }
0x36: {  	s24 =	simm.s32 $0x15180  }
0x37: {  	[spmem:s1] =	stream.indirect.scatter [tilespmem:s16], [sflag:$0x3], $0x80, s24, s19, $0xb8;
	[tilespmem:$0x1A400] =	vst v63  }
0x38: {  	s24 =	simm.s32 $0x15200  }
0x39: {  	[spmem:s1] =	stream.indirect.scatter [tilespmem:s16], [sflag:$0x3], $0x80, s24, s19, $0xb8;
	[tilespmem:$0x1A400] =	vst v63  }
0x3a: {  	s24 =	simm.s32 $0x15280  }
0x3b: {  	[spmem:s1] =	stream.indirect.scatter [tilespmem:s16], [sflag:$0x3], $0x80, s24, s19, $0xb8;
	[tilespmem:$0x1A400] =	vst v63  }
0x3c: {  	_ = 	snop  }
0x3d: {  	[spmem:s1] =	stream.indirect.scatter [tilespmem:s16], [sflag:$0x3], $0x80, s25, s19, $0xb8;
	[tilespmem:$0x1A400] =	vst v63  }
0x3e: {  	_ = 	snop  }
0x3f: {  	[spmem:s1] =	stream.indirect.scatter [tilespmem:s16], [sflag:$0x3], $0x80, s26, s19, $0xb8;
	[tilespmem:$0x1A400] =	vst v63  }
0x40: {  	_ =	swait.ge [sflag:s28], $0x2800  }
0x41: {  	[sflag:s28] =	ssyncset.done $0x0  }
0x42: {  	[sflag:s28] =	ssyncadd.s32 $0xFFFFD800  }
0x43: {  	_ =	swait.ge [sflag:s28], $0x2800  }
0x44: {  	[sflag:s28] =	ssyncset.done $0x0  }
0x45: {  	[sflag:s28] =	ssyncadd.s32 $0xFFFFD800  }
0x46: {  	_ =	swait.ge [sflag:s28], $0x2800  }
0x47: {  	[sflag:s28] =	ssyncset.done $0x0  }
0x48: {  	[sflag:s28] =	ssyncadd.s32 $0xFFFFD800  }
0x49: {  	_ =	swait.ge [sflag:s28], $0x2800  }
0x4a: {  	[sflag:s28] =	ssyncset.done $0x0  }
0x4b: {  	[sflag:s28] =	ssyncadd.s32 $0xFFFFD800  }
0x4c: {  	_ =	swait.ge [sflag:s28], $0x2800  }
0x4d: {  	[sflag:s28] =	ssyncset.done $0x0  }
0x4e: {  	[sflag:s28] =	ssyncadd.s32 $0xFFFFD800  }
0x4f: {  	_ =	swait.ge [sflag:s28], $0x2800  }
0x50: {  	[sflag:s28] =	ssyncset.done $0x0  }
0x51: {  	[sflag:s28] =	ssyncadd.s32 $0xFFFFD800  }
0x52: {  	_ =	swait.ge [sflag:s28], $0x2800  }
0x53: {  	[sflag:s28] =	ssyncset.done $0x0  }
0x54: {  	[sflag:s28] =	ssyncadd.s32 $0xFFFFD800  }
0x55: {  	_ =	swait.ge [sflag:s28], $0x2800  }
0x56: {  	[sflag:s28] =	ssyncset.done $0x0  }
0x57: {  	[sflag:s28] =	ssyncadd.s32 $0xFFFFD800  }
0x58: {  	[bflag:$0x0] =	sbarrier.arrive $0xFFFF  }
0x59: {  	s24 =	rddreg [dreg:$0x5]  }
0x5a: {  	s18 =	sadd.s32 $0x0, s24  }
0x5b: {  	[tilespmem:s29], [sflag:$0x5] =	stream.linear.gather [hbm4b:s18+s3], $0x800, $0x38;
	[tilespmem:$0x1A400] =	vst v63  }
0x5c: {  	_ =	swait.ge [sflag:s17], $0x800  }
0x5d: {  	s25 =	rddreg [dreg:$0x4];
	[sflag:s17] =	ssyncset.done $0x0  }
0x5e: {  	[sflag:s17] =	ssyncadd.s32 $0xFFFFF800;
	s18 =	sadd.s32 $0x0, s25  }
0x5f: {  	[tilespmem:s30], [sflag:$0x5] =	stream.linear.gather [hbm4b:s18+s3], $0x800, $0x38;
	[tilespmem:$0x1A400] =	vst v63  }
0x60: {  	_ =	swait.ge [sflag:s17], $0x800  }
0x61: {  	[sflag:s17] =	ssyncset.done $0x0  }
0x62: {  	[sflag:s17] =	ssyncadd.s32 $0xFFFFF800  }
0x63: {  	[tilespmem:s16], [sflag:$0x1] =	stream.indirect.gather [hbm4b:s4+s19], $0x80, s29, s19, $0xb8;
	[tilespmem:$0x1A400] =	vst v63  }
0x64: {  	s26 =	rddreg [dreg:$0x6]  }
0x65: {  	[tilespmem:s31], [sflag:$0x2] =	stream.indirect.gather [hbm4b:s4+s19], $0x80, s26, s19, $0xb8;
	[tilespmem:$0x1A400] =	vst v63  }
0x66: {  	_ =	swait.ge [sflag:s0], $0x2800  }
0x67: {  	[sflag:s0] =	ssyncset.done $0x0  }
0x68: {  	[sflag:s0] =	ssyncadd.s32 $0xFFFFD800  }
0x69: {  	[spmem:s1] =	stream.indirect.scatter.add.f32 [tilespmem:s16], [sflag:$0x3], $0x80, s30, s19, $0xb8;
	[tilespmem:$0x1A400] =	vst v63  }
0x6a: {  	_ =	swait.ge [sflag:s28], $0x2800  }
0x6b: {  	[sflag:s28] =	ssyncset.done $0x0  }
0x6c: {  	s24 =	rddreg [dreg:$0x7];
	[sflag:s28] =	ssyncadd.s32 $0xFFFFD800  }
0x6d: {  	[tilespmem:s16], [sflag:$0x1] =	stream.indirect.gather [hbm4b:s4+s19], $0x80, s24, s19, $0xb8;
	[tilespmem:$0x1A400] =	vst v63  }
0x6e: {  	_ =	swait.ge [sflag:s2], $0x2800  }
0x6f: {  	[sflag:s2] =	ssyncset.done $0x0  }
0x70: {  	s25 =	rddreg [dreg:$0x8];
	[sflag:s2] =	ssyncadd.s32 $0xFFFFD800  }
0x71: {  	[spmem:s1] =	stream.indirect.scatter.add.f32 [tilespmem:s31], [sflag:$0x4], $0x80, s25, s19, $0xb8;
	[tilespmem:$0x1A400] =	vst v63  }
0x72: {  	_ =	swait.ge [sflag:s5], $0x2800  }
0x73: {  	[sflag:s5] =	ssyncset.done $0x0  }
0x74: {  	s26 =	rddreg [dreg:$0x9];
	[sflag:s5] =	ssyncadd.s32 $0xFFFFD800  }
0x75: {  	[tilespmem:s31], [sflag:$0x2] =	stream.indirect.gather [hbm4b:s4+s19], $0x80, s26, s19, $0xb8;
	[tilespmem:$0x1A400] =	vst v63  }
0x76: {  	_ =	swait.ge [sflag:s0], $0x2800  }
0x77: {  	[sflag:s0] =	ssyncset.done $0x0  }
0x78: {  	s24 =	rddreg [dreg:$0xa];
	[sflag:s0] =	ssyncadd.s32 $0xFFFFD800  }
0x79: {  	[spmem:s1] =	stream.indirect.scatter.add.f32 [tilespmem:s16], [sflag:$0x3], $0x80, s24, s19, $0xb8;
	[tilespmem:$0x1A400] =	vst v63  }
0x7a: {  	_ =	swait.ge [sflag:s28], $0x2800  }
0x7b: {  	[sflag:s28] =	ssyncset.done $0x0  }
0x7c: {  	s25 =	rddreg [dreg:$0xb];
	[sflag:s28] =	ssyncadd.s32 $0xFFFFD800  }
0x7d: {  	[tilespmem:s16], [sflag:$0x1] =	stream.indirect.gather [hbm4b:s4+s19], $0x80, s25, s19, $0xb8;
	[tilespmem:$0x1A400] =	vst v63  }
0x7e: {  	_ =	swait.ge [sflag:s2], $0x2800  }
0x7f: {  	[sflag:s2] =	ssyncset.done $0x0  }
0x80: {  	s26 =	rddreg [dreg:$0xc];
	[sflag:s2] =	ssyncadd.s32 $0xFFFFD800  }
0x81: {  	[spmem:s1] =	stream.indirect.scatter.add.f32 [tilespmem:s31], [sflag:$0x4], $0x80, s26, s19, $0xb8;
	[tilespmem:$0x1A400] =	vst v63  }
0x82: {  	_ =	swait.ge [sflag:s5], $0x2800  }
0x83: {  	[sflag:s5] =	ssyncset.done $0x0  }
0x84: {  	s24 =	rddreg [dreg:$0xd];
	[sflag:s5] =	ssyncadd.s32 $0xFFFFD800  }
0x85: {  	[tilespmem:s31], [sflag:$0x2] =	stream.indirect.gather [hbm4b:s4+s19], $0x80, s24, s19, $0xb8;
	[tilespmem:$0x1A400] =	vst v63  }
0x86: {  	_ =	swait.ge [sflag:s0], $0x2800  }
0x87: {  	[sflag:s0] =	ssyncset.done $0x0  }
0x88: {  	s25 =	rddreg [dreg:$0xe];
	[sflag:s0] =	ssyncadd.s32 $0xFFFFD800  }
0x89: {  	[spmem:s1] =	stream.indirect.scatter.add.f32 [tilespmem:s16], [sflag:$0x3], $0x80, s25, s19, $0xb8;
	[tilespmem:$0x1A400] =	vst v63  }
0x8a: {  	_ =	swait.ge [sflag:s28], $0x2800  }
0x8b: {  	[sflag:s28] =	ssyncset.done $0x0  }
0x8c: {  	s26 =	rddreg [dreg:$0xf];
	[sflag:s28] =	ssyncadd.s32 $0xFFFFD800  }
0x8d: {  	[tilespmem:s16], [sflag:$0x1] =	stream.indirect.gather [hbm4b:s4+s19], $0x80, s26, s19, $0xb8;
	[tilespmem:$0x1A400] =	vst v63  }
0x8e: {  	_ =	swait.ge [sflag:s2], $0x2800  }
0x8f: {  	[sflag:s2] =	ssyncset.done $0x0  }
0x90: {  	s24 =	rddreg [dreg:$0x10];
	[sflag:s2] =	ssyncadd.s32 $0xFFFFD800  }
0x91: {  	[spmem:s1] =	stream.indirect.scatter.add.f32 [tilespmem:s31], [sflag:$0x4], $0x80, s24, s19, $0xb8;
	[tilespmem:$0x1A400] =	vst v63  }
0x92: {  	_ =	swait.ge [sflag:s5], $0x2800  }
0x93: {  	[sflag:s5] =	ssyncset.done $0x0  }
0x94: {  	s25 =	rddreg [dreg:$0x11];
	[sflag:s5] =	ssyncadd.s32 $0xFFFFD800  }
0x95: {  	[tilespmem:s31], [sflag:$0x2] =	stream.indirect.gather [hbm4b:s4+s19], $0x80, s25, s19, $0xb8;
	[tilespmem:$0x1A400] =	vst v63  }
0x96: {  	_ =	swait.ge [sflag:s0], $0x2800  }
0x97: {  	[sflag:s0] =	ssyncset.done $0x0  }
0x98: {  	s26 =	rddreg [dreg:$0x12];
	[sflag:s0] =	ssyncadd.s32 $0xFFFFD800  }
0x99: {  	[spmem:s1] =	stream.indirect.scatter.add.f32 [tilespmem:s16], [sflag:$0x3], $0x80, s26, s19, $0xb8;
	[tilespmem:$0x1A400] =	vst v63  }
0x9a: {  	_ =	swait.ge [sflag:s28], $0x2800  }
0x9b: {  	[sflag:s28] =	ssyncset.done $0x0  }
0x9c: {  	s24 =	rddreg [dreg:$0x13];
	[sflag:s28] =	ssyncadd.s32 $0xFFFFD800  }
0x9d: {  	[tilespmem:s16], [sflag:$0x1] =	stream.indirect.gather [hbm4b:s4+s19], $0x80, s24, s19, $0xb8;
	[tilespmem:$0x1A400] =	vst v63  }
0x9e: {  	_ =	swait.ge [sflag:s2], $0x2800  }
0x9f: {  	[sflag:s2] =	ssyncset.done $0x0  }
0xa0: {  	s25 =	rddreg [dreg:$0x14];
	[sflag:s2] =	ssyncadd.s32 $0xFFFFD800  }
0xa1: {  	[spmem:s1] =	stream.indirect.scatter.add.f32 [tilespmem:s31], [sflag:$0x4], $0x80, s25, s19, $0xb8;
	[tilespmem:$0x1A400] =	vst v63  }
0xa2: {  	_ =	swait.ge [sflag:s5], $0x2800  }
0xa3: {  	[sflag:s5] =	ssyncset.done $0x0  }
0xa4: {  	s26 =	rddreg [dreg:$0x15];
	[sflag:s5] =	ssyncadd.s32 $0xFFFFD800  }
0xa5: {  	[tilespmem:s31], [sflag:$0x2] =	stream.indirect.gather [hbm4b:s4+s19], $0x80, s26, s19, $0xb8;
	[tilespmem:$0x1A400] =	vst v63  }
0xa6: {  	_ =	swait.ge [sflag:s0], $0x2800  }
0xa7: {  	[sflag:s0] =	ssyncset.done $0x0  }
0xa8: {  	[sflag:s0] =	ssyncadd.s32 $0xFFFFD800  }
0xa9: {  	[spmem:s1] =	stream.indirect.scatter.add.f32 [tilespmem:s16], [sflag:$0x3], $0x80, s6, s19, $0xb8;
	[tilespmem:$0x1A400] =	vst v63  }
0xaa: {  	_ =	swait.ge [sflag:s28], $0x2800  }
0xab: {  	[sflag:s28] =	ssyncset.done $0x0  }
0xac: {  	[sflag:s28] =	ssyncadd.s32 $0xFFFFD800  }
0xad: {  	[tilespmem:s16], [sflag:$0x1] =	stream.indirect.gather [hbm4b:s4+s19], $0x80, s7, s19, $0xb8;
	[tilespmem:$0x1A400] =	vst v63  }
0xae: {  	_ =	swait.ge [sflag:s2], $0x2800  }
0xaf: {  	[sflag:s2] =	ssyncset.done $0x0  }
0xb0: {  	[sflag:s2] =	ssyncadd.s32 $0xFFFFD800  }
0xb1: {  	[spmem:s1] =	stream.indirect.scatter.add.f32 [tilespmem:s31], [sflag:$0x4], $0x80, s8, s19, $0xb8;
	[tilespmem:$0x1A400] =	vst v63  }
0xb2: {  	_ =	swait.ge [sflag:s5], $0x2800  }
0xb3: {  	[sflag:s5] =	ssyncset.done $0x0  }
0xb4: {  	[sflag:s5] =	ssyncadd.s32 $0xFFFFD800  }
0xb5: {  	[tilespmem:s31], [sflag:$0x2] =	stream.indirect.gather [hbm4b:s4+s19], $0x80, s9, s19, $0xb8;
	[tilespmem:$0x1A400] =	vst v63  }
0xb6: {  	_ =	swait.ge [sflag:s0], $0x2800  }
0xb7: {  	[sflag:s0] =	ssyncset.done $0x0  }
0xb8: {  	[sflag:s0] =	ssyncadd.s32 $0xFFFFD800  }
0xb9: {  	[spmem:s1] =	stream.indirect.scatter.add.f32 [tilespmem:s16], [sflag:$0x3], $0x80, s10, s19, $0xb8;
	[tilespmem:$0x1A400] =	vst v63  }
0xba: {  	_ =	swait.ge [sflag:s28], $0x2800  }
0xbb: {  	[sflag:s28] =	ssyncset.done $0x0  }
0xbc: {  	[sflag:s28] =	ssyncadd.s32 $0xFFFFD800  }
0xbd: {  	[tilespmem:s16], [sflag:$0x1] =	stream.indirect.gather [hbm4b:s4+s19], $0x80, s11, s19, $0xb8;
	[tilespmem:$0x1A400] =	vst v63  }
0xbe: {  	_ =	swait.ge [sflag:s2], $0x2800  }
0xbf: {  	[sflag:s2] =	ssyncset.done $0x0  }
0xc0: {  	[sflag:s2] =	ssyncadd.s32 $0xFFFFD800  }
0xc1: {  	[spmem:s1] =	stream.indirect.scatter.add.f32 [tilespmem:s31], [sflag:$0x4], $0x80, s12, s19, $0xb8;
	[tilespmem:$0x1A400] =	vst v63  }
0xc2: {  	_ =	swait.ge [sflag:s5], $0x2800  }
0xc3: {  	[sflag:s5] =	ssyncset.done $0x0  }
0xc4: {  	[sflag:s5] =	ssyncadd.s32 $0xFFFFD800  }
0xc5: {  	[tilespmem:s31], [sflag:$0x2] =	stream.indirect.gather [hbm4b:s4+s19], $0x80, s13, s19, $0xb8;
	[tilespmem:$0x1A400] =	vst v63  }
0xc6: {  	_ =	swait.ge [sflag:s0], $0x2800  }
0xc7: {  	[sflag:s0] =	ssyncset.done $0x0  }
0xc8: {  	[sflag:s0] =	ssyncadd.s32 $0xFFFFD800  }
0xc9: {  	[spmem:s1] =	stream.indirect.scatter.add.f32 [tilespmem:s16], [sflag:$0x3], $0x80, s14, s19, $0xb8;
	[tilespmem:$0x1A400] =	vst v63  }
0xca: {  	_ =	swait.ge [sflag:s28], $0x2800  }
0xcb: {  	[sflag:s28] =	ssyncset.done $0x0  }
0xcc: {  	[sflag:s28] =	ssyncadd.s32 $0xFFFFD800  }
0xcd: {  	[tilespmem:s16], [sflag:$0x1] =	stream.indirect.gather [hbm4b:s4+s19], $0x80, s15, s19, $0xb8;
	[tilespmem:$0x1A400] =	vst v63  }
0xce: {  	_ =	swait.ge [sflag:s2], $0x2800  }
0xcf: {  	[sflag:s2] =	ssyncset.done $0x0  }
0xd0: {  	[sflag:s2] =	ssyncadd.s32 $0xFFFFD800  }
0xd1: {  	[spmem:s1] =	stream.indirect.scatter.add.f32 [tilespmem:s31], [sflag:$0x4], $0x80, s20, s19, $0xb8;
	[tilespmem:$0x1A400] =	vst v63  }
0xd2: {  	_ =	swait.ge [sflag:s5], $0x2800  }
0xd3: {  	[sflag:s5] =	ssyncset.done $0x0  }
0xd4: {  	[sflag:s5] =	ssyncadd.s32 $0xFFFFD800  }
0xd5: {  	[tilespmem:s31], [sflag:$0x2] =	stream.indirect.gather [hbm4b:s4+s19], $0x80, s21, s19, $0xb8;
	[tilespmem:$0x1A400] =	vst v63  }
0xd6: {  	_ =	swait.ge [sflag:s0], $0x2800  }
0xd7: {  	[sflag:s0] =	ssyncset.done $0x0  }
0xd8: {  	[sflag:s0] =	ssyncadd.s32 $0xFFFFD800  }
0xd9: {  	[spmem:s1] =	stream.indirect.scatter.add.f32 [tilespmem:s16], [sflag:$0x3], $0x80, s22, s19, $0xb8;
	[tilespmem:$0x1A400] =	vst v63  }
0xda: {  	_ =	swait.ge [sflag:s2], $0x2800  }
0xdb: {  	[sflag:s2] =	ssyncset.done $0x0  }
0xdc: {  	[sflag:s2] =	ssyncadd.s32 $0xFFFFD800  }
0xdd: {  	[spmem:s1] =	stream.indirect.scatter.add.f32 [tilespmem:s31], [sflag:$0x4], $0x80, s23, s19, $0xb8;
	[tilespmem:$0x1A400] =	vst v63  }
0xde: {  	_ =	swait.ge [sflag:s28], $0x2800  }
0xdf: {  	[sflag:s28] =	ssyncset.done $0x0  }
0xe0: {  	[sflag:s28] =	ssyncadd.s32 $0xFFFFD800  }
0xe1: {  	s25 =	simm.s32 $0x100;
	_ =	swait.ge [sflag:s5], $0x2800  }
0xe2: {  	s26 =	simm.s32 $0x200;
	s18 =	rddreg [dreg:$0x5];
	[sflag:s5] =	ssyncset.done $0x0  }
.LBB2_2:
0xe3: {  	[sflag:s5] =	ssyncadd.s32 $0xFFFFD800;
	s18 =	sadd.s32 s25, s18  }
0xe4: {  	[tilespmem:s29], [sflag:$0x5] =	stream.linear.gather [hbm4b:s18+s3], $0x800, $0x38;
	[tilespmem:$0x1A400] =	vst v63  }
0xe5: {  	_ =	swait.ge [sflag:s17], $0x800  }
0xe6: {  	s18 =	rddreg [dreg:$0x4];
	[sflag:s17] =	ssyncset.done $0x0  }
0xe7: {  	[sflag:s17] =	ssyncadd.s32 $0xFFFFF800;
	s18 =	sadd.s32 s25, s18  }
0xe8: {  	[tilespmem:s30], [sflag:$0x5] =	stream.linear.gather [hbm4b:s18+s3], $0x800, $0x38;
	[tilespmem:$0x1A400] =	vst v63  }
0xe9: {  	_ =	swait.ge [sflag:s17], $0x800  }
0xea: {  	[sflag:s17] =	ssyncset.done $0x0  }
0xeb: {  	s24 =	smov.u32 s26;
	[sflag:s17] =	ssyncadd.s32 $0xFFFFF800  }
0xec: {  	[tilespmem:s16], [sflag:$0x1] =	stream.indirect.gather [hbm4b:s4+s19], $0x80, s29, s19, $0xb8;
	[tilespmem:$0x1A400] =	vst v63  }
0xed: {  	s25 =	smov.u32 s24;
	s24 =	rddreg [dreg:$0x6]  }
0xee: {  	[tilespmem:s31], [sflag:$0x2] =	stream.indirect.gather [hbm4b:s4+s19], $0x80, s24, s19, $0xb8;
	[tilespmem:$0x1A400] =	vst v63  }
0xef: {  	_ =	swait.ge [sflag:s0], $0x2800  }
0xf0: {  	[sflag:s0] =	ssyncset.done $0x0  }
0xf1: {  	[sflag:s0] =	ssyncadd.s32 $0xFFFFD800  }
0xf2: {  	[spmem:s1] =	stream.indirect.scatter.add.f32 [tilespmem:s16], [sflag:$0x3], $0x80, s30, s19, $0xb8;
	[tilespmem:$0x1A400] =	vst v63  }
0xf3: {  	_ =	swait.ge [sflag:s28], $0x2800  }
0xf4: {  	[sflag:s28] =	ssyncset.done $0x0  }
0xf5: {  	s24 =	rddreg [dreg:$0x7];
	[sflag:s28] =	ssyncadd.s32 $0xFFFFD800  }
0xf6: {  	[tilespmem:s16], [sflag:$0x1] =	stream.indirect.gather [hbm4b:s4+s19], $0x80, s24, s19, $0xb8;
	[tilespmem:$0x1A400] =	vst v63  }
0xf7: {  	_ =	swait.ge [sflag:s2], $0x2800  }
0xf8: {  	[sflag:s2] =	ssyncset.done $0x0  }
0xf9: {  	s24 =	rddreg [dreg:$0x8];
	[sflag:s2] =	ssyncadd.s32 $0xFFFFD800  }
0xfa: {  	[spmem:s1] =	stream.indirect.scatter.add.f32 [tilespmem:s31], [sflag:$0x4], $0x80, s24, s19, $0xb8;
	[tilespmem:$0x1A400] =	vst v63  }
0xfb: {  	_ =	swait.ge [sflag:s5], $0x2800  }
0xfc: {  	[sflag:s5] =	ssyncset.done $0x0  }
0xfd: {  	s24 =	rddreg [dreg:$0x9];
	[sflag:s5] =	ssyncadd.s32 $0xFFFFD800  }
0xfe: {  	[tilespmem:s31], [sflag:$0x2] =	stream.indirect.gather [hbm4b:s4+s19], $0x80, s24, s19, $0xb8;
	[tilespmem:$0x1A400] =	vst v63  }
0xff: {  	_ =	swait.ge [sflag:s0], $0x2800  }
0x100: {  	[sflag:s0] =	ssyncset.done $0x0  }
0x101: {  	s24 =	rddreg [dreg:$0xa];
	[sflag:s0] =	ssyncadd.s32 $0xFFFFD800  }
0x102: {  	[spmem:s1] =	stream.indirect.scatter.add.f32 [tilespmem:s16], [sflag:$0x3], $0x80, s24, s19, $0xb8;
	[tilespmem:$0x1A400] =	vst v63  }
0x103: {  	_ =	swait.ge [sflag:s28], $0x2800  }
0x104: {  	[sflag:s28] =	ssyncset.done $0x0  }
0x105: {  	s24 =	rddreg [dreg:$0xb];
	[sflag:s28] =	ssyncadd.s32 $0xFFFFD800  }
0x106: {  	[tilespmem:s16], [sflag:$0x1] =	stream.indirect.gather [hbm4b:s4+s19], $0x80, s24, s19, $0xb8;
	[tilespmem:$0x1A400] =	vst v63  }
0x107: {  	_ =	swait.ge [sflag:s2], $0x2800  }
0x108: {  	[sflag:s2] =	ssyncset.done $0x0  }
0x109: {  	s24 =	rddreg [dreg:$0xc];
	[sflag:s2] =	ssyncadd.s32 $0xFFFFD800  }
0x10a: {  	[spmem:s1] =	stream.indirect.scatter.add.f32 [tilespmem:s31], [sflag:$0x4], $0x80, s24, s19, $0xb8;
	[tilespmem:$0x1A400] =	vst v63  }
0x10b: {  	_ =	swait.ge [sflag:s5], $0x2800  }
0x10c: {  	[sflag:s5] =	ssyncset.done $0x0  }
0x10d: {  	s24 =	rddreg [dreg:$0xd];
	[sflag:s5] =	ssyncadd.s32 $0xFFFFD800  }
0x10e: {  	[tilespmem:s31], [sflag:$0x2] =	stream.indirect.gather [hbm4b:s4+s19], $0x80, s24, s19, $0xb8;
	[tilespmem:$0x1A400] =	vst v63  }
0x10f: {  	_ =	swait.ge [sflag:s0], $0x2800  }
0x110: {  	[sflag:s0] =	ssyncset.done $0x0  }
0x111: {  	s24 =	rddreg [dreg:$0xe];
	[sflag:s0] =	ssyncadd.s32 $0xFFFFD800  }
0x112: {  	[spmem:s1] =	stream.indirect.scatter.add.f32 [tilespmem:s16], [sflag:$0x3], $0x80, s24, s19, $0xb8;
	[tilespmem:$0x1A400] =	vst v63  }
0x113: {  	_ =	swait.ge [sflag:s28], $0x2800  }
0x114: {  	[sflag:s28] =	ssyncset.done $0x0  }
0x115: {  	s24 =	rddreg [dreg:$0xf];
	[sflag:s28] =	ssyncadd.s32 $0xFFFFD800  }
0x116: {  	[tilespmem:s16], [sflag:$0x1] =	stream.indirect.gather [hbm4b:s4+s19], $0x80, s24, s19, $0xb8;
	[tilespmem:$0x1A400] =	vst v63  }
0x117: {  	_ =	swait.ge [sflag:s2], $0x2800  }
0x118: {  	[sflag:s2] =	ssyncset.done $0x0  }
0x119: {  	s24 =	rddreg [dreg:$0x10];
	[sflag:s2] =	ssyncadd.s32 $0xFFFFD800  }
0x11a: {  	[spmem:s1] =	stream.indirect.scatter.add.f32 [tilespmem:s31], [sflag:$0x4], $0x80, s24, s19, $0xb8;
	[tilespmem:$0x1A400] =	vst v63  }
0x11b: {  	_ =	swait.ge [sflag:s5], $0x2800  }
0x11c: {  	[sflag:s5] =	ssyncset.done $0x0  }
0x11d: {  	s24 =	rddreg [dreg:$0x11];
	[sflag:s5] =	ssyncadd.s32 $0xFFFFD800  }
0x11e: {  	[tilespmem:s31], [sflag:$0x2] =	stream.indirect.gather [hbm4b:s4+s19], $0x80, s24, s19, $0xb8;
	[tilespmem:$0x1A400] =	vst v63  }
0x11f: {  	_ =	swait.ge [sflag:s0], $0x2800  }
0x120: {  	[sflag:s0] =	ssyncset.done $0x0  }
0x121: {  	s24 =	rddreg [dreg:$0x12];
	[sflag:s0] =	ssyncadd.s32 $0xFFFFD800  }
0x122: {  	[spmem:s1] =	stream.indirect.scatter.add.f32 [tilespmem:s16], [sflag:$0x3], $0x80, s24, s19, $0xb8;
	[tilespmem:$0x1A400] =	vst v63  }
0x123: {  	_ =	swait.ge [sflag:s28], $0x2800  }
0x124: {  	[sflag:s28] =	ssyncset.done $0x0  }
0x125: {  	s24 =	rddreg [dreg:$0x13];
	[sflag:s28] =	ssyncadd.s32 $0xFFFFD800  }
0x126: {  	[tilespmem:s16], [sflag:$0x1] =	stream.indirect.gather [hbm4b:s4+s19], $0x80, s24, s19, $0xb8;
	[tilespmem:$0x1A400] =	vst v63  }
0x127: {  	_ =	swait.ge [sflag:s2], $0x2800  }
0x128: {  	[sflag:s2] =	ssyncset.done $0x0  }
0x129: {  	s24 =	rddreg [dreg:$0x14];
	[sflag:s2] =	ssyncadd.s32 $0xFFFFD800  }
0x12a: {  	[spmem:s1] =	stream.indirect.scatter.add.f32 [tilespmem:s31], [sflag:$0x4], $0x80, s24, s19, $0xb8;
	[tilespmem:$0x1A400] =	vst v63  }
0x12b: {  	_ =	swait.ge [sflag:s5], $0x2800  }
0x12c: {  	[sflag:s5] =	ssyncset.done $0x0  }
0x12d: {  	s24 =	rddreg [dreg:$0x15];
	[sflag:s5] =	ssyncadd.s32 $0xFFFFD800  }
0x12e: {  	[tilespmem:s31], [sflag:$0x2] =	stream.indirect.gather [hbm4b:s4+s19], $0x80, s24, s19, $0xb8;
	[tilespmem:$0x1A400] =	vst v63  }
0x12f: {  	_ =	swait.ge [sflag:s0], $0x2800  }
0x130: {  	[sflag:s0] =	ssyncset.done $0x0  }
0x131: {  	[sflag:s0] =	ssyncadd.s32 $0xFFFFD800  }
0x132: {  	[spmem:s1] =	stream.indirect.scatter.add.f32 [tilespmem:s16], [sflag:$0x3], $0x80, s6, s19, $0xb8;
	[tilespmem:$0x1A400] =	vst v63  }
0x133: {  	_ =	swait.ge [sflag:s28], $0x2800  }
0x134: {  	[sflag:s28] =	ssyncset.done $0x0  }
0x135: {  	[sflag:s28] =	ssyncadd.s32 $0xFFFFD800  }
0x136: {  	[tilespmem:s16], [sflag:$0x1] =	stream.indirect.gather [hbm4b:s4+s19], $0x80, s7, s19, $0xb8;
	[tilespmem:$0x1A400] =	vst v63  }
0x137: {  	_ =	swait.ge [sflag:s2], $0x2800  }
0x138: {  	[sflag:s2] =	ssyncset.done $0x0  }
0x139: {  	[sflag:s2] =	ssyncadd.s32 $0xFFFFD800  }
0x13a: {  	[spmem:s1] =	stream.indirect.scatter.add.f32 [tilespmem:s31], [sflag:$0x4], $0x80, s8, s19, $0xb8;
	[tilespmem:$0x1A400] =	vst v63  }
0x13b: {  	_ =	swait.ge [sflag:s5], $0x2800  }
0x13c: {  	[sflag:s5] =	ssyncset.done $0x0  }
0x13d: {  	[sflag:s5] =	ssyncadd.s32 $0xFFFFD800  }
0x13e: {  	[tilespmem:s31], [sflag:$0x2] =	stream.indirect.gather [hbm4b:s4+s19], $0x80, s9, s19, $0xb8;
	[tilespmem:$0x1A400] =	vst v63  }
0x13f: {  	_ =	swait.ge [sflag:s0], $0x2800  }
0x140: {  	[sflag:s0] =	ssyncset.done $0x0  }
0x141: {  	[sflag:s0] =	ssyncadd.s32 $0xFFFFD800  }
0x142: {  	[spmem:s1] =	stream.indirect.scatter.add.f32 [tilespmem:s16], [sflag:$0x3], $0x80, s10, s19, $0xb8;
	[tilespmem:$0x1A400] =	vst v63  }
0x143: {  	_ =	swait.ge [sflag:s28], $0x2800  }
0x144: {  	[sflag:s28] =	ssyncset.done $0x0  }
0x145: {  	[sflag:s28] =	ssyncadd.s32 $0xFFFFD800  }
0x146: {  	[tilespmem:s16], [sflag:$0x1] =	stream.indirect.gather [hbm4b:s4+s19], $0x80, s11, s19, $0xb8;
	[tilespmem:$0x1A400] =	vst v63  }
0x147: {  	_ =	swait.ge [sflag:s2], $0x2800  }
0x148: {  	[sflag:s2] =	ssyncset.done $0x0  }
0x149: {  	[sflag:s2] =	ssyncadd.s32 $0xFFFFD800  }
0x14a: {  	[spmem:s1] =	stream.indirect.scatter.add.f32 [tilespmem:s31], [sflag:$0x4], $0x80, s12, s19, $0xb8;
	[tilespmem:$0x1A400] =	vst v63  }
0x14b: {  	_ =	swait.ge [sflag:s5], $0x2800  }
0x14c: {  	[sflag:s5] =	ssyncset.done $0x0  }
0x14d: {  	[sflag:s5] =	ssyncadd.s32 $0xFFFFD800  }
0x14e: {  	[tilespmem:s31], [sflag:$0x2] =	stream.indirect.gather [hbm4b:s4+s19], $0x80, s13, s19, $0xb8;
	[tilespmem:$0x1A400] =	vst v63  }
0x14f: {  	_ =	swait.ge [sflag:s0], $0x2800  }
0x150: {  	[sflag:s0] =	ssyncset.done $0x0  }
0x151: {  	[sflag:s0] =	ssyncadd.s32 $0xFFFFD800  }
0x152: {  	[spmem:s1] =	stream.indirect.scatter.add.f32 [tilespmem:s16], [sflag:$0x3], $0x80, s14, s19, $0xb8;
	[tilespmem:$0x1A400] =	vst v63  }
0x153: {  	_ =	swait.ge [sflag:s28], $0x2800  }
0x154: {  	[sflag:s28] =	ssyncset.done $0x0  }
0x155: {  	[sflag:s28] =	ssyncadd.s32 $0xFFFFD800  }
0x156: {  	[tilespmem:s16], [sflag:$0x1] =	stream.indirect.gather [hbm4b:s4+s19], $0x80, s15, s19, $0xb8;
	[tilespmem:$0x1A400] =	vst v63  }
0x157: {  	_ =	swait.ge [sflag:s2], $0x2800  }
0x158: {  	[sflag:s2] =	ssyncset.done $0x0  }
0x159: {  	[sflag:s2] =	ssyncadd.s32 $0xFFFFD800  }
0x15a: {  	[spmem:s1] =	stream.indirect.scatter.add.f32 [tilespmem:s31], [sflag:$0x4], $0x80, s20, s19, $0xb8;
	[tilespmem:$0x1A400] =	vst v63  }
0x15b: {  	_ =	swait.ge [sflag:s5], $0x2800  }
0x15c: {  	[sflag:s5] =	ssyncset.done $0x0  }
0x15d: {  	[sflag:s5] =	ssyncadd.s32 $0xFFFFD800  }
0x15e: {  	[tilespmem:s31], [sflag:$0x2] =	stream.indirect.gather [hbm4b:s4+s19], $0x80, s21, s19, $0xb8;
	[tilespmem:$0x1A400] =	vst v63  }
0x15f: {  	_ =	swait.ge [sflag:s0], $0x2800  }
0x160: {  	[sflag:s0] =	ssyncset.done $0x0  }
0x161: {  	[sflag:s0] =	ssyncadd.s32 $0xFFFFD800  }
0x162: {  	[spmem:s1] =	stream.indirect.scatter.add.f32 [tilespmem:s16], [sflag:$0x3], $0x80, s22, s19, $0xb8;
	[tilespmem:$0x1A400] =	vst v63  }
0x163: {  	_ =	swait.ge [sflag:s2], $0x2800  }
0x164: {  	[sflag:s2] =	ssyncset.done $0x0  }
0x165: {  	p0 =	sne.s32 s26, $0x700;
	[sflag:s2] =	ssyncadd.s32 $0xFFFFD800  }
0x166: {  	[spmem:s1] =	stream.indirect.scatter.add.f32 [tilespmem:s31], [sflag:$0x4], $0x80, s23, s19, $0xb8;
	[tilespmem:$0x1A400] =	vst v63  }
.Ltmp0:
0x167: {  	_ =	swait.ge [sflag:s28], $0x2800;
	(pc) =	sbr.rel @p0 .LBB2_2-.Ltmp0, $4  }
0x168: {  	[sflag:s28] =	ssyncset.done $0x0  }
0x169: {  	[sflag:s28] =	ssyncadd.s32 $0xFFFFD800  }
0x16a: {  	_ =	swait.ge [sflag:s5], $0x2800  }
0x16b: {  	s26 =	sadd.s32 $0x100, s26;
	s18 =	rddreg [dreg:$0x5];
	[sflag:s5] =	ssyncset.done $0x0  }
0x16c: {  	[sflag:s5] =	ssyncadd.s32 $0xFFFFD800;
	s18 =	sadd.s32 s25, s18  }
0x16d: {  	[tilespmem:s29], [sflag:$0x5] =	stream.linear.gather [hbm4b:s18+s3], $0x800, $0x38;
	[tilespmem:$0x1A400] =	vst v63  }
0x16e: {  	_ =	swait.ge [sflag:s17], $0x800  }
0x16f: {  	s24 =	rddreg [dreg:$0x4];
	[sflag:s17] =	ssyncset.done $0x0  }
0x170: {  	s18 =	sadd.s32 s25, s24;
	[sflag:s17] =	ssyncadd.s32 $0xFFFFF800  }
0x171: {  	[tilespmem:s30], [sflag:$0x5] =	stream.linear.gather [hbm4b:s18+s3], $0x800, $0x38;
	[tilespmem:$0x1A400] =	vst v63  }
0x172: {  	_ =	swait.ge [sflag:s17], $0x800  }
0x173: {  	[sflag:s17] =	ssyncset.done $0x0  }
0x174: {  	[sflag:s17] =	ssyncadd.s32 $0xFFFFF800  }
0x175: {  	[tilespmem:s16], [sflag:$0x1] =	stream.indirect.gather [hbm4b:s4+s19], $0x80, s29, s19, $0xb8;
	[tilespmem:$0x1A400] =	vst v63  }
0x176: {  	s26 =	rddreg [dreg:$0x6]  }
0x177: {  	[tilespmem:s31], [sflag:$0x2] =	stream.indirect.gather [hbm4b:s4+s19], $0x80, s26, s19, $0xb8;
	[tilespmem:$0x1A400] =	vst v63  }
0x178: {  	_ =	swait.ge [sflag:s0], $0x2800  }
0x179: {  	[sflag:s0] =	ssyncset.done $0x0  }
0x17a: {  	[sflag:s0] =	ssyncadd.s32 $0xFFFFD800  }
0x17b: {  	[spmem:s1] =	stream.indirect.scatter.add.f32 [tilespmem:s16], [sflag:$0x3], $0x80, s30, s19, $0xb8;
	[tilespmem:$0x1A400] =	vst v63  }
0x17c: {  	_ =	swait.ge [sflag:s28], $0x2800  }
0x17d: {  	[sflag:s28] =	ssyncset.done $0x0  }
0x17e: {  	s24 =	rddreg [dreg:$0x7];
	[sflag:s28] =	ssyncadd.s32 $0xFFFFD800  }
0x17f: {  	[tilespmem:s16], [sflag:$0x1] =	stream.indirect.gather [hbm4b:s4+s19], $0x80, s24, s19, $0xb8;
	[tilespmem:$0x1A400] =	vst v63  }
0x180: {  	_ =	swait.ge [sflag:s2], $0x2800  }
0x181: {  	[sflag:s2] =	ssyncset.done $0x0  }
0x182: {  	s25 =	rddreg [dreg:$0x8];
	[sflag:s2] =	ssyncadd.s32 $0xFFFFD800  }
0x183: {  	[spmem:s1] =	stream.indirect.scatter.add.f32 [tilespmem:s31], [sflag:$0x4], $0x80, s25, s19, $0xb8;
	[tilespmem:$0x1A400] =	vst v63  }
0x184: {  	_ =	swait.ge [sflag:s5], $0x2800  }
0x185: {  	[sflag:s5] =	ssyncset.done $0x0  }
0x186: {  	s26 =	rddreg [dreg:$0x9];
	[sflag:s5] =	ssyncadd.s32 $0xFFFFD800  }
0x187: {  	[tilespmem:s31], [sflag:$0x2] =	stream.indirect.gather [hbm4b:s4+s19], $0x80, s26, s19, $0xb8;
	[tilespmem:$0x1A400] =	vst v63  }
0x188: {  	_ =	swait.ge [sflag:s0], $0x2800  }
0x189: {  	[sflag:s0] =	ssyncset.done $0x0  }
0x18a: {  	s24 =	rddreg [dreg:$0xa];
	[sflag:s0] =	ssyncadd.s32 $0xFFFFD800  }
0x18b: {  	[spmem:s1] =	stream.indirect.scatter.add.f32 [tilespmem:s16], [sflag:$0x3], $0x80, s24, s19, $0xb8;
	[tilespmem:$0x1A400] =	vst v63  }
0x18c: {  	_ =	swait.ge [sflag:s28], $0x2800  }
0x18d: {  	[sflag:s28] =	ssyncset.done $0x0  }
0x18e: {  	s25 =	rddreg [dreg:$0xb];
	[sflag:s28] =	ssyncadd.s32 $0xFFFFD800  }
0x18f: {  	[tilespmem:s16], [sflag:$0x1] =	stream.indirect.gather [hbm4b:s4+s19], $0x80, s25, s19, $0xb8;
	[tilespmem:$0x1A400] =	vst v63  }
0x190: {  	_ =	swait.ge [sflag:s2], $0x2800  }
0x191: {  	[sflag:s2] =	ssyncset.done $0x0  }
0x192: {  	s26 =	rddreg [dreg:$0xc];
	[sflag:s2] =	ssyncadd.s32 $0xFFFFD800  }
0x193: {  	[spmem:s1] =	stream.indirect.scatter.add.f32 [tilespmem:s31], [sflag:$0x4], $0x80, s26, s19, $0xb8;
	[tilespmem:$0x1A400] =	vst v63  }
0x194: {  	_ =	swait.ge [sflag:s5], $0x2800  }
0x195: {  	[sflag:s5] =	ssyncset.done $0x0  }
0x196: {  	s24 =	rddreg [dreg:$0xd];
	[sflag:s5] =	ssyncadd.s32 $0xFFFFD800  }
0x197: {  	[tilespmem:s31], [sflag:$0x2] =	stream.indirect.gather [hbm4b:s4+s19], $0x80, s24, s19, $0xb8;
	[tilespmem:$0x1A400] =	vst v63  }
0x198: {  	_ =	swait.ge [sflag:s0], $0x2800  }
0x199: {  	[sflag:s0] =	ssyncset.done $0x0  }
0x19a: {  	s25 =	rddreg [dreg:$0xe];
	[sflag:s0] =	ssyncadd.s32 $0xFFFFD800  }
0x19b: {  	[spmem:s1] =	stream.indirect.scatter.add.f32 [tilespmem:s16], [sflag:$0x3], $0x80, s25, s19, $0xb8;
	[tilespmem:$0x1A400] =	vst v63  }
0x19c: {  	_ =	swait.ge [sflag:s28], $0x2800  }
0x19d: {  	[sflag:s28] =	ssyncset.done $0x0  }
0x19e: {  	s26 =	rddreg [dreg:$0xf];
	[sflag:s28] =	ssyncadd.s32 $0xFFFFD800  }
0x19f: {  	[tilespmem:s16], [sflag:$0x1] =	stream.indirect.gather [hbm4b:s4+s19], $0x80, s26, s19, $0xb8;
	[tilespmem:$0x1A400] =	vst v63  }
0x1a0: {  	_ =	swait.ge [sflag:s2], $0x2800  }
0x1a1: {  	[sflag:s2] =	ssyncset.done $0x0  }
0x1a2: {  	s24 =	rddreg [dreg:$0x10];
	[sflag:s2] =	ssyncadd.s32 $0xFFFFD800  }
0x1a3: {  	[spmem:s1] =	stream.indirect.scatter.add.f32 [tilespmem:s31], [sflag:$0x4], $0x80, s24, s19, $0xb8;
	[tilespmem:$0x1A400] =	vst v63  }
0x1a4: {  	_ =	swait.ge [sflag:s5], $0x2800  }
0x1a5: {  	[sflag:s5] =	ssyncset.done $0x0  }
0x1a6: {  	s25 =	rddreg [dreg:$0x11];
	[sflag:s5] =	ssyncadd.s32 $0xFFFFD800  }
0x1a7: {  	[tilespmem:s31], [sflag:$0x2] =	stream.indirect.gather [hbm4b:s4+s19], $0x80, s25, s19, $0xb8;
	[tilespmem:$0x1A400] =	vst v63  }
0x1a8: {  	_ =	swait.ge [sflag:s0], $0x2800  }
0x1a9: {  	[sflag:s0] =	ssyncset.done $0x0  }
0x1aa: {  	s26 =	rddreg [dreg:$0x12];
	[sflag:s0] =	ssyncadd.s32 $0xFFFFD800  }
0x1ab: {  	[spmem:s1] =	stream.indirect.scatter.add.f32 [tilespmem:s16], [sflag:$0x3], $0x80, s26, s19, $0xb8;
	[tilespmem:$0x1A400] =	vst v63  }
0x1ac: {  	_ =	swait.ge [sflag:s28], $0x2800  }
0x1ad: {  	[sflag:s28] =	ssyncset.done $0x0  }
0x1ae: {  	s24 =	rddreg [dreg:$0x13];
	[sflag:s28] =	ssyncadd.s32 $0xFFFFD800  }
0x1af: {  	[tilespmem:s16], [sflag:$0x1] =	stream.indirect.gather [hbm4b:s4+s19], $0x80, s24, s19, $0xb8;
	[tilespmem:$0x1A400] =	vst v63  }
0x1b0: {  	_ =	swait.ge [sflag:s2], $0x2800  }
0x1b1: {  	[sflag:s2] =	ssyncset.done $0x0  }
0x1b2: {  	s25 =	rddreg [dreg:$0x14];
	[sflag:s2] =	ssyncadd.s32 $0xFFFFD800  }
0x1b3: {  	[spmem:s1] =	stream.indirect.scatter.add.f32 [tilespmem:s31], [sflag:$0x4], $0x80, s25, s19, $0xb8;
	[tilespmem:$0x1A400] =	vst v63  }
0x1b4: {  	_ =	swait.ge [sflag:s5], $0x2800  }
0x1b5: {  	[sflag:s5] =	ssyncset.done $0x0  }
0x1b6: {  	s26 =	rddreg [dreg:$0x15];
	[sflag:s5] =	ssyncadd.s32 $0xFFFFD800  }
0x1b7: {  	[tilespmem:s31], [sflag:$0x2] =	stream.indirect.gather [hbm4b:s4+s19], $0x80, s26, s19, $0xb8;
	[tilespmem:$0x1A400] =	vst v63  }
0x1b8: {  	_ =	swait.ge [sflag:s0], $0x2800  }
0x1b9: {  	[sflag:s0] =	ssyncset.done $0x0  }
0x1ba: {  	[sflag:s0] =	ssyncadd.s32 $0xFFFFD800  }
0x1bb: {  	[spmem:s1] =	stream.indirect.scatter.add.f32 [tilespmem:s16], [sflag:$0x3], $0x80, s6, s19, $0xb8;
	[tilespmem:$0x1A400] =	vst v63  }
0x1bc: {  	_ =	swait.ge [sflag:s28], $0x2800  }
0x1bd: {  	[sflag:s28] =	ssyncset.done $0x0  }
0x1be: {  	[sflag:s28] =	ssyncadd.s32 $0xFFFFD800  }
0x1bf: {  	[tilespmem:s16], [sflag:$0x1] =	stream.indirect.gather [hbm4b:s4+s19], $0x80, s7, s19, $0xb8;
	[tilespmem:$0x1A400] =	vst v63  }
0x1c0: {  	_ =	swait.ge [sflag:s2], $0x2800  }
0x1c1: {  	[sflag:s2] =	ssyncset.done $0x0  }
0x1c2: {  	[sflag:s2] =	ssyncadd.s32 $0xFFFFD800  }
0x1c3: {  	[spmem:s1] =	stream.indirect.scatter.add.f32 [tilespmem:s31], [sflag:$0x4], $0x80, s8, s19, $0xb8;
	[tilespmem:$0x1A400] =	vst v63  }
0x1c4: {  	_ =	swait.ge [sflag:s5], $0x2800  }
0x1c5: {  	[sflag:s5] =	ssyncset.done $0x0  }
0x1c6: {  	[sflag:s5] =	ssyncadd.s32 $0xFFFFD800  }
0x1c7: {  	[tilespmem:s31], [sflag:$0x2] =	stream.indirect.gather [hbm4b:s4+s19], $0x80, s9, s19, $0xb8;
	[tilespmem:$0x1A400] =	vst v63  }
0x1c8: {  	_ =	swait.ge [sflag:s0], $0x2800  }
0x1c9: {  	[sflag:s0] =	ssyncset.done $0x0  }
0x1ca: {  	[sflag:s0] =	ssyncadd.s32 $0xFFFFD800  }
0x1cb: {  	[spmem:s1] =	stream.indirect.scatter.add.f32 [tilespmem:s16], [sflag:$0x3], $0x80, s10, s19, $0xb8;
	[tilespmem:$0x1A400] =	vst v63  }
0x1cc: {  	_ =	swait.ge [sflag:s28], $0x2800  }
0x1cd: {  	[sflag:s28] =	ssyncset.done $0x0  }
0x1ce: {  	[sflag:s28] =	ssyncadd.s32 $0xFFFFD800  }
0x1cf: {  	[tilespmem:s16], [sflag:$0x1] =	stream.indirect.gather [hbm4b:s4+s19], $0x80, s11, s19, $0xb8;
	[tilespmem:$0x1A400] =	vst v63  }
0x1d0: {  	_ =	swait.ge [sflag:s2], $0x2800  }
0x1d1: {  	[sflag:s2] =	ssyncset.done $0x0  }
0x1d2: {  	[sflag:s2] =	ssyncadd.s32 $0xFFFFD800  }
0x1d3: {  	[spmem:s1] =	stream.indirect.scatter.add.f32 [tilespmem:s31], [sflag:$0x4], $0x80, s12, s19, $0xb8;
	[tilespmem:$0x1A400] =	vst v63  }
0x1d4: {  	_ =	swait.ge [sflag:s5], $0x2800  }
0x1d5: {  	[sflag:s5] =	ssyncset.done $0x0  }
0x1d6: {  	[sflag:s5] =	ssyncadd.s32 $0xFFFFD800  }
0x1d7: {  	[tilespmem:s31], [sflag:$0x2] =	stream.indirect.gather [hbm4b:s4+s19], $0x80, s13, s19, $0xb8;
	[tilespmem:$0x1A400] =	vst v63  }
0x1d8: {  	_ =	swait.ge [sflag:s0], $0x2800  }
0x1d9: {  	[sflag:s0] =	ssyncset.done $0x0  }
0x1da: {  	[sflag:s0] =	ssyncadd.s32 $0xFFFFD800  }
0x1db: {  	[spmem:s1] =	stream.indirect.scatter.add.f32 [tilespmem:s16], [sflag:$0x3], $0x80, s14, s19, $0xb8;
	[tilespmem:$0x1A400] =	vst v63  }
0x1dc: {  	_ =	swait.ge [sflag:s28], $0x2800  }
0x1dd: {  	[sflag:s28] =	ssyncset.done $0x0  }
0x1de: {  	[sflag:s28] =	ssyncadd.s32 $0xFFFFD800  }
0x1df: {  	[tilespmem:s16], [sflag:$0x1] =	stream.indirect.gather [hbm4b:s4+s19], $0x80, s15, s19, $0xb8;
	[tilespmem:$0x1A400] =	vst v63  }
0x1e0: {  	_ =	swait.ge [sflag:s2], $0x2800  }
0x1e1: {  	[sflag:s2] =	ssyncset.done $0x0  }
0x1e2: {  	[sflag:s2] =	ssyncadd.s32 $0xFFFFD800  }
0x1e3: {  	[spmem:s1] =	stream.indirect.scatter.add.f32 [tilespmem:s31], [sflag:$0x4], $0x80, s20, s19, $0xb8;
	[tilespmem:$0x1A400] =	vst v63  }
0x1e4: {  	_ =	swait.ge [sflag:s5], $0x2800  }
0x1e5: {  	[sflag:s5] =	ssyncset.done $0x0  }
0x1e6: {  	[sflag:s5] =	ssyncadd.s32 $0xFFFFD800  }
0x1e7: {  	[tilespmem:s31], [sflag:$0x2] =	stream.indirect.gather [hbm4b:s4+s19], $0x80, s21, s19, $0xb8;
	[tilespmem:$0x1A400] =	vst v63  }
0x1e8: {  	_ =	swait.ge [sflag:s0], $0x2800  }
0x1e9: {  	[sflag:s0] =	ssyncset.done $0x0  }
0x1ea: {  	[sflag:s0] =	ssyncadd.s32 $0xFFFFD800  }
0x1eb: {  	[spmem:s1] =	stream.indirect.scatter.add.f32 [tilespmem:s16], [sflag:$0x3], $0x80, s22, s19, $0xb8;
	[tilespmem:$0x1A400] =	vst v63  }
0x1ec: {  	_ =	swait.ge [sflag:s2], $0x2800  }
0x1ed: {  	[sflag:s2] =	ssyncset.done $0x0  }
0x1ee: {  	[sflag:s2] =	ssyncadd.s32 $0xFFFFD800  }
0x1ef: {  	[spmem:s1] =	stream.indirect.scatter.add.f32 [tilespmem:s31], [sflag:$0x4], $0x80, s23, s19, $0xb8;
	[tilespmem:$0x1A400] =	vst v63  }
0x1f0: {  	_ =	swait.ge [sflag:s28], $0x2800  }
0x1f1: {  	[sflag:s28] =	ssyncset.done $0x0  }
0x1f2: {  	[sflag:s28] =	ssyncadd.s32 $0xFFFFD800  }
0x1f3: {  	_ =	swait.ge [sflag:s5], $0x2800  }
0x1f4: {  	[sflag:s5] =	ssyncset.done $0x0  }
0x1f5: {  	[sflag:s5] =	ssyncadd.s32 $0xFFFFD800  }
0x1f6: {  	s24 =	simm.s32 $0x15000;
	[bflag:$0x0] =	sbarrier.arrive $0xFFFF  }
0x1f7: {  	[tilespmem:s16], [sflag:$0x1] =	stream.indirect.gather [spmem:s1], $0x80, s24, s19, $0xb8;
	[tilespmem:$0x1A400] =	vst v63  }
0x1f8: {  	s25 =	simm.s32 $0x15080  }
0x1f9: {  	[tilespmem:s31], [sflag:$0x2] =	stream.indirect.gather [spmem:s1], $0x80, s25, s19, $0xb8;
	[tilespmem:$0x1A400] =	vst v63  }
0x1fa: {  	_ =	swait.ge [sflag:s0], $0x2800  }
0x1fb: {  	[sflag:s0] =	ssyncset.done $0x0  }
0x1fc: {  	s26 =	rddreg [dreg:$0x18];
	[sflag:s0] =	ssyncadd.s32 $0xFFFFD800  }
0x1fd: {  	[hbm4b:s26+s3] =	stream.linear.scatter [tilespmem:s16], [sflag:$0x5], $0x2800, $0x38;
	[tilespmem:$0x1A400] =	vst v63  }
0x1fe: {  	_ =	swait.ge [sflag:s17], $0x2800  }
0x1ff: {  	[sflag:s17] =	ssyncset.done $0x0  }
0x200: {  	s24 =	simm.s32 $0x15100;
	[sflag:s17] =	ssyncadd.s32 $0xFFFFD800  }
0x201: {  	[tilespmem:s16], [sflag:$0x1] =	stream.indirect.gather [spmem:s1], $0x80, s24, s19, $0xb8;
	[tilespmem:$0x1A400] =	vst v63  }
0x202: {  	_ =	swait.ge [sflag:s2], $0x2800  }
0x203: {  	[sflag:s2] =	ssyncset.done $0x0  }
0x204: {  	s25 =	rddreg [dreg:$0x19];
	[sflag:s2] =	ssyncadd.s32 $0xFFFFD800  }
0x205: {  	[hbm4b:s25+s3] =	stream.linear.scatter [tilespmem:s31], [sflag:$0x5], $0x2800, $0x38;
	[tilespmem:$0x1A400] =	vst v63  }
0x206: {  	_ =	swait.ge [sflag:s17], $0x2800  }
0x207: {  	[sflag:s17] =	ssyncset.done $0x0  }
0x208: {  	s26 =	simm.s32 $0x15180;
	[sflag:s17] =	ssyncadd.s32 $0xFFFFD800  }
0x209: {  	[tilespmem:s31], [sflag:$0x2] =	stream.indirect.gather [spmem:s1], $0x80, s26, s19, $0xb8;
	[tilespmem:$0x1A400] =	vst v63  }
0x20a: {  	_ =	swait.ge [sflag:s0], $0x2800  }
0x20b: {  	[sflag:s0] =	ssyncset.done $0x0  }
0x20c: {  	s24 =	rddreg [dreg:$0x1a];
	[sflag:s0] =	ssyncadd.s32 $0xFFFFD800  }
0x20d: {  	[hbm4b:s24+s3] =	stream.linear.scatter [tilespmem:s16], [sflag:$0x5], $0x2800, $0x38;
	[tilespmem:$0x1A400] =	vst v63  }
0x20e: {  	_ =	swait.ge [sflag:s17], $0x2800  }
0x20f: {  	[sflag:s17] =	ssyncset.done $0x0  }
0x210: {  	s25 =	simm.s32 $0x15200;
	[sflag:s17] =	ssyncadd.s32 $0xFFFFD800  }
0x211: {  	[tilespmem:s16], [sflag:$0x1] =	stream.indirect.gather [spmem:s1], $0x80, s25, s19, $0xb8;
	[tilespmem:$0x1A400] =	vst v63  }
0x212: {  	_ =	swait.ge [sflag:s2], $0x2800  }
0x213: {  	[sflag:s2] =	ssyncset.done $0x0  }
0x214: {  	s26 =	rddreg [dreg:$0x1b];
	[sflag:s2] =	ssyncadd.s32 $0xFFFFD800  }
0x215: {  	[hbm4b:s26+s3] =	stream.linear.scatter [tilespmem:s31], [sflag:$0x5], $0x2800, $0x38;
	[tilespmem:$0x1A400] =	vst v63  }
0x216: {  	_ =	swait.ge [sflag:s17], $0x2800  }
0x217: {  	[sflag:s17] =	ssyncset.done $0x0  }
0x218: {  	s24 =	simm.s32 $0x15280;
	[sflag:s17] =	ssyncadd.s32 $0xFFFFD800  }
0x219: {  	[tilespmem:s31], [sflag:$0x2] =	stream.indirect.gather [spmem:s1], $0x80, s24, s19, $0xb8;
	[tilespmem:$0x1A400] =	vst v63  }
0x21a: {  	_ =	swait.ge [sflag:s0], $0x2800  }
0x21b: {  	[sflag:s0] =	ssyncset.done $0x0  }
0x21c: {  	s25 =	rddreg [dreg:$0x1c];
	[sflag:s0] =	ssyncadd.s32 $0xFFFFD800  }
0x21d: {  	[hbm4b:s25+s3] =	stream.linear.scatter [tilespmem:s16], [sflag:$0x5], $0x2800, $0x38;
	[tilespmem:$0x1A400] =	vst v63  }
0x21e: {  	_ =	swait.ge [sflag:s17], $0x2800  }
0x21f: {  	[sflag:s17] =	ssyncset.done $0x0  }
0x220: {  	s25 =	simm.s32 $0x15300;
	[sflag:s17] =	ssyncadd.s32 $0xFFFFD800  }
0x221: {  	[tilespmem:s16], [sflag:$0x1] =	stream.indirect.gather [spmem:s1], $0x80, s25, s19, $0xb8;
	[tilespmem:$0x1A400] =	vst v63  }
0x222: {  	_ =	swait.ge [sflag:s2], $0x2800  }
0x223: {  	[sflag:s2] =	ssyncset.done $0x0  }
0x224: {  	s26 =	rddreg [dreg:$0x1d];
	[sflag:s2] =	ssyncadd.s32 $0xFFFFD800  }
0x225: {  	[hbm4b:s26+s3] =	stream.linear.scatter [tilespmem:s31], [sflag:$0x5], $0x2800, $0x38;
	[tilespmem:$0x1A400] =	vst v63  }
0x226: {  	_ =	swait.ge [sflag:s17], $0x2800  }
0x227: {  	[sflag:s17] =	ssyncset.done $0x0  }
0x228: {  	s26 =	simm.s32 $0x15380;
	[sflag:s17] =	ssyncadd.s32 $0xFFFFD800  }
0x229: {  	[tilespmem:s31], [sflag:$0x2] =	stream.indirect.gather [spmem:s1], $0x80, s26, s19, $0xb8;
	[tilespmem:$0x1A400] =	vst v63  }
0x22a: {  	_ =	swait.ge [sflag:s0], $0x2800  }
0x22b: {  	[sflag:s0] =	ssyncset.done $0x0  }
0x22c: {  	s24 =	rddreg [dreg:$0x1e];
	[sflag:s0] =	ssyncadd.s32 $0xFFFFD800  }
0x22d: {  	[hbm4b:s24+s3] =	stream.linear.scatter [tilespmem:s16], [sflag:$0x5], $0x2800, $0x38;
	[tilespmem:$0x1A400] =	vst v63  }
0x22e: {  	_ =	swait.ge [sflag:s17], $0x2800  }
0x22f: {  	[sflag:s17] =	ssyncset.done $0x0  }
0x230: {  	[sflag:s17] =	ssyncadd.s32 $0xFFFFD800  }
0x231: {  	_ =	swait.ge [sflag:s2], $0x2800  }
0x232: {  	[sflag:s2] =	ssyncset.done $0x0  }
0x233: {  	s24 =	rddreg [dreg:$0x1f];
	[sflag:s2] =	ssyncadd.s32 $0xFFFFD800  }
0x234: {  	[hbm4b:s24+s3] =	stream.linear.scatter [tilespmem:s31], [sflag:$0x5], $0x2800, $0x38;
	[tilespmem:$0x1A400] =	vst v63  }
0x235: {  	_ =	swait.ge [sflag:s17], $0x2800  }
0x236: {  	s24 =	sld [smem:$0x7FD]  }
0x237: {  	s18 =	sld [smem:$0x7FC];
	_ =	sdelay $0x1  }
0x238: {  	s24 =	sadd.s32 $0x1, s24  }
0x239: {  	p0 =	sne.s32 s24, s18  }
.Ltmp1:
0x23a: {  	_ = 	snop;
	(pc) =	sbr.rel @p0 .LBB2_1-.Ltmp1, $3  }
0x23b: {  	_ =	sdelay $0x1  }
0x23c: {  	[sflag:s17] =	ssyncset.done $0x0  }
0x23d: {  	[sflag:s17] =	ssyncadd.s32 $0xFFFFD800;
	[smem:$0x7FD] =	sst s24;
	s24 =	simm.s32 $0x15000  }
0x23e: {  	_ =	sfence.sel $0x180000  }
0x23f: {  	[bflag:$0x0] =	sbarrier.arrive $0xFFFF  }
0x240: {  	_ =	strace $0x90000047  }
0x241: {  	s0 =	stileid.u32;
	[bflag:$0x2] =	sbarrier.arrive $0xFFFF  }
0x242: {  	p0 =	sne.s32 s0, $0x0;
	s0 =	rddreg [dreg:$0x3]  }
0x243: {  	s0 =	sadd.s32 @!p0 $0x100000, s0  }
0x244: {  	[sflag:s0] =	ssyncadd.tile.s32 @!p0 $0x1;
	_ =	shalt  }
.Lfunc_end2:
_tile_overlayer_lowered:
.L_overlay_start_2:
0x245: {  	(tag) =	ssettag $0x2  }
0x246: {  	s0 =	rddreg [dreg:$0x0];
	s2 =	stileid.u32  }
0x247: {  	s1 =	rddreg [dreg:$0x1];
	p0 =	sne.s32 s2, $0x0  }
0x248: {  	s3 =	rddreg [dreg:$0x2];
	[bflag:$0x3] =	sbarrier.arrive $0xFFFF;
	s2 =	simm.s32 @!p0 $0x1C05  }
0x249: {  	[timem:s3], [sflag:s2] =	dma.local @!p0 [hbm:s0], s1  }
0x24a: {  	s0 =	simm.s32 @!p0 $0x5  }
0x24b: {  	_ =	swait.ge @!p0 [sflag:s0], s1  }
0x24c: {  	s1 =	ssub.s32 @!p0 $0x0, s1;
	[sflag:s0] =	ssyncset.done @!p0 $0x0  }
0x24d: {  	[sflag:s0] =	ssyncadd.s32 @!p0 s1  }
0x24e: {  	[bflag:$0x3] =	sbarrier.arrive $0xFFFF  }
0x24f: {  	_ =	shalt  }

// kernel: sc_sage_aggregate.7.cloned.1.call-start
scs
__scs_entry_jumppad:
0x0: {  	(pc) =	sbr.rel $0x88, $3  }
0x1: {  	(tag) =	ssettag $0x0;
	lr =	simm.s32 $0x1  }
0x2: {  	[smem:$0x3F99] =	sst lr;
	_ =	strace $0xD0000000  }
0x3: {  	_ = 	snop  }
0x4: {  	_ = 	snop  }
0x5: {  	_ = 	snop  }
0x6: {  	_ = 	snop  }
0x7: {  	_ = 	snop  }
__scs_overlays_trampoline_lowered:
0x8: {  	[smem:$0x3FA8] =	sst s0  }
0x9: {  	[smem:$0x3FA9] =	sst s1  }
0xa: {  	[smem:$0x3FAA] =	sst s2  }
0xb: {  	[smem:$0x3FAB] =	sst s3  }
0xc: {  	[smem:$0x3FAC] =	sst s4  }
0xd: {  	[smem:$0x3FAD] =	sst s5  }
0xe: {  	[smem:$0x3FAE] =	sst s6  }
0xf: {  	[smem:$0x3FAF] =	sst s7  }
0x10: {  	[smem:$0x3FB0] =	sst s8  }
0x11: {  	[smem:$0x3FB1] =	sst s9;
	s0 =	simm.s32 @!p0 $0x0  }
0x12: {  	s1 =	sld [smem:$0x3F97];
	s0 =	simm.s32 @p0 $0x1  }
0x13: {  	[smem:$0x3FB2] =	sst s0;
	s0 =	simm.s32 @!p1 $0x0  }
0x14: {  	s2 =	sld [smem:$0x3F96];
	s0 =	simm.s32 @p1 $0x1  }
0x15: {  	[smem:$0x3FB3] =	sst s0;
	s0 =	simm.s32 @!p2 $0x0  }
0x16: {  	s3 =	sld [smem:$0x3FDB];
	s0 =	simm.s32 @p2 $0x1  }
0x17: {  	s4 =	simm.s32 $0x1BF5;
	[smem:$0x3FB5] =	sst s0  }
0x18: {  	s0 =	sld [smem:$0x3F98];
	_ =	swait.ge [sflag:s4], $0x0  }
0x19: {  	s7 =	sld [smem:$0x3F99]  }
0x1a: {  	s8 =	sadd.s32 $0xFFFFE003, lr  }
0x1b: {  	s9 =	sadd.s32 $0xFFFFFEF7, lr;
	s5 =	simm.s32 $0xFFFFFFFF;
	p2 =	slt.u32 s8, $0xFFFFF086  }
0x1c: {  	p1 =	slt.u32 s9, $0xF7A;
	s5 =	simm.s32 @!p2 $0x0  }
0x1d: {  	s5 =	simm.s32 @p1 $0x1;
	p0 =	seq.s32 s7, s2  }
0x1e: {  	s7 =	smul.u32 @!p0 $0xF7A, s2;
	p2 =	seq.s32 @!p0 s5, $0x0  }
0x1f: {  	s9 =	smul.u32 $0xF7A, s1;
	s8 =	simm.s32 @!p0 $0x1BF5;
	p2 =	por !p2, p0  }
0x20: {  	[sflag:s8] =	ssyncset.s32 @!p0 $0xFFFFF086;
	s6 =	sadd.s32 @!p0 s3, s7;
	s7 =	simm.s32 @!p0 $0x108  }
0x21: {  	s3 =	sadd.s32 s3, s9;
	s6 =	sadd.s32 @!p0 $0x88, s6;
	s7 =	simm.s32 @p2 $0x1082  }
0x22: {  	[simem:s7], [sflag:s8] =	dma.local @!p0 [hbm:s6], $0xF7A  }
0x23: {  	s9 =	sor.u32 $0xD0000000, s2;
	s6 =	simm.s32 $0x108;
	_ =	swait.ge @!p0 [sflag:s8], $0x0  }
0x24: {  	s3 =	sadd.s32 $0x88, s3;
	s6 =	simm.s32 @!p1 $0x1082;
	[sflag:s4] =	ssyncset.s32 $0xFFFFF086  }
0x25: {  	[simem:s6], [sflag:s4] =	dma.local [hbm:s3], $0xF7A  }
0x26: {  	[smem:$0x3F99] =	sst s1;
	(tag) =	ssettag s2;
	_ =	strace s9  }
0x27: {  	s1 =	sld [smem:$0x3FA9]  }
0x28: {  	s2 =	sld [smem:$0x3FAA]  }
0x29: {  	s4 =	sld [smem:$0x3FAC]  }
0x2a: {  	p0 =	seq.s32 s5, $0x0;
	s5 =	sld [smem:$0x3FAD]  }
0x2b: {  	s6 =	sld [smem:$0x3FAE]  }
0x2c: {  	s7 =	sld [smem:$0x3FAF]  }
0x2d: {  	s3 =	simm.s32 $0x108;
	s8 =	sld [smem:$0x3FB0]  }
0x2e: {  	s3 =	simm.s32 @!p0 $0x1082;
	s9 =	sld [smem:$0x3FB1]  }
0x2f: {  	lr =	sadd.s32 s0, s3;
	s0 =	sld [smem:$0x3FA8]  }
0x30: {  	s3 =	sld [smem:$0x3FAB]  }
0x31: {  	[smem:$0x3FB4] =	sst s10  }
0x32: {  	s10 =	sld [smem:$0x3FB2];
	_ =	sdelay $0x3  }
0x33: {  	p0 =	seq.s32 s10, $0x1;
	s10 =	sld [smem:$0x3FB4];
	_ =	sdelay $0x3  }
0x34: {  	[smem:$0x3FB4] =	sst s10  }
0x35: {  	s10 =	sld [smem:$0x3FB3];
	_ =	sdelay $0x3  }
0x36: {  	p1 =	seq.s32 s10, $0x1;
	s10 =	sld [smem:$0x3FB4];
	_ =	sdelay $0x3  }
0x37: {  	[smem:$0x3FB4] =	sst s10  }
0x38: {  	s10 =	sld [smem:$0x3FB5]  }
0x39: {  	_ = 	snop;
	(pc) =	sbr.ind lr, $3  }
0x3a: {  	_ = 	snop  }
0x3b: {  	_ = 	snop  }
0x3c: {  	p2 =	seq.s32 s10, $0x1;
	s10 =	sld [smem:$0x3FB4]  }
0x3d: {  	_ =	shalt  }
0x3e: {  	_ =	shalt  }
0x3f: {  	_ =	shalt  }
0x40: {  	_ =	shalt  }
0x41: {  	_ =	shalt  }
0x42: {  	_ =	shalt  }
0x43: {  	_ =	shalt  }
0x44: {  	_ =	shalt  }
0x45: {  	_ =	shalt  }
0x46: {  	_ =	shalt  }
0x47: {  	_ =	shalt  }
0x48: {  	_ =	shalt  }
0x49: {  	_ =	shalt  }
0x4a: {  	_ =	shalt  }
0x4b: {  	_ =	shalt  }
0x4c: {  	_ =	shalt  }
0x4d: {  	_ =	shalt  }
0x4e: {  	_ =	shalt  }
0x4f: {  	_ =	shalt  }
0x50: {  	_ =	shalt  }
0x51: {  	_ =	shalt  }
0x52: {  	_ =	shalt  }
0x53: {  	_ =	shalt  }
0x54: {  	_ =	shalt  }
0x55: {  	_ =	shalt  }
0x56: {  	_ =	shalt  }
0x57: {  	_ =	shalt  }
0x58: {  	_ =	shalt  }
0x59: {  	_ =	shalt  }
0x5a: {  	_ =	shalt  }
0x5b: {  	_ =	shalt  }
0x5c: {  	_ =	shalt  }
0x5d: {  	_ =	shalt  }
0x5e: {  	_ =	shalt  }
0x5f: {  	_ =	shalt  }
0x60: {  	_ =	shalt  }
0x61: {  	_ =	shalt  }
0x62: {  	_ =	shalt  }
0x63: {  	_ =	shalt  }
0x64: {  	_ =	shalt  }
0x65: {  	_ =	shalt  }
0x66: {  	_ =	shalt  }
0x67: {  	_ =	shalt  }
0x68: {  	_ =	shalt  }
0x69: {  	_ =	shalt  }
0x6a: {  	_ =	shalt  }
0x6b: {  	_ =	shalt  }
0x6c: {  	_ =	shalt  }
0x6d: {  	_ =	shalt  }
0x6e: {  	_ =	shalt  }
0x6f: {  	_ =	shalt  }
0x70: {  	_ =	shalt  }
0x71: {  	_ =	shalt  }
0x72: {  	_ =	shalt  }
0x73: {  	_ =	shalt  }
0x74: {  	_ =	shalt  }
0x75: {  	_ =	shalt  }
0x76: {  	_ =	shalt  }
0x77: {  	_ =	shalt  }
0x78: {  	_ =	shalt  }
0x79: {  	_ =	shalt  }
0x7a: {  	_ =	shalt  }
0x7b: {  	_ =	shalt  }
0x7c: {  	_ =	shalt  }
0x7d: {  	_ =	shalt  }
0x7e: {  	_ =	shalt  }
0x7f: {  	_ =	shalt  }
0x80: {  	_ =	shalt  }
0x81: {  	_ =	shalt  }
0x82: {  	_ =	shalt  }
0x83: {  	_ =	shalt  }
0x84: {  	_ =	shalt  }
0x85: {  	_ =	shalt  }
0x86: {  	_ =	shalt  }
0x87: {  	_ =	shalt  }
.Lfunc_end0:
.L_simem_size_0:
called_computation.1_lowered:
.L_overlay_start_0:
0x88: {  	s2 =	sld [smem:$0x3FD9]  }
0x89: {  	s3 =	sld [smem:$0x3FFE];
	_ =	sdelay $0x1  }
0x8a: {  	s1 =	srdreg.scid  }
0x8b: {  	s0 =	sand.u32 $0x1, s1  }
0x8c: {  	s17 =	sshll.u32 s0, $0xA;
	s2 =	sadd.s32 s3, s2  }
0x8d: {  	s2 =	sadd.s32 s2, s17  }
0x8e: {  	[smem:$0x3FC0] =	sst s2  }
0x8f: {  	_ = 	snop  }
0x90: {  	s2 =	sld [smem:$0x3FD0];
	(tm) =	ssettm $0x1  }
0x91: {  	s18 =	sld [smem:$0x3FFB];
	_ =	sdelay $0x3  }
0x92: {  	_ =	strace s18  }
0x93: {  	s3 =	sld [smem:$0x3FFC];
	_ =	sdelay $0x3  }
0x94: {  	_ =	strace s3  }
0x95: {  	s3 =	sld [smem:$0x3FFD];
	_ =	sdelay $0x3  }
0x96: {  	_ =	strace s3  }
0x97: {  	_ =	strace $0x8FFFFFFF  }
0x98: {  	s19 =	sld [smem:$0x3FDB];
	_ =	sdelay $0x1  }
0x99: {  	s4 =	simm.s32 $_scs_section_size  }
0x9a: {  	s5 =	simm.s32 $_size__tile_overlayer_lowered;
	s6 =	simm.s32 $_tile_overlayer_lowered  }
0x9b: {  	s22 =	simm.s32 $0x1BFF;
	s21 =	sshll.u32 s6, $0x1;
	s3 =	sadd.s32 s4, s19  }
0x9c: {  	s7 =	simm.s32 $0x0;
	s20 =	sshll.u32 s5, $0x1;
	s5 =	sadd.s32 s21, s3  }
0x9d: {  	[timem:s7], [sflag:s22] =	dma.local [hbm:s5], s20  }
0x9e: {  	_ =	swait.ge [sflag:s22], s20  }
0x9f: {  	s4 =	ssub.s32 $0x0, s20;
	[sflag:s22] =	ssyncset.done $0x0  }
0xa0: {  	[sflag:s22] =	ssyncadd.s32 s4;
	_ =	sdelay $0x1  }
0xa1: {  	s23 =	simm.s32 $0x1B8B  }
0xa2: {  	_ =	swait.ge [sflag:s23], $0x1  }
0xa3: {  	[sflag:s23] =	ssyncset.done $0x0  }
0xa4: {  	s25 =	simm.s32 $0x1B8E;
	s24 =	sld [smem:$0x3FFE];
	[sflag:s23] =	ssyncadd.s32 $0xFFFFFFFF  }
0xa5: {  	s26 =	simm.s32 $execute0_lowered;
	[smem:$0x3FD2] =	sst s25  }
0xa6: {  	s5 =	sshll.u32 s26, $0x1;
	_ =	strace $0x80000049;
	[dreg:$0x1] =	wrdreg $0xFFFFFFFF  }
0xa7: {  	s28 =	simm.s32 $_size_execute0_lowered;
	s3 =	sadd.s32 s3, s5;
	[dreg:$0x0] =	wrdreg $0x0  }
0xa8: {  	s5 =	sshll.u32 s28, $0x1;
	[dreg:$0x2] =	wrdreg s3  }
0xa9: {  	[dreg:$0x3] =	wrdreg s5  }
0xaa: {  	[dreg:$0x4] =	wrdreg $0xC0  }
0xab: {  	_ =	task [dreg:s7], $0x5FFFF  }
0xac: {  	[dreg:$0x1] =	wrdreg $0xFFFFFFFF  }
0xad: {  	[dreg:$0x0] =	wrdreg $0x60  }
0xae: {  	[dreg:$0x2] =	wrdreg s24  }
0xaf: {  	[dreg:$0x3] =	wrdreg s2  }
0xb0: {  	[dreg:$0x4] =	wrdreg $0x0  }
0xb1: {  	[dreg:$0x5] =	wrdreg $0x9  }
0xb2: {  	_ =	task.clear_ibuf [dreg:s7], $0x6FFFF;
	_ =	strace $0x90000049  }
0xb3: {  	s29 =	simm.s32 $0x9;
	_ =	strace $0x8000004B  }
0xb4: {  	_ =	swait.ge [sflag:s29], $0x1  }
0xb5: {  	[sflag:s29] =	ssyncadd.s32 $0xFFFFFFFF  }
0xb6: {  	_ =	strace $0x9000004B  }
0xb7: {  	_ =	sfence  }
0xb8: {  	s30 =	sld [smem:$0x0];
	_ =	sdelay $0x2  }
0xb9: {  	s31 =	sshll.u32 s1, $0xD;
	s1 =	sshrl.u32 s1, $0x2  }
0xba: {  	s3 =	sand.u32 $0x4000, s31;
	s1 =	sadd.s32 s1, s30  }
0xbb: {  	s0 =	sor.u32 s3, s0;
	s1 =	sshll.u32 s1, $0x11  }
0xbc: {  	s0 =	sor.u32 s1, s0  }
0xbd: {  	s0 =	sadd.s32 $0x8F2B, s0  }
0xbe: {  	[sflag:s0] =	ssyncadd.remote.s32 $0x1  }
0xbf: {  	_ =	sfence.sel $0xFFFF  }
0xc0: {  	[dreg:$0x0] =	wrdreg $0xFFFFFFFF;
	(pc) =	sbr.abs _section_cstart, $3  }
0xc1: {  	[dreg:$0x1] =	wrdreg $0xFFFFFFFF  }
0xc2: {  	_ =	task.clear_ibuf [dreg:s7], $0x2FFFF;
	_ =	strace $0x9FFFFFFF  }
0xc3: {  	(tm) =	ssettm $0x7FFFFFFF  }
tec
execute0_lowered:
.L_overlay_start_1:
0x0: {  	(tag) =	ssettag $0x1  }
0x1: {  	s0 =	rddreg [dreg:$0x0]  }
0x2: {  	s2 =	rddreg [dreg:$0x1]  }
0x3: {  	s1 =	rddreg [dreg:$0x2];
	s3 =	simm.s32 $0x0  }
0x4: {  	s4 =	srdreg.scid;
	s11 =	stileid.u32;
	s23 =	simm.s32 $0x14080  }
0x5: {  	s25 =	simm.s32 $0x14100;
	s13 =	simm.s32 $0x14200;
	s15 =	simm.s32 $0x14980  }
0x6: {  	s16 =	simm.s32 $0x14280;
	s28 =	simm.s32 $0x3;
	s29 =	simm.s32 $0x14000  }
0x7: {  	s30 =	simm.s32 $0x14800;
	[smem:$0x7FF] =	sst s3;
	s12 =	sadd.s32 $0x7400, s0  }
0x8: {  	s31 =	simm.s32 $0x17C00;
	_ =	strace $0x8000004A;
	[dreg:$0x16] =	wrdreg s12  }
0x9: {  	s8 =	smul.u32 $0x14000, s11;
	s10 =	sshll.u32 s11, $0x7;
	[dreg:$0x6] =	wrdreg s23  }
0xa: {  	s18 =	sshll.u32 s11, $0xB;
	s11 =	simm.s32 $0x14900;
	[dreg:$0x7] =	wrdreg s25  }
0xb: {  	s5 =	sand.u32 $0x1, s4;
	s4 =	sadd.s32 $0x19000, s0;
	[dreg:$0xa] =	wrdreg s11  }
0xc: {  	s6 =	smul.u32 $0x140000, s5;
	s7 =	sshll.u32 s5, $0xF;
	[dreg:$0xb] =	wrdreg s13  }
0xd: {  	s10 =	sadd.s32 s10, s0;
	s5 =	ssub.s32 $0x2, s5;
	[dreg:$0xc] =	wrdreg s15  }
0xe: {  	[dreg:$0xd] =	wrdreg s16;
	s16 =	simm.s32 $0x15400;
	s23 =	simm.s32 $0x14400  }
0xf: {  	s25 =	simm.s32 $0x14B80;
	s11 =	simm.s32 $0x14600;
	[dreg:$0x13] =	wrdreg s23  }
0x10: {  	s9 =	sadd.s32 s7, s0;
	s21 =	sadd.s32 $0x8800, s10;
	[dreg:$0x14] =	wrdreg s25  }
0x11: {  	s2 =	sadd.s32 s7, s2;
	s7 =	simm.s32 $0x14880;
	[dreg:$0x17] =	wrdreg s21  }
0x12: {  	s19 =	sshrl.u32 s5, $0x1;
	s2 =	sadd.s32 s18, s2;
	[dreg:$0x8] =	wrdreg s7  }
0x13: {  	s9 =	sadd.s32 s18, s9;
	s18 =	simm.s32 $0x14A00;
	[dreg:$0x5] =	wrdreg s2  }
0x14: {  	s5 =	ssub.s32 s5, s19;
	s19 =	simm.s32 $0x14300;
	[dreg:$0xe] =	wrdreg s18  }
0x15: {  	s13 =	simm.s32 $0x14680;
	s21 =	simm.s32 $0x14380;
	[dreg:$0xf] =	wrdreg s19  }
0x16: {  	s15 =	simm.s32 $0x14700;
	s20 =	sadd.s32 $0x9000, s9;
	[dreg:$0x11] =	wrdreg s21  }
0x17: {  	s25 =	simm.s32 $0x15300;
	s9 =	simm.s32 $0x14180;
	[dreg:$0x4] =	wrdreg s20  }
0x18: {  	s6 =	sadd.s32 s8, s6;
	s17 =	smax.u32 s5, $0x1;
	[dreg:$0x9] =	wrdreg s9  }
0x19: {  	s6 =	sshrl.u32 s6, $0x3;
	s18 =	simm.s32 $0x0;
	[smem:$0x7FC] =	sst s17  }
0x1a: {  	s0 =	sadd.s32 s6, s0;
	s20 =	simm.s32 $0x14A80;
	[smem:$0x7FD] =	sst s18  }
0x1b: {  	s23 =	simm.s32 $0x14F80;
	s22 =	sadd.s32 $0x41000, s0;
	[dreg:$0x10] =	wrdreg s20  }
0x1c: {  	s7 =	simm.s32 $0x14500;
	s24 =	sadd.s32 $0x41500, s0;
	[dreg:$0x18] =	wrdreg s22  }
0x1d: {  	s19 =	simm.s32 $0x50;
	s26 =	sadd.s32 $0x41A00, s0;
	[dreg:$0x19] =	wrdreg s24  }
0x1e: {  	s2 =	simm.s32 $0x2;
	s8 =	sadd.s32 $0x41F00, s0;
	[dreg:$0x1a] =	wrdreg s26  }
0x1f: {  	s5 =	simm.s32 $0x4;
	s10 =	sadd.s32 $0x42400, s0;
	[dreg:$0x1b] =	wrdreg s8  }
0x20: {  	s21 =	simm.s32 $0x14780;
	s12 =	sadd.s32 $0x42900, s0;
	[dreg:$0x1c] =	wrdreg s10  }
0x21: {  	s17 =	simm.s32 $0x5;
	s14 =	sadd.s32 $0x42E00, s0;
	[dreg:$0x1d] =	wrdreg s12  }
0x22: {  	s6 =	simm.s32 $0x14C00;
	s0 =	sadd.s32 $0x43300, s0;
	[dreg:$0x1e] =	wrdreg s14  }
0x23: {  	s9 =	simm.s32 $0x14580;
	s20 =	simm.s32 $0x14E80;
	[dreg:$0x1f] =	wrdreg s0  }
0x24: {  	s24 =	simm.s32 $0x15000;
	s22 =	simm.s32 $0x14B00;
	s26 =	simm.s32 $0x14480  }
0x25: {  	s0 =	simm.s32 $0x1;
	s8 =	simm.s32 $0x14C80;
	s10 =	simm.s32 $0x14D00  }
0x26: {  	s12 =	simm.s32 $0x14D80;
	s14 =	simm.s32 $0x14E00;
	[dreg:$0x12] =	wrdreg s22  }
0x27: {  	[dreg:$0x15] =	wrdreg s26;
	s26 =	simm.s32 $0x15380;
	s22 =	simm.s32 $0x14F00  }
.LBB2_1:
0x28: {  	s18 =	rddreg [dreg:$0x16]  }
0x29: {  	[tilespmem:s16], [sflag:$0x5] =	stream.linear.gather [hbm4b:s18+s3], $0x2800, $0x38;
	[tilespmem:$0x1A400] =	vst v63  }
0x2a: {  	_ =	swait.ge [sflag:s17], $0x2800  }
0x2b: {  	[sflag:s17] =	ssyncset.done $0x0  }
0x2c: {  	s18 =	rddreg [dreg:$0x17];
	[sflag:s17] =	ssyncadd.s32 $0xFFFFD800  }
0x2d: {  	[tilespmem:s24], [sflag:$0x5] =	stream.linear.gather [hbm4b:s18+s3], $0x400, $0x38;
	[tilespmem:$0x1A400] =	vst v63  }
0x2e: {  	_ =	swait.ge [sflag:s17], $0x400  }
0x2f: {  	[sflag:s17] =	ssyncset.done $0x0  }
0x30: {  	[sflag:s17] =	ssyncadd.s32 $0xFFFFFC00  }
0x31: {  	[spmem:s1] =	stream.indirect.scatter [tilespmem:s16], [sflag:$0x3], $0x80, s24, s19, $0xb8;
	[tilespmem:$0x1A400] =	vst v63  }
0x32: {  	s24 =	simm.s32 $0x15080  }
0x33: {  	[spmem:s1] =	stream.indirect.scatter [tilespmem:s16], [sflag:$0x3], $0x80, s24, s19, $0xb8;
	[tilespmem:$0x1A400] =	vst v63  }
0x34: {  	s24 =	simm.s32 $0x15100  }
0x35: {  	[spmem:s1] =	stream.indirect.scatter [tilespmem:s16], [sflag:$0x3], $0x80, s24, s19, $0xb8;
	[tilespmem:$0x1A400] =	vst v63  }
0x36: {  	s24 =	simm.s32 $0x15180  }
0x37: {  	[spmem:s1] =	stream.indirect.scatter [tilespmem:s16], [sflag:$0x3], $0x80, s24, s19, $0xb8;
	[tilespmem:$0x1A400] =	vst v63  }
0x38: {  	s24 =	simm.s32 $0x15200  }
0x39: {  	[spmem:s1] =	stream.indirect.scatter [tilespmem:s16], [sflag:$0x3], $0x80, s24, s19, $0xb8;
	[tilespmem:$0x1A400] =	vst v63  }
0x3a: {  	s24 =	simm.s32 $0x15280  }
0x3b: {  	[spmem:s1] =	stream.indirect.scatter [tilespmem:s16], [sflag:$0x3], $0x80, s24, s19, $0xb8;
	[tilespmem:$0x1A400] =	vst v63  }
0x3c: {  	_ = 	snop  }
0x3d: {  	[spmem:s1] =	stream.indirect.scatter [tilespmem:s16], [sflag:$0x3], $0x80, s25, s19, $0xb8;
	[tilespmem:$0x1A400] =	vst v63  }
0x3e: {  	_ = 	snop  }
0x3f: {  	[spmem:s1] =	stream.indirect.scatter [tilespmem:s16], [sflag:$0x3], $0x80, s26, s19, $0xb8;
	[tilespmem:$0x1A400] =	vst v63  }
0x40: {  	_ =	swait.ge [sflag:s28], $0x2800  }
0x41: {  	[sflag:s28] =	ssyncset.done $0x0  }
0x42: {  	[sflag:s28] =	ssyncadd.s32 $0xFFFFD800  }
0x43: {  	_ =	swait.ge [sflag:s28], $0x2800  }
0x44: {  	[sflag:s28] =	ssyncset.done $0x0  }
0x45: {  	[sflag:s28] =	ssyncadd.s32 $0xFFFFD800  }
0x46: {  	_ =	swait.ge [sflag:s28], $0x2800  }
0x47: {  	[sflag:s28] =	ssyncset.done $0x0  }
0x48: {  	[sflag:s28] =	ssyncadd.s32 $0xFFFFD800  }
0x49: {  	_ =	swait.ge [sflag:s28], $0x2800  }
0x4a: {  	[sflag:s28] =	ssyncset.done $0x0  }
0x4b: {  	[sflag:s28] =	ssyncadd.s32 $0xFFFFD800  }
0x4c: {  	_ =	swait.ge [sflag:s28], $0x2800  }
0x4d: {  	[sflag:s28] =	ssyncset.done $0x0  }
0x4e: {  	[sflag:s28] =	ssyncadd.s32 $0xFFFFD800  }
0x4f: {  	_ =	swait.ge [sflag:s28], $0x2800  }
0x50: {  	[sflag:s28] =	ssyncset.done $0x0  }
0x51: {  	[sflag:s28] =	ssyncadd.s32 $0xFFFFD800  }
0x52: {  	_ =	swait.ge [sflag:s28], $0x2800  }
0x53: {  	[sflag:s28] =	ssyncset.done $0x0  }
0x54: {  	[sflag:s28] =	ssyncadd.s32 $0xFFFFD800  }
0x55: {  	_ =	swait.ge [sflag:s28], $0x2800  }
0x56: {  	[sflag:s28] =	ssyncset.done $0x0  }
0x57: {  	[sflag:s28] =	ssyncadd.s32 $0xFFFFD800  }
0x58: {  	[bflag:$0x0] =	sbarrier.arrive $0xFFFF  }
0x59: {  	s24 =	rddreg [dreg:$0x5]  }
0x5a: {  	s18 =	sadd.s32 $0x0, s24  }
0x5b: {  	[tilespmem:s29], [sflag:$0x5] =	stream.linear.gather [hbm4b:s18+s3], $0x800, $0x38;
	[tilespmem:$0x1A400] =	vst v63  }
0x5c: {  	_ =	swait.ge [sflag:s17], $0x800  }
0x5d: {  	s25 =	rddreg [dreg:$0x4];
	[sflag:s17] =	ssyncset.done $0x0  }
0x5e: {  	[sflag:s17] =	ssyncadd.s32 $0xFFFFF800;
	s18 =	sadd.s32 $0x0, s25  }
0x5f: {  	[tilespmem:s30], [sflag:$0x5] =	stream.linear.gather [hbm4b:s18+s3], $0x800, $0x38;
	[tilespmem:$0x1A400] =	vst v63  }
0x60: {  	_ =	swait.ge [sflag:s17], $0x800  }
0x61: {  	[sflag:s17] =	ssyncset.done $0x0  }
0x62: {  	[sflag:s17] =	ssyncadd.s32 $0xFFFFF800  }
0x63: {  	[tilespmem:s16], [sflag:$0x1] =	stream.indirect.gather [hbm4b:s4+s19], $0x80, s29, s19, $0xb8;
	[tilespmem:$0x1A400] =	vst v63  }
0x64: {  	s26 =	rddreg [dreg:$0x6]  }
0x65: {  	[tilespmem:s31], [sflag:$0x2] =	stream.indirect.gather [hbm4b:s4+s19], $0x80, s26, s19, $0xb8;
	[tilespmem:$0x1A400] =	vst v63  }
0x66: {  	_ =	swait.ge [sflag:s0], $0x2800  }
0x67: {  	[sflag:s0] =	ssyncset.done $0x0  }
0x68: {  	[sflag:s0] =	ssyncadd.s32 $0xFFFFD800  }
0x69: {  	[spmem:s1] =	stream.indirect.scatter.add.f32 [tilespmem:s16], [sflag:$0x3], $0x80, s30, s19, $0xb8;
	[tilespmem:$0x1A400] =	vst v63  }
0x6a: {  	_ =	swait.ge [sflag:s28], $0x2800  }
0x6b: {  	[sflag:s28] =	ssyncset.done $0x0  }
0x6c: {  	s24 =	rddreg [dreg:$0x7];
	[sflag:s28] =	ssyncadd.s32 $0xFFFFD800  }
0x6d: {  	[tilespmem:s16], [sflag:$0x1] =	stream.indirect.gather [hbm4b:s4+s19], $0x80, s24, s19, $0xb8;
	[tilespmem:$0x1A400] =	vst v63  }
0x6e: {  	_ =	swait.ge [sflag:s2], $0x2800  }
0x6f: {  	[sflag:s2] =	ssyncset.done $0x0  }
0x70: {  	s25 =	rddreg [dreg:$0x8];
	[sflag:s2] =	ssyncadd.s32 $0xFFFFD800  }
0x71: {  	[spmem:s1] =	stream.indirect.scatter.add.f32 [tilespmem:s31], [sflag:$0x4], $0x80, s25, s19, $0xb8;
	[tilespmem:$0x1A400] =	vst v63  }
0x72: {  	_ =	swait.ge [sflag:s5], $0x2800  }
0x73: {  	[sflag:s5] =	ssyncset.done $0x0  }
0x74: {  	s26 =	rddreg [dreg:$0x9];
	[sflag:s5] =	ssyncadd.s32 $0xFFFFD800  }
0x75: {  	[tilespmem:s31], [sflag:$0x2] =	stream.indirect.gather [hbm4b:s4+s19], $0x80, s26, s19, $0xb8;
	[tilespmem:$0x1A400] =	vst v63  }
0x76: {  	_ =	swait.ge [sflag:s0], $0x2800  }
0x77: {  	[sflag:s0] =	ssyncset.done $0x0  }
0x78: {  	s24 =	rddreg [dreg:$0xa];
	[sflag:s0] =	ssyncadd.s32 $0xFFFFD800  }
0x79: {  	[spmem:s1] =	stream.indirect.scatter.add.f32 [tilespmem:s16], [sflag:$0x3], $0x80, s24, s19, $0xb8;
	[tilespmem:$0x1A400] =	vst v63  }
0x7a: {  	_ =	swait.ge [sflag:s28], $0x2800  }
0x7b: {  	[sflag:s28] =	ssyncset.done $0x0  }
0x7c: {  	s25 =	rddreg [dreg:$0xb];
	[sflag:s28] =	ssyncadd.s32 $0xFFFFD800  }
0x7d: {  	[tilespmem:s16], [sflag:$0x1] =	stream.indirect.gather [hbm4b:s4+s19], $0x80, s25, s19, $0xb8;
	[tilespmem:$0x1A400] =	vst v63  }
0x7e: {  	_ =	swait.ge [sflag:s2], $0x2800  }
0x7f: {  	[sflag:s2] =	ssyncset.done $0x0  }
0x80: {  	s26 =	rddreg [dreg:$0xc];
	[sflag:s2] =	ssyncadd.s32 $0xFFFFD800  }
0x81: {  	[spmem:s1] =	stream.indirect.scatter.add.f32 [tilespmem:s31], [sflag:$0x4], $0x80, s26, s19, $0xb8;
	[tilespmem:$0x1A400] =	vst v63  }
0x82: {  	_ =	swait.ge [sflag:s5], $0x2800  }
0x83: {  	[sflag:s5] =	ssyncset.done $0x0  }
0x84: {  	s24 =	rddreg [dreg:$0xd];
	[sflag:s5] =	ssyncadd.s32 $0xFFFFD800  }
0x85: {  	[tilespmem:s31], [sflag:$0x2] =	stream.indirect.gather [hbm4b:s4+s19], $0x80, s24, s19, $0xb8;
	[tilespmem:$0x1A400] =	vst v63  }
0x86: {  	_ =	swait.ge [sflag:s0], $0x2800  }
0x87: {  	[sflag:s0] =	ssyncset.done $0x0  }
0x88: {  	s25 =	rddreg [dreg:$0xe];
	[sflag:s0] =	ssyncadd.s32 $0xFFFFD800  }
0x89: {  	[spmem:s1] =	stream.indirect.scatter.add.f32 [tilespmem:s16], [sflag:$0x3], $0x80, s25, s19, $0xb8;
	[tilespmem:$0x1A400] =	vst v63  }
0x8a: {  	_ =	swait.ge [sflag:s28], $0x2800  }
0x8b: {  	[sflag:s28] =	ssyncset.done $0x0  }
0x8c: {  	s26 =	rddreg [dreg:$0xf];
	[sflag:s28] =	ssyncadd.s32 $0xFFFFD800  }
0x8d: {  	[tilespmem:s16], [sflag:$0x1] =	stream.indirect.gather [hbm4b:s4+s19], $0x80, s26, s19, $0xb8;
	[tilespmem:$0x1A400] =	vst v63  }
0x8e: {  	_ =	swait.ge [sflag:s2], $0x2800  }
0x8f: {  	[sflag:s2] =	ssyncset.done $0x0  }
0x90: {  	s24 =	rddreg [dreg:$0x10];
	[sflag:s2] =	ssyncadd.s32 $0xFFFFD800  }
0x91: {  	[spmem:s1] =	stream.indirect.scatter.add.f32 [tilespmem:s31], [sflag:$0x4], $0x80, s24, s19, $0xb8;
	[tilespmem:$0x1A400] =	vst v63  }
0x92: {  	_ =	swait.ge [sflag:s5], $0x2800  }
0x93: {  	[sflag:s5] =	ssyncset.done $0x0  }
0x94: {  	s25 =	rddreg [dreg:$0x11];
	[sflag:s5] =	ssyncadd.s32 $0xFFFFD800  }
0x95: {  	[tilespmem:s31], [sflag:$0x2] =	stream.indirect.gather [hbm4b:s4+s19], $0x80, s25, s19, $0xb8;
	[tilespmem:$0x1A400] =	vst v63  }
0x96: {  	_ =	swait.ge [sflag:s0], $0x2800  }
0x97: {  	[sflag:s0] =	ssyncset.done $0x0  }
0x98: {  	s26 =	rddreg [dreg:$0x12];
	[sflag:s0] =	ssyncadd.s32 $0xFFFFD800  }
0x99: {  	[spmem:s1] =	stream.indirect.scatter.add.f32 [tilespmem:s16], [sflag:$0x3], $0x80, s26, s19, $0xb8;
	[tilespmem:$0x1A400] =	vst v63  }
0x9a: {  	_ =	swait.ge [sflag:s28], $0x2800  }
0x9b: {  	[sflag:s28] =	ssyncset.done $0x0  }
0x9c: {  	s24 =	rddreg [dreg:$0x13];
	[sflag:s28] =	ssyncadd.s32 $0xFFFFD800  }
0x9d: {  	[tilespmem:s16], [sflag:$0x1] =	stream.indirect.gather [hbm4b:s4+s19], $0x80, s24, s19, $0xb8;
	[tilespmem:$0x1A400] =	vst v63  }
0x9e: {  	_ =	swait.ge [sflag:s2], $0x2800  }
0x9f: {  	[sflag:s2] =	ssyncset.done $0x0  }
0xa0: {  	s25 =	rddreg [dreg:$0x14];
	[sflag:s2] =	ssyncadd.s32 $0xFFFFD800  }
0xa1: {  	[spmem:s1] =	stream.indirect.scatter.add.f32 [tilespmem:s31], [sflag:$0x4], $0x80, s25, s19, $0xb8;
	[tilespmem:$0x1A400] =	vst v63  }
0xa2: {  	_ =	swait.ge [sflag:s5], $0x2800  }
0xa3: {  	[sflag:s5] =	ssyncset.done $0x0  }
0xa4: {  	s26 =	rddreg [dreg:$0x15];
	[sflag:s5] =	ssyncadd.s32 $0xFFFFD800  }
0xa5: {  	[tilespmem:s31], [sflag:$0x2] =	stream.indirect.gather [hbm4b:s4+s19], $0x80, s26, s19, $0xb8;
	[tilespmem:$0x1A400] =	vst v63  }
0xa6: {  	_ =	swait.ge [sflag:s0], $0x2800  }
0xa7: {  	[sflag:s0] =	ssyncset.done $0x0  }
0xa8: {  	[sflag:s0] =	ssyncadd.s32 $0xFFFFD800  }
0xa9: {  	[spmem:s1] =	stream.indirect.scatter.add.f32 [tilespmem:s16], [sflag:$0x3], $0x80, s6, s19, $0xb8;
	[tilespmem:$0x1A400] =	vst v63  }
0xaa: {  	_ =	swait.ge [sflag:s28], $0x2800  }
0xab: {  	[sflag:s28] =	ssyncset.done $0x0  }
0xac: {  	[sflag:s28] =	ssyncadd.s32 $0xFFFFD800  }
0xad: {  	[tilespmem:s16], [sflag:$0x1] =	stream.indirect.gather [hbm4b:s4+s19], $0x80, s7, s19, $0xb8;
	[tilespmem:$0x1A400] =	vst v63  }
0xae: {  	_ =	swait.ge [sflag:s2], $0x2800  }
0xaf: {  	[sflag:s2] =	ssyncset.done $0x0  }
0xb0: {  	[sflag:s2] =	ssyncadd.s32 $0xFFFFD800  }
0xb1: {  	[spmem:s1] =	stream.indirect.scatter.add.f32 [tilespmem:s31], [sflag:$0x4], $0x80, s8, s19, $0xb8;
	[tilespmem:$0x1A400] =	vst v63  }
0xb2: {  	_ =	swait.ge [sflag:s5], $0x2800  }
0xb3: {  	[sflag:s5] =	ssyncset.done $0x0  }
0xb4: {  	[sflag:s5] =	ssyncadd.s32 $0xFFFFD800  }
0xb5: {  	[tilespmem:s31], [sflag:$0x2] =	stream.indirect.gather [hbm4b:s4+s19], $0x80, s9, s19, $0xb8;
	[tilespmem:$0x1A400] =	vst v63  }
0xb6: {  	_ =	swait.ge [sflag:s0], $0x2800  }
0xb7: {  	[sflag:s0] =	ssyncset.done $0x0  }
0xb8: {  	[sflag:s0] =	ssyncadd.s32 $0xFFFFD800  }
0xb9: {  	[spmem:s1] =	stream.indirect.scatter.add.f32 [tilespmem:s16], [sflag:$0x3], $0x80, s10, s19, $0xb8;
	[tilespmem:$0x1A400] =	vst v63  }
0xba: {  	_ =	swait.ge [sflag:s28], $0x2800  }
0xbb: {  	[sflag:s28] =	ssyncset.done $0x0  }
0xbc: {  	[sflag:s28] =	ssyncadd.s32 $0xFFFFD800  }
0xbd: {  	[tilespmem:s16], [sflag:$0x1] =	stream.indirect.gather [hbm4b:s4+s19], $0x80, s11, s19, $0xb8;
	[tilespmem:$0x1A400] =	vst v63  }
0xbe: {  	_ =	swait.ge [sflag:s2], $0x2800  }
0xbf: {  	[sflag:s2] =	ssyncset.done $0x0  }
0xc0: {  	[sflag:s2] =	ssyncadd.s32 $0xFFFFD800  }
0xc1: {  	[spmem:s1] =	stream.indirect.scatter.add.f32 [tilespmem:s31], [sflag:$0x4], $0x80, s12, s19, $0xb8;
	[tilespmem:$0x1A400] =	vst v63  }
0xc2: {  	_ =	swait.ge [sflag:s5], $0x2800  }
0xc3: {  	[sflag:s5] =	ssyncset.done $0x0  }
0xc4: {  	[sflag:s5] =	ssyncadd.s32 $0xFFFFD800  }
0xc5: {  	[tilespmem:s31], [sflag:$0x2] =	stream.indirect.gather [hbm4b:s4+s19], $0x80, s13, s19, $0xb8;
	[tilespmem:$0x1A400] =	vst v63  }
0xc6: {  	_ =	swait.ge [sflag:s0], $0x2800  }
0xc7: {  	[sflag:s0] =	ssyncset.done $0x0  }
0xc8: {  	[sflag:s0] =	ssyncadd.s32 $0xFFFFD800  }
0xc9: {  	[spmem:s1] =	stream.indirect.scatter.add.f32 [tilespmem:s16], [sflag:$0x3], $0x80, s14, s19, $0xb8;
	[tilespmem:$0x1A400] =	vst v63  }
0xca: {  	_ =	swait.ge [sflag:s28], $0x2800  }
0xcb: {  	[sflag:s28] =	ssyncset.done $0x0  }
0xcc: {  	[sflag:s28] =	ssyncadd.s32 $0xFFFFD800  }
0xcd: {  	[tilespmem:s16], [sflag:$0x1] =	stream.indirect.gather [hbm4b:s4+s19], $0x80, s15, s19, $0xb8;
	[tilespmem:$0x1A400] =	vst v63  }
0xce: {  	_ =	swait.ge [sflag:s2], $0x2800  }
0xcf: {  	[sflag:s2] =	ssyncset.done $0x0  }
0xd0: {  	[sflag:s2] =	ssyncadd.s32 $0xFFFFD800  }
0xd1: {  	[spmem:s1] =	stream.indirect.scatter.add.f32 [tilespmem:s31], [sflag:$0x4], $0x80, s20, s19, $0xb8;
	[tilespmem:$0x1A400] =	vst v63  }
0xd2: {  	_ =	swait.ge [sflag:s5], $0x2800  }
0xd3: {  	[sflag:s5] =	ssyncset.done $0x0  }
0xd4: {  	[sflag:s5] =	ssyncadd.s32 $0xFFFFD800  }
0xd5: {  	[tilespmem:s31], [sflag:$0x2] =	stream.indirect.gather [hbm4b:s4+s19], $0x80, s21, s19, $0xb8;
	[tilespmem:$0x1A400] =	vst v63  }
0xd6: {  	_ =	swait.ge [sflag:s0], $0x2800  }
0xd7: {  	[sflag:s0] =	ssyncset.done $0x0  }
0xd8: {  	[sflag:s0] =	ssyncadd.s32 $0xFFFFD800  }
0xd9: {  	[spmem:s1] =	stream.indirect.scatter.add.f32 [tilespmem:s16], [sflag:$0x3], $0x80, s22, s19, $0xb8;
	[tilespmem:$0x1A400] =	vst v63  }
0xda: {  	_ =	swait.ge [sflag:s2], $0x2800  }
0xdb: {  	[sflag:s2] =	ssyncset.done $0x0  }
0xdc: {  	[sflag:s2] =	ssyncadd.s32 $0xFFFFD800  }
0xdd: {  	[spmem:s1] =	stream.indirect.scatter.add.f32 [tilespmem:s31], [sflag:$0x4], $0x80, s23, s19, $0xb8;
	[tilespmem:$0x1A400] =	vst v63  }
0xde: {  	_ =	swait.ge [sflag:s28], $0x2800  }
0xdf: {  	[sflag:s28] =	ssyncset.done $0x0  }
0xe0: {  	[sflag:s28] =	ssyncadd.s32 $0xFFFFD800  }
0xe1: {  	s25 =	simm.s32 $0x100;
	_ =	swait.ge [sflag:s5], $0x2800  }
0xe2: {  	s26 =	simm.s32 $0x200;
	s18 =	rddreg [dreg:$0x5];
	[sflag:s5] =	ssyncset.done $0x0  }
.LBB2_2:
0xe3: {  	[sflag:s5] =	ssyncadd.s32 $0xFFFFD800;
	s18 =	sadd.s32 s25, s18  }
0xe4: {  	[tilespmem:s29], [sflag:$0x5] =	stream.linear.gather [hbm4b:s18+s3], $0x800, $0x38;
	[tilespmem:$0x1A400] =	vst v63  }
0xe5: {  	_ =	swait.ge [sflag:s17], $0x800  }
0xe6: {  	s18 =	rddreg [dreg:$0x4];
	[sflag:s17] =	ssyncset.done $0x0  }
0xe7: {  	[sflag:s17] =	ssyncadd.s32 $0xFFFFF800;
	s18 =	sadd.s32 s25, s18  }
0xe8: {  	[tilespmem:s30], [sflag:$0x5] =	stream.linear.gather [hbm4b:s18+s3], $0x800, $0x38;
	[tilespmem:$0x1A400] =	vst v63  }
0xe9: {  	_ =	swait.ge [sflag:s17], $0x800  }
0xea: {  	[sflag:s17] =	ssyncset.done $0x0  }
0xeb: {  	s24 =	smov.u32 s26;
	[sflag:s17] =	ssyncadd.s32 $0xFFFFF800  }
0xec: {  	[tilespmem:s16], [sflag:$0x1] =	stream.indirect.gather [hbm4b:s4+s19], $0x80, s29, s19, $0xb8;
	[tilespmem:$0x1A400] =	vst v63  }
0xed: {  	s25 =	smov.u32 s24;
	s24 =	rddreg [dreg:$0x6]  }
0xee: {  	[tilespmem:s31], [sflag:$0x2] =	stream.indirect.gather [hbm4b:s4+s19], $0x80, s24, s19, $0xb8;
	[tilespmem:$0x1A400] =	vst v63  }
0xef: {  	_ =	swait.ge [sflag:s0], $0x2800  }
0xf0: {  	[sflag:s0] =	ssyncset.done $0x0  }
0xf1: {  	[sflag:s0] =	ssyncadd.s32 $0xFFFFD800  }
0xf2: {  	[spmem:s1] =	stream.indirect.scatter.add.f32 [tilespmem:s16], [sflag:$0x3], $0x80, s30, s19, $0xb8;
	[tilespmem:$0x1A400] =	vst v63  }
0xf3: {  	_ =	swait.ge [sflag:s28], $0x2800  }
0xf4: {  	[sflag:s28] =	ssyncset.done $0x0  }
0xf5: {  	s24 =	rddreg [dreg:$0x7];
	[sflag:s28] =	ssyncadd.s32 $0xFFFFD800  }
0xf6: {  	[tilespmem:s16], [sflag:$0x1] =	stream.indirect.gather [hbm4b:s4+s19], $0x80, s24, s19, $0xb8;
	[tilespmem:$0x1A400] =	vst v63  }
0xf7: {  	_ =	swait.ge [sflag:s2], $0x2800  }
0xf8: {  	[sflag:s2] =	ssyncset.done $0x0  }
0xf9: {  	s24 =	rddreg [dreg:$0x8];
	[sflag:s2] =	ssyncadd.s32 $0xFFFFD800  }
0xfa: {  	[spmem:s1] =	stream.indirect.scatter.add.f32 [tilespmem:s31], [sflag:$0x4], $0x80, s24, s19, $0xb8;
	[tilespmem:$0x1A400] =	vst v63  }
0xfb: {  	_ =	swait.ge [sflag:s5], $0x2800  }
0xfc: {  	[sflag:s5] =	ssyncset.done $0x0  }
0xfd: {  	s24 =	rddreg [dreg:$0x9];
	[sflag:s5] =	ssyncadd.s32 $0xFFFFD800  }
0xfe: {  	[tilespmem:s31], [sflag:$0x2] =	stream.indirect.gather [hbm4b:s4+s19], $0x80, s24, s19, $0xb8;
	[tilespmem:$0x1A400] =	vst v63  }
0xff: {  	_ =	swait.ge [sflag:s0], $0x2800  }
0x100: {  	[sflag:s0] =	ssyncset.done $0x0  }
0x101: {  	s24 =	rddreg [dreg:$0xa];
	[sflag:s0] =	ssyncadd.s32 $0xFFFFD800  }
0x102: {  	[spmem:s1] =	stream.indirect.scatter.add.f32 [tilespmem:s16], [sflag:$0x3], $0x80, s24, s19, $0xb8;
	[tilespmem:$0x1A400] =	vst v63  }
0x103: {  	_ =	swait.ge [sflag:s28], $0x2800  }
0x104: {  	[sflag:s28] =	ssyncset.done $0x0  }
0x105: {  	s24 =	rddreg [dreg:$0xb];
	[sflag:s28] =	ssyncadd.s32 $0xFFFFD800  }
0x106: {  	[tilespmem:s16], [sflag:$0x1] =	stream.indirect.gather [hbm4b:s4+s19], $0x80, s24, s19, $0xb8;
	[tilespmem:$0x1A400] =	vst v63  }
0x107: {  	_ =	swait.ge [sflag:s2], $0x2800  }
0x108: {  	[sflag:s2] =	ssyncset.done $0x0  }
0x109: {  	s24 =	rddreg [dreg:$0xc];
	[sflag:s2] =	ssyncadd.s32 $0xFFFFD800  }
0x10a: {  	[spmem:s1] =	stream.indirect.scatter.add.f32 [tilespmem:s31], [sflag:$0x4], $0x80, s24, s19, $0xb8;
	[tilespmem:$0x1A400] =	vst v63  }
0x10b: {  	_ =	swait.ge [sflag:s5], $0x2800  }
0x10c: {  	[sflag:s5] =	ssyncset.done $0x0  }
0x10d: {  	s24 =	rddreg [dreg:$0xd];
	[sflag:s5] =	ssyncadd.s32 $0xFFFFD800  }
0x10e: {  	[tilespmem:s31], [sflag:$0x2] =	stream.indirect.gather [hbm4b:s4+s19], $0x80, s24, s19, $0xb8;
	[tilespmem:$0x1A400] =	vst v63  }
0x10f: {  	_ =	swait.ge [sflag:s0], $0x2800  }
0x110: {  	[sflag:s0] =	ssyncset.done $0x0  }
0x111: {  	s24 =	rddreg [dreg:$0xe];
	[sflag:s0] =	ssyncadd.s32 $0xFFFFD800  }
0x112: {  	[spmem:s1] =	stream.indirect.scatter.add.f32 [tilespmem:s16], [sflag:$0x3], $0x80, s24, s19, $0xb8;
	[tilespmem:$0x1A400] =	vst v63  }
0x113: {  	_ =	swait.ge [sflag:s28], $0x2800  }
0x114: {  	[sflag:s28] =	ssyncset.done $0x0  }
0x115: {  	s24 =	rddreg [dreg:$0xf];
	[sflag:s28] =	ssyncadd.s32 $0xFFFFD800  }
0x116: {  	[tilespmem:s16], [sflag:$0x1] =	stream.indirect.gather [hbm4b:s4+s19], $0x80, s24, s19, $0xb8;
	[tilespmem:$0x1A400] =	vst v63  }
0x117: {  	_ =	swait.ge [sflag:s2], $0x2800  }
0x118: {  	[sflag:s2] =	ssyncset.done $0x0  }
0x119: {  	s24 =	rddreg [dreg:$0x10];
	[sflag:s2] =	ssyncadd.s32 $0xFFFFD800  }
0x11a: {  	[spmem:s1] =	stream.indirect.scatter.add.f32 [tilespmem:s31], [sflag:$0x4], $0x80, s24, s19, $0xb8;
	[tilespmem:$0x1A400] =	vst v63  }
0x11b: {  	_ =	swait.ge [sflag:s5], $0x2800  }
0x11c: {  	[sflag:s5] =	ssyncset.done $0x0  }
0x11d: {  	s24 =	rddreg [dreg:$0x11];
	[sflag:s5] =	ssyncadd.s32 $0xFFFFD800  }
0x11e: {  	[tilespmem:s31], [sflag:$0x2] =	stream.indirect.gather [hbm4b:s4+s19], $0x80, s24, s19, $0xb8;
	[tilespmem:$0x1A400] =	vst v63  }
0x11f: {  	_ =	swait.ge [sflag:s0], $0x2800  }
0x120: {  	[sflag:s0] =	ssyncset.done $0x0  }
0x121: {  	s24 =	rddreg [dreg:$0x12];
	[sflag:s0] =	ssyncadd.s32 $0xFFFFD800  }
0x122: {  	[spmem:s1] =	stream.indirect.scatter.add.f32 [tilespmem:s16], [sflag:$0x3], $0x80, s24, s19, $0xb8;
	[tilespmem:$0x1A400] =	vst v63  }
0x123: {  	_ =	swait.ge [sflag:s28], $0x2800  }
0x124: {  	[sflag:s28] =	ssyncset.done $0x0  }
0x125: {  	s24 =	rddreg [dreg:$0x13];
	[sflag:s28] =	ssyncadd.s32 $0xFFFFD800  }
0x126: {  	[tilespmem:s16], [sflag:$0x1] =	stream.indirect.gather [hbm4b:s4+s19], $0x80, s24, s19, $0xb8;
	[tilespmem:$0x1A400] =	vst v63  }
0x127: {  	_ =	swait.ge [sflag:s2], $0x2800  }
0x128: {  	[sflag:s2] =	ssyncset.done $0x0  }
0x129: {  	s24 =	rddreg [dreg:$0x14];
	[sflag:s2] =	ssyncadd.s32 $0xFFFFD800  }
0x12a: {  	[spmem:s1] =	stream.indirect.scatter.add.f32 [tilespmem:s31], [sflag:$0x4], $0x80, s24, s19, $0xb8;
	[tilespmem:$0x1A400] =	vst v63  }
0x12b: {  	_ =	swait.ge [sflag:s5], $0x2800  }
0x12c: {  	[sflag:s5] =	ssyncset.done $0x0  }
0x12d: {  	s24 =	rddreg [dreg:$0x15];
	[sflag:s5] =	ssyncadd.s32 $0xFFFFD800  }
0x12e: {  	[tilespmem:s31], [sflag:$0x2] =	stream.indirect.gather [hbm4b:s4+s19], $0x80, s24, s19, $0xb8;
	[tilespmem:$0x1A400] =	vst v63  }
0x12f: {  	_ =	swait.ge [sflag:s0], $0x2800  }
0x130: {  	[sflag:s0] =	ssyncset.done $0x0  }
0x131: {  	[sflag:s0] =	ssyncadd.s32 $0xFFFFD800  }
0x132: {  	[spmem:s1] =	stream.indirect.scatter.add.f32 [tilespmem:s16], [sflag:$0x3], $0x80, s6, s19, $0xb8;
	[tilespmem:$0x1A400] =	vst v63  }
0x133: {  	_ =	swait.ge [sflag:s28], $0x2800  }
0x134: {  	[sflag:s28] =	ssyncset.done $0x0  }
0x135: {  	[sflag:s28] =	ssyncadd.s32 $0xFFFFD800  }
0x136: {  	[tilespmem:s16], [sflag:$0x1] =	stream.indirect.gather [hbm4b:s4+s19], $0x80, s7, s19, $0xb8;
	[tilespmem:$0x1A400] =	vst v63  }
0x137: {  	_ =	swait.ge [sflag:s2], $0x2800  }
0x138: {  	[sflag:s2] =	ssyncset.done $0x0  }
0x139: {  	[sflag:s2] =	ssyncadd.s32 $0xFFFFD800  }
0x13a: {  	[spmem:s1] =	stream.indirect.scatter.add.f32 [tilespmem:s31], [sflag:$0x4], $0x80, s8, s19, $0xb8;
	[tilespmem:$0x1A400] =	vst v63  }
0x13b: {  	_ =	swait.ge [sflag:s5], $0x2800  }
0x13c: {  	[sflag:s5] =	ssyncset.done $0x0  }
0x13d: {  	[sflag:s5] =	ssyncadd.s32 $0xFFFFD800  }
0x13e: {  	[tilespmem:s31], [sflag:$0x2] =	stream.indirect.gather [hbm4b:s4+s19], $0x80, s9, s19, $0xb8;
	[tilespmem:$0x1A400] =	vst v63  }
0x13f: {  	_ =	swait.ge [sflag:s0], $0x2800  }
0x140: {  	[sflag:s0] =	ssyncset.done $0x0  }
0x141: {  	[sflag:s0] =	ssyncadd.s32 $0xFFFFD800  }
0x142: {  	[spmem:s1] =	stream.indirect.scatter.add.f32 [tilespmem:s16], [sflag:$0x3], $0x80, s10, s19, $0xb8;
	[tilespmem:$0x1A400] =	vst v63  }
0x143: {  	_ =	swait.ge [sflag:s28], $0x2800  }
0x144: {  	[sflag:s28] =	ssyncset.done $0x0  }
0x145: {  	[sflag:s28] =	ssyncadd.s32 $0xFFFFD800  }
0x146: {  	[tilespmem:s16], [sflag:$0x1] =	stream.indirect.gather [hbm4b:s4+s19], $0x80, s11, s19, $0xb8;
	[tilespmem:$0x1A400] =	vst v63  }
0x147: {  	_ =	swait.ge [sflag:s2], $0x2800  }
0x148: {  	[sflag:s2] =	ssyncset.done $0x0  }
0x149: {  	[sflag:s2] =	ssyncadd.s32 $0xFFFFD800  }
0x14a: {  	[spmem:s1] =	stream.indirect.scatter.add.f32 [tilespmem:s31], [sflag:$0x4], $0x80, s12, s19, $0xb8;
	[tilespmem:$0x1A400] =	vst v63  }
0x14b: {  	_ =	swait.ge [sflag:s5], $0x2800  }
0x14c: {  	[sflag:s5] =	ssyncset.done $0x0  }
0x14d: {  	[sflag:s5] =	ssyncadd.s32 $0xFFFFD800  }
0x14e: {  	[tilespmem:s31], [sflag:$0x2] =	stream.indirect.gather [hbm4b:s4+s19], $0x80, s13, s19, $0xb8;
	[tilespmem:$0x1A400] =	vst v63  }
0x14f: {  	_ =	swait.ge [sflag:s0], $0x2800  }
0x150: {  	[sflag:s0] =	ssyncset.done $0x0  }
0x151: {  	[sflag:s0] =	ssyncadd.s32 $0xFFFFD800  }
0x152: {  	[spmem:s1] =	stream.indirect.scatter.add.f32 [tilespmem:s16], [sflag:$0x3], $0x80, s14, s19, $0xb8;
	[tilespmem:$0x1A400] =	vst v63  }
0x153: {  	_ =	swait.ge [sflag:s28], $0x2800  }
0x154: {  	[sflag:s28] =	ssyncset.done $0x0  }
0x155: {  	[sflag:s28] =	ssyncadd.s32 $0xFFFFD800  }
0x156: {  	[tilespmem:s16], [sflag:$0x1] =	stream.indirect.gather [hbm4b:s4+s19], $0x80, s15, s19, $0xb8;
	[tilespmem:$0x1A400] =	vst v63  }
0x157: {  	_ =	swait.ge [sflag:s2], $0x2800  }
0x158: {  	[sflag:s2] =	ssyncset.done $0x0  }
0x159: {  	[sflag:s2] =	ssyncadd.s32 $0xFFFFD800  }
0x15a: {  	[spmem:s1] =	stream.indirect.scatter.add.f32 [tilespmem:s31], [sflag:$0x4], $0x80, s20, s19, $0xb8;
	[tilespmem:$0x1A400] =	vst v63  }
0x15b: {  	_ =	swait.ge [sflag:s5], $0x2800  }
0x15c: {  	[sflag:s5] =	ssyncset.done $0x0  }
0x15d: {  	[sflag:s5] =	ssyncadd.s32 $0xFFFFD800  }
0x15e: {  	[tilespmem:s31], [sflag:$0x2] =	stream.indirect.gather [hbm4b:s4+s19], $0x80, s21, s19, $0xb8;
	[tilespmem:$0x1A400] =	vst v63  }
0x15f: {  	_ =	swait.ge [sflag:s0], $0x2800  }
0x160: {  	[sflag:s0] =	ssyncset.done $0x0  }
0x161: {  	[sflag:s0] =	ssyncadd.s32 $0xFFFFD800  }
0x162: {  	[spmem:s1] =	stream.indirect.scatter.add.f32 [tilespmem:s16], [sflag:$0x3], $0x80, s22, s19, $0xb8;
	[tilespmem:$0x1A400] =	vst v63  }
0x163: {  	_ =	swait.ge [sflag:s2], $0x2800  }
0x164: {  	[sflag:s2] =	ssyncset.done $0x0  }
0x165: {  	p0 =	sne.s32 s26, $0x700;
	[sflag:s2] =	ssyncadd.s32 $0xFFFFD800  }
0x166: {  	[spmem:s1] =	stream.indirect.scatter.add.f32 [tilespmem:s31], [sflag:$0x4], $0x80, s23, s19, $0xb8;
	[tilespmem:$0x1A400] =	vst v63  }
.Ltmp0:
0x167: {  	_ =	swait.ge [sflag:s28], $0x2800;
	(pc) =	sbr.rel @p0 .LBB2_2-.Ltmp0, $4  }
0x168: {  	[sflag:s28] =	ssyncset.done $0x0  }
0x169: {  	[sflag:s28] =	ssyncadd.s32 $0xFFFFD800  }
0x16a: {  	_ =	swait.ge [sflag:s5], $0x2800  }
0x16b: {  	s26 =	sadd.s32 $0x100, s26;
	s18 =	rddreg [dreg:$0x5];
	[sflag:s5] =	ssyncset.done $0x0  }
0x16c: {  	[sflag:s5] =	ssyncadd.s32 $0xFFFFD800;
	s18 =	sadd.s32 s25, s18  }
0x16d: {  	[tilespmem:s29], [sflag:$0x5] =	stream.linear.gather [hbm4b:s18+s3], $0x800, $0x38;
	[tilespmem:$0x1A400] =	vst v63  }
0x16e: {  	_ =	swait.ge [sflag:s17], $0x800  }
0x16f: {  	s24 =	rddreg [dreg:$0x4];
	[sflag:s17] =	ssyncset.done $0x0  }
0x170: {  	s18 =	sadd.s32 s25, s24;
	[sflag:s17] =	ssyncadd.s32 $0xFFFFF800  }
0x171: {  	[tilespmem:s30], [sflag:$0x5] =	stream.linear.gather [hbm4b:s18+s3], $0x800, $0x38;
	[tilespmem:$0x1A400] =	vst v63  }
0x172: {  	_ =	swait.ge [sflag:s17], $0x800  }
0x173: {  	[sflag:s17] =	ssyncset.done $0x0  }
0x174: {  	[sflag:s17] =	ssyncadd.s32 $0xFFFFF800  }
0x175: {  	[tilespmem:s16], [sflag:$0x1] =	stream.indirect.gather [hbm4b:s4+s19], $0x80, s29, s19, $0xb8;
	[tilespmem:$0x1A400] =	vst v63  }
0x176: {  	s26 =	rddreg [dreg:$0x6]  }
0x177: {  	[tilespmem:s31], [sflag:$0x2] =	stream.indirect.gather [hbm4b:s4+s19], $0x80, s26, s19, $0xb8;
	[tilespmem:$0x1A400] =	vst v63  }
0x178: {  	_ =	swait.ge [sflag:s0], $0x2800  }
0x179: {  	[sflag:s0] =	ssyncset.done $0x0  }
0x17a: {  	[sflag:s0] =	ssyncadd.s32 $0xFFFFD800  }
0x17b: {  	[spmem:s1] =	stream.indirect.scatter.add.f32 [tilespmem:s16], [sflag:$0x3], $0x80, s30, s19, $0xb8;
	[tilespmem:$0x1A400] =	vst v63  }
0x17c: {  	_ =	swait.ge [sflag:s28], $0x2800  }
0x17d: {  	[sflag:s28] =	ssyncset.done $0x0  }
0x17e: {  	s24 =	rddreg [dreg:$0x7];
	[sflag:s28] =	ssyncadd.s32 $0xFFFFD800  }
0x17f: {  	[tilespmem:s16], [sflag:$0x1] =	stream.indirect.gather [hbm4b:s4+s19], $0x80, s24, s19, $0xb8;
	[tilespmem:$0x1A400] =	vst v63  }
0x180: {  	_ =	swait.ge [sflag:s2], $0x2800  }
0x181: {  	[sflag:s2] =	ssyncset.done $0x0  }
0x182: {  	s25 =	rddreg [dreg:$0x8];
	[sflag:s2] =	ssyncadd.s32 $0xFFFFD800  }
0x183: {  	[spmem:s1] =	stream.indirect.scatter.add.f32 [tilespmem:s31], [sflag:$0x4], $0x80, s25, s19, $0xb8;
	[tilespmem:$0x1A400] =	vst v63  }
0x184: {  	_ =	swait.ge [sflag:s5], $0x2800  }
0x185: {  	[sflag:s5] =	ssyncset.done $0x0  }
0x186: {  	s26 =	rddreg [dreg:$0x9];
	[sflag:s5] =	ssyncadd.s32 $0xFFFFD800  }
0x187: {  	[tilespmem:s31], [sflag:$0x2] =	stream.indirect.gather [hbm4b:s4+s19], $0x80, s26, s19, $0xb8;
	[tilespmem:$0x1A400] =	vst v63  }
0x188: {  	_ =	swait.ge [sflag:s0], $0x2800  }
0x189: {  	[sflag:s0] =	ssyncset.done $0x0  }
0x18a: {  	s24 =	rddreg [dreg:$0xa];
	[sflag:s0] =	ssyncadd.s32 $0xFFFFD800  }
0x18b: {  	[spmem:s1] =	stream.indirect.scatter.add.f32 [tilespmem:s16], [sflag:$0x3], $0x80, s24, s19, $0xb8;
	[tilespmem:$0x1A400] =	vst v63  }
0x18c: {  	_ =	swait.ge [sflag:s28], $0x2800  }
0x18d: {  	[sflag:s28] =	ssyncset.done $0x0  }
0x18e: {  	s25 =	rddreg [dreg:$0xb];
	[sflag:s28] =	ssyncadd.s32 $0xFFFFD800  }
0x18f: {  	[tilespmem:s16], [sflag:$0x1] =	stream.indirect.gather [hbm4b:s4+s19], $0x80, s25, s19, $0xb8;
	[tilespmem:$0x1A400] =	vst v63  }
0x190: {  	_ =	swait.ge [sflag:s2], $0x2800  }
0x191: {  	[sflag:s2] =	ssyncset.done $0x0  }
0x192: {  	s26 =	rddreg [dreg:$0xc];
	[sflag:s2] =	ssyncadd.s32 $0xFFFFD800  }
0x193: {  	[spmem:s1] =	stream.indirect.scatter.add.f32 [tilespmem:s31], [sflag:$0x4], $0x80, s26, s19, $0xb8;
	[tilespmem:$0x1A400] =	vst v63  }
0x194: {  	_ =	swait.ge [sflag:s5], $0x2800  }
0x195: {  	[sflag:s5] =	ssyncset.done $0x0  }
0x196: {  	s24 =	rddreg [dreg:$0xd];
	[sflag:s5] =	ssyncadd.s32 $0xFFFFD800  }
0x197: {  	[tilespmem:s31], [sflag:$0x2] =	stream.indirect.gather [hbm4b:s4+s19], $0x80, s24, s19, $0xb8;
	[tilespmem:$0x1A400] =	vst v63  }
0x198: {  	_ =	swait.ge [sflag:s0], $0x2800  }
0x199: {  	[sflag:s0] =	ssyncset.done $0x0  }
0x19a: {  	s25 =	rddreg [dreg:$0xe];
	[sflag:s0] =	ssyncadd.s32 $0xFFFFD800  }
0x19b: {  	[spmem:s1] =	stream.indirect.scatter.add.f32 [tilespmem:s16], [sflag:$0x3], $0x80, s25, s19, $0xb8;
	[tilespmem:$0x1A400] =	vst v63  }
0x19c: {  	_ =	swait.ge [sflag:s28], $0x2800  }
0x19d: {  	[sflag:s28] =	ssyncset.done $0x0  }
0x19e: {  	s26 =	rddreg [dreg:$0xf];
	[sflag:s28] =	ssyncadd.s32 $0xFFFFD800  }
0x19f: {  	[tilespmem:s16], [sflag:$0x1] =	stream.indirect.gather [hbm4b:s4+s19], $0x80, s26, s19, $0xb8;
	[tilespmem:$0x1A400] =	vst v63  }
0x1a0: {  	_ =	swait.ge [sflag:s2], $0x2800  }
0x1a1: {  	[sflag:s2] =	ssyncset.done $0x0  }
0x1a2: {  	s24 =	rddreg [dreg:$0x10];
	[sflag:s2] =	ssyncadd.s32 $0xFFFFD800  }
0x1a3: {  	[spmem:s1] =	stream.indirect.scatter.add.f32 [tilespmem:s31], [sflag:$0x4], $0x80, s24, s19, $0xb8;
	[tilespmem:$0x1A400] =	vst v63  }
0x1a4: {  	_ =	swait.ge [sflag:s5], $0x2800  }
0x1a5: {  	[sflag:s5] =	ssyncset.done $0x0  }
0x1a6: {  	s25 =	rddreg [dreg:$0x11];
	[sflag:s5] =	ssyncadd.s32 $0xFFFFD800  }
0x1a7: {  	[tilespmem:s31], [sflag:$0x2] =	stream.indirect.gather [hbm4b:s4+s19], $0x80, s25, s19, $0xb8;
	[tilespmem:$0x1A400] =	vst v63  }
0x1a8: {  	_ =	swait.ge [sflag:s0], $0x2800  }
0x1a9: {  	[sflag:s0] =	ssyncset.done $0x0  }
0x1aa: {  	s26 =	rddreg [dreg:$0x12];
	[sflag:s0] =	ssyncadd.s32 $0xFFFFD800  }
0x1ab: {  	[spmem:s1] =	stream.indirect.scatter.add.f32 [tilespmem:s16], [sflag:$0x3], $0x80, s26, s19, $0xb8;
	[tilespmem:$0x1A400] =	vst v63  }
0x1ac: {  	_ =	swait.ge [sflag:s28], $0x2800  }
0x1ad: {  	[sflag:s28] =	ssyncset.done $0x0  }
0x1ae: {  	s24 =	rddreg [dreg:$0x13];
	[sflag:s28] =	ssyncadd.s32 $0xFFFFD800  }
0x1af: {  	[tilespmem:s16], [sflag:$0x1] =	stream.indirect.gather [hbm4b:s4+s19], $0x80, s24, s19, $0xb8;
	[tilespmem:$0x1A400] =	vst v63  }
0x1b0: {  	_ =	swait.ge [sflag:s2], $0x2800  }
0x1b1: {  	[sflag:s2] =	ssyncset.done $0x0  }
0x1b2: {  	s25 =	rddreg [dreg:$0x14];
	[sflag:s2] =	ssyncadd.s32 $0xFFFFD800  }
0x1b3: {  	[spmem:s1] =	stream.indirect.scatter.add.f32 [tilespmem:s31], [sflag:$0x4], $0x80, s25, s19, $0xb8;
	[tilespmem:$0x1A400] =	vst v63  }
0x1b4: {  	_ =	swait.ge [sflag:s5], $0x2800  }
0x1b5: {  	[sflag:s5] =	ssyncset.done $0x0  }
0x1b6: {  	s26 =	rddreg [dreg:$0x15];
	[sflag:s5] =	ssyncadd.s32 $0xFFFFD800  }
0x1b7: {  	[tilespmem:s31], [sflag:$0x2] =	stream.indirect.gather [hbm4b:s4+s19], $0x80, s26, s19, $0xb8;
	[tilespmem:$0x1A400] =	vst v63  }
0x1b8: {  	_ =	swait.ge [sflag:s0], $0x2800  }
0x1b9: {  	[sflag:s0] =	ssyncset.done $0x0  }
0x1ba: {  	[sflag:s0] =	ssyncadd.s32 $0xFFFFD800  }
0x1bb: {  	[spmem:s1] =	stream.indirect.scatter.add.f32 [tilespmem:s16], [sflag:$0x3], $0x80, s6, s19, $0xb8;
	[tilespmem:$0x1A400] =	vst v63  }
0x1bc: {  	_ =	swait.ge [sflag:s28], $0x2800  }
0x1bd: {  	[sflag:s28] =	ssyncset.done $0x0  }
0x1be: {  	[sflag:s28] =	ssyncadd.s32 $0xFFFFD800  }
0x1bf: {  	[tilespmem:s16], [sflag:$0x1] =	stream.indirect.gather [hbm4b:s4+s19], $0x80, s7, s19, $0xb8;
	[tilespmem:$0x1A400] =	vst v63  }
0x1c0: {  	_ =	swait.ge [sflag:s2], $0x2800  }
0x1c1: {  	[sflag:s2] =	ssyncset.done $0x0  }
0x1c2: {  	[sflag:s2] =	ssyncadd.s32 $0xFFFFD800  }
0x1c3: {  	[spmem:s1] =	stream.indirect.scatter.add.f32 [tilespmem:s31], [sflag:$0x4], $0x80, s8, s19, $0xb8;
	[tilespmem:$0x1A400] =	vst v63  }
0x1c4: {  	_ =	swait.ge [sflag:s5], $0x2800  }
0x1c5: {  	[sflag:s5] =	ssyncset.done $0x0  }
0x1c6: {  	[sflag:s5] =	ssyncadd.s32 $0xFFFFD800  }
0x1c7: {  	[tilespmem:s31], [sflag:$0x2] =	stream.indirect.gather [hbm4b:s4+s19], $0x80, s9, s19, $0xb8;
	[tilespmem:$0x1A400] =	vst v63  }
0x1c8: {  	_ =	swait.ge [sflag:s0], $0x2800  }
0x1c9: {  	[sflag:s0] =	ssyncset.done $0x0  }
0x1ca: {  	[sflag:s0] =	ssyncadd.s32 $0xFFFFD800  }
0x1cb: {  	[spmem:s1] =	stream.indirect.scatter.add.f32 [tilespmem:s16], [sflag:$0x3], $0x80, s10, s19, $0xb8;
	[tilespmem:$0x1A400] =	vst v63  }
0x1cc: {  	_ =	swait.ge [sflag:s28], $0x2800  }
0x1cd: {  	[sflag:s28] =	ssyncset.done $0x0  }
0x1ce: {  	[sflag:s28] =	ssyncadd.s32 $0xFFFFD800  }
0x1cf: {  	[tilespmem:s16], [sflag:$0x1] =	stream.indirect.gather [hbm4b:s4+s19], $0x80, s11, s19, $0xb8;
	[tilespmem:$0x1A400] =	vst v63  }
0x1d0: {  	_ =	swait.ge [sflag:s2], $0x2800  }
0x1d1: {  	[sflag:s2] =	ssyncset.done $0x0  }
0x1d2: {  	[sflag:s2] =	ssyncadd.s32 $0xFFFFD800  }
0x1d3: {  	[spmem:s1] =	stream.indirect.scatter.add.f32 [tilespmem:s31], [sflag:$0x4], $0x80, s12, s19, $0xb8;
	[tilespmem:$0x1A400] =	vst v63  }
0x1d4: {  	_ =	swait.ge [sflag:s5], $0x2800  }
0x1d5: {  	[sflag:s5] =	ssyncset.done $0x0  }
0x1d6: {  	[sflag:s5] =	ssyncadd.s32 $0xFFFFD800  }
0x1d7: {  	[tilespmem:s31], [sflag:$0x2] =	stream.indirect.gather [hbm4b:s4+s19], $0x80, s13, s19, $0xb8;
	[tilespmem:$0x1A400] =	vst v63  }
0x1d8: {  	_ =	swait.ge [sflag:s0], $0x2800  }
0x1d9: {  	[sflag:s0] =	ssyncset.done $0x0  }
0x1da: {  	[sflag:s0] =	ssyncadd.s32 $0xFFFFD800  }
0x1db: {  	[spmem:s1] =	stream.indirect.scatter.add.f32 [tilespmem:s16], [sflag:$0x3], $0x80, s14, s19, $0xb8;
	[tilespmem:$0x1A400] =	vst v63  }
0x1dc: {  	_ =	swait.ge [sflag:s28], $0x2800  }
0x1dd: {  	[sflag:s28] =	ssyncset.done $0x0  }
0x1de: {  	[sflag:s28] =	ssyncadd.s32 $0xFFFFD800  }
0x1df: {  	[tilespmem:s16], [sflag:$0x1] =	stream.indirect.gather [hbm4b:s4+s19], $0x80, s15, s19, $0xb8;
	[tilespmem:$0x1A400] =	vst v63  }
0x1e0: {  	_ =	swait.ge [sflag:s2], $0x2800  }
0x1e1: {  	[sflag:s2] =	ssyncset.done $0x0  }
0x1e2: {  	[sflag:s2] =	ssyncadd.s32 $0xFFFFD800  }
0x1e3: {  	[spmem:s1] =	stream.indirect.scatter.add.f32 [tilespmem:s31], [sflag:$0x4], $0x80, s20, s19, $0xb8;
	[tilespmem:$0x1A400] =	vst v63  }
0x1e4: {  	_ =	swait.ge [sflag:s5], $0x2800  }
0x1e5: {  	[sflag:s5] =	ssyncset.done $0x0  }
0x1e6: {  	[sflag:s5] =	ssyncadd.s32 $0xFFFFD800  }
0x1e7: {  	[tilespmem:s31], [sflag:$0x2] =	stream.indirect.gather [hbm4b:s4+s19], $0x80, s21, s19, $0xb8;
	[tilespmem:$0x1A400] =	vst v63  }
0x1e8: {  	_ =	swait.ge [sflag:s0], $0x2800  }
0x1e9: {  	[sflag:s0] =	ssyncset.done $0x0  }
0x1ea: {  	[sflag:s0] =	ssyncadd.s32 $0xFFFFD800  }
0x1eb: {  	[spmem:s1] =	stream.indirect.scatter.add.f32 [tilespmem:s16], [sflag:$0x3], $0x80, s22, s19, $0xb8;
	[tilespmem:$0x1A400] =	vst v63  }
0x1ec: {  	_ =	swait.ge [sflag:s2], $0x2800  }
0x1ed: {  	[sflag:s2] =	ssyncset.done $0x0  }
0x1ee: {  	[sflag:s2] =	ssyncadd.s32 $0xFFFFD800  }
0x1ef: {  	[spmem:s1] =	stream.indirect.scatter.add.f32 [tilespmem:s31], [sflag:$0x4], $0x80, s23, s19, $0xb8;
	[tilespmem:$0x1A400] =	vst v63  }
0x1f0: {  	_ =	swait.ge [sflag:s28], $0x2800  }
0x1f1: {  	[sflag:s28] =	ssyncset.done $0x0  }
0x1f2: {  	[sflag:s28] =	ssyncadd.s32 $0xFFFFD800  }
0x1f3: {  	_ =	swait.ge [sflag:s5], $0x2800  }
0x1f4: {  	[sflag:s5] =	ssyncset.done $0x0  }
0x1f5: {  	[sflag:s5] =	ssyncadd.s32 $0xFFFFD800  }
0x1f6: {  	s24 =	simm.s32 $0x15000;
	[bflag:$0x0] =	sbarrier.arrive $0xFFFF  }
0x1f7: {  	[tilespmem:s16], [sflag:$0x1] =	stream.indirect.gather [spmem:s1], $0x80, s24, s19, $0xb8;
	[tilespmem:$0x1A400] =	vst v63  }
0x1f8: {  	s25 =	simm.s32 $0x15080  }
0x1f9: {  	[tilespmem:s31], [sflag:$0x2] =	stream.indirect.gather [spmem:s1], $0x80, s25, s19, $0xb8;
	[tilespmem:$0x1A400] =	vst v63  }
0x1fa: {  	_ =	swait.ge [sflag:s0], $0x2800  }
0x1fb: {  	[sflag:s0] =	ssyncset.done $0x0  }
0x1fc: {  	s26 =	rddreg [dreg:$0x18];
	[sflag:s0] =	ssyncadd.s32 $0xFFFFD800  }
0x1fd: {  	[hbm4b:s26+s3] =	stream.linear.scatter [tilespmem:s16], [sflag:$0x5], $0x2800, $0x38;
	[tilespmem:$0x1A400] =	vst v63  }
0x1fe: {  	_ =	swait.ge [sflag:s17], $0x2800  }
0x1ff: {  	[sflag:s17] =	ssyncset.done $0x0  }
0x200: {  	s24 =	simm.s32 $0x15100;
	[sflag:s17] =	ssyncadd.s32 $0xFFFFD800  }
0x201: {  	[tilespmem:s16], [sflag:$0x1] =	stream.indirect.gather [spmem:s1], $0x80, s24, s19, $0xb8;
	[tilespmem:$0x1A400] =	vst v63  }
0x202: {  	_ =	swait.ge [sflag:s2], $0x2800  }
0x203: {  	[sflag:s2] =	ssyncset.done $0x0  }
0x204: {  	s25 =	rddreg [dreg:$0x19];
	[sflag:s2] =	ssyncadd.s32 $0xFFFFD800  }
0x205: {  	[hbm4b:s25+s3] =	stream.linear.scatter [tilespmem:s31], [sflag:$0x5], $0x2800, $0x38;
	[tilespmem:$0x1A400] =	vst v63  }
0x206: {  	_ =	swait.ge [sflag:s17], $0x2800  }
0x207: {  	[sflag:s17] =	ssyncset.done $0x0  }
0x208: {  	s26 =	simm.s32 $0x15180;
	[sflag:s17] =	ssyncadd.s32 $0xFFFFD800  }
0x209: {  	[tilespmem:s31], [sflag:$0x2] =	stream.indirect.gather [spmem:s1], $0x80, s26, s19, $0xb8;
	[tilespmem:$0x1A400] =	vst v63  }
0x20a: {  	_ =	swait.ge [sflag:s0], $0x2800  }
0x20b: {  	[sflag:s0] =	ssyncset.done $0x0  }
0x20c: {  	s24 =	rddreg [dreg:$0x1a];
	[sflag:s0] =	ssyncadd.s32 $0xFFFFD800  }
0x20d: {  	[hbm4b:s24+s3] =	stream.linear.scatter [tilespmem:s16], [sflag:$0x5], $0x2800, $0x38;
	[tilespmem:$0x1A400] =	vst v63  }
0x20e: {  	_ =	swait.ge [sflag:s17], $0x2800  }
0x20f: {  	[sflag:s17] =	ssyncset.done $0x0  }
0x210: {  	s25 =	simm.s32 $0x15200;
	[sflag:s17] =	ssyncadd.s32 $0xFFFFD800  }
0x211: {  	[tilespmem:s16], [sflag:$0x1] =	stream.indirect.gather [spmem:s1], $0x80, s25, s19, $0xb8;
	[tilespmem:$0x1A400] =	vst v63  }
0x212: {  	_ =	swait.ge [sflag:s2], $0x2800  }
0x213: {  	[sflag:s2] =	ssyncset.done $0x0  }
0x214: {  	s26 =	rddreg [dreg:$0x1b];
	[sflag:s2] =	ssyncadd.s32 $0xFFFFD800  }
0x215: {  	[hbm4b:s26+s3] =	stream.linear.scatter [tilespmem:s31], [sflag:$0x5], $0x2800, $0x38;
	[tilespmem:$0x1A400] =	vst v63  }
0x216: {  	_ =	swait.ge [sflag:s17], $0x2800  }
0x217: {  	[sflag:s17] =	ssyncset.done $0x0  }
0x218: {  	s24 =	simm.s32 $0x15280;
	[sflag:s17] =	ssyncadd.s32 $0xFFFFD800  }
0x219: {  	[tilespmem:s31], [sflag:$0x2] =	stream.indirect.gather [spmem:s1], $0x80, s24, s19, $0xb8;
	[tilespmem:$0x1A400] =	vst v63  }
0x21a: {  	_ =	swait.ge [sflag:s0], $0x2800  }
0x21b: {  	[sflag:s0] =	ssyncset.done $0x0  }
0x21c: {  	s25 =	rddreg [dreg:$0x1c];
	[sflag:s0] =	ssyncadd.s32 $0xFFFFD800  }
0x21d: {  	[hbm4b:s25+s3] =	stream.linear.scatter [tilespmem:s16], [sflag:$0x5], $0x2800, $0x38;
	[tilespmem:$0x1A400] =	vst v63  }
0x21e: {  	_ =	swait.ge [sflag:s17], $0x2800  }
0x21f: {  	[sflag:s17] =	ssyncset.done $0x0  }
0x220: {  	s25 =	simm.s32 $0x15300;
	[sflag:s17] =	ssyncadd.s32 $0xFFFFD800  }
0x221: {  	[tilespmem:s16], [sflag:$0x1] =	stream.indirect.gather [spmem:s1], $0x80, s25, s19, $0xb8;
	[tilespmem:$0x1A400] =	vst v63  }
0x222: {  	_ =	swait.ge [sflag:s2], $0x2800  }
0x223: {  	[sflag:s2] =	ssyncset.done $0x0  }
0x224: {  	s26 =	rddreg [dreg:$0x1d];
	[sflag:s2] =	ssyncadd.s32 $0xFFFFD800  }
0x225: {  	[hbm4b:s26+s3] =	stream.linear.scatter [tilespmem:s31], [sflag:$0x5], $0x2800, $0x38;
	[tilespmem:$0x1A400] =	vst v63  }
0x226: {  	_ =	swait.ge [sflag:s17], $0x2800  }
0x227: {  	[sflag:s17] =	ssyncset.done $0x0  }
0x228: {  	s26 =	simm.s32 $0x15380;
	[sflag:s17] =	ssyncadd.s32 $0xFFFFD800  }
0x229: {  	[tilespmem:s31], [sflag:$0x2] =	stream.indirect.gather [spmem:s1], $0x80, s26, s19, $0xb8;
	[tilespmem:$0x1A400] =	vst v63  }
0x22a: {  	_ =	swait.ge [sflag:s0], $0x2800  }
0x22b: {  	[sflag:s0] =	ssyncset.done $0x0  }
0x22c: {  	s24 =	rddreg [dreg:$0x1e];
	[sflag:s0] =	ssyncadd.s32 $0xFFFFD800  }
0x22d: {  	[hbm4b:s24+s3] =	stream.linear.scatter [tilespmem:s16], [sflag:$0x5], $0x2800, $0x38;
	[tilespmem:$0x1A400] =	vst v63  }
0x22e: {  	_ =	swait.ge [sflag:s17], $0x2800  }
0x22f: {  	[sflag:s17] =	ssyncset.done $0x0  }
0x230: {  	[sflag:s17] =	ssyncadd.s32 $0xFFFFD800  }
0x231: {  	_ =	swait.ge [sflag:s2], $0x2800  }
0x232: {  	[sflag:s2] =	ssyncset.done $0x0  }
0x233: {  	s24 =	rddreg [dreg:$0x1f];
	[sflag:s2] =	ssyncadd.s32 $0xFFFFD800  }
0x234: {  	[hbm4b:s24+s3] =	stream.linear.scatter [tilespmem:s31], [sflag:$0x5], $0x2800, $0x38;
	[tilespmem:$0x1A400] =	vst v63  }
0x235: {  	_ =	swait.ge [sflag:s17], $0x2800  }
0x236: {  	s24 =	sld [smem:$0x7FD]  }
0x237: {  	s18 =	sld [smem:$0x7FC];
	_ =	sdelay $0x1  }
0x238: {  	s24 =	sadd.s32 $0x1, s24  }
0x239: {  	p0 =	sne.s32 s24, s18  }
.Ltmp1:
0x23a: {  	_ = 	snop;
	(pc) =	sbr.rel @p0 .LBB2_1-.Ltmp1, $3  }
0x23b: {  	_ =	sdelay $0x1  }
0x23c: {  	[sflag:s17] =	ssyncset.done $0x0  }
0x23d: {  	[sflag:s17] =	ssyncadd.s32 $0xFFFFD800;
	[smem:$0x7FD] =	sst s24;
	s24 =	simm.s32 $0x15000  }
0x23e: {  	_ =	sfence.sel $0x180000  }
0x23f: {  	[bflag:$0x0] =	sbarrier.arrive $0xFFFF  }
0x240: {  	_ =	strace $0x9000004A  }
0x241: {  	s0 =	stileid.u32;
	[bflag:$0x2] =	sbarrier.arrive $0xFFFF  }
0x242: {  	p0 =	sne.s32 s0, $0x0;
	s0 =	rddreg [dreg:$0x3]  }
0x243: {  	s0 =	sadd.s32 @!p0 $0x100000, s0  }
0x244: {  	[sflag:s0] =	ssyncadd.tile.s32 @!p0 $0x1;
	_ =	shalt  }
.Lfunc_end2:
_tile_overlayer_lowered:
.L_overlay_start_2:
0x245: {  	(tag) =	ssettag $0x2  }
0x246: {  	s0 =	rddreg [dreg:$0x0];
	s2 =	stileid.u32  }
0x247: {  	s1 =	rddreg [dreg:$0x1];
	p0 =	sne.s32 s2, $0x0  }
0x248: {  	s3 =	rddreg [dreg:$0x2];
	[bflag:$0x3] =	sbarrier.arrive $0xFFFF;
	s2 =	simm.s32 @!p0 $0x1C05  }
0x249: {  	[timem:s3], [sflag:s2] =	dma.local @!p0 [hbm:s0], s1  }
0x24a: {  	s0 =	simm.s32 @!p0 $0x5  }
0x24b: {  	_ =	swait.ge @!p0 [sflag:s0], s1  }
0x24c: {  	s1 =	ssub.s32 @!p0 $0x0, s1;
	[sflag:s0] =	ssyncset.done @!p0 $0x0  }
0x24d: {  	[sflag:s0] =	ssyncadd.s32 @!p0 s1  }
0x24e: {  	[bflag:$0x3] =	sbarrier.arrive $0xFFFF  }
0x24f: {  	_ =	shalt  }

</sc_bundles>
